<compile_context>
chip_gen: v7x
topology: tpu7x:2x2x1
jax: 0.10.2.dev20260603
libtpu: 0.0.44.dev20260713+nightly
codegen_flags: <defaults>
</compile_context>

<pallas_src>
import functools

import jax
import jax.numpy as jnp
from jax import lax
from jax.experimental import pallas as pl
from jax.experimental.pallas import tpu as pltpu
from jax.experimental.pallas import tpu_sc as plsc

NC = 2
NS = 16
NW = NC * NS
G = 128
NBUF = 4


def _mesh():
    return plsc.VectorSubcoreMesh(
        core_axis_name="c", subcore_axis_name="s", num_cores=NC, num_subcores=NS
    )


_SC_PARAMS = pltpu.CompilerParams(use_tc_tiling_on_sc=False)


def _core_split(ci, si, GP0, GP1):
    gpc = jnp.where(ci == 0, GP0, GP1)
    base = jnp.where(ci == 0, si * GP0, NS * GP0 + si * GP1)
    return gpc, base


def _make_deg(H, NP, GP0, GP1):
    RPS = NP // NS
    GPM = max(GP0, GP1)

    @functools.partial(
        pl.kernel,
        mesh=_mesh(),
        compiler_params=_SC_PARAMS,
        out_type=jax.ShapeDtypeStruct((NC, NP, H), jnp.float32),
        scratch_types=[
            pltpu.VMEM((GPM, G), jnp.int32),
            pltpu.VMEM((G, H), jnp.float32),
            pltpu.VMEM((RPS, H), jnp.float32),
            pltpu.VMEM_SHARED((NP, H), jnp.float32),
            pltpu.SemaphoreType.DMA((NBUF,)),
        ],
    )
    def k(dst_hbm, out_hbm, dstb, ones, zbuf, acc, ssem):
        ci = lax.axis_index("c")
        si = lax.axis_index("s")
        gpc, base = _core_split(ci, si, GP0, GP1)

        def zfill(i, _):
            zbuf[i, :] = jnp.zeros((H,), jnp.float32)
            return 0

        lax.fori_loop(0, RPS, zfill, 0)

        def ofill(i, _):
            ones[i, :] = jnp.ones((H,), jnp.float32)
            return 0

        lax.fori_loop(0, G, ofill, 0)

        @pl.when(ci == 0)
        def _():
            pltpu.sync_copy(dst_hbm.at[pl.ds(base, GP0)],
                            dstb.at[pl.ds(0, GP0)])

        @pl.when(ci == 1)
        def _():
            pltpu.sync_copy(dst_hbm.at[pl.ds(base, GP1)],
                            dstb.at[pl.ds(0, GP1)])

        pltpu.sync_copy(zbuf, acc.at[pl.ds(si * RPS, RPS)])
        plsc.subcore_barrier()

        for b in range(NBUF):
            pltpu.async_copy(ones, acc.at[dstb.at[b]], ssem.at[b], add=True)

        def outer(t, _):
            t0 = t * NBUF
            for b in range(NBUF):
                g = t0 + b
                pltpu.make_async_copy(ones, acc.at[dstb.at[b]],
                                      ssem.at[b]).wait()
                pltpu.async_copy(ones, acc.at[dstb.at[g]], ssem.at[b],
                                 add=True)
            return 0

        lax.fori_loop(1, gpc // NBUF, outer, 0)
        for b in range(NBUF):
            pltpu.make_async_copy(ones, acc.at[dstb.at[b]], ssem.at[b]).wait()
        plsc.subcore_barrier()
        pltpu.sync_copy(acc.at[pl.ds(si * RPS, RPS)],
                        out_hbm.at[ci, pl.ds(si * RPS, RPS)])

    return k


def _make_rowsum(H, NP, GP0, GP1):
    RPS = NP // NS
    GPM = max(GP0, GP1)

    @functools.partial(
        pl.kernel,
        mesh=_mesh(),
        compiler_params=_SC_PARAMS,
        out_type=jax.ShapeDtypeStruct((NC, NP, H), jnp.float32),
        scratch_types=[
            pltpu.VMEM((GPM, G), jnp.int32),
            pltpu.VMEM((GPM, G), jnp.int32),
            pltpu.VMEM((NBUF, G, H), jnp.float32),
            pltpu.VMEM((RPS, H), jnp.float32),
            pltpu.VMEM_SHARED((NP, H), jnp.float32),
            pltpu.SemaphoreType.DMA((NBUF,)),
            pltpu.SemaphoreType.DMA((NBUF,)),
        ],
    )
    def k(y_hbm, src_hbm, dst_hbm, out_hbm, srcb, dstb, rows, zbuf, acc,
          gsem, ssem):
        ci = lax.axis_index("c")
        si = lax.axis_index("s")
        gpc, base = _core_split(ci, si, GP0, GP1)

        def zfill(i, _):
            zbuf[i, :] = jnp.zeros((H,), jnp.float32)
            return 0

        lax.fori_loop(0, RPS, zfill, 0)

        def gather_work():
            for b in range(NBUF):
                pltpu.async_copy(y_hbm.at[srcb.at[b]], rows.at[b], gsem.at[b])
            pltpu.sync_copy(zbuf, acc.at[pl.ds(si * RPS, RPS)])
            plsc.subcore_barrier()

            def outer(t, _):
                t0 = t * NBUF
                for b in range(NBUF):
                    g = t0 + b
                    pltpu.make_async_copy(
                        y_hbm.at[srcb.at[g]], rows.at[b], gsem.at[b]).wait()
                    pltpu.async_copy(rows.at[b], acc.at[dstb.at[g]],
                                     ssem.at[b], add=True)
                for b in range(NBUF):
                    ng = t0 + NBUF + b

                    @pl.when(ng < gpc)
                    def _():
                        pltpu.make_async_copy(
                            rows.at[b], acc.at[dstb.at[b]], ssem.at[b]).wait()
                        pltpu.async_copy(y_hbm.at[srcb.at[ng]], rows.at[b],
                                         gsem.at[b])

                return 0

            lax.fori_loop(0, gpc // NBUF, outer, 0)
            for b in range(NBUF):
                pltpu.make_async_copy(rows.at[b], acc.at[dstb.at[b]],
                                      ssem.at[b]).wait()

        if GP1 == 0:
            @pl.when(ci == 0)
            def _():
                pltpu.sync_copy(src_hbm.at[pl.ds(base, GP0)],
                                srcb.at[pl.ds(0, GP0)])
                pltpu.sync_copy(dst_hbm.at[pl.ds(base, GP0)],
                                dstb.at[pl.ds(0, GP0)])
                gather_work()

            @pl.when(ci == 1)
            def _():
                pltpu.sync_copy(zbuf, acc.at[pl.ds(si * RPS, RPS)])
                plsc.subcore_barrier()
        else:
            @pl.when(ci == 0)
            def _():
                pltpu.sync_copy(src_hbm.at[pl.ds(base, GP0)],
                                srcb.at[pl.ds(0, GP0)])
                pltpu.sync_copy(dst_hbm.at[pl.ds(base, GP0)],
                                dstb.at[pl.ds(0, GP0)])

            @pl.when(ci == 1)
            def _():
                pltpu.sync_copy(src_hbm.at[pl.ds(base, GP1)],
                                srcb.at[pl.ds(0, GP1)])
                pltpu.sync_copy(dst_hbm.at[pl.ds(base, GP1)],
                                dstb.at[pl.ds(0, GP1)])

            gather_work()
        plsc.subcore_barrier()
        pltpu.sync_copy(acc.at[pl.ds(si * RPS, RPS)],
                        out_hbm.at[ci, pl.ds(si * RPS, RPS)])

    return k


def _k_xw(x, W1, N, NP, R):
    D = x.shape[1]
    H = W1.shape[1]
    grid = N // R

    def body(x_ref, w_ref, xw_ref):
        xw_ref[...] = jnp.dot(x_ref[...], w_ref[...],
                              preferred_element_type=jnp.float32)

    return pl.pallas_call(
        body,
        grid=(grid,),
        in_specs=[
            pl.BlockSpec((R, D), lambda i: (i, 0)),
            pl.BlockSpec((D, H), lambda i: (0, 0)),
        ],
        out_specs=pl.BlockSpec((R, H), lambda i: (i, 0)),
        out_shape=jax.ShapeDtypeStruct((NP, H), jnp.float32),
    )(x, W1)


def _k_scale(degbp, xwp, RP):
    NR = xwp.shape[0]
    grid = NR // RP

    def body(deg_ref, xw_ref, dinv_ref, y_ref):
        deg = deg_ref[0] + deg_ref[1] + 1.0
        dinvb = lax.rsqrt(deg)
        dinv_ref[...] = dinvb
        y_ref[...] = xw_ref[...] * dinvb

    return pl.pallas_call(
        body,
        grid=(grid,),
        in_specs=[
            pl.BlockSpec((NC, RP, 128), lambda i: (0, i, 0)),
            pl.BlockSpec((RP, 128), lambda i: (i, 0)),
        ],
        out_specs=[
            pl.BlockSpec((RP, 128), lambda i: (i, 0)),
            pl.BlockSpec((RP, 128), lambda i: (i, 0)),
        ],
        out_shape=[
            jax.ShapeDtypeStruct((NR, 128), jnp.float32),
            jax.ShapeDtypeStruct((NR, 128), jnp.float32),
        ],
    )(degbp, xwp)


def _k_layer(Sp, yp, dinvbp, bp, Wp, RP, with_hs, N):
    NR = yp.shape[0]
    grid = NR // RP

    def body(s_ref, y_ref, dinv_ref, b_ref, w_ref, o_ref, *hs_ref):
        S = s_ref[0] + s_ref[1]
        dinvb = dinv_ref[...]
        h = jnp.maximum(dinvb * (S + y_ref[...]) + b_ref[...], 0.0)
        o_ref[...] = jnp.dot(h, w_ref[...],
                             preferred_element_type=jnp.float32) * dinvb
        if with_hs:
            i = pl.program_id(0)
            r = lax.broadcasted_iota(jnp.int32, (RP, 128), 0) + i * RP
            nid = r * 8 + lax.broadcasted_iota(jnp.int32, (RP, 128), 1) // 16
            hm = jnp.where(nid < N, h, 0.0)
            hs_ref[0][...] = jnp.sum(hm, axis=0, keepdims=True)[None]

    out_specs = [pl.BlockSpec((RP, 128), lambda i: (i, 0))]
    out_shape = [jax.ShapeDtypeStruct((NR, 128), jnp.float32)]
    if with_hs:
        out_specs.append(pl.BlockSpec((1, 1, 128), lambda i: (i, 0, 0)))
        out_shape.append(jax.ShapeDtypeStruct((grid, 1, 128), jnp.float32))

    res = pl.pallas_call(
        body,
        grid=(grid,),
        in_specs=[
            pl.BlockSpec((NC, RP, 128), lambda i: (0, i, 0)),
            pl.BlockSpec((RP, 128), lambda i: (i, 0)),
            pl.BlockSpec((RP, 128), lambda i: (i, 0)),
            pl.BlockSpec((1, 128), lambda i: (0, 0)),
            pl.BlockSpec((128, 128), lambda i: (0, 0)),
        ],
        out_specs=out_specs,
        out_shape=out_shape,
    )(Sp, yp, dinvbp, bp, Wp)
    return res if with_hs else (res[0], None)


def _stage4(S3p, y3bp, dinvbp, b3r, hs, Wvp, bvr, N):
    NR = y3bp.shape[0]
    KB = hs.shape[0]

    def body(s_ref, y_ref, dinv_ref, b_ref, hs_ref, wv_ref, bv_ref,
             choice_ref, value_ref):
        S = s_ref[0] + s_ref[1]
        c = dinv_ref[...] * (S + y_ref[...]) + b_ref[0, 0]
        r = lax.broadcasted_iota(jnp.int32, (NR, 128), 0)
        nid = r * 8 + lax.broadcasted_iota(jnp.int32, (NR, 128), 1) // 16
        valid = nid < N
        c = jnp.where(valid, c, -jnp.inf)
        m = jnp.max(c)
        e = jnp.where(valid, jnp.exp(c - m), 0.0)
        choice_ref[...] = e * (16.0 / jnp.sum(e))
        hsum = jnp.sum(hs_ref[...], axis=0)
        value_ref[...] = (
            jnp.dot(hsum, wv_ref[...], preferred_element_type=jnp.float32)
            * (1.0 / N) + bv_ref[...]
        )

    return pl.pallas_call(
        body,
        in_specs=[
            pl.BlockSpec((NC, NR, 128), lambda: (0, 0, 0)),
            pl.BlockSpec((NR, 128), lambda: (0, 0)),
            pl.BlockSpec((NR, 128), lambda: (0, 0)),
            pl.BlockSpec((1, 1), lambda: (0, 0)),
            pl.BlockSpec((KB, 1, 128), lambda: (0, 0, 0)),
            pl.BlockSpec((128, 1), lambda: (0, 0)),
            pl.BlockSpec((1, 1), lambda: (0, 0)),
        ],
        out_specs=[
            pl.BlockSpec((NR, 128), lambda: (0, 0)),
            pl.BlockSpec((1, 1), lambda: (0, 0)),
        ],
        out_shape=[
            jax.ShapeDtypeStruct((NR, 128), jnp.float32),
            jax.ShapeDtypeStruct((1, 1), jnp.float32),
        ],
    )(S3p, y3bp, dinvbp, b3r, hs, Wvp, bvr)


def kernel(x, edge_index, W1, b1, W2, b2, W3, b3, Wv, bv):
    N, D = x.shape
    E = edge_index.shape[1]
    H = W1.shape[1]

    NP = ((N + 1 + 2047) // 2048) * 2048
    NR = NP * H // 128
    RP = NR // 5
    R = 2000
    TGS = ((-(-E // (NW * G)) + 7) // 8) * 8
    GP0 = ((TGS * 17 // 10) // 8) * 8
    GP1 = 2 * TGS - GP0
    DGP0 = ((TGS * 7 // 5) // 8) * 8
    DGP1 = 2 * TGS - DGP0
    EP = NS * 2 * TGS * G

    src = edge_index[0]
    dst = edge_index[1]
    pad = EP - E
    srcp = jnp.concatenate([src, jnp.zeros((pad,), jnp.int32)]).reshape(-1, G)
    dstp = jnp.concatenate([dst, jnp.full((pad,), N, jnp.int32)]).reshape(-1, G)

    eye8 = jnp.eye(8, dtype=jnp.float32)
    W2p = jnp.kron(eye8, W2)
    W3bp = jnp.kron(eye8, jnp.tile(W3, (1, H)))
    b1p = jnp.tile(b1, 8).reshape(1, 128)
    b2p = jnp.tile(b2, 8).reshape(1, 128)
    Wvp = jnp.tile(Wv, (8, 1))

    degb = _make_deg(H, NP, DGP0, DGP1)(dstp)
    xw = _k_xw(x, W1, N, NP, R)
    dinvbp, y1p = _k_scale(degb.reshape(NC, NR, 128), xw.reshape(NR, 128), RP)
    rowsum = _make_rowsum(H, NP, GP0, GP1)
    S1p = rowsum(y1p.reshape(NP, H), srcp, dstp)
    y2p, _ = _k_layer(S1p.reshape(NC, NR, 128), y1p, dinvbp, b1p, W2p,
                      RP, False, N)
    S2p = rowsum(y2p.reshape(NP, H), srcp, dstp)
    y3bp, hs = _k_layer(S2p.reshape(NC, NR, 128), y2p, dinvbp, b2p, W3bp,
                        RP, True, N)
    S3p = rowsum(y3bp.reshape(NP, H), srcp, dstp)
    choicebp, value = _stage4(
        S3p.reshape(NC, NR, 128), y3bp, dinvbp, b3.reshape(1, 1), hs,
        Wvp, bv.reshape(1, 1), N,
    )
    return choicebp.reshape(NP, H)[:N, 0], value.reshape(())

# --- scband reference (transcript-rebuilt; emitter-appended) ---
"""Pipeline reference for scband-gnn-27041114095623 (READ-ONLY COPY).

The authoritative reference and input builder live on the scoring server;
editing this copy changes nothing except your own understanding.
"""

import jax, jax.numpy as jnp
import numpy as np

N = 10000
D = 128
E = 320000
H = 16

def setup_inputs(seed: int = 0) -> dict:
    key = jax.random.key(seed)
    ks = jax.random.split(key, 12)
    x = jax.random.normal(ks[0], (N, D), dtype=jnp.float32)
    edge_index = jax.random.randint(ks[1], (2, E), 0, N, dtype=jnp.int32)
    W1 = jax.random.normal(ks[2], (D, H), dtype=jnp.float32) / np.sqrt(D)
    b1 = jnp.zeros((H,), dtype=jnp.float32)
    W2 = jax.random.normal(ks[3], (H, H), dtype=jnp.float32) / np.sqrt(H)
    b2 = jnp.zeros((H,), dtype=jnp.float32)
    W3 = jax.random.normal(ks[4], (H, 1), dtype=jnp.float32) / np.sqrt(H)
    b3 = jnp.zeros((1,), dtype=jnp.float32)
    Wv = jax.random.normal(ks[5], (H, 1), dtype=jnp.float32) / np.sqrt(H)
    bv = jnp.zeros((1,), dtype=jnp.float32)
    return {"x": x, "edge_index": edge_index, "W1": W1, "b1": b1, "W2": W2, "b2": b2, "W3": W3, "b3": b3, "Wv": Wv, "bv": bv}


def gcn_conv(x, edge_index, W, b):
    # GCNConv with normalize=True: D^-1/2 (A + I) D^-1/2 X W + b
    n = x.shape[0]
    src = edge_index[0]
    dst = edge_index[1]
    loop = jnp.arange(n, dtype=src.dtype)
    row = jnp.concatenate([src, loop])
    col = jnp.concatenate([dst, loop])
    deg = jax.ops.segment_sum(jnp.ones(row.shape[0], dtype=x.dtype), col, num_segments=n)
    dinv = jnp.where(deg > 0, jax.lax.rsqrt(jnp.maximum(deg, 1e-12)), 0.0)
    norm = dinv[row] * dinv[col]
    xw = x @ W
    msg = norm[:, None] * jnp.take(xw, row, axis=0)
    out = jax.ops.segment_sum(msg, col, num_segments=n)
    return out + b


def reference(x, edge_index, W1, b1, W2, b2, W3, b3, Wv, bv):
    h = jax.nn.relu(gcn_conv(x, edge_index, W1, b1))
    # dropout is identity in inference mode
    h = jax.nn.relu(gcn_conv(h, edge_index, W2, b2))
    c = gcn_conv(h, edge_index, W3, b3)
    choice = jax.nn.softmax(c[:, 0], axis=0)
    # global_mean_pool with all-zero batch ids -> mean over all nodes
    v = jnp.mean(h, axis=0, keepdims=True)
    value = (v @ Wv + bv).squeeze()
    return choice, value

if __name__ == "__main__":
    import jax
    _d = setup_inputs()
    print(jax.jit(kernel)(*tuple(_d.values())))

</pallas_src>

<mosaic_0001>
#map = affine_map<(d0, d1) -> (0, 0)>
#map1 = affine_map<(d0, d1) -> (0, 0, 0)>
module attributes {stable_mosaic.version = 14 : i64} {
  func.func @k(%arg0: i32, %arg1: i32, %arg2: memref<2560x128xi32, #tpu.memory_space<hbm>>, %arg3: memref<2x10240x16xf32, #tpu.memory_space<hbm>>, %arg4: memref<112x128xi32, #tpu.memory_space<vmem>>, %arg5: memref<128x16xf32, #tpu.memory_space<vmem>>, %arg6: memref<640x16xf32, #tpu.memory_space<vmem>>, %arg7: memref<10240x16xf32, #tpu.memory_space<vmem_shared>>, %arg8: memref<4x!tpu.dma_semaphore, #tpu.memory_space<semaphore_mem>>) attributes {dimension_semantics = [#tpu.dimension_semantics<core_parallel>, #tpu.dimension_semantics<subcore_parallel>], iteration_bounds = array<i64: 2, 16>, scalar_prefetch = 0 : i64, scratch_operands = 5 : i64, tpu.core_type = #tpu.core_type<sc_vector_subcore>, window_params = [{transform_indices = #map}, {transform_indices = #map1}]} {
    %eq3A = arith.constant 0 : i32
    %eq3A_0 = arith.cmpi eq, %arg0, %eq3A : i32
    %jit3A = arith.constant 112 : i32
    %jit3A_1 = arith.constant 48 : i32
    %select_n3A = arith.select %eq3A_0, %jit3A, %jit3A_1 : i32
    %eq3A_2 = arith.constant 0 : i32
    %eq3A_3 = arith.cmpi eq, %arg0, %eq3A_2 : i32
    %mul3A = arith.constant 112 : i32
    %mul3A_4 = arith.muli %arg1, %mul3A : i32
    %mul3A_5 = arith.constant 48 : i32
    %mul3A_6 = arith.muli %arg1, %mul3A_5 : i32
    %add3A = arith.constant 1792 : i32
    %add3A_7 = arith.addi %add3A, %mul3A_6 : i32
    %select_n3A_8 = arith.select %eq3A_3, %mul3A_4, %add3A_7 : i32
    %scan3A = arith.constant 0 : i32
    %scan3A_9 = arith.constant 0 : i32
    %scan3A_10 = arith.constant 640 : i32
    %scan3A_11 = arith.addi %scan3A_9, %scan3A_10 : i32
    %scan3A_12 = arith.constant 1 : i32
    %scan3A_13 = scf.for %scan3A_144 = %scan3A_9 to %scan3A_11 step %scan3A_12 iter_args(%scan3A_145 = %scan3A) -> (i32)  : i32 {
      %broadcast_in_dim3A = arith.constant 0.000000e+00 : f32
      %broadcast_in_dim3A_146 = vector.broadcast %broadcast_in_dim3A : f32 to vector<16xf32>
      %swap3A = arith.index_cast %scan3A_144 : i32 to index
      %swap3A_147 = arith.constant 0 : index
      %swap3A_148 = tpu.vector_load %arg6[%swap3A, %swap3A_147] {strides = array<i32>} : memref<640x16xf32, #tpu.memory_space<vmem>>, vector<1x16xf32>,
      %swap3A_149 = vector.shape_cast %swap3A_148 : vector<1x16xf32> to vector<16xf32>
      %swap3A_150 = vector.shape_cast %broadcast_in_dim3A_146 : vector<16xf32> to vector<1x16xf32>
      tpu.vector_store %arg6[%swap3A, %swap3A_147], %swap3A_150 {strides = array<i32>} : memref<640x16xf32, #tpu.memory_space<vmem>>, vector<1x16xf32>,
      %scan3A_151 = arith.constant 0 : i32
      scf.yield %scan3A_151 : i32
    }
    %scan3A_14 = arith.constant 640 : i32
    %scan3A_15 = arith.constant 0 : i32
    %scan3A_16 = arith.constant 0 : i32
    %scan3A_17 = arith.constant 128 : i32
    %scan3A_18 = arith.addi %scan3A_16, %scan3A_17 : i32
    %scan3A_19 = arith.constant 1 : i32
    %scan3A_20 = scf.for %scan3A_144 = %scan3A_16 to %scan3A_18 step %scan3A_19 iter_args(%scan3A_145 = %scan3A_15) -> (i32)  : i32 {
      %broadcast_in_dim3A = arith.constant 1.000000e+00 : f32
      %broadcast_in_dim3A_146 = vector.broadcast %broadcast_in_dim3A : f32 to vector<16xf32>
      %swap3A = arith.index_cast %scan3A_144 : i32 to index
      %swap3A_147 = arith.constant 0 : index
      %swap3A_148 = tpu.vector_load %arg5[%swap3A, %swap3A_147] {strides = array<i32>} : memref<128x16xf32, #tpu.memory_space<vmem>>, vector<1x16xf32>,
      %swap3A_149 = vector.shape_cast %swap3A_148 : vector<1x16xf32> to vector<16xf32>
      %swap3A_150 = vector.shape_cast %broadcast_in_dim3A_146 : vector<16xf32> to vector<1x16xf32>
      tpu.vector_store %arg5[%swap3A, %swap3A_147], %swap3A_150 {strides = array<i32>} : memref<128x16xf32, #tpu.memory_space<vmem>>, vector<1x16xf32>,
      %scan3A_151 = arith.constant 0 : i32
      scf.yield %scan3A_151 : i32
    }
    %scan3A_21 = arith.constant 128 : i32
    %eq3A_22 = arith.constant 0 : i32
    %eq3A_23 = arith.cmpi eq, %arg0, %eq3A_22 : i32
    %convert_element_type3A = arith.extui %eq3A_23 : i1 to i32
    %cond3A = arith.constant 0 : i32
    %cond3A_24 = arith.cmpi ne, %convert_element_type3A, %cond3A : i32
    scf.if %cond3A_24 {
      "tpu.region"() ({
        %run_scoped3A = tpu.sem_alloc : memref<!tpu.dma_semaphore, #tpu.memory_space<semaphore_mem>>
        %dma_start3A_144 = arith.constant 0 : i32
        %dma_start3A_145 = arith.constant 0 : i32
        %dma_start3A_146 = tpu.memref_slice %arg4[%dma_start3A_144, %dma_start3A_145] : memref<112x128xi32, #tpu.memory_space<vmem>> -> memref<112x128xi32, #tpu.memory_space<vmem>>
        %dma_start3A_147 = arith.constant 0 : i32
        %dma_start3A_148 = tpu.memref_slice %arg2[%select_n3A_8, %dma_start3A_147] : memref<2560x128xi32, #tpu.memory_space<hbm>> -> memref<112x128xi32, #tpu.memory_space<hbm>>
        %dma_start3A_149 = arith.constant 0 : i32
        %dma_start3A_150 = arith.constant 0 : i32
        %dma_start3A_151 = tpu.memref_slice %arg4[%dma_start3A_149, %dma_start3A_150] : memref<112x128xi32, #tpu.memory_space<vmem>> -> memref<112x128xi32, #tpu.memory_space<vmem>>
        %dma_start3A_152 = arith.constant 0 : i32
        %dma_start3A_153 = tpu.memref_slice %arg2[%select_n3A_8, %dma_start3A_152] : memref<2560x128xi32, #tpu.memory_space<hbm>> -> memref<112x128xi32, #tpu.memory_space<hbm>>
        tpu.enqueue_dma source(%dma_start3A_153 : memref<112x128xi32, #tpu.memory_space<hbm>>) target(%dma_start3A_151 : memref<112x128xi32, #tpu.memory_space<vmem>>) target_semaphore(%run_scoped3A : memref<!tpu.dma_semaphore, #tpu.memory_space<semaphore_mem>>)
        %dma_wait3A_154 = arith.constant 0 : i32
        %dma_wait3A_155 = arith.constant 0 : i32
        %dma_wait3A_156 = tpu.memref_slice %arg4[%dma_wait3A_154, %dma_wait3A_155] : memref<112x128xi32, #tpu.memory_space<vmem>> -> memref<112x128xi32, #tpu.memory_space<vmem>>
        %dma_wait3A_157 = arith.constant 0 : i32
        %dma_wait3A_158 = tpu.memref_slice %arg2[%select_n3A_8, %dma_wait3A_157] : memref<2560x128xi32, #tpu.memory_space<hbm>> -> memref<112x128xi32, #tpu.memory_space<hbm>>
        %dma_wait3A_159 = arith.constant 0 : i32
        %dma_wait3A_160 = arith.constant 0 : i32
        %dma_wait3A_161 = tpu.memref_slice %arg4[%dma_wait3A_159, %dma_wait3A_160] : memref<112x128xi32, #tpu.memory_space<vmem>> -> memref<112x128xi32, #tpu.memory_space<vmem>>
        %dma_wait3A_162 = arith.constant 0 : i32
        %dma_wait3A_163 = tpu.memref_slice %arg2[%select_n3A_8, %dma_wait3A_162] : memref<2560x128xi32, #tpu.memory_space<hbm>> -> memref<112x128xi32, #tpu.memory_space<hbm>>
        tpu.wait_dma2 semaphore(%run_scoped3A : memref<!tpu.dma_semaphore, #tpu.memory_space<semaphore_mem>>) src(%dma_wait3A_163 : memref<112x128xi32, #tpu.memory_space<hbm>>) dst(%dma_wait3A_161 : memref<112x128xi32, #tpu.memory_space<vmem>>)
        tpu.yield
      }) : () -> ()
    } else {
    }
    %eq3A_25 = arith.constant 1 : i32
    %eq3A_26 = arith.cmpi eq, %arg0, %eq3A_25 : i32
    %convert_element_type3A_27 = arith.extui %eq3A_26 : i1 to i32
    %cond3A_28 = arith.constant 0 : i32
    %cond3A_29 = arith.cmpi ne, %convert_element_type3A_27, %cond3A_28 : i32
    scf.if %cond3A_29 {
      "tpu.region"() ({
        %run_scoped3A = tpu.sem_alloc : memref<!tpu.dma_semaphore, #tpu.memory_space<semaphore_mem>>
        %dma_start3A_144 = arith.constant 0 : i32
        %dma_start3A_145 = arith.constant 0 : i32
        %dma_start3A_146 = tpu.memref_slice %arg4[%dma_start3A_144, %dma_start3A_145] : memref<112x128xi32, #tpu.memory_space<vmem>> -> memref<48x128xi32, #tpu.memory_space<vmem>>
        %dma_start3A_147 = arith.constant 0 : i32
        %dma_start3A_148 = tpu.memref_slice %arg2[%select_n3A_8, %dma_start3A_147] : memref<2560x128xi32, #tpu.memory_space<hbm>> -> memref<48x128xi32, #tpu.memory_space<hbm>>
        %dma_start3A_149 = arith.constant 0 : i32
        %dma_start3A_150 = arith.constant 0 : i32
        %dma_start3A_151 = tpu.memref_slice %arg4[%dma_start3A_149, %dma_start3A_150] : memref<112x128xi32, #tpu.memory_space<vmem>> -> memref<48x128xi32, #tpu.memory_space<vmem>>
        %dma_start3A_152 = arith.constant 0 : i32
        %dma_start3A_153 = tpu.memref_slice %arg2[%select_n3A_8, %dma_start3A_152] : memref<2560x128xi32, #tpu.memory_space<hbm>> -> memref<48x128xi32, #tpu.memory_space<hbm>>
        tpu.enqueue_dma source(%dma_start3A_153 : memref<48x128xi32, #tpu.memory_space<hbm>>) target(%dma_start3A_151 : memref<48x128xi32, #tpu.memory_space<vmem>>) target_semaphore(%run_scoped3A : memref<!tpu.dma_semaphore, #tpu.memory_space<semaphore_mem>>)
        %dma_wait3A_154 = arith.constant 0 : i32
        %dma_wait3A_155 = arith.constant 0 : i32
        %dma_wait3A_156 = tpu.memref_slice %arg4[%dma_wait3A_154, %dma_wait3A_155] : memref<112x128xi32, #tpu.memory_space<vmem>> -> memref<48x128xi32, #tpu.memory_space<vmem>>
        %dma_wait3A_157 = arith.constant 0 : i32
        %dma_wait3A_158 = tpu.memref_slice %arg2[%select_n3A_8, %dma_wait3A_157] : memref<2560x128xi32, #tpu.memory_space<hbm>> -> memref<48x128xi32, #tpu.memory_space<hbm>>
        %dma_wait3A_159 = arith.constant 0 : i32
        %dma_wait3A_160 = arith.constant 0 : i32
        %dma_wait3A_161 = tpu.memref_slice %arg4[%dma_wait3A_159, %dma_wait3A_160] : memref<112x128xi32, #tpu.memory_space<vmem>> -> memref<48x128xi32, #tpu.memory_space<vmem>>
        %dma_wait3A_162 = arith.constant 0 : i32
        %dma_wait3A_163 = tpu.memref_slice %arg2[%select_n3A_8, %dma_wait3A_162] : memref<2560x128xi32, #tpu.memory_space<hbm>> -> memref<48x128xi32, #tpu.memory_space<hbm>>
        tpu.wait_dma2 semaphore(%run_scoped3A : memref<!tpu.dma_semaphore, #tpu.memory_space<semaphore_mem>>) src(%dma_wait3A_163 : memref<48x128xi32, #tpu.memory_space<hbm>>) dst(%dma_wait3A_161 : memref<48x128xi32, #tpu.memory_space<vmem>>)
        tpu.yield
      }) : () -> ()
    } else {
    }
    %mul3A_30 = arith.constant 640 : i32
    %mul3A_31 = arith.muli %arg1, %mul3A_30 : i32
    "tpu.region"() ({
      %run_scoped3A = tpu.sem_alloc : memref<!tpu.dma_semaphore, #tpu.memory_space<semaphore_mem>>
      %dma_start3A_144 = arith.constant 0 : i32
      %dma_start3A_145 = tpu.memref_slice %arg7[%mul3A_31, %dma_start3A_144] : memref<10240x16xf32, #tpu.memory_space<vmem_shared>> -> memref<640x16xf32, #tpu.memory_space<vmem_shared>>
      %dma_start3A_146 = arith.constant 0 : i32
      %dma_start3A_147 = tpu.memref_slice %arg7[%mul3A_31, %dma_start3A_146] : memref<10240x16xf32, #tpu.memory_space<vmem_shared>> -> memref<640x16xf32, #tpu.memory_space<vmem_shared>>
      tpu.enqueue_dma source(%arg6 : memref<640x16xf32, #tpu.memory_space<vmem>>) target(%dma_start3A_147 : memref<640x16xf32, #tpu.memory_space<vmem_shared>>) target_semaphore(%run_scoped3A : memref<!tpu.dma_semaphore, #tpu.memory_space<semaphore_mem>>)
      %dma_wait3A_148 = arith.constant 0 : i32
      %dma_wait3A_149 = tpu.memref_slice %arg7[%mul3A_31, %dma_wait3A_148] : memref<10240x16xf32, #tpu.memory_space<vmem_shared>> -> memref<640x16xf32, #tpu.memory_space<vmem_shared>>
      %dma_wait3A_150 = arith.constant 0 : i32
      %dma_wait3A_151 = tpu.memref_slice %arg7[%mul3A_31, %dma_wait3A_150] : memref<10240x16xf32, #tpu.memory_space<vmem_shared>> -> memref<640x16xf32, #tpu.memory_space<vmem_shared>>
      tpu.wait_dma2 semaphore(%run_scoped3A : memref<!tpu.dma_semaphore, #tpu.memory_space<semaphore_mem>>) src(%arg6 : memref<640x16xf32, #tpu.memory_space<vmem>>) dst(%dma_wait3A_151 : memref<640x16xf32, #tpu.memory_space<vmem_shared>>)
      tpu.yield
    }) : () -> ()
    %barrier3A = arith.constant 0 : index
    tpu.barrier barrier_id(%barrier3A)
    %dma_start3A = arith.constant 0 : i32
    %dma_start3A_32 = arith.constant 0 : i32
    %dma_start3A_33 = arith.constant 0 : i32
    %dma_start3A_34 = tpu.memref_slice %arg4[%dma_start3A, %dma_start3A_33] : memref<112x128xi32, #tpu.memory_space<vmem>> -> memref<1x128xi32, #tpu.memory_space<vmem>>
    %dma_start3A_35 = tpu.memref_squeeze %dma_start3A_34 : memref<1x128xi32, #tpu.memory_space<vmem>> -> memref<128xi32, #tpu.memory_space<vmem>>
    %dma_start3A_36 = arith.constant 0 : i32
    %dma_start3A_37 = arith.constant 0 : i32
    %dma_start3A_38 = tpu.memref_slice %arg7[%dma_start3A_36, %dma_start3A_37] : memref<10240x16xf32, #tpu.memory_space<vmem_shared>> -> memref<10240x16xf32, #tpu.memory_space<vmem_shared>>
    %dma_start3A_39 = tpu.memref_slice %arg8[%dma_start3A_32] : memref<4x!tpu.dma_semaphore, #tpu.memory_space<semaphore_mem>> -> memref<1x!tpu.dma_semaphore, #tpu.memory_space<semaphore_mem>>
    %dma_start3A_40 = tpu.memref_squeeze %dma_start3A_39 : memref<1x!tpu.dma_semaphore, #tpu.memory_space<semaphore_mem>> -> memref<!tpu.dma_semaphore, #tpu.memory_space<semaphore_mem>>
    tpu.enqueue_indirect_dma source(%arg5 : memref<128x16xf32, #tpu.memory_space<vmem>>) target(%dma_start3A_38 : memref<10240x16xf32, #tpu.memory_space<vmem_shared>>) offsets(%dma_start3A_35 : memref<128xi32, #tpu.memory_space<vmem>>) semaphore(%dma_start3A_40 : memref<!tpu.dma_semaphore, #tpu.memory_space<semaphore_mem>>) {add = true}
    %dma_start3A_41 = arith.constant 1 : i32
    %dma_start3A_42 = arith.constant 1 : i32
    %dma_start3A_43 = arith.constant 0 : i32
    %dma_start3A_44 = tpu.memref_slice %arg4[%dma_start3A_41, %dma_start3A_43] : memref<112x128xi32, #tpu.memory_space<vmem>> -> memref<1x128xi32, #tpu.memory_space<vmem>>
    %dma_start3A_45 = tpu.memref_squeeze %dma_start3A_44 : memref<1x128xi32, #tpu.memory_space<vmem>> -> memref<128xi32, #tpu.memory_space<vmem>>
    %dma_start3A_46 = arith.constant 0 : i32
    %dma_start3A_47 = arith.constant 0 : i32
    %dma_start3A_48 = tpu.memref_slice %arg7[%dma_start3A_46, %dma_start3A_47] : memref<10240x16xf32, #tpu.memory_space<vmem_shared>> -> memref<10240x16xf32, #tpu.memory_space<vmem_shared>>
    %dma_start3A_49 = tpu.memref_slice %arg8[%dma_start3A_42] : memref<4x!tpu.dma_semaphore, #tpu.memory_space<semaphore_mem>> -> memref<1x!tpu.dma_semaphore, #tpu.memory_space<semaphore_mem>>
    %dma_start3A_50 = tpu.memref_squeeze %dma_start3A_49 : memref<1x!tpu.dma_semaphore, #tpu.memory_space<semaphore_mem>> -> memref<!tpu.dma_semaphore, #tpu.memory_space<semaphore_mem>>
    tpu.enqueue_indirect_dma source(%arg5 : memref<128x16xf32, #tpu.memory_space<vmem>>) target(%dma_start3A_48 : memref<10240x16xf32, #tpu.memory_space<vmem_shared>>) offsets(%dma_start3A_45 : memref<128xi32, #tpu.memory_space<vmem>>) semaphore(%dma_start3A_50 : memref<!tpu.dma_semaphore, #tpu.memory_space<semaphore_mem>>) {add = true}
    %dma_start3A_51 = arith.constant 2 : i32
    %dma_start3A_52 = arith.constant 2 : i32
    %dma_start3A_53 = arith.constant 0 : i32
    %dma_start3A_54 = tpu.memref_slice %arg4[%dma_start3A_51, %dma_start3A_53] : memref<112x128xi32, #tpu.memory_space<vmem>> -> memref<1x128xi32, #tpu.memory_space<vmem>>
    %dma_start3A_55 = tpu.memref_squeeze %dma_start3A_54 : memref<1x128xi32, #tpu.memory_space<vmem>> -> memref<128xi32, #tpu.memory_space<vmem>>
    %dma_start3A_56 = arith.constant 0 : i32
    %dma_start3A_57 = arith.constant 0 : i32
    %dma_start3A_58 = tpu.memref_slice %arg7[%dma_start3A_56, %dma_start3A_57] : memref<10240x16xf32, #tpu.memory_space<vmem_shared>> -> memref<10240x16xf32, #tpu.memory_space<vmem_shared>>
    %dma_start3A_59 = tpu.memref_slice %arg8[%dma_start3A_52] : memref<4x!tpu.dma_semaphore, #tpu.memory_space<semaphore_mem>> -> memref<1x!tpu.dma_semaphore, #tpu.memory_space<semaphore_mem>>
    %dma_start3A_60 = tpu.memref_squeeze %dma_start3A_59 : memref<1x!tpu.dma_semaphore, #tpu.memory_space<semaphore_mem>> -> memref<!tpu.dma_semaphore, #tpu.memory_space<semaphore_mem>>
    tpu.enqueue_indirect_dma source(%arg5 : memref<128x16xf32, #tpu.memory_space<vmem>>) target(%dma_start3A_58 : memref<10240x16xf32, #tpu.memory_space<vmem_shared>>) offsets(%dma_start3A_55 : memref<128xi32, #tpu.memory_space<vmem>>) semaphore(%dma_start3A_60 : memref<!tpu.dma_semaphore, #tpu.memory_space<semaphore_mem>>) {add = true}
    %dma_start3A_61 = arith.constant 3 : i32
    %dma_start3A_62 = arith.constant 3 : i32
    %dma_start3A_63 = arith.constant 0 : i32
    %dma_start3A_64 = tpu.memref_slice %arg4[%dma_start3A_61, %dma_start3A_63] : memref<112x128xi32, #tpu.memory_space<vmem>> -> memref<1x128xi32, #tpu.memory_space<vmem>>
    %dma_start3A_65 = tpu.memref_squeeze %dma_start3A_64 : memref<1x128xi32, #tpu.memory_space<vmem>> -> memref<128xi32, #tpu.memory_space<vmem>>
    %dma_start3A_66 = arith.constant 0 : i32
    %dma_start3A_67 = arith.constant 0 : i32
    %dma_start3A_68 = tpu.memref_slice %arg7[%dma_start3A_66, %dma_start3A_67] : memref<10240x16xf32, #tpu.memory_space<vmem_shared>> -> memref<10240x16xf32, #tpu.memory_space<vmem_shared>>
    %dma_start3A_69 = tpu.memref_slice %arg8[%dma_start3A_62] : memref<4x!tpu.dma_semaphore, #tpu.memory_space<semaphore_mem>> -> memref<1x!tpu.dma_semaphore, #tpu.memory_space<semaphore_mem>>
    %dma_start3A_70 = tpu.memref_squeeze %dma_start3A_69 : memref<1x!tpu.dma_semaphore, #tpu.memory_space<semaphore_mem>> -> memref<!tpu.dma_semaphore, #tpu.memory_space<semaphore_mem>>
    tpu.enqueue_indirect_dma source(%arg5 : memref<128x16xf32, #tpu.memory_space<vmem>>) target(%dma_start3A_68 : memref<10240x16xf32, #tpu.memory_space<vmem_shared>>) offsets(%dma_start3A_65 : memref<128xi32, #tpu.memory_space<vmem>>) semaphore(%dma_start3A_70 : memref<!tpu.dma_semaphore, #tpu.memory_space<semaphore_mem>>) {add = true}
    %jit3A_71 = arith.constant 4 : i32
    %div3A = arith.divsi %select_n3A, %jit3A_71 : i32
    %sign3A = arith.constant 0 : i32
    %sign3A_72 = arith.cmpi sgt, %select_n3A, %sign3A : i32
    %sign3A_73 = arith.extui %sign3A_72 : i1 to i32
    %sign3A_74 = arith.constant 0 : i32
    %sign3A_75 = arith.cmpi slt, %select_n3A, %sign3A_74 : i32
    %sign3A_76 = arith.extui %sign3A_75 : i1 to i32
    %sign3A_77 = arith.subi %sign3A_73, %sign3A_76 : i32
    %sign3A_78 = arith.constant 0 : i32
    %sign3A_79 = arith.cmpi sgt, %jit3A_71, %sign3A_78 : i32
    %sign3A_80 = arith.extui %sign3A_79 : i1 to i32
    %sign3A_81 = arith.constant 0 : i32
    %sign3A_82 = arith.cmpi slt, %jit3A_71, %sign3A_81 : i32
    %sign3A_83 = arith.extui %sign3A_82 : i1 to i32
    %sign3A_84 = arith.subi %sign3A_80, %sign3A_83 : i32
    %ne3A = arith.cmpi ne, %sign3A_77, %sign3A_84 : i32
    %rem3A = arith.remsi %select_n3A, %jit3A_71 : i32
    %ne3A_85 = arith.constant 0 : i32
    %ne3A_86 = arith.cmpi ne, %rem3A, %ne3A_85 : i32
    %and3A = arith.andi %ne3A, %ne3A_86 : i1
    %sub3A = arith.constant 1 : i32
    %sub3A_87 = arith.subi %div3A, %sub3A : i32
    %select_n3A_88 = arith.select %and3A, %sub3A_87, %div3A : i32
    %while3A = arith.constant 1 : i32
    %while3A_89 = arith.constant 0 : i32
    %while3A_90 = arith.subi %select_n3A_88, %while3A : i32
    %while3A_91 = arith.addi %while3A, %while3A_90 : i32
    %while3A_92 = arith.constant 1 : i32
    %while3A_93 = arith.divsi %while3A_90, %while3A_92 : i32
    %while3A_94 = arith.muli %while3A_93, %while3A_92 : i32
    %while3A_95 = arith.addi %while3A, %while3A_94 : i32
    %while3A_96 = arith.constant 1 : i32
    %while3A_97 = scf.for %while3A_144 = %while3A to %while3A_95 step %while3A_96 iter_args(%while3A_145 = %while3A_89) -> (i32)  : i32 {
      %mul3A_146 = arith.constant 4 : i32
      %mul3A_147 = arith.muli %while3A_144, %mul3A_146 : i32
      %add3A_148 = arith.constant 0 : i32
      %add3A_149 = arith.addi %mul3A_147, %add3A_148 : i32
      %dma_wait3A_150 = arith.constant 0 : i32
      %dma_wait3A_151 = arith.constant 0 : i32
      %dma_wait3A_152 = arith.constant 0 : i32
      %dma_wait3A_153 = tpu.memref_slice %arg4[%dma_wait3A_150, %dma_wait3A_152] : memref<112x128xi32, #tpu.memory_space<vmem>> -> memref<1x128xi32, #tpu.memory_space<vmem>>
      %dma_wait3A_154 = tpu.memref_squeeze %dma_wait3A_153 : memref<1x128xi32, #tpu.memory_space<vmem>> -> memref<128xi32, #tpu.memory_space<vmem>>
      %dma_wait3A_155 = arith.constant 0 : i32
      %dma_wait3A_156 = arith.constant 0 : i32
      %dma_wait3A_157 = tpu.memref_slice %arg7[%dma_wait3A_155, %dma_wait3A_156] : memref<10240x16xf32, #tpu.memory_space<vmem_shared>> -> memref<10240x16xf32, #tpu.memory_space<vmem_shared>>
      %dma_wait3A_158 = tpu.memref_slice %arg8[%dma_wait3A_151] : memref<4x!tpu.dma_semaphore, #tpu.memory_space<semaphore_mem>> -> memref<1x!tpu.dma_semaphore, #tpu.memory_space<semaphore_mem>>
      %dma_wait3A_159 = tpu.memref_squeeze %dma_wait3A_158 : memref<1x!tpu.dma_semaphore, #tpu.memory_space<semaphore_mem>> -> memref<!tpu.dma_semaphore, #tpu.memory_space<semaphore_mem>>
      tpu.wait_indirect_dma semaphore(%dma_wait3A_159 : memref<!tpu.dma_semaphore, #tpu.memory_space<semaphore_mem>>) src(%arg5 : memref<128x16xf32, #tpu.memory_space<vmem>>) dst(%dma_wait3A_157 : memref<10240x16xf32, #tpu.memory_space<vmem_shared>>)
      %dma_start3A_160 = arith.constant 0 : i32
      %dma_start3A_161 = arith.constant 0 : i32
      %dma_start3A_162 = tpu.memref_slice %arg4[%add3A_149, %dma_start3A_161] : memref<112x128xi32, #tpu.memory_space<vmem>> -> memref<1x128xi32, #tpu.memory_space<vmem>>
      %dma_start3A_163 = tpu.memref_squeeze %dma_start3A_162 : memref<1x128xi32, #tpu.memory_space<vmem>> -> memref<128xi32, #tpu.memory_space<vmem>>
      %dma_start3A_164 = arith.constant 0 : i32
      %dma_start3A_165 = arith.constant 0 : i32
      %dma_start3A_166 = tpu.memref_slice %arg7[%dma_start3A_164, %dma_start3A_165] : memref<10240x16xf32, #tpu.memory_space<vmem_shared>> -> memref<10240x16xf32, #tpu.memory_space<vmem_shared>>
      %dma_start3A_167 = tpu.memref_slice %arg8[%dma_start3A_160] : memref<4x!tpu.dma_semaphore, #tpu.memory_space<semaphore_mem>> -> memref<1x!tpu.dma_semaphore, #tpu.memory_space<semaphore_mem>>
      %dma_start3A_168 = tpu.memref_squeeze %dma_start3A_167 : memref<1x!tpu.dma_semaphore, #tpu.memory_space<semaphore_mem>> -> memref<!tpu.dma_semaphore, #tpu.memory_space<semaphore_mem>>
      tpu.enqueue_indirect_dma source(%arg5 : memref<128x16xf32, #tpu.memory_space<vmem>>) target(%dma_start3A_166 : memref<10240x16xf32, #tpu.memory_space<vmem_shared>>) offsets(%dma_start3A_163 : memref<128xi32, #tpu.memory_space<vmem>>) semaphore(%dma_start3A_168 : memref<!tpu.dma_semaphore, #tpu.memory_space<semaphore_mem>>) {add = true}
      %add3A_169 = arith.constant 1 : i32
      %add3A_170 = arith.addi %mul3A_147, %add3A_169 : i32
      %dma_wait3A_171 = arith.constant 1 : i32
      %dma_wait3A_172 = arith.constant 1 : i32
      %dma_wait3A_173 = arith.constant 0 : i32
      %dma_wait3A_174 = tpu.memref_slice %arg4[%dma_wait3A_171, %dma_wait3A_173] : memref<112x128xi32, #tpu.memory_space<vmem>> -> memref<1x128xi32, #tpu.memory_space<vmem>>
      %dma_wait3A_175 = tpu.memref_squeeze %dma_wait3A_174 : memref<1x128xi32, #tpu.memory_space<vmem>> -> memref<128xi32, #tpu.memory_space<vmem>>
      %dma_wait3A_176 = arith.constant 0 : i32
      %dma_wait3A_177 = arith.constant 0 : i32
      %dma_wait3A_178 = tpu.memref_slice %arg7[%dma_wait3A_176, %dma_wait3A_177] : memref<10240x16xf32, #tpu.memory_space<vmem_shared>> -> memref<10240x16xf32, #tpu.memory_space<vmem_shared>>
      %dma_wait3A_179 = tpu.memref_slice %arg8[%dma_wait3A_172] : memref<4x!tpu.dma_semaphore, #tpu.memory_space<semaphore_mem>> -> memref<1x!tpu.dma_semaphore, #tpu.memory_space<semaphore_mem>>
      %dma_wait3A_180 = tpu.memref_squeeze %dma_wait3A_179 : memref<1x!tpu.dma_semaphore, #tpu.memory_space<semaphore_mem>> -> memref<!tpu.dma_semaphore, #tpu.memory_space<semaphore_mem>>
      tpu.wait_indirect_dma semaphore(%dma_wait3A_180 : memref<!tpu.dma_semaphore, #tpu.memory_space<semaphore_mem>>) src(%arg5 : memref<128x16xf32, #tpu.memory_space<vmem>>) dst(%dma_wait3A_178 : memref<10240x16xf32, #tpu.memory_space<vmem_shared>>)
      %dma_start3A_181 = arith.constant 1 : i32
      %dma_start3A_182 = arith.constant 0 : i32
      %dma_start3A_183 = tpu.memref_slice %arg4[%add3A_170, %dma_start3A_182] : memref<112x128xi32, #tpu.memory_space<vmem>> -> memref<1x128xi32, #tpu.memory_space<vmem>>
      %dma_start3A_184 = tpu.memref_squeeze %dma_start3A_183 : memref<1x128xi32, #tpu.memory_space<vmem>> -> memref<128xi32, #tpu.memory_space<vmem>>
      %dma_start3A_185 = arith.constant 0 : i32
      %dma_start3A_186 = arith.constant 0 : i32
      %dma_start3A_187 = tpu.memref_slice %arg7[%dma_start3A_185, %dma_start3A_186] : memref<10240x16xf32, #tpu.memory_space<vmem_shared>> -> memref<10240x16xf32, #tpu.memory_space<vmem_shared>>
      %dma_start3A_188 = tpu.memref_slice %arg8[%dma_start3A_181] : memref<4x!tpu.dma_semaphore, #tpu.memory_space<semaphore_mem>> -> memref<1x!tpu.dma_semaphore, #tpu.memory_space<semaphore_mem>>
      %dma_start3A_189 = tpu.memref_squeeze %dma_start3A_188 : memref<1x!tpu.dma_semaphore, #tpu.memory_space<semaphore_mem>> -> memref<!tpu.dma_semaphore, #tpu.memory_space<semaphore_mem>>
      tpu.enqueue_indirect_dma source(%arg5 : memref<128x16xf32, #tpu.memory_space<vmem>>) target(%dma_start3A_187 : memref<10240x16xf32, #tpu.memory_space<vmem_shared>>) offsets(%dma_start3A_184 : memref<128xi32, #tpu.memory_space<vmem>>) semaphore(%dma_start3A_189 : memref<!tpu.dma_semaphore, #tpu.memory_space<semaphore_mem>>) {add = true}
      %add3A_190 = arith.constant 2 : i32
      %add3A_191 = arith.addi %mul3A_147, %add3A_190 : i32
      %dma_wait3A_192 = arith.constant 2 : i32
      %dma_wait3A_193 = arith.constant 2 : i32
      %dma_wait3A_194 = arith.constant 0 : i32
      %dma_wait3A_195 = tpu.memref_slice %arg4[%dma_wait3A_192, %dma_wait3A_194] : memref<112x128xi32, #tpu.memory_space<vmem>> -> memref<1x128xi32, #tpu.memory_space<vmem>>
      %dma_wait3A_196 = tpu.memref_squeeze %dma_wait3A_195 : memref<1x128xi32, #tpu.memory_space<vmem>> -> memref<128xi32, #tpu.memory_space<vmem>>
      %dma_wait3A_197 = arith.constant 0 : i32
      %dma_wait3A_198 = arith.constant 0 : i32
      %dma_wait3A_199 = tpu.memref_slice %arg7[%dma_wait3A_197, %dma_wait3A_198] : memref<10240x16xf32, #tpu.memory_space<vmem_shared>> -> memref<10240x16xf32, #tpu.memory_space<vmem_shared>>
      %dma_wait3A_200 = tpu.memref_slice %arg8[%dma_wait3A_193] : memref<4x!tpu.dma_semaphore, #tpu.memory_space<semaphore_mem>> -> memref<1x!tpu.dma_semaphore, #tpu.memory_space<semaphore_mem>>
      %dma_wait3A_201 = tpu.memref_squeeze %dma_wait3A_200 : memref<1x!tpu.dma_semaphore, #tpu.memory_space<semaphore_mem>> -> memref<!tpu.dma_semaphore, #tpu.memory_space<semaphore_mem>>
      tpu.wait_indirect_dma semaphore(%dma_wait3A_201 : memref<!tpu.dma_semaphore, #tpu.memory_space<semaphore_mem>>) src(%arg5 : memref<128x16xf32, #tpu.memory_space<vmem>>) dst(%dma_wait3A_199 : memref<10240x16xf32, #tpu.memory_space<vmem_shared>>)
      %dma_start3A_202 = arith.constant 2 : i32
      %dma_start3A_203 = arith.constant 0 : i32
      %dma_start3A_204 = tpu.memref_slice %arg4[%add3A_191, %dma_start3A_203] : memref<112x128xi32, #tpu.memory_space<vmem>> -> memref<1x128xi32, #tpu.memory_space<vmem>>
      %dma_start3A_205 = tpu.memref_squeeze %dma_start3A_204 : memref<1x128xi32, #tpu.memory_space<vmem>> -> memref<128xi32, #tpu.memory_space<vmem>>
      %dma_start3A_206 = arith.constant 0 : i32
      %dma_start3A_207 = arith.constant 0 : i32
      %dma_start3A_208 = tpu.memref_slice %arg7[%dma_start3A_206, %dma_start3A_207] : memref<10240x16xf32, #tpu.memory_space<vmem_shared>> -> memref<10240x16xf32, #tpu.memory_space<vmem_shared>>
      %dma_start3A_209 = tpu.memref_slice %arg8[%dma_start3A_202] : memref<4x!tpu.dma_semaphore, #tpu.memory_space<semaphore_mem>> -> memref<1x!tpu.dma_semaphore, #tpu.memory_space<semaphore_mem>>
      %dma_start3A_210 = tpu.memref_squeeze %dma_start3A_209 : memref<1x!tpu.dma_semaphore, #tpu.memory_space<semaphore_mem>> -> memref<!tpu.dma_semaphore, #tpu.memory_space<semaphore_mem>>
      tpu.enqueue_indirect_dma source(%arg5 : memref<128x16xf32, #tpu.memory_space<vmem>>) target(%dma_start3A_208 : memref<10240x16xf32, #tpu.memory_space<vmem_shared>>) offsets(%dma_start3A_205 : memref<128xi32, #tpu.memory_space<vmem>>) semaphore(%dma_start3A_210 : memref<!tpu.dma_semaphore, #tpu.memory_space<semaphore_mem>>) {add = true}
      %add3A_211 = arith.constant 3 : i32
      %add3A_212 = arith.addi %mul3A_147, %add3A_211 : i32
      %dma_wait3A_213 = arith.constant 3 : i32
      %dma_wait3A_214 = arith.constant 3 : i32
      %dma_wait3A_215 = arith.constant 0 : i32
      %dma_wait3A_216 = tpu.memref_slice %arg4[%dma_wait3A_213, %dma_wait3A_215] : memref<112x128xi32, #tpu.memory_space<vmem>> -> memref<1x128xi32, #tpu.memory_space<vmem>>
      %dma_wait3A_217 = tpu.memref_squeeze %dma_wait3A_216 : memref<1x128xi32, #tpu.memory_space<vmem>> -> memref<128xi32, #tpu.memory_space<vmem>>
      %dma_wait3A_218 = arith.constant 0 : i32
      %dma_wait3A_219 = arith.constant 0 : i32
      %dma_wait3A_220 = tpu.memref_slice %arg7[%dma_wait3A_218, %dma_wait3A_219] : memref<10240x16xf32, #tpu.memory_space<vmem_shared>> -> memref<10240x16xf32, #tpu.memory_space<vmem_shared>>
      %dma_wait3A_221 = tpu.memref_slice %arg8[%dma_wait3A_214] : memref<4x!tpu.dma_semaphore, #tpu.memory_space<semaphore_mem>> -> memref<1x!tpu.dma_semaphore, #tpu.memory_space<semaphore_mem>>
      %dma_wait3A_222 = tpu.memref_squeeze %dma_wait3A_221 : memref<1x!tpu.dma_semaphore, #tpu.memory_space<semaphore_mem>> -> memref<!tpu.dma_semaphore, #tpu.memory_space<semaphore_mem>>
      tpu.wait_indirect_dma semaphore(%dma_wait3A_222 : memref<!tpu.dma_semaphore, #tpu.memory_space<semaphore_mem>>) src(%arg5 : memref<128x16xf32, #tpu.memory_space<vmem>>) dst(%dma_wait3A_220 : memref<10240x16xf32, #tpu.memory_space<vmem_shared>>)
      %dma_start3A_223 = arith.constant 3 : i32
      %dma_start3A_224 = arith.constant 0 : i32
      %dma_start3A_225 = tpu.memref_slice %arg4[%add3A_212, %dma_start3A_224] : memref<112x128xi32, #tpu.memory_space<vmem>> -> memref<1x128xi32, #tpu.memory_space<vmem>>
      %dma_start3A_226 = tpu.memref_squeeze %dma_start3A_225 : memref<1x128xi32, #tpu.memory_space<vmem>> -> memref<128xi32, #tpu.memory_space<vmem>>
      %dma_start3A_227 = arith.constant 0 : i32
      %dma_start3A_228 = arith.constant 0 : i32
      %dma_start3A_229 = tpu.memref_slice %arg7[%dma_start3A_227, %dma_start3A_228] : memref<10240x16xf32, #tpu.memory_space<vmem_shared>> -> memref<10240x16xf32, #tpu.memory_space<vmem_shared>>
      %dma_start3A_230 = tpu.memref_slice %arg8[%dma_start3A_223] : memref<4x!tpu.dma_semaphore, #tpu.memory_space<semaphore_mem>> -> memref<1x!tpu.dma_semaphore, #tpu.memory_space<semaphore_mem>>
      %dma_start3A_231 = tpu.memref_squeeze %dma_start3A_230 : memref<1x!tpu.dma_semaphore, #tpu.memory_space<semaphore_mem>> -> memref<!tpu.dma_semaphore, #tpu.memory_space<semaphore_mem>>
      tpu.enqueue_indirect_dma source(%arg5 : memref<128x16xf32, #tpu.memory_space<vmem>>) target(%dma_start3A_229 : memref<10240x16xf32, #tpu.memory_space<vmem_shared>>) offsets(%dma_start3A_226 : memref<128xi32, #tpu.memory_space<vmem>>) semaphore(%dma_start3A_231 : memref<!tpu.dma_semaphore, #tpu.memory_space<semaphore_mem>>) {add = true}
      %while3A_232 = arith.constant 0 : i32
      scf.yield %while3A_232 : i32
    }
    %while3A_98 = arith.constant 1 : i32
    %while3A_99 = scf.for %while3A_144 = %while3A_95 to %while3A_91 step %while3A_98 iter_args(%while3A_145 = %while3A_97) -> (i32)  : i32 {
      %mul3A_146 = arith.constant 4 : i32
      %mul3A_147 = arith.muli %while3A_144, %mul3A_146 : i32
      %add3A_148 = arith.constant 0 : i32
      %add3A_149 = arith.addi %mul3A_147, %add3A_148 : i32
      %dma_wait3A_150 = arith.constant 0 : i32
      %dma_wait3A_151 = arith.constant 0 : i32
      %dma_wait3A_152 = arith.constant 0 : i32
      %dma_wait3A_153 = tpu.memref_slice %arg4[%dma_wait3A_150, %dma_wait3A_152] : memref<112x128xi32, #tpu.memory_space<vmem>> -> memref<1x128xi32, #tpu.memory_space<vmem>>
      %dma_wait3A_154 = tpu.memref_squeeze %dma_wait3A_153 : memref<1x128xi32, #tpu.memory_space<vmem>> -> memref<128xi32, #tpu.memory_space<vmem>>
      %dma_wait3A_155 = arith.constant 0 : i32
      %dma_wait3A_156 = arith.constant 0 : i32
      %dma_wait3A_157 = tpu.memref_slice %arg7[%dma_wait3A_155, %dma_wait3A_156] : memref<10240x16xf32, #tpu.memory_space<vmem_shared>> -> memref<10240x16xf32, #tpu.memory_space<vmem_shared>>
      %dma_wait3A_158 = tpu.memref_slice %arg8[%dma_wait3A_151] : memref<4x!tpu.dma_semaphore, #tpu.memory_space<semaphore_mem>> -> memref<1x!tpu.dma_semaphore, #tpu.memory_space<semaphore_mem>>
      %dma_wait3A_159 = tpu.memref_squeeze %dma_wait3A_158 : memref<1x!tpu.dma_semaphore, #tpu.memory_space<semaphore_mem>> -> memref<!tpu.dma_semaphore, #tpu.memory_space<semaphore_mem>>
      tpu.wait_indirect_dma semaphore(%dma_wait3A_159 : memref<!tpu.dma_semaphore, #tpu.memory_space<semaphore_mem>>) src(%arg5 : memref<128x16xf32, #tpu.memory_space<vmem>>) dst(%dma_wait3A_157 : memref<10240x16xf32, #tpu.memory_space<vmem_shared>>)
      %dma_start3A_160 = arith.constant 0 : i32
      %dma_start3A_161 = arith.constant 0 : i32
      %dma_start3A_162 = tpu.memref_slice %arg4[%add3A_149, %dma_start3A_161] : memref<112x128xi32, #tpu.memory_space<vmem>> -> memref<1x128xi32, #tpu.memory_space<vmem>>
      %dma_start3A_163 = tpu.memref_squeeze %dma_start3A_162 : memref<1x128xi32, #tpu.memory_space<vmem>> -> memref<128xi32, #tpu.memory_space<vmem>>
      %dma_start3A_164 = arith.constant 0 : i32
      %dma_start3A_165 = arith.constant 0 : i32
      %dma_start3A_166 = tpu.memref_slice %arg7[%dma_start3A_164, %dma_start3A_165] : memref<10240x16xf32, #tpu.memory_space<vmem_shared>> -> memref<10240x16xf32, #tpu.memory_space<vmem_shared>>
      %dma_start3A_167 = tpu.memref_slice %arg8[%dma_start3A_160] : memref<4x!tpu.dma_semaphore, #tpu.memory_space<semaphore_mem>> -> memref<1x!tpu.dma_semaphore, #tpu.memory_space<semaphore_mem>>
      %dma_start3A_168 = tpu.memref_squeeze %dma_start3A_167 : memref<1x!tpu.dma_semaphore, #tpu.memory_space<semaphore_mem>> -> memref<!tpu.dma_semaphore, #tpu.memory_space<semaphore_mem>>
      tpu.enqueue_indirect_dma source(%arg5 : memref<128x16xf32, #tpu.memory_space<vmem>>) target(%dma_start3A_166 : memref<10240x16xf32, #tpu.memory_space<vmem_shared>>) offsets(%dma_start3A_163 : memref<128xi32, #tpu.memory_space<vmem>>) semaphore(%dma_start3A_168 : memref<!tpu.dma_semaphore, #tpu.memory_space<semaphore_mem>>) {add = true}
      %add3A_169 = arith.constant 1 : i32
      %add3A_170 = arith.addi %mul3A_147, %add3A_169 : i32
      %dma_wait3A_171 = arith.constant 1 : i32
      %dma_wait3A_172 = arith.constant 1 : i32
      %dma_wait3A_173 = arith.constant 0 : i32
      %dma_wait3A_174 = tpu.memref_slice %arg4[%dma_wait3A_171, %dma_wait3A_173] : memref<112x128xi32, #tpu.memory_space<vmem>> -> memref<1x128xi32, #tpu.memory_space<vmem>>
      %dma_wait3A_175 = tpu.memref_squeeze %dma_wait3A_174 : memref<1x128xi32, #tpu.memory_space<vmem>> -> memref<128xi32, #tpu.memory_space<vmem>>
      %dma_wait3A_176 = arith.constant 0 : i32
      %dma_wait3A_177 = arith.constant 0 : i32
      %dma_wait3A_178 = tpu.memref_slice %arg7[%dma_wait3A_176, %dma_wait3A_177] : memref<10240x16xf32, #tpu.memory_space<vmem_shared>> -> memref<10240x16xf32, #tpu.memory_space<vmem_shared>>
      %dma_wait3A_179 = tpu.memref_slice %arg8[%dma_wait3A_172] : memref<4x!tpu.dma_semaphore, #tpu.memory_space<semaphore_mem>> -> memref<1x!tpu.dma_semaphore, #tpu.memory_space<semaphore_mem>>
      %dma_wait3A_180 = tpu.memref_squeeze %dma_wait3A_179 : memref<1x!tpu.dma_semaphore, #tpu.memory_space<semaphore_mem>> -> memref<!tpu.dma_semaphore, #tpu.memory_space<semaphore_mem>>
      tpu.wait_indirect_dma semaphore(%dma_wait3A_180 : memref<!tpu.dma_semaphore, #tpu.memory_space<semaphore_mem>>) src(%arg5 : memref<128x16xf32, #tpu.memory_space<vmem>>) dst(%dma_wait3A_178 : memref<10240x16xf32, #tpu.memory_space<vmem_shared>>)
      %dma_start3A_181 = arith.constant 1 : i32
      %dma_start3A_182 = arith.constant 0 : i32
      %dma_start3A_183 = tpu.memref_slice %arg4[%add3A_170, %dma_start3A_182] : memref<112x128xi32, #tpu.memory_space<vmem>> -> memref<1x128xi32, #tpu.memory_space<vmem>>
      %dma_start3A_184 = tpu.memref_squeeze %dma_start3A_183 : memref<1x128xi32, #tpu.memory_space<vmem>> -> memref<128xi32, #tpu.memory_space<vmem>>
      %dma_start3A_185 = arith.constant 0 : i32
      %dma_start3A_186 = arith.constant 0 : i32
      %dma_start3A_187 = tpu.memref_slice %arg7[%dma_start3A_185, %dma_start3A_186] : memref<10240x16xf32, #tpu.memory_space<vmem_shared>> -> memref<10240x16xf32, #tpu.memory_space<vmem_shared>>
      %dma_start3A_188 = tpu.memref_slice %arg8[%dma_start3A_181] : memref<4x!tpu.dma_semaphore, #tpu.memory_space<semaphore_mem>> -> memref<1x!tpu.dma_semaphore, #tpu.memory_space<semaphore_mem>>
      %dma_start3A_189 = tpu.memref_squeeze %dma_start3A_188 : memref<1x!tpu.dma_semaphore, #tpu.memory_space<semaphore_mem>> -> memref<!tpu.dma_semaphore, #tpu.memory_space<semaphore_mem>>
      tpu.enqueue_indirect_dma source(%arg5 : memref<128x16xf32, #tpu.memory_space<vmem>>) target(%dma_start3A_187 : memref<10240x16xf32, #tpu.memory_space<vmem_shared>>) offsets(%dma_start3A_184 : memref<128xi32, #tpu.memory_space<vmem>>) semaphore(%dma_start3A_189 : memref<!tpu.dma_semaphore, #tpu.memory_space<semaphore_mem>>) {add = true}
      %add3A_190 = arith.constant 2 : i32
      %add3A_191 = arith.addi %mul3A_147, %add3A_190 : i32
      %dma_wait3A_192 = arith.constant 2 : i32
      %dma_wait3A_193 = arith.constant 2 : i32
      %dma_wait3A_194 = arith.constant 0 : i32
      %dma_wait3A_195 = tpu.memref_slice %arg4[%dma_wait3A_192, %dma_wait3A_194] : memref<112x128xi32, #tpu.memory_space<vmem>> -> memref<1x128xi32, #tpu.memory_space<vmem>>
      %dma_wait3A_196 = tpu.memref_squeeze %dma_wait3A_195 : memref<1x128xi32, #tpu.memory_space<vmem>> -> memref<128xi32, #tpu.memory_space<vmem>>
      %dma_wait3A_197 = arith.constant 0 : i32
      %dma_wait3A_198 = arith.constant 0 : i32
      %dma_wait3A_199 = tpu.memref_slice %arg7[%dma_wait3A_197, %dma_wait3A_198] : memref<10240x16xf32, #tpu.memory_space<vmem_shared>> -> memref<10240x16xf32, #tpu.memory_space<vmem_shared>>
      %dma_wait3A_200 = tpu.memref_slice %arg8[%dma_wait3A_193] : memref<4x!tpu.dma_semaphore, #tpu.memory_space<semaphore_mem>> -> memref<1x!tpu.dma_semaphore, #tpu.memory_space<semaphore_mem>>
      %dma_wait3A_201 = tpu.memref_squeeze %dma_wait3A_200 : memref<1x!tpu.dma_semaphore, #tpu.memory_space<semaphore_mem>> -> memref<!tpu.dma_semaphore, #tpu.memory_space<semaphore_mem>>
      tpu.wait_indirect_dma semaphore(%dma_wait3A_201 : memref<!tpu.dma_semaphore, #tpu.memory_space<semaphore_mem>>) src(%arg5 : memref<128x16xf32, #tpu.memory_space<vmem>>) dst(%dma_wait3A_199 : memref<10240x16xf32, #tpu.memory_space<vmem_shared>>)
      %dma_start3A_202 = arith.constant 2 : i32
      %dma_start3A_203 = arith.constant 0 : i32
      %dma_start3A_204 = tpu.memref_slice %arg4[%add3A_191, %dma_start3A_203] : memref<112x128xi32, #tpu.memory_space<vmem>> -> memref<1x128xi32, #tpu.memory_space<vmem>>
      %dma_start3A_205 = tpu.memref_squeeze %dma_start3A_204 : memref<1x128xi32, #tpu.memory_space<vmem>> -> memref<128xi32, #tpu.memory_space<vmem>>
      %dma_start3A_206 = arith.constant 0 : i32
      %dma_start3A_207 = arith.constant 0 : i32
      %dma_start3A_208 = tpu.memref_slice %arg7[%dma_start3A_206, %dma_start3A_207] : memref<10240x16xf32, #tpu.memory_space<vmem_shared>> -> memref<10240x16xf32, #tpu.memory_space<vmem_shared>>
      %dma_start3A_209 = tpu.memref_slice %arg8[%dma_start3A_202] : memref<4x!tpu.dma_semaphore, #tpu.memory_space<semaphore_mem>> -> memref<1x!tpu.dma_semaphore, #tpu.memory_space<semaphore_mem>>
      %dma_start3A_210 = tpu.memref_squeeze %dma_start3A_209 : memref<1x!tpu.dma_semaphore, #tpu.memory_space<semaphore_mem>> -> memref<!tpu.dma_semaphore, #tpu.memory_space<semaphore_mem>>
      tpu.enqueue_indirect_dma source(%arg5 : memref<128x16xf32, #tpu.memory_space<vmem>>) target(%dma_start3A_208 : memref<10240x16xf32, #tpu.memory_space<vmem_shared>>) offsets(%dma_start3A_205 : memref<128xi32, #tpu.memory_space<vmem>>) semaphore(%dma_start3A_210 : memref<!tpu.dma_semaphore, #tpu.memory_space<semaphore_mem>>) {add = true}
      %add3A_211 = arith.constant 3 : i32
      %add3A_212 = arith.addi %mul3A_147, %add3A_211 : i32
      %dma_wait3A_213 = arith.constant 3 : i32
      %dma_wait3A_214 = arith.constant 3 : i32
      %dma_wait3A_215 = arith.constant 0 : i32
      %dma_wait3A_216 = tpu.memref_slice %arg4[%dma_wait3A_213, %dma_wait3A_215] : memref<112x128xi32, #tpu.memory_space<vmem>> -> memref<1x128xi32, #tpu.memory_space<vmem>>
      %dma_wait3A_217 = tpu.memref_squeeze %dma_wait3A_216 : memref<1x128xi32, #tpu.memory_space<vmem>> -> memref<128xi32, #tpu.memory_space<vmem>>
      %dma_wait3A_218 = arith.constant 0 : i32
      %dma_wait3A_219 = arith.constant 0 : i32
      %dma_wait3A_220 = tpu.memref_slice %arg7[%dma_wait3A_218, %dma_wait3A_219] : memref<10240x16xf32, #tpu.memory_space<vmem_shared>> -> memref<10240x16xf32, #tpu.memory_space<vmem_shared>>
      %dma_wait3A_221 = tpu.memref_slice %arg8[%dma_wait3A_214] : memref<4x!tpu.dma_semaphore, #tpu.memory_space<semaphore_mem>> -> memref<1x!tpu.dma_semaphore, #tpu.memory_space<semaphore_mem>>
      %dma_wait3A_222 = tpu.memref_squeeze %dma_wait3A_221 : memref<1x!tpu.dma_semaphore, #tpu.memory_space<semaphore_mem>> -> memref<!tpu.dma_semaphore, #tpu.memory_space<semaphore_mem>>
      tpu.wait_indirect_dma semaphore(%dma_wait3A_222 : memref<!tpu.dma_semaphore, #tpu.memory_space<semaphore_mem>>) src(%arg5 : memref<128x16xf32, #tpu.memory_space<vmem>>) dst(%dma_wait3A_220 : memref<10240x16xf32, #tpu.memory_space<vmem_shared>>)
      %dma_start3A_223 = arith.constant 3 : i32
      %dma_start3A_224 = arith.constant 0 : i32
      %dma_start3A_225 = tpu.memref_slice %arg4[%add3A_212, %dma_start3A_224] : memref<112x128xi32, #tpu.memory_space<vmem>> -> memref<1x128xi32, #tpu.memory_space<vmem>>
      %dma_start3A_226 = tpu.memref_squeeze %dma_start3A_225 : memref<1x128xi32, #tpu.memory_space<vmem>> -> memref<128xi32, #tpu.memory_space<vmem>>
      %dma_start3A_227 = arith.constant 0 : i32
      %dma_start3A_228 = arith.constant 0 : i32
      %dma_start3A_229 = tpu.memref_slice %arg7[%dma_start3A_227, %dma_start3A_228] : memref<10240x16xf32, #tpu.memory_space<vmem_shared>> -> memref<10240x16xf32, #tpu.memory_space<vmem_shared>>
      %dma_start3A_230 = tpu.memref_slice %arg8[%dma_start3A_223] : memref<4x!tpu.dma_semaphore, #tpu.memory_space<semaphore_mem>> -> memref<1x!tpu.dma_semaphore, #tpu.memory_space<semaphore_mem>>
      %dma_start3A_231 = tpu.memref_squeeze %dma_start3A_230 : memref<1x!tpu.dma_semaphore, #tpu.memory_space<semaphore_mem>> -> memref<!tpu.dma_semaphore, #tpu.memory_space<semaphore_mem>>
      tpu.enqueue_indirect_dma source(%arg5 : memref<128x16xf32, #tpu.memory_space<vmem>>) target(%dma_start3A_229 : memref<10240x16xf32, #tpu.memory_space<vmem_shared>>) offsets(%dma_start3A_226 : memref<128xi32, #tpu.memory_space<vmem>>) semaphore(%dma_start3A_231 : memref<!tpu.dma_semaphore, #tpu.memory_space<semaphore_mem>>) {add = true}
      %while3A_232 = arith.constant 0 : i32
      scf.yield %while3A_232 : i32
    }
    %dma_wait3A = arith.constant 0 : i32
    %dma_wait3A_100 = arith.constant 0 : i32
    %dma_wait3A_101 = arith.constant 0 : i32
    %dma_wait3A_102 = tpu.memref_slice %arg4[%dma_wait3A, %dma_wait3A_101] : memref<112x128xi32, #tpu.memory_space<vmem>> -> memref<1x128xi32, #tpu.memory_space<vmem>>
    %dma_wait3A_103 = tpu.memref_squeeze %dma_wait3A_102 : memref<1x128xi32, #tpu.memory_space<vmem>> -> memref<128xi32, #tpu.memory_space<vmem>>
    %dma_wait3A_104 = arith.constant 0 : i32
    %dma_wait3A_105 = arith.constant 0 : i32
    %dma_wait3A_106 = tpu.memref_slice %arg7[%dma_wait3A_104, %dma_wait3A_105] : memref<10240x16xf32, #tpu.memory_space<vmem_shared>> -> memref<10240x16xf32, #tpu.memory_space<vmem_shared>>
    %dma_wait3A_107 = tpu.memref_slice %arg8[%dma_wait3A_100] : memref<4x!tpu.dma_semaphore, #tpu.memory_space<semaphore_mem>> -> memref<1x!tpu.dma_semaphore, #tpu.memory_space<semaphore_mem>>
    %dma_wait3A_108 = tpu.memref_squeeze %dma_wait3A_107 : memref<1x!tpu.dma_semaphore, #tpu.memory_space<semaphore_mem>> -> memref<!tpu.dma_semaphore, #tpu.memory_space<semaphore_mem>>
    tpu.wait_indirect_dma semaphore(%dma_wait3A_108 : memref<!tpu.dma_semaphore, #tpu.memory_space<semaphore_mem>>) src(%arg5 : memref<128x16xf32, #tpu.memory_space<vmem>>) dst(%dma_wait3A_106 : memref<10240x16xf32, #tpu.memory_space<vmem_shared>>)
    %dma_wait3A_109 = arith.constant 1 : i32
    %dma_wait3A_110 = arith.constant 1 : i32
    %dma_wait3A_111 = arith.constant 0 : i32
    %dma_wait3A_112 = tpu.memref_slice %arg4[%dma_wait3A_109, %dma_wait3A_111] : memref<112x128xi32, #tpu.memory_space<vmem>> -> memref<1x128xi32, #tpu.memory_space<vmem>>
    %dma_wait3A_113 = tpu.memref_squeeze %dma_wait3A_112 : memref<1x128xi32, #tpu.memory_space<vmem>> -> memref<128xi32, #tpu.memory_space<vmem>>
    %dma_wait3A_114 = arith.constant 0 : i32
    %dma_wait3A_115 = arith.constant 0 : i32
    %dma_wait3A_116 = tpu.memref_slice %arg7[%dma_wait3A_114, %dma_wait3A_115] : memref<10240x16xf32, #tpu.memory_space<vmem_shared>> -> memref<10240x16xf32, #tpu.memory_space<vmem_shared>>
    %dma_wait3A_117 = tpu.memref_slice %arg8[%dma_wait3A_110] : memref<4x!tpu.dma_semaphore, #tpu.memory_space<semaphore_mem>> -> memref<1x!tpu.dma_semaphore, #tpu.memory_space<semaphore_mem>>
    %dma_wait3A_118 = tpu.memref_squeeze %dma_wait3A_117 : memref<1x!tpu.dma_semaphore, #tpu.memory_space<semaphore_mem>> -> memref<!tpu.dma_semaphore, #tpu.memory_space<semaphore_mem>>
    tpu.wait_indirect_dma semaphore(%dma_wait3A_118 : memref<!tpu.dma_semaphore, #tpu.memory_space<semaphore_mem>>) src(%arg5 : memref<128x16xf32, #tpu.memory_space<vmem>>) dst(%dma_wait3A_116 : memref<10240x16xf32, #tpu.memory_space<vmem_shared>>)
    %dma_wait3A_119 = arith.constant 2 : i32
    %dma_wait3A_120 = arith.constant 2 : i32
    %dma_wait3A_121 = arith.constant 0 : i32
    %dma_wait3A_122 = tpu.memref_slice %arg4[%dma_wait3A_119, %dma_wait3A_121] : memref<112x128xi32, #tpu.memory_space<vmem>> -> memref<1x128xi32, #tpu.memory_space<vmem>>
    %dma_wait3A_123 = tpu.memref_squeeze %dma_wait3A_122 : memref<1x128xi32, #tpu.memory_space<vmem>> -> memref<128xi32, #tpu.memory_space<vmem>>
    %dma_wait3A_124 = arith.constant 0 : i32
    %dma_wait3A_125 = arith.constant 0 : i32
    %dma_wait3A_126 = tpu.memref_slice %arg7[%dma_wait3A_124, %dma_wait3A_125] : memref<10240x16xf32, #tpu.memory_space<vmem_shared>> -> memref<10240x16xf32, #tpu.memory_space<vmem_shared>>
    %dma_wait3A_127 = tpu.memref_slice %arg8[%dma_wait3A_120] : memref<4x!tpu.dma_semaphore, #tpu.memory_space<semaphore_mem>> -> memref<1x!tpu.dma_semaphore, #tpu.memory_space<semaphore_mem>>
    %dma_wait3A_128 = tpu.memref_squeeze %dma_wait3A_127 : memref<1x!tpu.dma_semaphore, #tpu.memory_space<semaphore_mem>> -> memref<!tpu.dma_semaphore, #tpu.memory_space<semaphore_mem>>
    tpu.wait_indirect_dma semaphore(%dma_wait3A_128 : memref<!tpu.dma_semaphore, #tpu.memory_space<semaphore_mem>>) src(%arg5 : memref<128x16xf32, #tpu.memory_space<vmem>>) dst(%dma_wait3A_126 : memref<10240x16xf32, #tpu.memory_space<vmem_shared>>)
    %dma_wait3A_129 = arith.constant 3 : i32
    %dma_wait3A_130 = arith.constant 3 : i32
    %dma_wait3A_131 = arith.constant 0 : i32
    %dma_wait3A_132 = tpu.memref_slice %arg4[%dma_wait3A_129, %dma_wait3A_131] : memref<112x128xi32, #tpu.memory_space<vmem>> -> memref<1x128xi32, #tpu.memory_space<vmem>>
    %dma_wait3A_133 = tpu.memref_squeeze %dma_wait3A_132 : memref<1x128xi32, #tpu.memory_space<vmem>> -> memref<128xi32, #tpu.memory_space<vmem>>
    %dma_wait3A_134 = arith.constant 0 : i32
    %dma_wait3A_135 = arith.constant 0 : i32
    %dma_wait3A_136 = tpu.memref_slice %arg7[%dma_wait3A_134, %dma_wait3A_135] : memref<10240x16xf32, #tpu.memory_space<vmem_shared>> -> memref<10240x16xf32, #tpu.memory_space<vmem_shared>>
    %dma_wait3A_137 = tpu.memref_slice %arg8[%dma_wait3A_130] : memref<4x!tpu.dma_semaphore, #tpu.memory_space<semaphore_mem>> -> memref<1x!tpu.dma_semaphore, #tpu.memory_space<semaphore_mem>>
    %dma_wait3A_138 = tpu.memref_squeeze %dma_wait3A_137 : memref<1x!tpu.dma_semaphore, #tpu.memory_space<semaphore_mem>> -> memref<!tpu.dma_semaphore, #tpu.memory_space<semaphore_mem>>
    tpu.wait_indirect_dma semaphore(%dma_wait3A_138 : memref<!tpu.dma_semaphore, #tpu.memory_space<semaphore_mem>>) src(%arg5 : memref<128x16xf32, #tpu.memory_space<vmem>>) dst(%dma_wait3A_136 : memref<10240x16xf32, #tpu.memory_space<vmem_shared>>)
    %barrier3A_139 = arith.constant 0 : index
    tpu.barrier barrier_id(%barrier3A_139)
    %mul3A_140 = arith.constant 640 : i32
    %mul3A_141 = arith.muli %arg1, %mul3A_140 : i32
    %mul3A_142 = arith.constant 640 : i32
    %mul3A_143 = arith.muli %arg1, %mul3A_142 : i32
    "tpu.region"() ({
      %run_scoped3A = tpu.sem_alloc : memref<!tpu.dma_semaphore, #tpu.memory_space<semaphore_mem>>
      %dma_start3A_144 = arith.constant 0 : i32
      %dma_start3A_145 = tpu.memref_slice %arg3[%arg0, %mul3A_143, %dma_start3A_144] : memref<2x10240x16xf32, #tpu.memory_space<hbm>> -> memref<1x640x16xf32, #tpu.memory_space<hbm>>
      %dma_start3A_146 = tpu.memref_squeeze %dma_start3A_145 : memref<1x640x16xf32, #tpu.memory_space<hbm>> -> memref<640x16xf32, #tpu.memory_space<hbm>>
      %dma_start3A_147 = arith.constant 0 : i32
      %dma_start3A_148 = tpu.memref_slice %arg7[%mul3A_141, %dma_start3A_147] : memref<10240x16xf32, #tpu.memory_space<vmem_shared>> -> memref<640x16xf32, #tpu.memory_space<vmem_shared>>
      tpu.enqueue_dma source(%dma_start3A_148 : memref<640x16xf32, #tpu.memory_space<vmem_shared>>) target(%dma_start3A_146 : memref<640x16xf32, #tpu.memory_space<hbm>>) target_semaphore(%run_scoped3A : memref<!tpu.dma_semaphore, #tpu.memory_space<semaphore_mem>>)
      %dma_wait3A_149 = arith.constant 0 : i32
      %dma_wait3A_150 = tpu.memref_slice %arg3[%arg0, %mul3A_143, %dma_wait3A_149] : memref<2x10240x16xf32, #tpu.memory_space<hbm>> -> memref<1x640x16xf32, #tpu.memory_space<hbm>>
      %dma_wait3A_151 = tpu.memref_squeeze %dma_wait3A_150 : memref<1x640x16xf32, #tpu.memory_space<hbm>> -> memref<640x16xf32, #tpu.memory_space<hbm>>
      %dma_wait3A_152 = arith.constant 0 : i32
      %dma_wait3A_153 = tpu.memref_slice %arg7[%mul3A_141, %dma_wait3A_152] : memref<10240x16xf32, #tpu.memory_space<vmem_shared>> -> memref<640x16xf32, #tpu.memory_space<vmem_shared>>
      tpu.wait_dma2 semaphore(%run_scoped3A : memref<!tpu.dma_semaphore, #tpu.memory_space<semaphore_mem>>) src(%dma_wait3A_153 : memref<640x16xf32, #tpu.memory_space<vmem_shared>>) dst(%dma_wait3A_151 : memref<640x16xf32, #tpu.memory_space<hbm>>)
      tpu.yield
    }) : () -> ()
    return
  }
}

#map = affine_map<(d0, d1) -> (0, 0)>
#map1 = affine_map<(d0, d1) -> (0, 0, 0)>
module attributes {stable_mosaic.version = 14 : i64} {
  func.func @k(%arg0: i32, %arg1: i32, %arg2: memref<10240x16xf32, #tpu.memory_space<hbm>>, %arg3: memref<2560x128xi32, #tpu.memory_space<hbm>>, %arg4: memref<2560x128xi32, #tpu.memory_space<hbm>>, %arg5: memref<2x10240x16xf32, #tpu.memory_space<hbm>>, %arg6: memref<136x128xi32, #tpu.memory_space<vmem>>, %arg7: memref<136x128xi32, #tpu.memory_space<vmem>>, %arg8: memref<4x128x16xf32, #tpu.memory_space<vmem>>, %arg9: memref<640x16xf32, #tpu.memory_space<vmem>>, %arg10: memref<10240x16xf32, #tpu.memory_space<vmem_shared>>, %arg11: memref<4x!tpu.dma_semaphore, #tpu.memory_space<semaphore_mem>>, %arg12: memref<4x!tpu.dma_semaphore, #tpu.memory_space<semaphore_mem>>) attributes {dimension_semantics = [#tpu.dimension_semantics<core_parallel>, #tpu.dimension_semantics<subcore_parallel>], iteration_bounds = array<i64: 2, 16>, scalar_prefetch = 0 : i64, scratch_operands = 7 : i64, tpu.core_type = #tpu.core_type<sc_vector_subcore>, window_params = [{transform_indices = #map}, {transform_indices = #map}, {transform_indices = #map}, {transform_indices = #map1}]} {
    %eq3A = arith.constant 0 : i32
    %eq3A_0 = arith.cmpi eq, %arg0, %eq3A : i32
    %jit3A = arith.constant 136 : i32
    %jit3A_1 = arith.constant 24 : i32
    %select_n3A = arith.select %eq3A_0, %jit3A, %jit3A_1 : i32
    %eq3A_2 = arith.constant 0 : i32
    %eq3A_3 = arith.cmpi eq, %arg0, %eq3A_2 : i32
    %mul3A = arith.constant 136 : i32
    %mul3A_4 = arith.muli %arg1, %mul3A : i32
    %mul3A_5 = arith.constant 24 : i32
    %mul3A_6 = arith.muli %arg1, %mul3A_5 : i32
    %add3A = arith.constant 2176 : i32
    %add3A_7 = arith.addi %add3A, %mul3A_6 : i32
    %select_n3A_8 = arith.select %eq3A_3, %mul3A_4, %add3A_7 : i32
    %scan3A = arith.constant 0 : i32
    %scan3A_9 = arith.constant 0 : i32
    %scan3A_10 = arith.constant 640 : i32
    %scan3A_11 = arith.addi %scan3A_9, %scan3A_10 : i32
    %scan3A_12 = arith.constant 1 : i32
    %scan3A_13 = scf.for %scan3A_177 = %scan3A_9 to %scan3A_11 step %scan3A_12 iter_args(%scan3A_178 = %scan3A) -> (i32)  : i32 {
      %broadcast_in_dim3A = arith.constant 0.000000e+00 : f32
      %broadcast_in_dim3A_179 = vector.broadcast %broadcast_in_dim3A : f32 to vector<16xf32>
      %swap3A = arith.index_cast %scan3A_177 : i32 to index
      %swap3A_180 = arith.constant 0 : index
      %swap3A_181 = tpu.vector_load %arg9[%swap3A, %swap3A_180] {strides = array<i32>} : memref<640x16xf32, #tpu.memory_space<vmem>>, vector<1x16xf32>,
      %swap3A_182 = vector.shape_cast %swap3A_181 : vector<1x16xf32> to vector<16xf32>
      %swap3A_183 = vector.shape_cast %broadcast_in_dim3A_179 : vector<16xf32> to vector<1x16xf32>
      tpu.vector_store %arg9[%swap3A, %swap3A_180], %swap3A_183 {strides = array<i32>} : memref<640x16xf32, #tpu.memory_space<vmem>>, vector<1x16xf32>,
      %scan3A_184 = arith.constant 0 : i32
      scf.yield %scan3A_184 : i32
    }
    %scan3A_14 = arith.constant 640 : i32
    %eq3A_15 = arith.constant 0 : i32
    %eq3A_16 = arith.cmpi eq, %arg0, %eq3A_15 : i32
    %convert_element_type3A = arith.extui %eq3A_16 : i1 to i32
    %cond3A = arith.constant 0 : i32
    %cond3A_17 = arith.cmpi ne, %convert_element_type3A, %cond3A : i32
    scf.if %cond3A_17 {
      "tpu.region"() ({
        %run_scoped3A = tpu.sem_alloc : memref<!tpu.dma_semaphore, #tpu.memory_space<semaphore_mem>>
        %dma_start3A_177 = arith.constant 0 : i32
        %dma_start3A_178 = arith.constant 0 : i32
        %dma_start3A_179 = tpu.memref_slice %arg6[%dma_start3A_177, %dma_start3A_178] : memref<136x128xi32, #tpu.memory_space<vmem>> -> memref<136x128xi32, #tpu.memory_space<vmem>>
        %dma_start3A_180 = arith.constant 0 : i32
        %dma_start3A_181 = tpu.memref_slice %arg3[%select_n3A_8, %dma_start3A_180] : memref<2560x128xi32, #tpu.memory_space<hbm>> -> memref<136x128xi32, #tpu.memory_space<hbm>>
        %dma_start3A_182 = arith.constant 0 : i32
        %dma_start3A_183 = arith.constant 0 : i32
        %dma_start3A_184 = tpu.memref_slice %arg6[%dma_start3A_182, %dma_start3A_183] : memref<136x128xi32, #tpu.memory_space<vmem>> -> memref<136x128xi32, #tpu.memory_space<vmem>>
        %dma_start3A_185 = arith.constant 0 : i32
        %dma_start3A_186 = tpu.memref_slice %arg3[%select_n3A_8, %dma_start3A_185] : memref<2560x128xi32, #tpu.memory_space<hbm>> -> memref<136x128xi32, #tpu.memory_space<hbm>>
        tpu.enqueue_dma source(%dma_start3A_186 : memref<136x128xi32, #tpu.memory_space<hbm>>) target(%dma_start3A_184 : memref<136x128xi32, #tpu.memory_space<vmem>>) target_semaphore(%run_scoped3A : memref<!tpu.dma_semaphore, #tpu.memory_space<semaphore_mem>>)
        %dma_wait3A_187 = arith.constant 0 : i32
        %dma_wait3A_188 = arith.constant 0 : i32
        %dma_wait3A_189 = tpu.memref_slice %arg6[%dma_wait3A_187, %dma_wait3A_188] : memref<136x128xi32, #tpu.memory_space<vmem>> -> memref<136x128xi32, #tpu.memory_space<vmem>>
        %dma_wait3A_190 = arith.constant 0 : i32
        %dma_wait3A_191 = tpu.memref_slice %arg3[%select_n3A_8, %dma_wait3A_190] : memref<2560x128xi32, #tpu.memory_space<hbm>> -> memref<136x128xi32, #tpu.memory_space<hbm>>
        %dma_wait3A_192 = arith.constant 0 : i32
        %dma_wait3A_193 = arith.constant 0 : i32
        %dma_wait3A_194 = tpu.memref_slice %arg6[%dma_wait3A_192, %dma_wait3A_193] : memref<136x128xi32, #tpu.memory_space<vmem>> -> memref<136x128xi32, #tpu.memory_space<vmem>>
        %dma_wait3A_195 = arith.constant 0 : i32
        %dma_wait3A_196 = tpu.memref_slice %arg3[%select_n3A_8, %dma_wait3A_195] : memref<2560x128xi32, #tpu.memory_space<hbm>> -> memref<136x128xi32, #tpu.memory_space<hbm>>
        tpu.wait_dma2 semaphore(%run_scoped3A : memref<!tpu.dma_semaphore, #tpu.memory_space<semaphore_mem>>) src(%dma_wait3A_196 : memref<136x128xi32, #tpu.memory_space<hbm>>) dst(%dma_wait3A_194 : memref<136x128xi32, #tpu.memory_space<vmem>>)
        tpu.yield
      }) : () -> ()
      "tpu.region"() ({
        %run_scoped3A = tpu.sem_alloc : memref<!tpu.dma_semaphore, #tpu.memory_space<semaphore_mem>>
        %dma_start3A_177 = arith.constant 0 : i32
        %dma_start3A_178 = arith.constant 0 : i32
        %dma_start3A_179 = tpu.memref_slice %arg7[%dma_start3A_177, %dma_start3A_178] : memref<136x128xi32, #tpu.memory_space<vmem>> -> memref<136x128xi32, #tpu.memory_space<vmem>>
        %dma_start3A_180 = arith.constant 0 : i32
        %dma_start3A_181 = tpu.memref_slice %arg4[%select_n3A_8, %dma_start3A_180] : memref<2560x128xi32, #tpu.memory_space<hbm>> -> memref<136x128xi32, #tpu.memory_space<hbm>>
        %dma_start3A_182 = arith.constant 0 : i32
        %dma_start3A_183 = arith.constant 0 : i32
        %dma_start3A_184 = tpu.memref_slice %arg7[%dma_start3A_182, %dma_start3A_183] : memref<136x128xi32, #tpu.memory_space<vmem>> -> memref<136x128xi32, #tpu.memory_space<vmem>>
        %dma_start3A_185 = arith.constant 0 : i32
        %dma_start3A_186 = tpu.memref_slice %arg4[%select_n3A_8, %dma_start3A_185] : memref<2560x128xi32, #tpu.memory_space<hbm>> -> memref<136x128xi32, #tpu.memory_space<hbm>>
        tpu.enqueue_dma source(%dma_start3A_186 : memref<136x128xi32, #tpu.memory_space<hbm>>) target(%dma_start3A_184 : memref<136x128xi32, #tpu.memory_space<vmem>>) target_semaphore(%run_scoped3A : memref<!tpu.dma_semaphore, #tpu.memory_space<semaphore_mem>>)
        %dma_wait3A_187 = arith.constant 0 : i32
        %dma_wait3A_188 = arith.constant 0 : i32
        %dma_wait3A_189 = tpu.memref_slice %arg7[%dma_wait3A_187, %dma_wait3A_188] : memref<136x128xi32, #tpu.memory_space<vmem>> -> memref<136x128xi32, #tpu.memory_space<vmem>>
        %dma_wait3A_190 = arith.constant 0 : i32
        %dma_wait3A_191 = tpu.memref_slice %arg4[%select_n3A_8, %dma_wait3A_190] : memref<2560x128xi32, #tpu.memory_space<hbm>> -> memref<136x128xi32, #tpu.memory_space<hbm>>
        %dma_wait3A_192 = arith.constant 0 : i32
        %dma_wait3A_193 = arith.constant 0 : i32
        %dma_wait3A_194 = tpu.memref_slice %arg7[%dma_wait3A_192, %dma_wait3A_193] : memref<136x128xi32, #tpu.memory_space<vmem>> -> memref<136x128xi32, #tpu.memory_space<vmem>>
        %dma_wait3A_195 = arith.constant 0 : i32
        %dma_wait3A_196 = tpu.memref_slice %arg4[%select_n3A_8, %dma_wait3A_195] : memref<2560x128xi32, #tpu.memory_space<hbm>> -> memref<136x128xi32, #tpu.memory_space<hbm>>
        tpu.wait_dma2 semaphore(%run_scoped3A : memref<!tpu.dma_semaphore, #tpu.memory_space<semaphore_mem>>) src(%dma_wait3A_196 : memref<136x128xi32, #tpu.memory_space<hbm>>) dst(%dma_wait3A_194 : memref<136x128xi32, #tpu.memory_space<vmem>>)
        tpu.yield
      }) : () -> ()
    } else {
    }
    %eq3A_18 = arith.constant 1 : i32
    %eq3A_19 = arith.cmpi eq, %arg0, %eq3A_18 : i32
    %convert_element_type3A_20 = arith.extui %eq3A_19 : i1 to i32
    %cond3A_21 = arith.constant 0 : i32
    %cond3A_22 = arith.cmpi ne, %convert_element_type3A_20, %cond3A_21 : i32
    scf.if %cond3A_22 {
      "tpu.region"() ({
        %run_scoped3A = tpu.sem_alloc : memref<!tpu.dma_semaphore, #tpu.memory_space<semaphore_mem>>
        %dma_start3A_177 = arith.constant 0 : i32
        %dma_start3A_178 = arith.constant 0 : i32
        %dma_start3A_179 = tpu.memref_slice %arg6[%dma_start3A_177, %dma_start3A_178] : memref<136x128xi32, #tpu.memory_space<vmem>> -> memref<24x128xi32, #tpu.memory_space<vmem>>
        %dma_start3A_180 = arith.constant 0 : i32
        %dma_start3A_181 = tpu.memref_slice %arg3[%select_n3A_8, %dma_start3A_180] : memref<2560x128xi32, #tpu.memory_space<hbm>> -> memref<24x128xi32, #tpu.memory_space<hbm>>
        %dma_start3A_182 = arith.constant 0 : i32
        %dma_start3A_183 = arith.constant 0 : i32
        %dma_start3A_184 = tpu.memref_slice %arg6[%dma_start3A_182, %dma_start3A_183] : memref<136x128xi32, #tpu.memory_space<vmem>> -> memref<24x128xi32, #tpu.memory_space<vmem>>
        %dma_start3A_185 = arith.constant 0 : i32
        %dma_start3A_186 = tpu.memref_slice %arg3[%select_n3A_8, %dma_start3A_185] : memref<2560x128xi32, #tpu.memory_space<hbm>> -> memref<24x128xi32, #tpu.memory_space<hbm>>
        tpu.enqueue_dma source(%dma_start3A_186 : memref<24x128xi32, #tpu.memory_space<hbm>>) target(%dma_start3A_184 : memref<24x128xi32, #tpu.memory_space<vmem>>) target_semaphore(%run_scoped3A : memref<!tpu.dma_semaphore, #tpu.memory_space<semaphore_mem>>)
        %dma_wait3A_187 = arith.constant 0 : i32
        %dma_wait3A_188 = arith.constant 0 : i32
        %dma_wait3A_189 = tpu.memref_slice %arg6[%dma_wait3A_187, %dma_wait3A_188] : memref<136x128xi32, #tpu.memory_space<vmem>> -> memref<24x128xi32, #tpu.memory_space<vmem>>
        %dma_wait3A_190 = arith.constant 0 : i32
        %dma_wait3A_191 = tpu.memref_slice %arg3[%select_n3A_8, %dma_wait3A_190] : memref<2560x128xi32, #tpu.memory_space<hbm>> -> memref<24x128xi32, #tpu.memory_space<hbm>>
        %dma_wait3A_192 = arith.constant 0 : i32
        %dma_wait3A_193 = arith.constant 0 : i32
        %dma_wait3A_194 = tpu.memref_slice %arg6[%dma_wait3A_192, %dma_wait3A_193] : memref<136x128xi32, #tpu.memory_space<vmem>> -> memref<24x128xi32, #tpu.memory_space<vmem>>
        %dma_wait3A_195 = arith.constant 0 : i32
        %dma_wait3A_196 = tpu.memref_slice %arg3[%select_n3A_8, %dma_wait3A_195] : memref<2560x128xi32, #tpu.memory_space<hbm>> -> memref<24x128xi32, #tpu.memory_space<hbm>>
        tpu.wait_dma2 semaphore(%run_scoped3A : memref<!tpu.dma_semaphore, #tpu.memory_space<semaphore_mem>>) src(%dma_wait3A_196 : memref<24x128xi32, #tpu.memory_space<hbm>>) dst(%dma_wait3A_194 : memref<24x128xi32, #tpu.memory_space<vmem>>)
        tpu.yield
      }) : () -> ()
      "tpu.region"() ({
        %run_scoped3A = tpu.sem_alloc : memref<!tpu.dma_semaphore, #tpu.memory_space<semaphore_mem>>
        %dma_start3A_177 = arith.constant 0 : i32
        %dma_start3A_178 = arith.constant 0 : i32
        %dma_start3A_179 = tpu.memref_slice %arg7[%dma_start3A_177, %dma_start3A_178] : memref<136x128xi32, #tpu.memory_space<vmem>> -> memref<24x128xi32, #tpu.memory_space<vmem>>
        %dma_start3A_180 = arith.constant 0 : i32
        %dma_start3A_181 = tpu.memref_slice %arg4[%select_n3A_8, %dma_start3A_180] : memref<2560x128xi32, #tpu.memory_space<hbm>> -> memref<24x128xi32, #tpu.memory_space<hbm>>
        %dma_start3A_182 = arith.constant 0 : i32
        %dma_start3A_183 = arith.constant 0 : i32
        %dma_start3A_184 = tpu.memref_slice %arg7[%dma_start3A_182, %dma_start3A_183] : memref<136x128xi32, #tpu.memory_space<vmem>> -> memref<24x128xi32, #tpu.memory_space<vmem>>
        %dma_start3A_185 = arith.constant 0 : i32
        %dma_start3A_186 = tpu.memref_slice %arg4[%select_n3A_8, %dma_start3A_185] : memref<2560x128xi32, #tpu.memory_space<hbm>> -> memref<24x128xi32, #tpu.memory_space<hbm>>
        tpu.enqueue_dma source(%dma_start3A_186 : memref<24x128xi32, #tpu.memory_space<hbm>>) target(%dma_start3A_184 : memref<24x128xi32, #tpu.memory_space<vmem>>) target_semaphore(%run_scoped3A : memref<!tpu.dma_semaphore, #tpu.memory_space<semaphore_mem>>)
        %dma_wait3A_187 = arith.constant 0 : i32
        %dma_wait3A_188 = arith.constant 0 : i32
        %dma_wait3A_189 = tpu.memref_slice %arg7[%dma_wait3A_187, %dma_wait3A_188] : memref<136x128xi32, #tpu.memory_space<vmem>> -> memref<24x128xi32, #tpu.memory_space<vmem>>
        %dma_wait3A_190 = arith.constant 0 : i32
        %dma_wait3A_191 = tpu.memref_slice %arg4[%select_n3A_8, %dma_wait3A_190] : memref<2560x128xi32, #tpu.memory_space<hbm>> -> memref<24x128xi32, #tpu.memory_space<hbm>>
        %dma_wait3A_192 = arith.constant 0 : i32
        %dma_wait3A_193 = arith.constant 0 : i32
        %dma_wait3A_194 = tpu.memref_slice %arg7[%dma_wait3A_192, %dma_wait3A_193] : memref<136x128xi32, #tpu.memory_space<vmem>> -> memref<24x128xi32, #tpu.memory_space<vmem>>
        %dma_wait3A_195 = arith.constant 0 : i32
        %dma_wait3A_196 = tpu.memref_slice %arg4[%select_n3A_8, %dma_wait3A_195] : memref<2560x128xi32, #tpu.memory_space<hbm>> -> memref<24x128xi32, #tpu.memory_space<hbm>>
        tpu.wait_dma2 semaphore(%run_scoped3A : memref<!tpu.dma_semaphore, #tpu.memory_space<semaphore_mem>>) src(%dma_wait3A_196 : memref<24x128xi32, #tpu.memory_space<hbm>>) dst(%dma_wait3A_194 : memref<24x128xi32, #tpu.memory_space<vmem>>)
        tpu.yield
      }) : () -> ()
    } else {
    }
    %dma_start3A = arith.constant 0 : i32
    %dma_start3A_23 = arith.constant 0 : i32
    %dma_start3A_24 = arith.constant 0 : i32
    %dma_start3A_25 = arith.constant 0 : i32
    %dma_start3A_26 = arith.constant 0 : i32
    %dma_start3A_27 = tpu.memref_slice %arg8[%dma_start3A_23, %dma_start3A_25, %dma_start3A_26] : memref<4x128x16xf32, #tpu.memory_space<vmem>> -> memref<1x128x16xf32, #tpu.memory_space<vmem>>
    %dma_start3A_28 = tpu.memref_squeeze %dma_start3A_27 : memref<1x128x16xf32, #tpu.memory_space<vmem>> -> memref<128x16xf32, #tpu.memory_space<vmem>>
    %dma_start3A_29 = arith.constant 0 : i32
    %dma_start3A_30 = tpu.memref_slice %arg6[%dma_start3A, %dma_start3A_29] : memref<136x128xi32, #tpu.memory_space<vmem>> -> memref<1x128xi32, #tpu.memory_space<vmem>>
    %dma_start3A_31 = tpu.memref_squeeze %dma_start3A_30 : memref<1x128xi32, #tpu.memory_space<vmem>> -> memref<128xi32, #tpu.memory_space<vmem>>
    %dma_start3A_32 = arith.constant 0 : i32
    %dma_start3A_33 = arith.constant 0 : i32
    %dma_start3A_34 = tpu.memref_slice %arg2[%dma_start3A_32, %dma_start3A_33] : memref<10240x16xf32, #tpu.memory_space<hbm>> -> memref<10240x16xf32, #tpu.memory_space<hbm>>
    %dma_start3A_35 = tpu.memref_slice %arg11[%dma_start3A_24] : memref<4x!tpu.dma_semaphore, #tpu.memory_space<semaphore_mem>> -> memref<1x!tpu.dma_semaphore, #tpu.memory_space<semaphore_mem>>
    %dma_start3A_36 = tpu.memref_squeeze %dma_start3A_35 : memref<1x!tpu.dma_semaphore, #tpu.memory_space<semaphore_mem>> -> memref<!tpu.dma_semaphore, #tpu.memory_space<semaphore_mem>>
    tpu.enqueue_indirect_dma source(%dma_start3A_34 : memref<10240x16xf32, #tpu.memory_space<hbm>>) target(%dma_start3A_28 : memref<128x16xf32, #tpu.memory_space<vmem>>) offsets(%dma_start3A_31 : memref<128xi32, #tpu.memory_space<vmem>>) semaphore(%dma_start3A_36 : memref<!tpu.dma_semaphore, #tpu.memory_space<semaphore_mem>>)
    %dma_start3A_37 = arith.constant 1 : i32
    %dma_start3A_38 = arith.constant 1 : i32
    %dma_start3A_39 = arith.constant 1 : i32
    %dma_start3A_40 = arith.constant 0 : i32
    %dma_start3A_41 = arith.constant 0 : i32
    %dma_start3A_42 = tpu.memref_slice %arg8[%dma_start3A_38, %dma_start3A_40, %dma_start3A_41] : memref<4x128x16xf32, #tpu.memory_space<vmem>> -> memref<1x128x16xf32, #tpu.memory_space<vmem>>
    %dma_start3A_43 = tpu.memref_squeeze %dma_start3A_42 : memref<1x128x16xf32, #tpu.memory_space<vmem>> -> memref<128x16xf32, #tpu.memory_space<vmem>>
    %dma_start3A_44 = arith.constant 0 : i32
    %dma_start3A_45 = tpu.memref_slice %arg6[%dma_start3A_37, %dma_start3A_44] : memref<136x128xi32, #tpu.memory_space<vmem>> -> memref<1x128xi32, #tpu.memory_space<vmem>>
    %dma_start3A_46 = tpu.memref_squeeze %dma_start3A_45 : memref<1x128xi32, #tpu.memory_space<vmem>> -> memref<128xi32, #tpu.memory_space<vmem>>
    %dma_start3A_47 = arith.constant 0 : i32
    %dma_start3A_48 = arith.constant 0 : i32
    %dma_start3A_49 = tpu.memref_slice %arg2[%dma_start3A_47, %dma_start3A_48] : memref<10240x16xf32, #tpu.memory_space<hbm>> -> memref<10240x16xf32, #tpu.memory_space<hbm>>
    %dma_start3A_50 = tpu.memref_slice %arg11[%dma_start3A_39] : memref<4x!tpu.dma_semaphore, #tpu.memory_space<semaphore_mem>> -> memref<1x!tpu.dma_semaphore, #tpu.memory_space<semaphore_mem>>
    %dma_start3A_51 = tpu.memref_squeeze %dma_start3A_50 : memref<1x!tpu.dma_semaphore, #tpu.memory_space<semaphore_mem>> -> memref<!tpu.dma_semaphore, #tpu.memory_space<semaphore_mem>>
    tpu.enqueue_indirect_dma source(%dma_start3A_49 : memref<10240x16xf32, #tpu.memory_space<hbm>>) target(%dma_start3A_43 : memref<128x16xf32, #tpu.memory_space<vmem>>) offsets(%dma_start3A_46 : memref<128xi32, #tpu.memory_space<vmem>>) semaphore(%dma_start3A_51 : memref<!tpu.dma_semaphore, #tpu.memory_space<semaphore_mem>>)
    %dma_start3A_52 = arith.constant 2 : i32
    %dma_start3A_53 = arith.constant 2 : i32
    %dma_start3A_54 = arith.constant 2 : i32
    %dma_start3A_55 = arith.constant 0 : i32
    %dma_start3A_56 = arith.constant 0 : i32
    %dma_start3A_57 = tpu.memref_slice %arg8[%dma_start3A_53, %dma_start3A_55, %dma_start3A_56] : memref<4x128x16xf32, #tpu.memory_space<vmem>> -> memref<1x128x16xf32, #tpu.memory_space<vmem>>
    %dma_start3A_58 = tpu.memref_squeeze %dma_start3A_57 : memref<1x128x16xf32, #tpu.memory_space<vmem>> -> memref<128x16xf32, #tpu.memory_space<vmem>>
    %dma_start3A_59 = arith.constant 0 : i32
    %dma_start3A_60 = tpu.memref_slice %arg6[%dma_start3A_52, %dma_start3A_59] : memref<136x128xi32, #tpu.memory_space<vmem>> -> memref<1x128xi32, #tpu.memory_space<vmem>>
    %dma_start3A_61 = tpu.memref_squeeze %dma_start3A_60 : memref<1x128xi32, #tpu.memory_space<vmem>> -> memref<128xi32, #tpu.memory_space<vmem>>
    %dma_start3A_62 = arith.constant 0 : i32
    %dma_start3A_63 = arith.constant 0 : i32
    %dma_start3A_64 = tpu.memref_slice %arg2[%dma_start3A_62, %dma_start3A_63] : memref<10240x16xf32, #tpu.memory_space<hbm>> -> memref<10240x16xf32, #tpu.memory_space<hbm>>
    %dma_start3A_65 = tpu.memref_slice %arg11[%dma_start3A_54] : memref<4x!tpu.dma_semaphore, #tpu.memory_space<semaphore_mem>> -> memref<1x!tpu.dma_semaphore, #tpu.memory_space<semaphore_mem>>
    %dma_start3A_66 = tpu.memref_squeeze %dma_start3A_65 : memref<1x!tpu.dma_semaphore, #tpu.memory_space<semaphore_mem>> -> memref<!tpu.dma_semaphore, #tpu.memory_space<semaphore_mem>>
    tpu.enqueue_indirect_dma source(%dma_start3A_64 : memref<10240x16xf32, #tpu.memory_space<hbm>>) target(%dma_start3A_58 : memref<128x16xf32, #tpu.memory_space<vmem>>) offsets(%dma_start3A_61 : memref<128xi32, #tpu.memory_space<vmem>>) semaphore(%dma_start3A_66 : memref<!tpu.dma_semaphore, #tpu.memory_space<semaphore_mem>>)
    %dma_start3A_67 = arith.constant 3 : i32
    %dma_start3A_68 = arith.constant 3 : i32
    %dma_start3A_69 = arith.constant 3 : i32
    %dma_start3A_70 = arith.constant 0 : i32
    %dma_start3A_71 = arith.constant 0 : i32
    %dma_start3A_72 = tpu.memref_slice %arg8[%dma_start3A_68, %dma_start3A_70, %dma_start3A_71] : memref<4x128x16xf32, #tpu.memory_space<vmem>> -> memref<1x128x16xf32, #tpu.memory_space<vmem>>
    %dma_start3A_73 = tpu.memref_squeeze %dma_start3A_72 : memref<1x128x16xf32, #tpu.memory_space<vmem>> -> memref<128x16xf32, #tpu.memory_space<vmem>>
    %dma_start3A_74 = arith.constant 0 : i32
    %dma_start3A_75 = tpu.memref_slice %arg6[%dma_start3A_67, %dma_start3A_74] : memref<136x128xi32, #tpu.memory_space<vmem>> -> memref<1x128xi32, #tpu.memory_space<vmem>>
    %dma_start3A_76 = tpu.memref_squeeze %dma_start3A_75 : memref<1x128xi32, #tpu.memory_space<vmem>> -> memref<128xi32, #tpu.memory_space<vmem>>
    %dma_start3A_77 = arith.constant 0 : i32
    %dma_start3A_78 = arith.constant 0 : i32
    %dma_start3A_79 = tpu.memref_slice %arg2[%dma_start3A_77, %dma_start3A_78] : memref<10240x16xf32, #tpu.memory_space<hbm>> -> memref<10240x16xf32, #tpu.memory_space<hbm>>
    %dma_start3A_80 = tpu.memref_slice %arg11[%dma_start3A_69] : memref<4x!tpu.dma_semaphore, #tpu.memory_space<semaphore_mem>> -> memref<1x!tpu.dma_semaphore, #tpu.memory_space<semaphore_mem>>
    %dma_start3A_81 = tpu.memref_squeeze %dma_start3A_80 : memref<1x!tpu.dma_semaphore, #tpu.memory_space<semaphore_mem>> -> memref<!tpu.dma_semaphore, #tpu.memory_space<semaphore_mem>>
    tpu.enqueue_indirect_dma source(%dma_start3A_79 : memref<10240x16xf32, #tpu.memory_space<hbm>>) target(%dma_start3A_73 : memref<128x16xf32, #tpu.memory_space<vmem>>) offsets(%dma_start3A_76 : memref<128xi32, #tpu.memory_space<vmem>>) semaphore(%dma_start3A_81 : memref<!tpu.dma_semaphore, #tpu.memory_space<semaphore_mem>>)
    %mul3A_82 = arith.constant 640 : i32
    %mul3A_83 = arith.muli %arg1, %mul3A_82 : i32
    "tpu.region"() ({
      %run_scoped3A = tpu.sem_alloc : memref<!tpu.dma_semaphore, #tpu.memory_space<semaphore_mem>>
      %dma_start3A_177 = arith.constant 0 : i32
      %dma_start3A_178 = tpu.memref_slice %arg10[%mul3A_83, %dma_start3A_177] : memref<10240x16xf32, #tpu.memory_space<vmem_shared>> -> memref<640x16xf32, #tpu.memory_space<vmem_shared>>
      %dma_start3A_179 = arith.constant 0 : i32
      %dma_start3A_180 = tpu.memref_slice %arg10[%mul3A_83, %dma_start3A_179] : memref<10240x16xf32, #tpu.memory_space<vmem_shared>> -> memref<640x16xf32, #tpu.memory_space<vmem_shared>>
      tpu.enqueue_dma source(%arg9 : memref<640x16xf32, #tpu.memory_space<vmem>>) target(%dma_start3A_180 : memref<640x16xf32, #tpu.memory_space<vmem_shared>>) target_semaphore(%run_scoped3A : memref<!tpu.dma_semaphore, #tpu.memory_space<semaphore_mem>>)
      %dma_wait3A_181 = arith.constant 0 : i32
      %dma_wait3A_182 = tpu.memref_slice %arg10[%mul3A_83, %dma_wait3A_181] : memref<10240x16xf32, #tpu.memory_space<vmem_shared>> -> memref<640x16xf32, #tpu.memory_space<vmem_shared>>
      %dma_wait3A_183 = arith.constant 0 : i32
      %dma_wait3A_184 = tpu.memref_slice %arg10[%mul3A_83, %dma_wait3A_183] : memref<10240x16xf32, #tpu.memory_space<vmem_shared>> -> memref<640x16xf32, #tpu.memory_space<vmem_shared>>
      tpu.wait_dma2 semaphore(%run_scoped3A : memref<!tpu.dma_semaphore, #tpu.memory_space<semaphore_mem>>) src(%arg9 : memref<640x16xf32, #tpu.memory_space<vmem>>) dst(%dma_wait3A_184 : memref<640x16xf32, #tpu.memory_space<vmem_shared>>)
      tpu.yield
    }) : () -> ()
    %barrier3A = arith.constant 0 : index
    tpu.barrier barrier_id(%barrier3A)
    %jit3A_84 = arith.constant 4 : i32
    %div3A = arith.divsi %select_n3A, %jit3A_84 : i32
    %sign3A = arith.constant 0 : i32
    %sign3A_85 = arith.cmpi sgt, %select_n3A, %sign3A : i32
    %sign3A_86 = arith.extui %sign3A_85 : i1 to i32
    %sign3A_87 = arith.constant 0 : i32
    %sign3A_88 = arith.cmpi slt, %select_n3A, %sign3A_87 : i32
    %sign3A_89 = arith.extui %sign3A_88 : i1 to i32
    %sign3A_90 = arith.subi %sign3A_86, %sign3A_89 : i32
    %sign3A_91 = arith.constant 0 : i32
    %sign3A_92 = arith.cmpi sgt, %jit3A_84, %sign3A_91 : i32
    %sign3A_93 = arith.extui %sign3A_92 : i1 to i32
    %sign3A_94 = arith.constant 0 : i32
    %sign3A_95 = arith.cmpi slt, %jit3A_84, %sign3A_94 : i32
    %sign3A_96 = arith.extui %sign3A_95 : i1 to i32
    %sign3A_97 = arith.subi %sign3A_93, %sign3A_96 : i32
    %ne3A = arith.cmpi ne, %sign3A_90, %sign3A_97 : i32
    %rem3A = arith.remsi %select_n3A, %jit3A_84 : i32
    %ne3A_98 = arith.constant 0 : i32
    %ne3A_99 = arith.cmpi ne, %rem3A, %ne3A_98 : i32
    %and3A = arith.andi %ne3A, %ne3A_99 : i1
    %sub3A = arith.constant 1 : i32
    %sub3A_100 = arith.subi %div3A, %sub3A : i32
    %select_n3A_101 = arith.select %and3A, %sub3A_100, %div3A : i32
    %while3A = arith.constant 0 : i32
    %while3A_102 = arith.constant 0 : i32
    %while3A_103 = arith.subi %select_n3A_101, %while3A : i32
    %while3A_104 = arith.addi %while3A, %while3A_103 : i32
    %while3A_105 = arith.constant 1 : i32
    %while3A_106 = arith.divsi %while3A_103, %while3A_105 : i32
    %while3A_107 = arith.muli %while3A_106, %while3A_105 : i32
    %while3A_108 = arith.addi %while3A, %while3A_107 : i32
    %while3A_109 = arith.constant 1 : i32
    %while3A_110 = scf.for %while3A_177 = %while3A to %while3A_108 step %while3A_109 iter_args(%while3A_178 = %while3A_102) -> (i32)  : i32 {
      %mul3A_179 = arith.constant 4 : i32
      %mul3A_180 = arith.muli %while3A_177, %mul3A_179 : i32
      %add3A_181 = arith.constant 0 : i32
      %add3A_182 = arith.addi %mul3A_180, %add3A_181 : i32
      %dma_wait3A_183 = arith.constant 0 : i32
      %dma_wait3A_184 = arith.constant 0 : i32
      %dma_wait3A_185 = arith.constant 0 : i32
      %dma_wait3A_186 = arith.constant 0 : i32
      %dma_wait3A_187 = tpu.memref_slice %arg8[%dma_wait3A_183, %dma_wait3A_185, %dma_wait3A_186] : memref<4x128x16xf32, #tpu.memory_space<vmem>> -> memref<1x128x16xf32, #tpu.memory_space<vmem>>
      %dma_wait3A_188 = tpu.memref_squeeze %dma_wait3A_187 : memref<1x128x16xf32, #tpu.memory_space<vmem>> -> memref<128x16xf32, #tpu.memory_space<vmem>>
      %dma_wait3A_189 = arith.constant 0 : i32
      %dma_wait3A_190 = tpu.memref_slice %arg6[%add3A_182, %dma_wait3A_189] : memref<136x128xi32, #tpu.memory_space<vmem>> -> memref<1x128xi32, #tpu.memory_space<vmem>>
      %dma_wait3A_191 = tpu.memref_squeeze %dma_wait3A_190 : memref<1x128xi32, #tpu.memory_space<vmem>> -> memref<128xi32, #tpu.memory_space<vmem>>
      %dma_wait3A_192 = arith.constant 0 : i32
      %dma_wait3A_193 = arith.constant 0 : i32
      %dma_wait3A_194 = tpu.memref_slice %arg2[%dma_wait3A_192, %dma_wait3A_193] : memref<10240x16xf32, #tpu.memory_space<hbm>> -> memref<10240x16xf32, #tpu.memory_space<hbm>>
      %dma_wait3A_195 = tpu.memref_slice %arg11[%dma_wait3A_184] : memref<4x!tpu.dma_semaphore, #tpu.memory_space<semaphore_mem>> -> memref<1x!tpu.dma_semaphore, #tpu.memory_space<semaphore_mem>>
      %dma_wait3A_196 = tpu.memref_squeeze %dma_wait3A_195 : memref<1x!tpu.dma_semaphore, #tpu.memory_space<semaphore_mem>> -> memref<!tpu.dma_semaphore, #tpu.memory_space<semaphore_mem>>
      tpu.wait_indirect_dma semaphore(%dma_wait3A_196 : memref<!tpu.dma_semaphore, #tpu.memory_space<semaphore_mem>>) src(%dma_wait3A_194 : memref<10240x16xf32, #tpu.memory_space<hbm>>) dst(%dma_wait3A_188 : memref<128x16xf32, #tpu.memory_space<vmem>>)
      %dma_start3A_197 = arith.constant 0 : i32
      %dma_start3A_198 = arith.constant 0 : i32
      %dma_start3A_199 = arith.constant 0 : i32
      %dma_start3A_200 = arith.constant 0 : i32
      %dma_start3A_201 = tpu.memref_slice %arg8[%dma_start3A_197, %dma_start3A_199, %dma_start3A_200] : memref<4x128x16xf32, #tpu.memory_space<vmem>> -> memref<1x128x16xf32, #tpu.memory_space<vmem>>
      %dma_start3A_202 = tpu.memref_squeeze %dma_start3A_201 : memref<1x128x16xf32, #tpu.memory_space<vmem>> -> memref<128x16xf32, #tpu.memory_space<vmem>>
      %dma_start3A_203 = arith.constant 0 : i32
      %dma_start3A_204 = tpu.memref_slice %arg7[%add3A_182, %dma_start3A_203] : memref<136x128xi32, #tpu.memory_space<vmem>> -> memref<1x128xi32, #tpu.memory_space<vmem>>
      %dma_start3A_205 = tpu.memref_squeeze %dma_start3A_204 : memref<1x128xi32, #tpu.memory_space<vmem>> -> memref<128xi32, #tpu.memory_space<vmem>>
      %dma_start3A_206 = arith.constant 0 : i32
      %dma_start3A_207 = arith.constant 0 : i32
      %dma_start3A_208 = tpu.memref_slice %arg10[%dma_start3A_206, %dma_start3A_207] : memref<10240x16xf32, #tpu.memory_space<vmem_shared>> -> memref<10240x16xf32, #tpu.memory_space<vmem_shared>>
      %dma_start3A_209 = tpu.memref_slice %arg12[%dma_start3A_198] : memref<4x!tpu.dma_semaphore, #tpu.memory_space<semaphore_mem>> -> memref<1x!tpu.dma_semaphore, #tpu.memory_space<semaphore_mem>>
      %dma_start3A_210 = tpu.memref_squeeze %dma_start3A_209 : memref<1x!tpu.dma_semaphore, #tpu.memory_space<semaphore_mem>> -> memref<!tpu.dma_semaphore, #tpu.memory_space<semaphore_mem>>
      tpu.enqueue_indirect_dma source(%dma_start3A_202 : memref<128x16xf32, #tpu.memory_space<vmem>>) target(%dma_start3A_208 : memref<10240x16xf32, #tpu.memory_space<vmem_shared>>) offsets(%dma_start3A_205 : memref<128xi32, #tpu.memory_space<vmem>>) semaphore(%dma_start3A_210 : memref<!tpu.dma_semaphore, #tpu.memory_space<semaphore_mem>>) {add = true}
      %add3A_211 = arith.constant 1 : i32
      %add3A_212 = arith.addi %mul3A_180, %add3A_211 : i32
      %dma_wait3A_213 = arith.constant 1 : i32
      %dma_wait3A_214 = arith.constant 1 : i32
      %dma_wait3A_215 = arith.constant 0 : i32
      %dma_wait3A_216 = arith.constant 0 : i32
      %dma_wait3A_217 = tpu.memref_slice %arg8[%dma_wait3A_213, %dma_wait3A_215, %dma_wait3A_216] : memref<4x128x16xf32, #tpu.memory_space<vmem>> -> memref<1x128x16xf32, #tpu.memory_space<vmem>>
      %dma_wait3A_218 = tpu.memref_squeeze %dma_wait3A_217 : memref<1x128x16xf32, #tpu.memory_space<vmem>> -> memref<128x16xf32, #tpu.memory_space<vmem>>
      %dma_wait3A_219 = arith.constant 0 : i32
      %dma_wait3A_220 = tpu.memref_slice %arg6[%add3A_212, %dma_wait3A_219] : memref<136x128xi32, #tpu.memory_space<vmem>> -> memref<1x128xi32, #tpu.memory_space<vmem>>
      %dma_wait3A_221 = tpu.memref_squeeze %dma_wait3A_220 : memref<1x128xi32, #tpu.memory_space<vmem>> -> memref<128xi32, #tpu.memory_space<vmem>>
      %dma_wait3A_222 = arith.constant 0 : i32
      %dma_wait3A_223 = arith.constant 0 : i32
      %dma_wait3A_224 = tpu.memref_slice %arg2[%dma_wait3A_222, %dma_wait3A_223] : memref<10240x16xf32, #tpu.memory_space<hbm>> -> memref<10240x16xf32, #tpu.memory_space<hbm>>
      %dma_wait3A_225 = tpu.memref_slice %arg11[%dma_wait3A_214] : memref<4x!tpu.dma_semaphore, #tpu.memory_space<semaphore_mem>> -> memref<1x!tpu.dma_semaphore, #tpu.memory_space<semaphore_mem>>
      %dma_wait3A_226 = tpu.memref_squeeze %dma_wait3A_225 : memref<1x!tpu.dma_semaphore, #tpu.memory_space<semaphore_mem>> -> memref<!tpu.dma_semaphore, #tpu.memory_space<semaphore_mem>>
      tpu.wait_indirect_dma semaphore(%dma_wait3A_226 : memref<!tpu.dma_semaphore, #tpu.memory_space<semaphore_mem>>) src(%dma_wait3A_224 : memref<10240x16xf32, #tpu.memory_space<hbm>>) dst(%dma_wait3A_218 : memref<128x16xf32, #tpu.memory_space<vmem>>)
      %dma_start3A_227 = arith.constant 1 : i32
      %dma_start3A_228 = arith.constant 1 : i32
      %dma_start3A_229 = arith.constant 0 : i32
      %dma_start3A_230 = arith.constant 0 : i32
      %dma_start3A_231 = tpu.memref_slice %arg8[%dma_start3A_227, %dma_start3A_229, %dma_start3A_230] : memref<4x128x16xf32, #tpu.memory_space<vmem>> -> memref<1x128x16xf32, #tpu.memory_space<vmem>>
      %dma_start3A_232 = tpu.memref_squeeze %dma_start3A_231 : memref<1x128x16xf32, #tpu.memory_space<vmem>> -> memref<128x16xf32, #tpu.memory_space<vmem>>
      %dma_start3A_233 = arith.constant 0 : i32
      %dma_start3A_234 = tpu.memref_slice %arg7[%add3A_212, %dma_start3A_233] : memref<136x128xi32, #tpu.memory_space<vmem>> -> memref<1x128xi32, #tpu.memory_space<vmem>>
      %dma_start3A_235 = tpu.memref_squeeze %dma_start3A_234 : memref<1x128xi32, #tpu.memory_space<vmem>> -> memref<128xi32, #tpu.memory_space<vmem>>
      %dma_start3A_236 = arith.constant 0 : i32
      %dma_start3A_237 = arith.constant 0 : i32
      %dma_start3A_238 = tpu.memref_slice %arg10[%dma_start3A_236, %dma_start3A_237] : memref<10240x16xf32, #tpu.memory_space<vmem_shared>> -> memref<10240x16xf32, #tpu.memory_space<vmem_shared>>
      %dma_start3A_239 = tpu.memref_slice %arg12[%dma_start3A_228] : memref<4x!tpu.dma_semaphore, #tpu.memory_space<semaphore_mem>> -> memref<1x!tpu.dma_semaphore, #tpu.memory_space<semaphore_mem>>
      %dma_start3A_240 = tpu.memref_squeeze %dma_start3A_239 : memref<1x!tpu.dma_semaphore, #tpu.memory_space<semaphore_mem>> -> memref<!tpu.dma_semaphore, #tpu.memory_space<semaphore_mem>>
      tpu.enqueue_indirect_dma source(%dma_start3A_232 : memref<128x16xf32, #tpu.memory_space<vmem>>) target(%dma_start3A_238 : memref<10240x16xf32, #tpu.memory_space<vmem_shared>>) offsets(%dma_start3A_235 : memref<128xi32, #tpu.memory_space<vmem>>) semaphore(%dma_start3A_240 : memref<!tpu.dma_semaphore, #tpu.memory_space<semaphore_mem>>) {add = true}
      %add3A_241 = arith.constant 2 : i32
      %add3A_242 = arith.addi %mul3A_180, %add3A_241 : i32
      %dma_wait3A_243 = arith.constant 2 : i32
      %dma_wait3A_244 = arith.constant 2 : i32
      %dma_wait3A_245 = arith.constant 0 : i32
      %dma_wait3A_246 = arith.constant 0 : i32
      %dma_wait3A_247 = tpu.memref_slice %arg8[%dma_wait3A_243, %dma_wait3A_245, %dma_wait3A_246] : memref<4x128x16xf32, #tpu.memory_space<vmem>> -> memref<1x128x16xf32, #tpu.memory_space<vmem>>
      %dma_wait3A_248 = tpu.memref_squeeze %dma_wait3A_247 : memref<1x128x16xf32, #tpu.memory_space<vmem>> -> memref<128x16xf32, #tpu.memory_space<vmem>>
      %dma_wait3A_249 = arith.constant 0 : i32
      %dma_wait3A_250 = tpu.memref_slice %arg6[%add3A_242, %dma_wait3A_249] : memref<136x128xi32, #tpu.memory_space<vmem>> -> memref<1x128xi32, #tpu.memory_space<vmem>>
      %dma_wait3A_251 = tpu.memref_squeeze %dma_wait3A_250 : memref<1x128xi32, #tpu.memory_space<vmem>> -> memref<128xi32, #tpu.memory_space<vmem>>
      %dma_wait3A_252 = arith.constant 0 : i32
      %dma_wait3A_253 = arith.constant 0 : i32
      %dma_wait3A_254 = tpu.memref_slice %arg2[%dma_wait3A_252, %dma_wait3A_253] : memref<10240x16xf32, #tpu.memory_space<hbm>> -> memref<10240x16xf32, #tpu.memory_space<hbm>>
      %dma_wait3A_255 = tpu.memref_slice %arg11[%dma_wait3A_244] : memref<4x!tpu.dma_semaphore, #tpu.memory_space<semaphore_mem>> -> memref<1x!tpu.dma_semaphore, #tpu.memory_space<semaphore_mem>>
      %dma_wait3A_256 = tpu.memref_squeeze %dma_wait3A_255 : memref<1x!tpu.dma_semaphore, #tpu.memory_space<semaphore_mem>> -> memref<!tpu.dma_semaphore, #tpu.memory_space<semaphore_mem>>
      tpu.wait_indirect_dma semaphore(%dma_wait3A_256 : memref<!tpu.dma_semaphore, #tpu.memory_space<semaphore_mem>>) src(%dma_wait3A_254 : memref<10240x16xf32, #tpu.memory_space<hbm>>) dst(%dma_wait3A_248 : memref<128x16xf32, #tpu.memory_space<vmem>>)
      %dma_start3A_257 = arith.constant 2 : i32
      %dma_start3A_258 = arith.constant 2 : i32
      %dma_start3A_259 = arith.constant 0 : i32
      %dma_start3A_260 = arith.constant 0 : i32
      %dma_start3A_261 = tpu.memref_slice %arg8[%dma_start3A_257, %dma_start3A_259, %dma_start3A_260] : memref<4x128x16xf32, #tpu.memory_space<vmem>> -> memref<1x128x16xf32, #tpu.memory_space<vmem>>
      %dma_start3A_262 = tpu.memref_squeeze %dma_start3A_261 : memref<1x128x16xf32, #tpu.memory_space<vmem>> -> memref<128x16xf32, #tpu.memory_space<vmem>>
      %dma_start3A_263 = arith.constant 0 : i32
      %dma_start3A_264 = tpu.memref_slice %arg7[%add3A_242, %dma_start3A_263] : memref<136x128xi32, #tpu.memory_space<vmem>> -> memref<1x128xi32, #tpu.memory_space<vmem>>
      %dma_start3A_265 = tpu.memref_squeeze %dma_start3A_264 : memref<1x128xi32, #tpu.memory_space<vmem>> -> memref<128xi32, #tpu.memory_space<vmem>>
      %dma_start3A_266 = arith.constant 0 : i32
      %dma_start3A_267 = arith.constant 0 : i32
      %dma_start3A_268 = tpu.memref_slice %arg10[%dma_start3A_266, %dma_start3A_267] : memref<10240x16xf32, #tpu.memory_space<vmem_shared>> -> memref<10240x16xf32, #tpu.memory_space<vmem_shared>>
      %dma_start3A_269 = tpu.memref_slice %arg12[%dma_start3A_258] : memref<4x!tpu.dma_semaphore, #tpu.memory_space<semaphore_mem>> -> memref<1x!tpu.dma_semaphore, #tpu.memory_space<semaphore_mem>>
      %dma_start3A_270 = tpu.memref_squeeze %dma_start3A_269 : memref<1x!tpu.dma_semaphore, #tpu.memory_space<semaphore_mem>> -> memref<!tpu.dma_semaphore, #tpu.memory_space<semaphore_mem>>
      tpu.enqueue_indirect_dma source(%dma_start3A_262 : memref<128x16xf32, #tpu.memory_space<vmem>>) target(%dma_start3A_268 : memref<10240x16xf32, #tpu.memory_space<vmem_shared>>) offsets(%dma_start3A_265 : memref<128xi32, #tpu.memory_space<vmem>>) semaphore(%dma_start3A_270 : memref<!tpu.dma_semaphore, #tpu.memory_space<semaphore_mem>>) {add = true}
      %add3A_271 = arith.constant 3 : i32
      %add3A_272 = arith.addi %mul3A_180, %add3A_271 : i32
      %dma_wait3A_273 = arith.constant 3 : i32
      %dma_wait3A_274 = arith.constant 3 : i32
      %dma_wait3A_275 = arith.constant 0 : i32
      %dma_wait3A_276 = arith.constant 0 : i32
      %dma_wait3A_277 = tpu.memref_slice %arg8[%dma_wait3A_273, %dma_wait3A_275, %dma_wait3A_276] : memref<4x128x16xf32, #tpu.memory_space<vmem>> -> memref<1x128x16xf32, #tpu.memory_space<vmem>>
      %dma_wait3A_278 = tpu.memref_squeeze %dma_wait3A_277 : memref<1x128x16xf32, #tpu.memory_space<vmem>> -> memref<128x16xf32, #tpu.memory_space<vmem>>
      %dma_wait3A_279 = arith.constant 0 : i32
      %dma_wait3A_280 = tpu.memref_slice %arg6[%add3A_272, %dma_wait3A_279] : memref<136x128xi32, #tpu.memory_space<vmem>> -> memref<1x128xi32, #tpu.memory_space<vmem>>
      %dma_wait3A_281 = tpu.memref_squeeze %dma_wait3A_280 : memref<1x128xi32, #tpu.memory_space<vmem>> -> memref<128xi32, #tpu.memory_space<vmem>>
      %dma_wait3A_282 = arith.constant 0 : i32
      %dma_wait3A_283 = arith.constant 0 : i32
      %dma_wait3A_284 = tpu.memref_slice %arg2[%dma_wait3A_282, %dma_wait3A_283] : memref<10240x16xf32, #tpu.memory_space<hbm>> -> memref<10240x16xf32, #tpu.memory_space<hbm>>
      %dma_wait3A_285 = tpu.memref_slice %arg11[%dma_wait3A_274] : memref<4x!tpu.dma_semaphore, #tpu.memory_space<semaphore_mem>> -> memref<1x!tpu.dma_semaphore, #tpu.memory_space<semaphore_mem>>
      %dma_wait3A_286 = tpu.memref_squeeze %dma_wait3A_285 : memref<1x!tpu.dma_semaphore, #tpu.memory_space<semaphore_mem>> -> memref<!tpu.dma_semaphore, #tpu.memory_space<semaphore_mem>>
      tpu.wait_indirect_dma semaphore(%dma_wait3A_286 : memref<!tpu.dma_semaphore, #tpu.memory_space<semaphore_mem>>) src(%dma_wait3A_284 : memref<10240x16xf32, #tpu.memory_space<hbm>>) dst(%dma_wait3A_278 : memref<128x16xf32, #tpu.memory_space<vmem>>)
      %dma_start3A_287 = arith.constant 3 : i32
      %dma_start3A_288 = arith.constant 3 : i32
      %dma_start3A_289 = arith.constant 0 : i32
      %dma_start3A_290 = arith.constant 0 : i32
      %dma_start3A_291 = tpu.memref_slice %arg8[%dma_start3A_287, %dma_start3A_289, %dma_start3A_290] : memref<4x128x16xf32, #tpu.memory_space<vmem>> -> memref<1x128x16xf32, #tpu.memory_space<vmem>>
      %dma_start3A_292 = tpu.memref_squeeze %dma_start3A_291 : memref<1x128x16xf32, #tpu.memory_space<vmem>> -> memref<128x16xf32, #tpu.memory_space<vmem>>
      %dma_start3A_293 = arith.constant 0 : i32
      %dma_start3A_294 = tpu.memref_slice %arg7[%add3A_272, %dma_start3A_293] : memref<136x128xi32, #tpu.memory_space<vmem>> -> memref<1x128xi32, #tpu.memory_space<vmem>>
      %dma_start3A_295 = tpu.memref_squeeze %dma_start3A_294 : memref<1x128xi32, #tpu.memory_space<vmem>> -> memref<128xi32, #tpu.memory_space<vmem>>
      %dma_start3A_296 = arith.constant 0 : i32
      %dma_start3A_297 = arith.constant 0 : i32
      %dma_start3A_298 = tpu.memref_slice %arg10[%dma_start3A_296, %dma_start3A_297] : memref<10240x16xf32, #tpu.memory_space<vmem_shared>> -> memref<10240x16xf32, #tpu.memory_space<vmem_shared>>
      %dma_start3A_299 = tpu.memref_slice %arg12[%dma_start3A_288] : memref<4x!tpu.dma_semaphore, #tpu.memory_space<semaphore_mem>> -> memref<1x!tpu.dma_semaphore, #tpu.memory_space<semaphore_mem>>
      %dma_start3A_300 = tpu.memref_squeeze %dma_start3A_299 : memref<1x!tpu.dma_semaphore, #tpu.memory_space<semaphore_mem>> -> memref<!tpu.dma_semaphore, #tpu.memory_space<semaphore_mem>>
      tpu.enqueue_indirect_dma source(%dma_start3A_292 : memref<128x16xf32, #tpu.memory_space<vmem>>) target(%dma_start3A_298 : memref<10240x16xf32, #tpu.memory_space<vmem_shared>>) offsets(%dma_start3A_295 : memref<128xi32, #tpu.memory_space<vmem>>) semaphore(%dma_start3A_300 : memref<!tpu.dma_semaphore, #tpu.memory_space<semaphore_mem>>) {add = true}
      %add3A_301 = arith.constant 4 : i32
      %add3A_302 = arith.addi %mul3A_180, %add3A_301 : i32
      %add3A_303 = arith.constant 0 : i32
      %add3A_304 = arith.addi %add3A_302, %add3A_303 : i32
      %lt3A = arith.cmpi slt, %add3A_304, %select_n3A : i32
      %convert_element_type3A_305 = arith.extui %lt3A : i1 to i32
      %cond3A_306 = arith.constant 0 : i32
      %cond3A_307 = arith.cmpi ne, %convert_element_type3A_305, %cond3A_306 : i32
      scf.if %cond3A_307 {
        %dma_wait3A_333 = arith.constant 0 : i32
        %dma_wait3A_334 = arith.constant 0 : i32
        %dma_wait3A_335 = arith.constant 0 : i32
        %dma_wait3A_336 = arith.constant 0 : i32
        %dma_wait3A_337 = arith.constant 0 : i32
        %dma_wait3A_338 = tpu.memref_slice %arg8[%dma_wait3A_333, %dma_wait3A_336, %dma_wait3A_337] : memref<4x128x16xf32, #tpu.memory_space<vmem>> -> memref<1x128x16xf32, #tpu.memory_space<vmem>>
        %dma_wait3A_339 = tpu.memref_squeeze %dma_wait3A_338 : memref<1x128x16xf32, #tpu.memory_space<vmem>> -> memref<128x16xf32, #tpu.memory_space<vmem>>
        %dma_wait3A_340 = arith.constant 0 : i32
        %dma_wait3A_341 = tpu.memref_slice %arg7[%dma_wait3A_334, %dma_wait3A_340] : memref<136x128xi32, #tpu.memory_space<vmem>> -> memref<1x128xi32, #tpu.memory_space<vmem>>
        %dma_wait3A_342 = tpu.memref_squeeze %dma_wait3A_341 : memref<1x128xi32, #tpu.memory_space<vmem>> -> memref<128xi32, #tpu.memory_space<vmem>>
        %dma_wait3A_343 = arith.constant 0 : i32
        %dma_wait3A_344 = arith.constant 0 : i32
        %dma_wait3A_345 = tpu.memref_slice %arg10[%dma_wait3A_343, %dma_wait3A_344] : memref<10240x16xf32, #tpu.memory_space<vmem_shared>> -> memref<10240x16xf32, #tpu.memory_space<vmem_shared>>
        %dma_wait3A_346 = tpu.memref_slice %arg12[%dma_wait3A_335] : memref<4x!tpu.dma_semaphore, #tpu.memory_space<semaphore_mem>> -> memref<1x!tpu.dma_semaphore, #tpu.memory_space<semaphore_mem>>
        %dma_wait3A_347 = tpu.memref_squeeze %dma_wait3A_346 : memref<1x!tpu.dma_semaphore, #tpu.memory_space<semaphore_mem>> -> memref<!tpu.dma_semaphore, #tpu.memory_space<semaphore_mem>>
        tpu.wait_indirect_dma semaphore(%dma_wait3A_347 : memref<!tpu.dma_semaphore, #tpu.memory_space<semaphore_mem>>) src(%dma_wait3A_339 : memref<128x16xf32, #tpu.memory_space<vmem>>) dst(%dma_wait3A_345 : memref<10240x16xf32, #tpu.memory_space<vmem_shared>>)
        %dma_start3A_348 = arith.constant 0 : i32
        %dma_start3A_349 = arith.constant 0 : i32
        %dma_start3A_350 = arith.constant 0 : i32
        %dma_start3A_351 = arith.constant 0 : i32
        %dma_start3A_352 = tpu.memref_slice %arg8[%dma_start3A_348, %dma_start3A_350, %dma_start3A_351] : memref<4x128x16xf32, #tpu.memory_space<vmem>> -> memref<1x128x16xf32, #tpu.memory_space<vmem>>
        %dma_start3A_353 = tpu.memref_squeeze %dma_start3A_352 : memref<1x128x16xf32, #tpu.memory_space<vmem>> -> memref<128x16xf32, #tpu.memory_space<vmem>>
        %dma_start3A_354 = arith.constant 0 : i32
        %dma_start3A_355 = tpu.memref_slice %arg6[%add3A_304, %dma_start3A_354] : memref<136x128xi32, #tpu.memory_space<vmem>> -> memref<1x128xi32, #tpu.memory_space<vmem>>
        %dma_start3A_356 = tpu.memref_squeeze %dma_start3A_355 : memref<1x128xi32, #tpu.memory_space<vmem>> -> memref<128xi32, #tpu.memory_space<vmem>>
        %dma_start3A_357 = arith.constant 0 : i32
        %dma_start3A_358 = arith.constant 0 : i32
        %dma_start3A_359 = tpu.memref_slice %arg2[%dma_start3A_357, %dma_start3A_358] : memref<10240x16xf32, #tpu.memory_space<hbm>> -> memref<10240x16xf32, #tpu.memory_space<hbm>>
        %dma_start3A_360 = tpu.memref_slice %arg11[%dma_start3A_349] : memref<4x!tpu.dma_semaphore, #tpu.memory_space<semaphore_mem>> -> memref<1x!tpu.dma_semaphore, #tpu.memory_space<semaphore_mem>>
        %dma_start3A_361 = tpu.memref_squeeze %dma_start3A_360 : memref<1x!tpu.dma_semaphore, #tpu.memory_space<semaphore_mem>> -> memref<!tpu.dma_semaphore, #tpu.memory_space<semaphore_mem>>
        tpu.enqueue_indirect_dma source(%dma_start3A_359 : memref<10240x16xf32, #tpu.memory_space<hbm>>) target(%dma_start3A_353 : memref<128x16xf32, #tpu.memory_space<vmem>>) offsets(%dma_start3A_356 : memref<128xi32, #tpu.memory_space<vmem>>) semaphore(%dma_start3A_361 : memref<!tpu.dma_semaphore, #tpu.memory_space<semaphore_mem>>)
      } else {
      }
      %add3A_308 = arith.constant 4 : i32
      %add3A_309 = arith.addi %mul3A_180, %add3A_308 : i32
      %add3A_310 = arith.constant 1 : i32
      %add3A_311 = arith.addi %add3A_309, %add3A_310 : i32
      %lt3A_312 = arith.cmpi slt, %add3A_311, %select_n3A : i32
      %convert_element_type3A_313 = arith.extui %lt3A_312 : i1 to i32
      %cond3A_314 = arith.constant 0 : i32
      %cond3A_315 = arith.cmpi ne, %convert_element_type3A_313, %cond3A_314 : i32
      scf.if %cond3A_315 {
        %dma_wait3A_333 = arith.constant 1 : i32
        %dma_wait3A_334 = arith.constant 1 : i32
        %dma_wait3A_335 = arith.constant 1 : i32
        %dma_wait3A_336 = arith.constant 0 : i32
        %dma_wait3A_337 = arith.constant 0 : i32
        %dma_wait3A_338 = tpu.memref_slice %arg8[%dma_wait3A_333, %dma_wait3A_336, %dma_wait3A_337] : memref<4x128x16xf32, #tpu.memory_space<vmem>> -> memref<1x128x16xf32, #tpu.memory_space<vmem>>
        %dma_wait3A_339 = tpu.memref_squeeze %dma_wait3A_338 : memref<1x128x16xf32, #tpu.memory_space<vmem>> -> memref<128x16xf32, #tpu.memory_space<vmem>>
        %dma_wait3A_340 = arith.constant 0 : i32
        %dma_wait3A_341 = tpu.memref_slice %arg7[%dma_wait3A_334, %dma_wait3A_340] : memref<136x128xi32, #tpu.memory_space<vmem>> -> memref<1x128xi32, #tpu.memory_space<vmem>>
        %dma_wait3A_342 = tpu.memref_squeeze %dma_wait3A_341 : memref<1x128xi32, #tpu.memory_space<vmem>> -> memref<128xi32, #tpu.memory_space<vmem>>
        %dma_wait3A_343 = arith.constant 0 : i32
        %dma_wait3A_344 = arith.constant 0 : i32
        %dma_wait3A_345 = tpu.memref_slice %arg10[%dma_wait3A_343, %dma_wait3A_344] : memref<10240x16xf32, #tpu.memory_space<vmem_shared>> -> memref<10240x16xf32, #tpu.memory_space<vmem_shared>>
        %dma_wait3A_346 = tpu.memref_slice %arg12[%dma_wait3A_335] : memref<4x!tpu.dma_semaphore, #tpu.memory_space<semaphore_mem>> -> memref<1x!tpu.dma_semaphore, #tpu.memory_space<semaphore_mem>>
        %dma_wait3A_347 = tpu.memref_squeeze %dma_wait3A_346 : memref<1x!tpu.dma_semaphore, #tpu.memory_space<semaphore_mem>> -> memref<!tpu.dma_semaphore, #tpu.memory_space<semaphore_mem>>
        tpu.wait_indirect_dma semaphore(%dma_wait3A_347 : memref<!tpu.dma_semaphore, #tpu.memory_space<semaphore_mem>>) src(%dma_wait3A_339 : memref<128x16xf32, #tpu.memory_space<vmem>>) dst(%dma_wait3A_345 : memref<10240x16xf32, #tpu.memory_space<vmem_shared>>)
        %dma_start3A_348 = arith.constant 1 : i32
        %dma_start3A_349 = arith.constant 1 : i32
        %dma_start3A_350 = arith.constant 0 : i32
        %dma_start3A_351 = arith.constant 0 : i32
        %dma_start3A_352 = tpu.memref_slice %arg8[%dma_start3A_348, %dma_start3A_350, %dma_start3A_351] : memref<4x128x16xf32, #tpu.memory_space<vmem>> -> memref<1x128x16xf32, #tpu.memory_space<vmem>>
        %dma_start3A_353 = tpu.memref_squeeze %dma_start3A_352 : memref<1x128x16xf32, #tpu.memory_space<vmem>> -> memref<128x16xf32, #tpu.memory_space<vmem>>
        %dma_start3A_354 = arith.constant 0 : i32
        %dma_start3A_355 = tpu.memref_slice %arg6[%add3A_311, %dma_start3A_354] : memref<136x128xi32, #tpu.memory_space<vmem>> -> memref<1x128xi32, #tpu.memory_space<vmem>>
        %dma_start3A_356 = tpu.memref_squeeze %dma_start3A_355 : memref<1x128xi32, #tpu.memory_space<vmem>> -> memref<128xi32, #tpu.memory_space<vmem>>
        %dma_start3A_357 = arith.constant 0 : i32
        %dma_start3A_358 = arith.constant 0 : i32
        %dma_start3A_359 = tpu.memref_slice %arg2[%dma_start3A_357, %dma_start3A_358] : memref<10240x16xf32, #tpu.memory_space<hbm>> -> memref<10240x16xf32, #tpu.memory_space<hbm>>
        %dma_start3A_360 = tpu.memref_slice %arg11[%dma_start3A_349] : memref<4x!tpu.dma_semaphore, #tpu.memory_space<semaphore_mem>> -> memref<1x!tpu.dma_semaphore, #tpu.memory_space<semaphore_mem>>
        %dma_start3A_361 = tpu.memref_squeeze %dma_start3A_360 : memref<1x!tpu.dma_semaphore, #tpu.memory_space<semaphore_mem>> -> memref<!tpu.dma_semaphore, #tpu.memory_space<semaphore_mem>>
        tpu.enqueue_indirect_dma source(%dma_start3A_359 : memref<10240x16xf32, #tpu.memory_space<hbm>>) target(%dma_start3A_353 : memref<128x16xf32, #tpu.memory_space<vmem>>) offsets(%dma_start3A_356 : memref<128xi32, #tpu.memory_space<vmem>>) semaphore(%dma_start3A_361 : memref<!tpu.dma_semaphore, #tpu.memory_space<semaphore_mem>>)
      } else {
      }
      %add3A_316 = arith.constant 4 : i32
      %add3A_317 = arith.addi %mul3A_180, %add3A_316 : i32
      %add3A_318 = arith.constant 2 : i32
      %add3A_319 = arith.addi %add3A_317, %add3A_318 : i32
      %lt3A_320 = arith.cmpi slt, %add3A_319, %select_n3A : i32
      %convert_element_type3A_321 = arith.extui %lt3A_320 : i1 to i32
      %cond3A_322 = arith.constant 0 : i32
      %cond3A_323 = arith.cmpi ne, %convert_element_type3A_321, %cond3A_322 : i32
      scf.if %cond3A_323 {
        %dma_wait3A_333 = arith.constant 2 : i32
        %dma_wait3A_334 = arith.constant 2 : i32
        %dma_wait3A_335 = arith.constant 2 : i32
        %dma_wait3A_336 = arith.constant 0 : i32
        %dma_wait3A_337 = arith.constant 0 : i32
        %dma_wait3A_338 = tpu.memref_slice %arg8[%dma_wait3A_333, %dma_wait3A_336, %dma_wait3A_337] : memref<4x128x16xf32, #tpu.memory_space<vmem>> -> memref<1x128x16xf32, #tpu.memory_space<vmem>>
        %dma_wait3A_339 = tpu.memref_squeeze %dma_wait3A_338 : memref<1x128x16xf32, #tpu.memory_space<vmem>> -> memref<128x16xf32, #tpu.memory_space<vmem>>
        %dma_wait3A_340 = arith.constant 0 : i32
        %dma_wait3A_341 = tpu.memref_slice %arg7[%dma_wait3A_334, %dma_wait3A_340] : memref<136x128xi32, #tpu.memory_space<vmem>> -> memref<1x128xi32, #tpu.memory_space<vmem>>
        %dma_wait3A_342 = tpu.memref_squeeze %dma_wait3A_341 : memref<1x128xi32, #tpu.memory_space<vmem>> -> memref<128xi32, #tpu.memory_space<vmem>>
        %dma_wait3A_343 = arith.constant 0 : i32
        %dma_wait3A_344 = arith.constant 0 : i32
        %dma_wait3A_345 = tpu.memref_slice %arg10[%dma_wait3A_343, %dma_wait3A_344] : memref<10240x16xf32, #tpu.memory_space<vmem_shared>> -> memref<10240x16xf32, #tpu.memory_space<vmem_shared>>
        %dma_wait3A_346 = tpu.memref_slice %arg12[%dma_wait3A_335] : memref<4x!tpu.dma_semaphore, #tpu.memory_space<semaphore_mem>> -> memref<1x!tpu.dma_semaphore, #tpu.memory_space<semaphore_mem>>
        %dma_wait3A_347 = tpu.memref_squeeze %dma_wait3A_346 : memref<1x!tpu.dma_semaphore, #tpu.memory_space<semaphore_mem>> -> memref<!tpu.dma_semaphore, #tpu.memory_space<semaphore_mem>>
        tpu.wait_indirect_dma semaphore(%dma_wait3A_347 : memref<!tpu.dma_semaphore, #tpu.memory_space<semaphore_mem>>) src(%dma_wait3A_339 : memref<128x16xf32, #tpu.memory_space<vmem>>) dst(%dma_wait3A_345 : memref<10240x16xf32, #tpu.memory_space<vmem_shared>>)
        %dma_start3A_348 = arith.constant 2 : i32
        %dma_start3A_349 = arith.constant 2 : i32
        %dma_start3A_350 = arith.constant 0 : i32
        %dma_start3A_351 = arith.constant 0 : i32
        %dma_start3A_352 = tpu.memref_slice %arg8[%dma_start3A_348, %dma_start3A_350, %dma_start3A_351] : memref<4x128x16xf32, #tpu.memory_space<vmem>> -> memref<1x128x16xf32, #tpu.memory_space<vmem>>
        %dma_start3A_353 = tpu.memref_squeeze %dma_start3A_352 : memref<1x128x16xf32, #tpu.memory_space<vmem>> -> memref<128x16xf32, #tpu.memory_space<vmem>>
        %dma_start3A_354 = arith.constant 0 : i32
        %dma_start3A_355 = tpu.memref_slice %arg6[%add3A_319, %dma_start3A_354] : memref<136x128xi32, #tpu.memory_space<vmem>> -> memref<1x128xi32, #tpu.memory_space<vmem>>
        %dma_start3A_356 = tpu.memref_squeeze %dma_start3A_355 : memref<1x128xi32, #tpu.memory_space<vmem>> -> memref<128xi32, #tpu.memory_space<vmem>>
        %dma_start3A_357 = arith.constant 0 : i32
        %dma_start3A_358 = arith.constant 0 : i32
        %dma_start3A_359 = tpu.memref_slice %arg2[%dma_start3A_357, %dma_start3A_358] : memref<10240x16xf32, #tpu.memory_space<hbm>> -> memref<10240x16xf32, #tpu.memory_space<hbm>>
        %dma_start3A_360 = tpu.memref_slice %arg11[%dma_start3A_349] : memref<4x!tpu.dma_semaphore, #tpu.memory_space<semaphore_mem>> -> memref<1x!tpu.dma_semaphore, #tpu.memory_space<semaphore_mem>>
        %dma_start3A_361 = tpu.memref_squeeze %dma_start3A_360 : memref<1x!tpu.dma_semaphore, #tpu.memory_space<semaphore_mem>> -> memref<!tpu.dma_semaphore, #tpu.memory_space<semaphore_mem>>
        tpu.enqueue_indirect_dma source(%dma_start3A_359 : memref<10240x16xf32, #tpu.memory_space<hbm>>) target(%dma_start3A_353 : memref<128x16xf32, #tpu.memory_space<vmem>>) offsets(%dma_start3A_356 : memref<128xi32, #tpu.memory_space<vmem>>) semaphore(%dma_start3A_361 : memref<!tpu.dma_semaphore, #tpu.memory_space<semaphore_mem>>)
      } else {
      }
      %add3A_324 = arith.constant 4 : i32
      %add3A_325 = arith.addi %mul3A_180, %add3A_324 : i32
      %add3A_326 = arith.constant 3 : i32
      %add3A_327 = arith.addi %add3A_325, %add3A_326 : i32
      %lt3A_328 = arith.cmpi slt, %add3A_327, %select_n3A : i32
      %convert_element_type3A_329 = arith.extui %lt3A_328 : i1 to i32
      %cond3A_330 = arith.constant 0 : i32
      %cond3A_331 = arith.cmpi ne, %convert_element_type3A_329, %cond3A_330 : i32
      scf.if %cond3A_331 {
        %dma_wait3A_333 = arith.constant 3 : i32
        %dma_wait3A_334 = arith.constant 3 : i32
        %dma_wait3A_335 = arith.constant 3 : i32
        %dma_wait3A_336 = arith.constant 0 : i32
        %dma_wait3A_337 = arith.constant 0 : i32
        %dma_wait3A_338 = tpu.memref_slice %arg8[%dma_wait3A_333, %dma_wait3A_336, %dma_wait3A_337] : memref<4x128x16xf32, #tpu.memory_space<vmem>> -> memref<1x128x16xf32, #tpu.memory_space<vmem>>
        %dma_wait3A_339 = tpu.memref_squeeze %dma_wait3A_338 : memref<1x128x16xf32, #tpu.memory_space<vmem>> -> memref<128x16xf32, #tpu.memory_space<vmem>>
        %dma_wait3A_340 = arith.constant 0 : i32
        %dma_wait3A_341 = tpu.memref_slice %arg7[%dma_wait3A_334, %dma_wait3A_340] : memref<136x128xi32, #tpu.memory_space<vmem>> -> memref<1x128xi32, #tpu.memory_space<vmem>>
        %dma_wait3A_342 = tpu.memref_squeeze %dma_wait3A_341 : memref<1x128xi32, #tpu.memory_space<vmem>> -> memref<128xi32, #tpu.memory_space<vmem>>
        %dma_wait3A_343 = arith.constant 0 : i32
        %dma_wait3A_344 = arith.constant 0 : i32
        %dma_wait3A_345 = tpu.memref_slice %arg10[%dma_wait3A_343, %dma_wait3A_344] : memref<10240x16xf32, #tpu.memory_space<vmem_shared>> -> memref<10240x16xf32, #tpu.memory_space<vmem_shared>>
        %dma_wait3A_346 = tpu.memref_slice %arg12[%dma_wait3A_335] : memref<4x!tpu.dma_semaphore, #tpu.memory_space<semaphore_mem>> -> memref<1x!tpu.dma_semaphore, #tpu.memory_space<semaphore_mem>>
        %dma_wait3A_347 = tpu.memref_squeeze %dma_wait3A_346 : memref<1x!tpu.dma_semaphore, #tpu.memory_space<semaphore_mem>> -> memref<!tpu.dma_semaphore, #tpu.memory_space<semaphore_mem>>
        tpu.wait_indirect_dma semaphore(%dma_wait3A_347 : memref<!tpu.dma_semaphore, #tpu.memory_space<semaphore_mem>>) src(%dma_wait3A_339 : memref<128x16xf32, #tpu.memory_space<vmem>>) dst(%dma_wait3A_345 : memref<10240x16xf32, #tpu.memory_space<vmem_shared>>)
        %dma_start3A_348 = arith.constant 3 : i32
        %dma_start3A_349 = arith.constant 3 : i32
        %dma_start3A_350 = arith.constant 0 : i32
        %dma_start3A_351 = arith.constant 0 : i32
        %dma_start3A_352 = tpu.memref_slice %arg8[%dma_start3A_348, %dma_start3A_350, %dma_start3A_351] : memref<4x128x16xf32, #tpu.memory_space<vmem>> -> memref<1x128x16xf32, #tpu.memory_space<vmem>>
        %dma_start3A_353 = tpu.memref_squeeze %dma_start3A_352 : memref<1x128x16xf32, #tpu.memory_space<vmem>> -> memref<128x16xf32, #tpu.memory_space<vmem>>
        %dma_start3A_354 = arith.constant 0 : i32
        %dma_start3A_355 = tpu.memref_slice %arg6[%add3A_327, %dma_start3A_354] : memref<136x128xi32, #tpu.memory_space<vmem>> -> memref<1x128xi32, #tpu.memory_space<vmem>>
        %dma_start3A_356 = tpu.memref_squeeze %dma_start3A_355 : memref<1x128xi32, #tpu.memory_space<vmem>> -> memref<128xi32, #tpu.memory_space<vmem>>
        %dma_start3A_357 = arith.constant 0 : i32
        %dma_start3A_358 = arith.constant 0 : i32
        %dma_start3A_359 = tpu.memref_slice %arg2[%dma_start3A_357, %dma_start3A_358] : memref<10240x16xf32, #tpu.memory_space<hbm>> -> memref<10240x16xf32, #tpu.memory_space<hbm>>
        %dma_start3A_360 = tpu.memref_slice %arg11[%dma_start3A_349] : memref<4x!tpu.dma_semaphore, #tpu.memory_space<semaphore_mem>> -> memref<1x!tpu.dma_semaphore, #tpu.memory_space<semaphore_mem>>
        %dma_start3A_361 = tpu.memref_squeeze %dma_start3A_360 : memref<1x!tpu.dma_semaphore, #tpu.memory_space<semaphore_mem>> -> memref<!tpu.dma_semaphore, #tpu.memory_space<semaphore_mem>>
        tpu.enqueue_indirect_dma source(%dma_start3A_359 : memref<10240x16xf32, #tpu.memory_space<hbm>>) target(%dma_start3A_353 : memref<128x16xf32, #tpu.memory_space<vmem>>) offsets(%dma_start3A_356 : memref<128xi32, #tpu.memory_space<vmem>>) semaphore(%dma_start3A_361 : memref<!tpu.dma_semaphore, #tpu.memory_space<semaphore_mem>>)
      } else {
      }
      %while3A_332 = arith.constant 0 : i32
      scf.yield %while3A_332 : i32
    }
    %while3A_111 = arith.constant 1 : i32
    %while3A_112 = scf.for %while3A_177 = %while3A_108 to %while3A_104 step %while3A_111 iter_args(%while3A_178 = %while3A_110) -> (i32)  : i32 {
      %mul3A_179 = arith.constant 4 : i32
      %mul3A_180 = arith.muli %while3A_177, %mul3A_179 : i32
      %add3A_181 = arith.constant 0 : i32
      %add3A_182 = arith.addi %mul3A_180, %add3A_181 : i32
      %dma_wait3A_183 = arith.constant 0 : i32
      %dma_wait3A_184 = arith.constant 0 : i32
      %dma_wait3A_185 = arith.constant 0 : i32
      %dma_wait3A_186 = arith.constant 0 : i32
      %dma_wait3A_187 = tpu.memref_slice %arg8[%dma_wait3A_183, %dma_wait3A_185, %dma_wait3A_186] : memref<4x128x16xf32, #tpu.memory_space<vmem>> -> memref<1x128x16xf32, #tpu.memory_space<vmem>>
      %dma_wait3A_188 = tpu.memref_squeeze %dma_wait3A_187 : memref<1x128x16xf32, #tpu.memory_space<vmem>> -> memref<128x16xf32, #tpu.memory_space<vmem>>
      %dma_wait3A_189 = arith.constant 0 : i32
      %dma_wait3A_190 = tpu.memref_slice %arg6[%add3A_182, %dma_wait3A_189] : memref<136x128xi32, #tpu.memory_space<vmem>> -> memref<1x128xi32, #tpu.memory_space<vmem>>
      %dma_wait3A_191 = tpu.memref_squeeze %dma_wait3A_190 : memref<1x128xi32, #tpu.memory_space<vmem>> -> memref<128xi32, #tpu.memory_space<vmem>>
      %dma_wait3A_192 = arith.constant 0 : i32
      %dma_wait3A_193 = arith.constant 0 : i32
      %dma_wait3A_194 = tpu.memref_slice %arg2[%dma_wait3A_192, %dma_wait3A_193] : memref<10240x16xf32, #tpu.memory_space<hbm>> -> memref<10240x16xf32, #tpu.memory_space<hbm>>
      %dma_wait3A_195 = tpu.memref_slice %arg11[%dma_wait3A_184] : memref<4x!tpu.dma_semaphore, #tpu.memory_space<semaphore_mem>> -> memref<1x!tpu.dma_semaphore, #tpu.memory_space<semaphore_mem>>
      %dma_wait3A_196 = tpu.memref_squeeze %dma_wait3A_195 : memref<1x!tpu.dma_semaphore, #tpu.memory_space<semaphore_mem>> -> memref<!tpu.dma_semaphore, #tpu.memory_space<semaphore_mem>>
      tpu.wait_indirect_dma semaphore(%dma_wait3A_196 : memref<!tpu.dma_semaphore, #tpu.memory_space<semaphore_mem>>) src(%dma_wait3A_194 : memref<10240x16xf32, #tpu.memory_space<hbm>>) dst(%dma_wait3A_188 : memref<128x16xf32, #tpu.memory_space<vmem>>)
      %dma_start3A_197 = arith.constant 0 : i32
      %dma_start3A_198 = arith.constant 0 : i32
      %dma_start3A_199 = arith.constant 0 : i32
      %dma_start3A_200 = arith.constant 0 : i32
      %dma_start3A_201 = tpu.memref_slice %arg8[%dma_start3A_197, %dma_start3A_199, %dma_start3A_200] : memref<4x128x16xf32, #tpu.memory_space<vmem>> -> memref<1x128x16xf32, #tpu.memory_space<vmem>>
      %dma_start3A_202 = tpu.memref_squeeze %dma_start3A_201 : memref<1x128x16xf32, #tpu.memory_space<vmem>> -> memref<128x16xf32, #tpu.memory_space<vmem>>
      %dma_start3A_203 = arith.constant 0 : i32
      %dma_start3A_204 = tpu.memref_slice %arg7[%add3A_182, %dma_start3A_203] : memref<136x128xi32, #tpu.memory_space<vmem>> -> memref<1x128xi32, #tpu.memory_space<vmem>>
      %dma_start3A_205 = tpu.memref_squeeze %dma_start3A_204 : memref<1x128xi32, #tpu.memory_space<vmem>> -> memref<128xi32, #tpu.memory_space<vmem>>
      %dma_start3A_206 = arith.constant 0 : i32
      %dma_start3A_207 = arith.constant 0 : i32
      %dma_start3A_208 = tpu.memref_slice %arg10[%dma_start3A_206, %dma_start3A_207] : memref<10240x16xf32, #tpu.memory_space<vmem_shared>> -> memref<10240x16xf32, #tpu.memory_space<vmem_shared>>
      %dma_start3A_209 = tpu.memref_slice %arg12[%dma_start3A_198] : memref<4x!tpu.dma_semaphore, #tpu.memory_space<semaphore_mem>> -> memref<1x!tpu.dma_semaphore, #tpu.memory_space<semaphore_mem>>
      %dma_start3A_210 = tpu.memref_squeeze %dma_start3A_209 : memref<1x!tpu.dma_semaphore, #tpu.memory_space<semaphore_mem>> -> memref<!tpu.dma_semaphore, #tpu.memory_space<semaphore_mem>>
      tpu.enqueue_indirect_dma source(%dma_start3A_202 : memref<128x16xf32, #tpu.memory_space<vmem>>) target(%dma_start3A_208 : memref<10240x16xf32, #tpu.memory_space<vmem_shared>>) offsets(%dma_start3A_205 : memref<128xi32, #tpu.memory_space<vmem>>) semaphore(%dma_start3A_210 : memref<!tpu.dma_semaphore, #tpu.memory_space<semaphore_mem>>) {add = true}
      %add3A_211 = arith.constant 1 : i32
      %add3A_212 = arith.addi %mul3A_180, %add3A_211 : i32
      %dma_wait3A_213 = arith.constant 1 : i32
      %dma_wait3A_214 = arith.constant 1 : i32
      %dma_wait3A_215 = arith.constant 0 : i32
      %dma_wait3A_216 = arith.constant 0 : i32
      %dma_wait3A_217 = tpu.memref_slice %arg8[%dma_wait3A_213, %dma_wait3A_215, %dma_wait3A_216] : memref<4x128x16xf32, #tpu.memory_space<vmem>> -> memref<1x128x16xf32, #tpu.memory_space<vmem>>
      %dma_wait3A_218 = tpu.memref_squeeze %dma_wait3A_217 : memref<1x128x16xf32, #tpu.memory_space<vmem>> -> memref<128x16xf32, #tpu.memory_space<vmem>>
      %dma_wait3A_219 = arith.constant 0 : i32
      %dma_wait3A_220 = tpu.memref_slice %arg6[%add3A_212, %dma_wait3A_219] : memref<136x128xi32, #tpu.memory_space<vmem>> -> memref<1x128xi32, #tpu.memory_space<vmem>>
      %dma_wait3A_221 = tpu.memref_squeeze %dma_wait3A_220 : memref<1x128xi32, #tpu.memory_space<vmem>> -> memref<128xi32, #tpu.memory_space<vmem>>
      %dma_wait3A_222 = arith.constant 0 : i32
      %dma_wait3A_223 = arith.constant 0 : i32
      %dma_wait3A_224 = tpu.memref_slice %arg2[%dma_wait3A_222, %dma_wait3A_223] : memref<10240x16xf32, #tpu.memory_space<hbm>> -> memref<10240x16xf32, #tpu.memory_space<hbm>>
      %dma_wait3A_225 = tpu.memref_slice %arg11[%dma_wait3A_214] : memref<4x!tpu.dma_semaphore, #tpu.memory_space<semaphore_mem>> -> memref<1x!tpu.dma_semaphore, #tpu.memory_space<semaphore_mem>>
      %dma_wait3A_226 = tpu.memref_squeeze %dma_wait3A_225 : memref<1x!tpu.dma_semaphore, #tpu.memory_space<semaphore_mem>> -> memref<!tpu.dma_semaphore, #tpu.memory_space<semaphore_mem>>
      tpu.wait_indirect_dma semaphore(%dma_wait3A_226 : memref<!tpu.dma_semaphore, #tpu.memory_space<semaphore_mem>>) src(%dma_wait3A_224 : memref<10240x16xf32, #tpu.memory_space<hbm>>) dst(%dma_wait3A_218 : memref<128x16xf32, #tpu.memory_space<vmem>>)
      %dma_start3A_227 = arith.constant 1 : i32
      %dma_start3A_228 = arith.constant 1 : i32
      %dma_start3A_229 = arith.constant 0 : i32
      %dma_start3A_230 = arith.constant 0 : i32
      %dma_start3A_231 = tpu.memref_slice %arg8[%dma_start3A_227, %dma_start3A_229, %dma_start3A_230] : memref<4x128x16xf32, #tpu.memory_space<vmem>> -> memref<1x128x16xf32, #tpu.memory_space<vmem>>
      %dma_start3A_232 = tpu.memref_squeeze %dma_start3A_231 : memref<1x128x16xf32, #tpu.memory_space<vmem>> -> memref<128x16xf32, #tpu.memory_space<vmem>>
      %dma_start3A_233 = arith.constant 0 : i32
      %dma_start3A_234 = tpu.memref_slice %arg7[%add3A_212, %dma_start3A_233] : memref<136x128xi32, #tpu.memory_space<vmem>> -> memref<1x128xi32, #tpu.memory_space<vmem>>
      %dma_start3A_235 = tpu.memref_squeeze %dma_start3A_234 : memref<1x128xi32, #tpu.memory_space<vmem>> -> memref<128xi32, #tpu.memory_space<vmem>>
      %dma_start3A_236 = arith.constant 0 : i32
      %dma_start3A_237 = arith.constant 0 : i32
      %dma_start3A_238 = tpu.memref_slice %arg10[%dma_start3A_236, %dma_start3A_237] : memref<10240x16xf32, #tpu.memory_space<vmem_shared>> -> memref<10240x16xf32, #tpu.memory_space<vmem_shared>>
      %dma_start3A_239 = tpu.memref_slice %arg12[%dma_start3A_228] : memref<4x!tpu.dma_semaphore, #tpu.memory_space<semaphore_mem>> -> memref<1x!tpu.dma_semaphore, #tpu.memory_space<semaphore_mem>>
      %dma_start3A_240 = tpu.memref_squeeze %dma_start3A_239 : memref<1x!tpu.dma_semaphore, #tpu.memory_space<semaphore_mem>> -> memref<!tpu.dma_semaphore, #tpu.memory_space<semaphore_mem>>
      tpu.enqueue_indirect_dma source(%dma_start3A_232 : memref<128x16xf32, #tpu.memory_space<vmem>>) target(%dma_start3A_238 : memref<10240x16xf32, #tpu.memory_space<vmem_shared>>) offsets(%dma_start3A_235 : memref<128xi32, #tpu.memory_space<vmem>>) semaphore(%dma_start3A_240 : memref<!tpu.dma_semaphore, #tpu.memory_space<semaphore_mem>>) {add = true}
      %add3A_241 = arith.constant 2 : i32
      %add3A_242 = arith.addi %mul3A_180, %add3A_241 : i32
      %dma_wait3A_243 = arith.constant 2 : i32
      %dma_wait3A_244 = arith.constant 2 : i32
      %dma_wait3A_245 = arith.constant 0 : i32
      %dma_wait3A_246 = arith.constant 0 : i32
      %dma_wait3A_247 = tpu.memref_slice %arg8[%dma_wait3A_243, %dma_wait3A_245, %dma_wait3A_246] : memref<4x128x16xf32, #tpu.memory_space<vmem>> -> memref<1x128x16xf32, #tpu.memory_space<vmem>>
      %dma_wait3A_248 = tpu.memref_squeeze %dma_wait3A_247 : memref<1x128x16xf32, #tpu.memory_space<vmem>> -> memref<128x16xf32, #tpu.memory_space<vmem>>
      %dma_wait3A_249 = arith.constant 0 : i32
      %dma_wait3A_250 = tpu.memref_slice %arg6[%add3A_242, %dma_wait3A_249] : memref<136x128xi32, #tpu.memory_space<vmem>> -> memref<1x128xi32, #tpu.memory_space<vmem>>
      %dma_wait3A_251 = tpu.memref_squeeze %dma_wait3A_250 : memref<1x128xi32, #tpu.memory_space<vmem>> -> memref<128xi32, #tpu.memory_space<vmem>>
      %dma_wait3A_252 = arith.constant 0 : i32
      %dma_wait3A_253 = arith.constant 0 : i32
      %dma_wait3A_254 = tpu.memref_slice %arg2[%dma_wait3A_252, %dma_wait3A_253] : memref<10240x16xf32, #tpu.memory_space<hbm>> -> memref<10240x16xf32, #tpu.memory_space<hbm>>
      %dma_wait3A_255 = tpu.memref_slice %arg11[%dma_wait3A_244] : memref<4x!tpu.dma_semaphore, #tpu.memory_space<semaphore_mem>> -> memref<1x!tpu.dma_semaphore, #tpu.memory_space<semaphore_mem>>
      %dma_wait3A_256 = tpu.memref_squeeze %dma_wait3A_255 : memref<1x!tpu.dma_semaphore, #tpu.memory_space<semaphore_mem>> -> memref<!tpu.dma_semaphore, #tpu.memory_space<semaphore_mem>>
      tpu.wait_indirect_dma semaphore(%dma_wait3A_256 : memref<!tpu.dma_semaphore, #tpu.memory_space<semaphore_mem>>) src(%dma_wait3A_254 : memref<10240x16xf32, #tpu.memory_space<hbm>>) dst(%dma_wait3A_248 : memref<128x16xf32, #tpu.memory_space<vmem>>)
      %dma_start3A_257 = arith.constant 2 : i32
      %dma_start3A_258 = arith.constant 2 : i32
      %dma_start3A_259 = arith.constant 0 : i32
      %dma_start3A_260 = arith.constant 0 : i32
      %dma_start3A_261 = tpu.memref_slice %arg8[%dma_start3A_257, %dma_start3A_259, %dma_start3A_260] : memref<4x128x16xf32, #tpu.memory_space<vmem>> -> memref<1x128x16xf32, #tpu.memory_space<vmem>>
      %dma_start3A_262 = tpu.memref_squeeze %dma_start3A_261 : memref<1x128x16xf32, #tpu.memory_space<vmem>> -> memref<128x16xf32, #tpu.memory_space<vmem>>
      %dma_start3A_263 = arith.constant 0 : i32
      %dma_start3A_264 = tpu.memref_slice %arg7[%add3A_242, %dma_start3A_263] : memref<136x128xi32, #tpu.memory_space<vmem>> -> memref<1x128xi32, #tpu.memory_space<vmem>>
      %dma_start3A_265 = tpu.memref_squeeze %dma_start3A_264 : memref<1x128xi32, #tpu.memory_space<vmem>> -> memref<128xi32, #tpu.memory_space<vmem>>
      %dma_start3A_266 = arith.constant 0 : i32
      %dma_start3A_267 = arith.constant 0 : i32
      %dma_start3A_268 = tpu.memref_slice %arg10[%dma_start3A_266, %dma_start3A_267] : memref<10240x16xf32, #tpu.memory_space<vmem_shared>> -> memref<10240x16xf32, #tpu.memory_space<vmem_shared>>
      %dma_start3A_269 = tpu.memref_slice %arg12[%dma_start3A_258] : memref<4x!tpu.dma_semaphore, #tpu.memory_space<semaphore_mem>> -> memref<1x!tpu.dma_semaphore, #tpu.memory_space<semaphore_mem>>
      %dma_start3A_270 = tpu.memref_squeeze %dma_start3A_269 : memref<1x!tpu.dma_semaphore, #tpu.memory_space<semaphore_mem>> -> memref<!tpu.dma_semaphore, #tpu.memory_space<semaphore_mem>>
      tpu.enqueue_indirect_dma source(%dma_start3A_262 : memref<128x16xf32, #tpu.memory_space<vmem>>) target(%dma_start3A_268 : memref<10240x16xf32, #tpu.memory_space<vmem_shared>>) offsets(%dma_start3A_265 : memref<128xi32, #tpu.memory_space<vmem>>) semaphore(%dma_start3A_270 : memref<!tpu.dma_semaphore, #tpu.memory_space<semaphore_mem>>) {add = true}
      %add3A_271 = arith.constant 3 : i32
      %add3A_272 = arith.addi %mul3A_180, %add3A_271 : i32
      %dma_wait3A_273 = arith.constant 3 : i32
      %dma_wait3A_274 = arith.constant 3 : i32
      %dma_wait3A_275 = arith.constant 0 : i32
      %dma_wait3A_276 = arith.constant 0 : i32
      %dma_wait3A_277 = tpu.memref_slice %arg8[%dma_wait3A_273, %dma_wait3A_275, %dma_wait3A_276] : memref<4x128x16xf32, #tpu.memory_space<vmem>> -> memref<1x128x16xf32, #tpu.memory_space<vmem>>
      %dma_wait3A_278 = tpu.memref_squeeze %dma_wait3A_277 : memref<1x128x16xf32, #tpu.memory_space<vmem>> -> memref<128x16xf32, #tpu.memory_space<vmem>>
      %dma_wait3A_279 = arith.constant 0 : i32
      %dma_wait3A_280 = tpu.memref_slice %arg6[%add3A_272, %dma_wait3A_279] : memref<136x128xi32, #tpu.memory_space<vmem>> -> memref<1x128xi32, #tpu.memory_space<vmem>>
      %dma_wait3A_281 = tpu.memref_squeeze %dma_wait3A_280 : memref<1x128xi32, #tpu.memory_space<vmem>> -> memref<128xi32, #tpu.memory_space<vmem>>
      %dma_wait3A_282 = arith.constant 0 : i32
      %dma_wait3A_283 = arith.constant 0 : i32
      %dma_wait3A_284 = tpu.memref_slice %arg2[%dma_wait3A_282, %dma_wait3A_283] : memref<10240x16xf32, #tpu.memory_space<hbm>> -> memref<10240x16xf32, #tpu.memory_space<hbm>>
      %dma_wait3A_285 = tpu.memref_slice %arg11[%dma_wait3A_274] : memref<4x!tpu.dma_semaphore, #tpu.memory_space<semaphore_mem>> -> memref<1x!tpu.dma_semaphore, #tpu.memory_space<semaphore_mem>>
      %dma_wait3A_286 = tpu.memref_squeeze %dma_wait3A_285 : memref<1x!tpu.dma_semaphore, #tpu.memory_space<semaphore_mem>> -> memref<!tpu.dma_semaphore, #tpu.memory_space<semaphore_mem>>
      tpu.wait_indirect_dma semaphore(%dma_wait3A_286 : memref<!tpu.dma_semaphore, #tpu.memory_space<semaphore_mem>>) src(%dma_wait3A_284 : memref<10240x16xf32, #tpu.memory_space<hbm>>) dst(%dma_wait3A_278 : memref<128x16xf32, #tpu.memory_space<vmem>>)
      %dma_start3A_287 = arith.constant 3 : i32
      %dma_start3A_288 = arith.constant 3 : i32
      %dma_start3A_289 = arith.constant 0 : i32
      %dma_start3A_290 = arith.constant 0 : i32
      %dma_start3A_291 = tpu.memref_slice %arg8[%dma_start3A_287, %dma_start3A_289, %dma_start3A_290] : memref<4x128x16xf32, #tpu.memory_space<vmem>> -> memref<1x128x16xf32, #tpu.memory_space<vmem>>
      %dma_start3A_292 = tpu.memref_squeeze %dma_start3A_291 : memref<1x128x16xf32, #tpu.memory_space<vmem>> -> memref<128x16xf32, #tpu.memory_space<vmem>>
      %dma_start3A_293 = arith.constant 0 : i32
      %dma_start3A_294 = tpu.memref_slice %arg7[%add3A_272, %dma_start3A_293] : memref<136x128xi32, #tpu.memory_space<vmem>> -> memref<1x128xi32, #tpu.memory_space<vmem>>
      %dma_start3A_295 = tpu.memref_squeeze %dma_start3A_294 : memref<1x128xi32, #tpu.memory_space<vmem>> -> memref<128xi32, #tpu.memory_space<vmem>>
      %dma_start3A_296 = arith.constant 0 : i32
      %dma_start3A_297 = arith.constant 0 : i32
      %dma_start3A_298 = tpu.memref_slice %arg10[%dma_start3A_296, %dma_start3A_297] : memref<10240x16xf32, #tpu.memory_space<vmem_shared>> -> memref<10240x16xf32, #tpu.memory_space<vmem_shared>>
      %dma_start3A_299 = tpu.memref_slice %arg12[%dma_start3A_288] : memref<4x!tpu.dma_semaphore, #tpu.memory_space<semaphore_mem>> -> memref<1x!tpu.dma_semaphore, #tpu.memory_space<semaphore_mem>>
      %dma_start3A_300 = tpu.memref_squeeze %dma_start3A_299 : memref<1x!tpu.dma_semaphore, #tpu.memory_space<semaphore_mem>> -> memref<!tpu.dma_semaphore, #tpu.memory_space<semaphore_mem>>
      tpu.enqueue_indirect_dma source(%dma_start3A_292 : memref<128x16xf32, #tpu.memory_space<vmem>>) target(%dma_start3A_298 : memref<10240x16xf32, #tpu.memory_space<vmem_shared>>) offsets(%dma_start3A_295 : memref<128xi32, #tpu.memory_space<vmem>>) semaphore(%dma_start3A_300 : memref<!tpu.dma_semaphore, #tpu.memory_space<semaphore_mem>>) {add = true}
      %add3A_301 = arith.constant 4 : i32
      %add3A_302 = arith.addi %mul3A_180, %add3A_301 : i32
      %add3A_303 = arith.constant 0 : i32
      %add3A_304 = arith.addi %add3A_302, %add3A_303 : i32
      %lt3A = arith.cmpi slt, %add3A_304, %select_n3A : i32
      %convert_element_type3A_305 = arith.extui %lt3A : i1 to i32
      %cond3A_306 = arith.constant 0 : i32
      %cond3A_307 = arith.cmpi ne, %convert_element_type3A_305, %cond3A_306 : i32
      scf.if %cond3A_307 {
        %dma_wait3A_333 = arith.constant 0 : i32
        %dma_wait3A_334 = arith.constant 0 : i32
        %dma_wait3A_335 = arith.constant 0 : i32
        %dma_wait3A_336 = arith.constant 0 : i32
        %dma_wait3A_337 = arith.constant 0 : i32
        %dma_wait3A_338 = tpu.memref_slice %arg8[%dma_wait3A_333, %dma_wait3A_336, %dma_wait3A_337] : memref<4x128x16xf32, #tpu.memory_space<vmem>> -> memref<1x128x16xf32, #tpu.memory_space<vmem>>
        %dma_wait3A_339 = tpu.memref_squeeze %dma_wait3A_338 : memref<1x128x16xf32, #tpu.memory_space<vmem>> -> memref<128x16xf32, #tpu.memory_space<vmem>>
        %dma_wait3A_340 = arith.constant 0 : i32
        %dma_wait3A_341 = tpu.memref_slice %arg7[%dma_wait3A_334, %dma_wait3A_340] : memref<136x128xi32, #tpu.memory_space<vmem>> -> memref<1x128xi32, #tpu.memory_space<vmem>>
        %dma_wait3A_342 = tpu.memref_squeeze %dma_wait3A_341 : memref<1x128xi32, #tpu.memory_space<vmem>> -> memref<128xi32, #tpu.memory_space<vmem>>
        %dma_wait3A_343 = arith.constant 0 : i32
        %dma_wait3A_344 = arith.constant 0 : i32
        %dma_wait3A_345 = tpu.memref_slice %arg10[%dma_wait3A_343, %dma_wait3A_344] : memref<10240x16xf32, #tpu.memory_space<vmem_shared>> -> memref<10240x16xf32, #tpu.memory_space<vmem_shared>>
        %dma_wait3A_346 = tpu.memref_slice %arg12[%dma_wait3A_335] : memref<4x!tpu.dma_semaphore, #tpu.memory_space<semaphore_mem>> -> memref<1x!tpu.dma_semaphore, #tpu.memory_space<semaphore_mem>>
        %dma_wait3A_347 = tpu.memref_squeeze %dma_wait3A_346 : memref<1x!tpu.dma_semaphore, #tpu.memory_space<semaphore_mem>> -> memref<!tpu.dma_semaphore, #tpu.memory_space<semaphore_mem>>
        tpu.wait_indirect_dma semaphore(%dma_wait3A_347 : memref<!tpu.dma_semaphore, #tpu.memory_space<semaphore_mem>>) src(%dma_wait3A_339 : memref<128x16xf32, #tpu.memory_space<vmem>>) dst(%dma_wait3A_345 : memref<10240x16xf32, #tpu.memory_space<vmem_shared>>)
        %dma_start3A_348 = arith.constant 0 : i32
        %dma_start3A_349 = arith.constant 0 : i32
        %dma_start3A_350 = arith.constant 0 : i32
        %dma_start3A_351 = arith.constant 0 : i32
        %dma_start3A_352 = tpu.memref_slice %arg8[%dma_start3A_348, %dma_start3A_350, %dma_start3A_351] : memref<4x128x16xf32, #tpu.memory_space<vmem>> -> memref<1x128x16xf32, #tpu.memory_space<vmem>>
        %dma_start3A_353 = tpu.memref_squeeze %dma_start3A_352 : memref<1x128x16xf32, #tpu.memory_space<vmem>> -> memref<128x16xf32, #tpu.memory_space<vmem>>
        %dma_start3A_354 = arith.constant 0 : i32
        %dma_start3A_355 = tpu.memref_slice %arg6[%add3A_304, %dma_start3A_354] : memref<136x128xi32, #tpu.memory_space<vmem>> -> memref<1x128xi32, #tpu.memory_space<vmem>>
        %dma_start3A_356 = tpu.memref_squeeze %dma_start3A_355 : memref<1x128xi32, #tpu.memory_space<vmem>> -> memref<128xi32, #tpu.memory_space<vmem>>
        %dma_start3A_357 = arith.constant 0 : i32
        %dma_start3A_358 = arith.constant 0 : i32
        %dma_start3A_359 = tpu.memref_slice %arg2[%dma_start3A_357, %dma_start3A_358] : memref<10240x16xf32, #tpu.memory_space<hbm>> -> memref<10240x16xf32, #tpu.memory_space<hbm>>
        %dma_start3A_360 = tpu.memref_slice %arg11[%dma_start3A_349] : memref<4x!tpu.dma_semaphore, #tpu.memory_space<semaphore_mem>> -> memref<1x!tpu.dma_semaphore, #tpu.memory_space<semaphore_mem>>
        %dma_start3A_361 = tpu.memref_squeeze %dma_start3A_360 : memref<1x!tpu.dma_semaphore, #tpu.memory_space<semaphore_mem>> -> memref<!tpu.dma_semaphore, #tpu.memory_space<semaphore_mem>>
        tpu.enqueue_indirect_dma source(%dma_start3A_359 : memref<10240x16xf32, #tpu.memory_space<hbm>>) target(%dma_start3A_353 : memref<128x16xf32, #tpu.memory_space<vmem>>) offsets(%dma_start3A_356 : memref<128xi32, #tpu.memory_space<vmem>>) semaphore(%dma_start3A_361 : memref<!tpu.dma_semaphore, #tpu.memory_space<semaphore_mem>>)
      } else {
      }
      %add3A_308 = arith.constant 4 : i32
      %add3A_309 = arith.addi %mul3A_180, %add3A_308 : i32
      %add3A_310 = arith.constant 1 : i32
      %add3A_311 = arith.addi %add3A_309, %add3A_310 : i32
      %lt3A_312 = arith.cmpi slt, %add3A_311, %select_n3A : i32
      %convert_element_type3A_313 = arith.extui %lt3A_312 : i1 to i32
      %cond3A_314 = arith.constant 0 : i32
      %cond3A_315 = arith.cmpi ne, %convert_element_type3A_313, %cond3A_314 : i32
      scf.if %cond3A_315 {
        %dma_wait3A_333 = arith.constant 1 : i32
        %dma_wait3A_334 = arith.constant 1 : i32
        %dma_wait3A_335 = arith.constant 1 : i32
        %dma_wait3A_336 = arith.constant 0 : i32
        %dma_wait3A_337 = arith.constant 0 : i32
        %dma_wait3A_338 = tpu.memref_slice %arg8[%dma_wait3A_333, %dma_wait3A_336, %dma_wait3A_337] : memref<4x128x16xf32, #tpu.memory_space<vmem>> -> memref<1x128x16xf32, #tpu.memory_space<vmem>>
        %dma_wait3A_339 = tpu.memref_squeeze %dma_wait3A_338 : memref<1x128x16xf32, #tpu.memory_space<vmem>> -> memref<128x16xf32, #tpu.memory_space<vmem>>
        %dma_wait3A_340 = arith.constant 0 : i32
        %dma_wait3A_341 = tpu.memref_slice %arg7[%dma_wait3A_334, %dma_wait3A_340] : memref<136x128xi32, #tpu.memory_space<vmem>> -> memref<1x128xi32, #tpu.memory_space<vmem>>
        %dma_wait3A_342 = tpu.memref_squeeze %dma_wait3A_341 : memref<1x128xi32, #tpu.memory_space<vmem>> -> memref<128xi32, #tpu.memory_space<vmem>>
        %dma_wait3A_343 = arith.constant 0 : i32
        %dma_wait3A_344 = arith.constant 0 : i32
        %dma_wait3A_345 = tpu.memref_slice %arg10[%dma_wait3A_343, %dma_wait3A_344] : memref<10240x16xf32, #tpu.memory_space<vmem_shared>> -> memref<10240x16xf32, #tpu.memory_space<vmem_shared>>
        %dma_wait3A_346 = tpu.memref_slice %arg12[%dma_wait3A_335] : memref<4x!tpu.dma_semaphore, #tpu.memory_space<semaphore_mem>> -> memref<1x!tpu.dma_semaphore, #tpu.memory_space<semaphore_mem>>
        %dma_wait3A_347 = tpu.memref_squeeze %dma_wait3A_346 : memref<1x!tpu.dma_semaphore, #tpu.memory_space<semaphore_mem>> -> memref<!tpu.dma_semaphore, #tpu.memory_space<semaphore_mem>>
        tpu.wait_indirect_dma semaphore(%dma_wait3A_347 : memref<!tpu.dma_semaphore, #tpu.memory_space<semaphore_mem>>) src(%dma_wait3A_339 : memref<128x16xf32, #tpu.memory_space<vmem>>) dst(%dma_wait3A_345 : memref<10240x16xf32, #tpu.memory_space<vmem_shared>>)
        %dma_start3A_348 = arith.constant 1 : i32
        %dma_start3A_349 = arith.constant 1 : i32
        %dma_start3A_350 = arith.constant 0 : i32
        %dma_start3A_351 = arith.constant 0 : i32
        %dma_start3A_352 = tpu.memref_slice %arg8[%dma_start3A_348, %dma_start3A_350, %dma_start3A_351] : memref<4x128x16xf32, #tpu.memory_space<vmem>> -> memref<1x128x16xf32, #tpu.memory_space<vmem>>
        %dma_start3A_353 = tpu.memref_squeeze %dma_start3A_352 : memref<1x128x16xf32, #tpu.memory_space<vmem>> -> memref<128x16xf32, #tpu.memory_space<vmem>>
        %dma_start3A_354 = arith.constant 0 : i32
        %dma_start3A_355 = tpu.memref_slice %arg6[%add3A_311, %dma_start3A_354] : memref<136x128xi32, #tpu.memory_space<vmem>> -> memref<1x128xi32, #tpu.memory_space<vmem>>
        %dma_start3A_356 = tpu.memref_squeeze %dma_start3A_355 : memref<1x128xi32, #tpu.memory_space<vmem>> -> memref<128xi32, #tpu.memory_space<vmem>>
        %dma_start3A_357 = arith.constant 0 : i32
        %dma_start3A_358 = arith.constant 0 : i32
        %dma_start3A_359 = tpu.memref_slice %arg2[%dma_start3A_357, %dma_start3A_358] : memref<10240x16xf32, #tpu.memory_space<hbm>> -> memref<10240x16xf32, #tpu.memory_space<hbm>>
        %dma_start3A_360 = tpu.memref_slice %arg11[%dma_start3A_349] : memref<4x!tpu.dma_semaphore, #tpu.memory_space<semaphore_mem>> -> memref<1x!tpu.dma_semaphore, #tpu.memory_space<semaphore_mem>>
        %dma_start3A_361 = tpu.memref_squeeze %dma_start3A_360 : memref<1x!tpu.dma_semaphore, #tpu.memory_space<semaphore_mem>> -> memref<!tpu.dma_semaphore, #tpu.memory_space<semaphore_mem>>
        tpu.enqueue_indirect_dma source(%dma_start3A_359 : memref<10240x16xf32, #tpu.memory_space<hbm>>) target(%dma_start3A_353 : memref<128x16xf32, #tpu.memory_space<vmem>>) offsets(%dma_start3A_356 : memref<128xi32, #tpu.memory_space<vmem>>) semaphore(%dma_start3A_361 : memref<!tpu.dma_semaphore, #tpu.memory_space<semaphore_mem>>)
      } else {
      }
      %add3A_316 = arith.constant 4 : i32
      %add3A_317 = arith.addi %mul3A_180, %add3A_316 : i32
      %add3A_318 = arith.constant 2 : i32
      %add3A_319 = arith.addi %add3A_317, %add3A_318 : i32
      %lt3A_320 = arith.cmpi slt, %add3A_319, %select_n3A : i32
      %convert_element_type3A_321 = arith.extui %lt3A_320 : i1 to i32
      %cond3A_322 = arith.constant 0 : i32
      %cond3A_323 = arith.cmpi ne, %convert_element_type3A_321, %cond3A_322 : i32
      scf.if %cond3A_323 {
        %dma_wait3A_333 = arith.constant 2 : i32
        %dma_wait3A_334 = arith.constant 2 : i32
        %dma_wait3A_335 = arith.constant 2 : i32
        %dma_wait3A_336 = arith.constant 0 : i32
        %dma_wait3A_337 = arith.constant 0 : i32
        %dma_wait3A_338 = tpu.memref_slice %arg8[%dma_wait3A_333, %dma_wait3A_336, %dma_wait3A_337] : memref<4x128x16xf32, #tpu.memory_space<vmem>> -> memref<1x128x16xf32, #tpu.memory_space<vmem>>
        %dma_wait3A_339 = tpu.memref_squeeze %dma_wait3A_338 : memref<1x128x16xf32, #tpu.memory_space<vmem>> -> memref<128x16xf32, #tpu.memory_space<vmem>>
        %dma_wait3A_340 = arith.constant 0 : i32
        %dma_wait3A_341 = tpu.memref_slice %arg7[%dma_wait3A_334, %dma_wait3A_340] : memref<136x128xi32, #tpu.memory_space<vmem>> -> memref<1x128xi32, #tpu.memory_space<vmem>>
        %dma_wait3A_342 = tpu.memref_squeeze %dma_wait3A_341 : memref<1x128xi32, #tpu.memory_space<vmem>> -> memref<128xi32, #tpu.memory_space<vmem>>
        %dma_wait3A_343 = arith.constant 0 : i32
        %dma_wait3A_344 = arith.constant 0 : i32
        %dma_wait3A_345 = tpu.memref_slice %arg10[%dma_wait3A_343, %dma_wait3A_344] : memref<10240x16xf32, #tpu.memory_space<vmem_shared>> -> memref<10240x16xf32, #tpu.memory_space<vmem_shared>>
        %dma_wait3A_346 = tpu.memref_slice %arg12[%dma_wait3A_335] : memref<4x!tpu.dma_semaphore, #tpu.memory_space<semaphore_mem>> -> memref<1x!tpu.dma_semaphore, #tpu.memory_space<semaphore_mem>>
        %dma_wait3A_347 = tpu.memref_squeeze %dma_wait3A_346 : memref<1x!tpu.dma_semaphore, #tpu.memory_space<semaphore_mem>> -> memref<!tpu.dma_semaphore, #tpu.memory_space<semaphore_mem>>
        tpu.wait_indirect_dma semaphore(%dma_wait3A_347 : memref<!tpu.dma_semaphore, #tpu.memory_space<semaphore_mem>>) src(%dma_wait3A_339 : memref<128x16xf32, #tpu.memory_space<vmem>>) dst(%dma_wait3A_345 : memref<10240x16xf32, #tpu.memory_space<vmem_shared>>)
        %dma_start3A_348 = arith.constant 2 : i32
        %dma_start3A_349 = arith.constant 2 : i32
        %dma_start3A_350 = arith.constant 0 : i32
        %dma_start3A_351 = arith.constant 0 : i32
        %dma_start3A_352 = tpu.memref_slice %arg8[%dma_start3A_348, %dma_start3A_350, %dma_start3A_351] : memref<4x128x16xf32, #tpu.memory_space<vmem>> -> memref<1x128x16xf32, #tpu.memory_space<vmem>>
        %dma_start3A_353 = tpu.memref_squeeze %dma_start3A_352 : memref<1x128x16xf32, #tpu.memory_space<vmem>> -> memref<128x16xf32, #tpu.memory_space<vmem>>
        %dma_start3A_354 = arith.constant 0 : i32
        %dma_start3A_355 = tpu.memref_slice %arg6[%add3A_319, %dma_start3A_354] : memref<136x128xi32, #tpu.memory_space<vmem>> -> memref<1x128xi32, #tpu.memory_space<vmem>>
        %dma_start3A_356 = tpu.memref_squeeze %dma_start3A_355 : memref<1x128xi32, #tpu.memory_space<vmem>> -> memref<128xi32, #tpu.memory_space<vmem>>
        %dma_start3A_357 = arith.constant 0 : i32
        %dma_start3A_358 = arith.constant 0 : i32
        %dma_start3A_359 = tpu.memref_slice %arg2[%dma_start3A_357, %dma_start3A_358] : memref<10240x16xf32, #tpu.memory_space<hbm>> -> memref<10240x16xf32, #tpu.memory_space<hbm>>
        %dma_start3A_360 = tpu.memref_slice %arg11[%dma_start3A_349] : memref<4x!tpu.dma_semaphore, #tpu.memory_space<semaphore_mem>> -> memref<1x!tpu.dma_semaphore, #tpu.memory_space<semaphore_mem>>
        %dma_start3A_361 = tpu.memref_squeeze %dma_start3A_360 : memref<1x!tpu.dma_semaphore, #tpu.memory_space<semaphore_mem>> -> memref<!tpu.dma_semaphore, #tpu.memory_space<semaphore_mem>>
        tpu.enqueue_indirect_dma source(%dma_start3A_359 : memref<10240x16xf32, #tpu.memory_space<hbm>>) target(%dma_start3A_353 : memref<128x16xf32, #tpu.memory_space<vmem>>) offsets(%dma_start3A_356 : memref<128xi32, #tpu.memory_space<vmem>>) semaphore(%dma_start3A_361 : memref<!tpu.dma_semaphore, #tpu.memory_space<semaphore_mem>>)
      } else {
      }
      %add3A_324 = arith.constant 4 : i32
      %add3A_325 = arith.addi %mul3A_180, %add3A_324 : i32
      %add3A_326 = arith.constant 3 : i32
      %add3A_327 = arith.addi %add3A_325, %add3A_326 : i32
      %lt3A_328 = arith.cmpi slt, %add3A_327, %select_n3A : i32
      %convert_element_type3A_329 = arith.extui %lt3A_328 : i1 to i32
      %cond3A_330 = arith.constant 0 : i32
      %cond3A_331 = arith.cmpi ne, %convert_element_type3A_329, %cond3A_330 : i32
      scf.if %cond3A_331 {
        %dma_wait3A_333 = arith.constant 3 : i32
        %dma_wait3A_334 = arith.constant 3 : i32
        %dma_wait3A_335 = arith.constant 3 : i32
        %dma_wait3A_336 = arith.constant 0 : i32
        %dma_wait3A_337 = arith.constant 0 : i32
        %dma_wait3A_338 = tpu.memref_slice %arg8[%dma_wait3A_333, %dma_wait3A_336, %dma_wait3A_337] : memref<4x128x16xf32, #tpu.memory_space<vmem>> -> memref<1x128x16xf32, #tpu.memory_space<vmem>>
        %dma_wait3A_339 = tpu.memref_squeeze %dma_wait3A_338 : memref<1x128x16xf32, #tpu.memory_space<vmem>> -> memref<128x16xf32, #tpu.memory_space<vmem>>
        %dma_wait3A_340 = arith.constant 0 : i32
        %dma_wait3A_341 = tpu.memref_slice %arg7[%dma_wait3A_334, %dma_wait3A_340] : memref<136x128xi32, #tpu.memory_space<vmem>> -> memref<1x128xi32, #tpu.memory_space<vmem>>
        %dma_wait3A_342 = tpu.memref_squeeze %dma_wait3A_341 : memref<1x128xi32, #tpu.memory_space<vmem>> -> memref<128xi32, #tpu.memory_space<vmem>>
        %dma_wait3A_343 = arith.constant 0 : i32
        %dma_wait3A_344 = arith.constant 0 : i32
        %dma_wait3A_345 = tpu.memref_slice %arg10[%dma_wait3A_343, %dma_wait3A_344] : memref<10240x16xf32, #tpu.memory_space<vmem_shared>> -> memref<10240x16xf32, #tpu.memory_space<vmem_shared>>
        %dma_wait3A_346 = tpu.memref_slice %arg12[%dma_wait3A_335] : memref<4x!tpu.dma_semaphore, #tpu.memory_space<semaphore_mem>> -> memref<1x!tpu.dma_semaphore, #tpu.memory_space<semaphore_mem>>
        %dma_wait3A_347 = tpu.memref_squeeze %dma_wait3A_346 : memref<1x!tpu.dma_semaphore, #tpu.memory_space<semaphore_mem>> -> memref<!tpu.dma_semaphore, #tpu.memory_space<semaphore_mem>>
        tpu.wait_indirect_dma semaphore(%dma_wait3A_347 : memref<!tpu.dma_semaphore, #tpu.memory_space<semaphore_mem>>) src(%dma_wait3A_339 : memref<128x16xf32, #tpu.memory_space<vmem>>) dst(%dma_wait3A_345 : memref<10240x16xf32, #tpu.memory_space<vmem_shared>>)
        %dma_start3A_348 = arith.constant 3 : i32
        %dma_start3A_349 = arith.constant 3 : i32
        %dma_start3A_350 = arith.constant 0 : i32
        %dma_start3A_351 = arith.constant 0 : i32
        %dma_start3A_352 = tpu.memref_slice %arg8[%dma_start3A_348, %dma_start3A_350, %dma_start3A_351] : memref<4x128x16xf32, #tpu.memory_space<vmem>> -> memref<1x128x16xf32, #tpu.memory_space<vmem>>
        %dma_start3A_353 = tpu.memref_squeeze %dma_start3A_352 : memref<1x128x16xf32, #tpu.memory_space<vmem>> -> memref<128x16xf32, #tpu.memory_space<vmem>>
        %dma_start3A_354 = arith.constant 0 : i32
        %dma_start3A_355 = tpu.memref_slice %arg6[%add3A_327, %dma_start3A_354] : memref<136x128xi32, #tpu.memory_space<vmem>> -> memref<1x128xi32, #tpu.memory_space<vmem>>
        %dma_start3A_356 = tpu.memref_squeeze %dma_start3A_355 : memref<1x128xi32, #tpu.memory_space<vmem>> -> memref<128xi32, #tpu.memory_space<vmem>>
        %dma_start3A_357 = arith.constant 0 : i32
        %dma_start3A_358 = arith.constant 0 : i32
        %dma_start3A_359 = tpu.memref_slice %arg2[%dma_start3A_357, %dma_start3A_358] : memref<10240x16xf32, #tpu.memory_space<hbm>> -> memref<10240x16xf32, #tpu.memory_space<hbm>>
        %dma_start3A_360 = tpu.memref_slice %arg11[%dma_start3A_349] : memref<4x!tpu.dma_semaphore, #tpu.memory_space<semaphore_mem>> -> memref<1x!tpu.dma_semaphore, #tpu.memory_space<semaphore_mem>>
        %dma_start3A_361 = tpu.memref_squeeze %dma_start3A_360 : memref<1x!tpu.dma_semaphore, #tpu.memory_space<semaphore_mem>> -> memref<!tpu.dma_semaphore, #tpu.memory_space<semaphore_mem>>
        tpu.enqueue_indirect_dma source(%dma_start3A_359 : memref<10240x16xf32, #tpu.memory_space<hbm>>) target(%dma_start3A_353 : memref<128x16xf32, #tpu.memory_space<vmem>>) offsets(%dma_start3A_356 : memref<128xi32, #tpu.memory_space<vmem>>) semaphore(%dma_start3A_361 : memref<!tpu.dma_semaphore, #tpu.memory_space<semaphore_mem>>)
      } else {
      }
      %while3A_332 = arith.constant 0 : i32
      scf.yield %while3A_332 : i32
    }
    %dma_wait3A = arith.constant 0 : i32
    %dma_wait3A_113 = arith.constant 0 : i32
    %dma_wait3A_114 = arith.constant 0 : i32
    %dma_wait3A_115 = arith.constant 0 : i32
    %dma_wait3A_116 = arith.constant 0 : i32
    %dma_wait3A_117 = tpu.memref_slice %arg8[%dma_wait3A, %dma_wait3A_115, %dma_wait3A_116] : memref<4x128x16xf32, #tpu.memory_space<vmem>> -> memref<1x128x16xf32, #tpu.memory_space<vmem>>
    %dma_wait3A_118 = tpu.memref_squeeze %dma_wait3A_117 : memref<1x128x16xf32, #tpu.memory_space<vmem>> -> memref<128x16xf32, #tpu.memory_space<vmem>>
    %dma_wait3A_119 = arith.constant 0 : i32
    %dma_wait3A_120 = tpu.memref_slice %arg7[%dma_wait3A_113, %dma_wait3A_119] : memref<136x128xi32, #tpu.memory_space<vmem>> -> memref<1x128xi32, #tpu.memory_space<vmem>>
    %dma_wait3A_121 = tpu.memref_squeeze %dma_wait3A_120 : memref<1x128xi32, #tpu.memory_space<vmem>> -> memref<128xi32, #tpu.memory_space<vmem>>
    %dma_wait3A_122 = arith.constant 0 : i32
    %dma_wait3A_123 = arith.constant 0 : i32
    %dma_wait3A_124 = tpu.memref_slice %arg10[%dma_wait3A_122, %dma_wait3A_123] : memref<10240x16xf32, #tpu.memory_space<vmem_shared>> -> memref<10240x16xf32, #tpu.memory_space<vmem_shared>>
    %dma_wait3A_125 = tpu.memref_slice %arg12[%dma_wait3A_114] : memref<4x!tpu.dma_semaphore, #tpu.memory_space<semaphore_mem>> -> memref<1x!tpu.dma_semaphore, #tpu.memory_space<semaphore_mem>>
    %dma_wait3A_126 = tpu.memref_squeeze %dma_wait3A_125 : memref<1x!tpu.dma_semaphore, #tpu.memory_space<semaphore_mem>> -> memref<!tpu.dma_semaphore, #tpu.memory_space<semaphore_mem>>
    tpu.wait_indirect_dma semaphore(%dma_wait3A_126 : memref<!tpu.dma_semaphore, #tpu.memory_space<semaphore_mem>>) src(%dma_wait3A_118 : memref<128x16xf32, #tpu.memory_space<vmem>>) dst(%dma_wait3A_124 : memref<10240x16xf32, #tpu.memory_space<vmem_shared>>)
    %dma_wait3A_127 = arith.constant 1 : i32
    %dma_wait3A_128 = arith.constant 1 : i32
    %dma_wait3A_129 = arith.constant 1 : i32
    %dma_wait3A_130 = arith.constant 0 : i32
    %dma_wait3A_131 = arith.constant 0 : i32
    %dma_wait3A_132 = tpu.memref_slice %arg8[%dma_wait3A_127, %dma_wait3A_130, %dma_wait3A_131] : memref<4x128x16xf32, #tpu.memory_space<vmem>> -> memref<1x128x16xf32, #tpu.memory_space<vmem>>
    %dma_wait3A_133 = tpu.memref_squeeze %dma_wait3A_132 : memref<1x128x16xf32, #tpu.memory_space<vmem>> -> memref<128x16xf32, #tpu.memory_space<vmem>>
    %dma_wait3A_134 = arith.constant 0 : i32
    %dma_wait3A_135 = tpu.memref_slice %arg7[%dma_wait3A_128, %dma_wait3A_134] : memref<136x128xi32, #tpu.memory_space<vmem>> -> memref<1x128xi32, #tpu.memory_space<vmem>>
    %dma_wait3A_136 = tpu.memref_squeeze %dma_wait3A_135 : memref<1x128xi32, #tpu.memory_space<vmem>> -> memref<128xi32, #tpu.memory_space<vmem>>
    %dma_wait3A_137 = arith.constant 0 : i32
    %dma_wait3A_138 = arith.constant 0 : i32
    %dma_wait3A_139 = tpu.memref_slice %arg10[%dma_wait3A_137, %dma_wait3A_138] : memref<10240x16xf32, #tpu.memory_space<vmem_shared>> -> memref<10240x16xf32, #tpu.memory_space<vmem_shared>>
    %dma_wait3A_140 = tpu.memref_slice %arg12[%dma_wait3A_129] : memref<4x!tpu.dma_semaphore, #tpu.memory_space<semaphore_mem>> -> memref<1x!tpu.dma_semaphore, #tpu.memory_space<semaphore_mem>>
    %dma_wait3A_141 = tpu.memref_squeeze %dma_wait3A_140 : memref<1x!tpu.dma_semaphore, #tpu.memory_space<semaphore_mem>> -> memref<!tpu.dma_semaphore, #tpu.memory_space<semaphore_mem>>
    tpu.wait_indirect_dma semaphore(%dma_wait3A_141 : memref<!tpu.dma_semaphore, #tpu.memory_space<semaphore_mem>>) src(%dma_wait3A_133 : memref<128x16xf32, #tpu.memory_space<vmem>>) dst(%dma_wait3A_139 : memref<10240x16xf32, #tpu.memory_space<vmem_shared>>)
    %dma_wait3A_142 = arith.constant 2 : i32
    %dma_wait3A_143 = arith.constant 2 : i32
    %dma_wait3A_144 = arith.constant 2 : i32
    %dma_wait3A_145 = arith.constant 0 : i32
    %dma_wait3A_146 = arith.constant 0 : i32
    %dma_wait3A_147 = tpu.memref_slice %arg8[%dma_wait3A_142, %dma_wait3A_145, %dma_wait3A_146] : memref<4x128x16xf32, #tpu.memory_space<vmem>> -> memref<1x128x16xf32, #tpu.memory_space<vmem>>
    %dma_wait3A_148 = tpu.memref_squeeze %dma_wait3A_147 : memref<1x128x16xf32, #tpu.memory_space<vmem>> -> memref<128x16xf32, #tpu.memory_space<vmem>>
    %dma_wait3A_149 = arith.constant 0 : i32
    %dma_wait3A_150 = tpu.memref_slice %arg7[%dma_wait3A_143, %dma_wait3A_149] : memref<136x128xi32, #tpu.memory_space<vmem>> -> memref<1x128xi32, #tpu.memory_space<vmem>>
    %dma_wait3A_151 = tpu.memref_squeeze %dma_wait3A_150 : memref<1x128xi32, #tpu.memory_space<vmem>> -> memref<128xi32, #tpu.memory_space<vmem>>
    %dma_wait3A_152 = arith.constant 0 : i32
    %dma_wait3A_153 = arith.constant 0 : i32
    %dma_wait3A_154 = tpu.memref_slice %arg10[%dma_wait3A_152, %dma_wait3A_153] : memref<10240x16xf32, #tpu.memory_space<vmem_shared>> -> memref<10240x16xf32, #tpu.memory_space<vmem_shared>>
    %dma_wait3A_155 = tpu.memref_slice %arg12[%dma_wait3A_144] : memref<4x!tpu.dma_semaphore, #tpu.memory_space<semaphore_mem>> -> memref<1x!tpu.dma_semaphore, #tpu.memory_space<semaphore_mem>>
    %dma_wait3A_156 = tpu.memref_squeeze %dma_wait3A_155 : memref<1x!tpu.dma_semaphore, #tpu.memory_space<semaphore_mem>> -> memref<!tpu.dma_semaphore, #tpu.memory_space<semaphore_mem>>
    tpu.wait_indirect_dma semaphore(%dma_wait3A_156 : memref<!tpu.dma_semaphore, #tpu.memory_space<semaphore_mem>>) src(%dma_wait3A_148 : memref<128x16xf32, #tpu.memory_space<vmem>>) dst(%dma_wait3A_154 : memref<10240x16xf32, #tpu.memory_space<vmem_shared>>)
    %dma_wait3A_157 = arith.constant 3 : i32
    %dma_wait3A_158 = arith.constant 3 : i32
    %dma_wait3A_159 = arith.constant 3 : i32
    %dma_wait3A_160 = arith.constant 0 : i32
    %dma_wait3A_161 = arith.constant 0 : i32
    %dma_wait3A_162 = tpu.memref_slice %arg8[%dma_wait3A_157, %dma_wait3A_160, %dma_wait3A_161] : memref<4x128x16xf32, #tpu.memory_space<vmem>> -> memref<1x128x16xf32, #tpu.memory_space<vmem>>
    %dma_wait3A_163 = tpu.memref_squeeze %dma_wait3A_162 : memref<1x128x16xf32, #tpu.memory_space<vmem>> -> memref<128x16xf32, #tpu.memory_space<vmem>>
    %dma_wait3A_164 = arith.constant 0 : i32
    %dma_wait3A_165 = tpu.memref_slice %arg7[%dma_wait3A_158, %dma_wait3A_164] : memref<136x128xi32, #tpu.memory_space<vmem>> -> memref<1x128xi32, #tpu.memory_space<vmem>>
    %dma_wait3A_166 = tpu.memref_squeeze %dma_wait3A_165 : memref<1x128xi32, #tpu.memory_space<vmem>> -> memref<128xi32, #tpu.memory_space<vmem>>
    %dma_wait3A_167 = arith.constant 0 : i32
    %dma_wait3A_168 = arith.constant 0 : i32
    %dma_wait3A_169 = tpu.memref_slice %arg10[%dma_wait3A_167, %dma_wait3A_168] : memref<10240x16xf32, #tpu.memory_space<vmem_shared>> -> memref<10240x16xf32, #tpu.memory_space<vmem_shared>>
    %dma_wait3A_170 = tpu.memref_slice %arg12[%dma_wait3A_159] : memref<4x!tpu.dma_semaphore, #tpu.memory_space<semaphore_mem>> -> memref<1x!tpu.dma_semaphore, #tpu.memory_space<semaphore_mem>>
    %dma_wait3A_171 = tpu.memref_squeeze %dma_wait3A_170 : memref<1x!tpu.dma_semaphore, #tpu.memory_space<semaphore_mem>> -> memref<!tpu.dma_semaphore, #tpu.memory_space<semaphore_mem>>
    tpu.wait_indirect_dma semaphore(%dma_wait3A_171 : memref<!tpu.dma_semaphore, #tpu.memory_space<semaphore_mem>>) src(%dma_wait3A_163 : memref<128x16xf32, #tpu.memory_space<vmem>>) dst(%dma_wait3A_169 : memref<10240x16xf32, #tpu.memory_space<vmem_shared>>)
    %barrier3A_172 = arith.constant 0 : index
    tpu.barrier barrier_id(%barrier3A_172)
    %mul3A_173 = arith.constant 640 : i32
    %mul3A_174 = arith.muli %arg1, %mul3A_173 : i32
    %mul3A_175 = arith.constant 640 : i32
    %mul3A_176 = arith.muli %arg1, %mul3A_175 : i32
    "tpu.region"() ({
      %run_scoped3A = tpu.sem_alloc : memref<!tpu.dma_semaphore, #tpu.memory_space<semaphore_mem>>
      %dma_start3A_177 = arith.constant 0 : i32
      %dma_start3A_178 = tpu.memref_slice %arg5[%arg0, %mul3A_176, %dma_start3A_177] : memref<2x10240x16xf32, #tpu.memory_space<hbm>> -> memref<1x640x16xf32, #tpu.memory_space<hbm>>
      %dma_start3A_179 = tpu.memref_squeeze %dma_start3A_178 : memref<1x640x16xf32, #tpu.memory_space<hbm>> -> memref<640x16xf32, #tpu.memory_space<hbm>>
      %dma_start3A_180 = arith.constant 0 : i32
      %dma_start3A_181 = tpu.memref_slice %arg10[%mul3A_174, %dma_start3A_180] : memref<10240x16xf32, #tpu.memory_space<vmem_shared>> -> memref<640x16xf32, #tpu.memory_space<vmem_shared>>
      tpu.enqueue_dma source(%dma_start3A_181 : memref<640x16xf32, #tpu.memory_space<vmem_shared>>) target(%dma_start3A_179 : memref<640x16xf32, #tpu.memory_space<hbm>>) target_semaphore(%run_scoped3A : memref<!tpu.dma_semaphore, #tpu.memory_space<semaphore_mem>>)
      %dma_wait3A_182 = arith.constant 0 : i32
      %dma_wait3A_183 = tpu.memref_slice %arg5[%arg0, %mul3A_176, %dma_wait3A_182] : memref<2x10240x16xf32, #tpu.memory_space<hbm>> -> memref<1x640x16xf32, #tpu.memory_space<hbm>>
      %dma_wait3A_184 = tpu.memref_squeeze %dma_wait3A_183 : memref<1x640x16xf32, #tpu.memory_space<hbm>> -> memref<640x16xf32, #tpu.memory_space<hbm>>
      %dma_wait3A_185 = arith.constant 0 : i32
      %dma_wait3A_186 = tpu.memref_slice %arg10[%mul3A_174, %dma_wait3A_185] : memref<10240x16xf32, #tpu.memory_space<vmem_shared>> -> memref<640x16xf32, #tpu.memory_space<vmem_shared>>
      tpu.wait_dma2 semaphore(%run_scoped3A : memref<!tpu.dma_semaphore, #tpu.memory_space<semaphore_mem>>) src(%dma_wait3A_186 : memref<640x16xf32, #tpu.memory_space<vmem_shared>>) dst(%dma_wait3A_184 : memref<640x16xf32, #tpu.memory_space<hbm>>)
      tpu.yield
    }) : () -> ()
    return
  }
}

#map = affine_map<(d0, d1) -> (0, 0)>
#map1 = affine_map<(d0, d1) -> (0, 0, 0)>
module attributes {stable_mosaic.version = 14 : i64} {
  func.func @k(%arg0: i32, %arg1: i32, %arg2: memref<10240x16xf32, #tpu.memory_space<hbm>>, %arg3: memref<2560x128xi32, #tpu.memory_space<hbm>>, %arg4: memref<2560x128xi32, #tpu.memory_space<hbm>>, %arg5: memref<2x10240x16xf32, #tpu.memory_space<hbm>>, %arg6: memref<136x128xi32, #tpu.memory_space<vmem>>, %arg7: memref<136x128xi32, #tpu.memory_space<vmem>>, %arg8: memref<4x128x16xf32, #tpu.memory_space<vmem>>, %arg9: memref<640x16xf32, #tpu.memory_space<vmem>>, %arg10: memref<10240x16xf32, #tpu.memory_space<vmem_shared>>, %arg11: memref<4x!tpu.dma_semaphore, #tpu.memory_space<semaphore_mem>>, %arg12: memref<4x!tpu.dma_semaphore, #tpu.memory_space<semaphore_mem>>) attributes {dimension_semantics = [#tpu.dimension_semantics<core_parallel>, #tpu.dimension_semantics<subcore_parallel>], iteration_bounds = array<i64: 2, 16>, scalar_prefetch = 0 : i64, scratch_operands = 7 : i64, tpu.core_type = #tpu.core_type<sc_vector_subcore>, window_params = [{transform_indices = #map}, {transform_indices = #map}, {transform_indices = #map}, {transform_indices = #map1}]} {
    %eq3A = arith.constant 0 : i32
    %eq3A_0 = arith.cmpi eq, %arg0, %eq3A : i32
    %jit3A = arith.constant 136 : i32
    %jit3A_1 = arith.constant 24 : i32
    %select_n3A = arith.select %eq3A_0, %jit3A, %jit3A_1 : i32
    %eq3A_2 = arith.constant 0 : i32
    %eq3A_3 = arith.cmpi eq, %arg0, %eq3A_2 : i32
    %mul3A = arith.constant 136 : i32
    %mul3A_4 = arith.muli %arg1, %mul3A : i32
    %mul3A_5 = arith.constant 24 : i32
    %mul3A_6 = arith.muli %arg1, %mul3A_5 : i32
    %add3A = arith.constant 2176 : i32
    %add3A_7 = arith.addi %add3A, %mul3A_6 : i32
    %select_n3A_8 = arith.select %eq3A_3, %mul3A_4, %add3A_7 : i32
    %scan3A = arith.constant 0 : i32
    %scan3A_9 = arith.constant 0 : i32
    %scan3A_10 = arith.constant 640 : i32
    %scan3A_11 = arith.addi %scan3A_9, %scan3A_10 : i32
    %scan3A_12 = arith.constant 1 : i32
    %scan3A_13 = scf.for %scan3A_177 = %scan3A_9 to %scan3A_11 step %scan3A_12 iter_args(%scan3A_178 = %scan3A) -> (i32)  : i32 {
      %broadcast_in_dim3A = arith.constant 0.000000e+00 : f32
      %broadcast_in_dim3A_179 = vector.broadcast %broadcast_in_dim3A : f32 to vector<16xf32>
      %swap3A = arith.index_cast %scan3A_177 : i32 to index
      %swap3A_180 = arith.constant 0 : index
      %swap3A_181 = tpu.vector_load %arg9[%swap3A, %swap3A_180] {strides = array<i32>} : memref<640x16xf32, #tpu.memory_space<vmem>>, vector<1x16xf32>,
      %swap3A_182 = vector.shape_cast %swap3A_181 : vector<1x16xf32> to vector<16xf32>
      %swap3A_183 = vector.shape_cast %broadcast_in_dim3A_179 : vector<16xf32> to vector<1x16xf32>
      tpu.vector_store %arg9[%swap3A, %swap3A_180], %swap3A_183 {strides = array<i32>} : memref<640x16xf32, #tpu.memory_space<vmem>>, vector<1x16xf32>,
      %scan3A_184 = arith.constant 0 : i32
      scf.yield %scan3A_184 : i32
    }
    %scan3A_14 = arith.constant 640 : i32
    %eq3A_15 = arith.constant 0 : i32
    %eq3A_16 = arith.cmpi eq, %arg0, %eq3A_15 : i32
    %convert_element_type3A = arith.extui %eq3A_16 : i1 to i32
    %cond3A = arith.constant 0 : i32
    %cond3A_17 = arith.cmpi ne, %convert_element_type3A, %cond3A : i32
    scf.if %cond3A_17 {
      "tpu.region"() ({
        %run_scoped3A = tpu.sem_alloc : memref<!tpu.dma_semaphore, #tpu.memory_space<semaphore_mem>>
        %dma_start3A_177 = arith.constant 0 : i32
        %dma_start3A_178 = arith.constant 0 : i32
        %dma_start3A_179 = tpu.memref_slice %arg6[%dma_start3A_177, %dma_start3A_178] : memref<136x128xi32, #tpu.memory_space<vmem>> -> memref<136x128xi32, #tpu.memory_space<vmem>>
        %dma_start3A_180 = arith.constant 0 : i32
        %dma_start3A_181 = tpu.memref_slice %arg3[%select_n3A_8, %dma_start3A_180] : memref<2560x128xi32, #tpu.memory_space<hbm>> -> memref<136x128xi32, #tpu.memory_space<hbm>>
        %dma_start3A_182 = arith.constant 0 : i32
        %dma_start3A_183 = arith.constant 0 : i32
        %dma_start3A_184 = tpu.memref_slice %arg6[%dma_start3A_182, %dma_start3A_183] : memref<136x128xi32, #tpu.memory_space<vmem>> -> memref<136x128xi32, #tpu.memory_space<vmem>>
        %dma_start3A_185 = arith.constant 0 : i32
        %dma_start3A_186 = tpu.memref_slice %arg3[%select_n3A_8, %dma_start3A_185] : memref<2560x128xi32, #tpu.memory_space<hbm>> -> memref<136x128xi32, #tpu.memory_space<hbm>>
        tpu.enqueue_dma source(%dma_start3A_186 : memref<136x128xi32, #tpu.memory_space<hbm>>) target(%dma_start3A_184 : memref<136x128xi32, #tpu.memory_space<vmem>>) target_semaphore(%run_scoped3A : memref<!tpu.dma_semaphore, #tpu.memory_space<semaphore_mem>>)
        %dma_wait3A_187 = arith.constant 0 : i32
        %dma_wait3A_188 = arith.constant 0 : i32
        %dma_wait3A_189 = tpu.memref_slice %arg6[%dma_wait3A_187, %dma_wait3A_188] : memref<136x128xi32, #tpu.memory_space<vmem>> -> memref<136x128xi32, #tpu.memory_space<vmem>>
        %dma_wait3A_190 = arith.constant 0 : i32
        %dma_wait3A_191 = tpu.memref_slice %arg3[%select_n3A_8, %dma_wait3A_190] : memref<2560x128xi32, #tpu.memory_space<hbm>> -> memref<136x128xi32, #tpu.memory_space<hbm>>
        %dma_wait3A_192 = arith.constant 0 : i32
        %dma_wait3A_193 = arith.constant 0 : i32
        %dma_wait3A_194 = tpu.memref_slice %arg6[%dma_wait3A_192, %dma_wait3A_193] : memref<136x128xi32, #tpu.memory_space<vmem>> -> memref<136x128xi32, #tpu.memory_space<vmem>>
        %dma_wait3A_195 = arith.constant 0 : i32
        %dma_wait3A_196 = tpu.memref_slice %arg3[%select_n3A_8, %dma_wait3A_195] : memref<2560x128xi32, #tpu.memory_space<hbm>> -> memref<136x128xi32, #tpu.memory_space<hbm>>
        tpu.wait_dma2 semaphore(%run_scoped3A : memref<!tpu.dma_semaphore, #tpu.memory_space<semaphore_mem>>) src(%dma_wait3A_196 : memref<136x128xi32, #tpu.memory_space<hbm>>) dst(%dma_wait3A_194 : memref<136x128xi32, #tpu.memory_space<vmem>>)
        tpu.yield
      }) : () -> ()
      "tpu.region"() ({
        %run_scoped3A = tpu.sem_alloc : memref<!tpu.dma_semaphore, #tpu.memory_space<semaphore_mem>>
        %dma_start3A_177 = arith.constant 0 : i32
        %dma_start3A_178 = arith.constant 0 : i32
        %dma_start3A_179 = tpu.memref_slice %arg7[%dma_start3A_177, %dma_start3A_178] : memref<136x128xi32, #tpu.memory_space<vmem>> -> memref<136x128xi32, #tpu.memory_space<vmem>>
        %dma_start3A_180 = arith.constant 0 : i32
        %dma_start3A_181 = tpu.memref_slice %arg4[%select_n3A_8, %dma_start3A_180] : memref<2560x128xi32, #tpu.memory_space<hbm>> -> memref<136x128xi32, #tpu.memory_space<hbm>>
        %dma_start3A_182 = arith.constant 0 : i32
        %dma_start3A_183 = arith.constant 0 : i32
        %dma_start3A_184 = tpu.memref_slice %arg7[%dma_start3A_182, %dma_start3A_183] : memref<136x128xi32, #tpu.memory_space<vmem>> -> memref<136x128xi32, #tpu.memory_space<vmem>>
        %dma_start3A_185 = arith.constant 0 : i32
        %dma_start3A_186 = tpu.memref_slice %arg4[%select_n3A_8, %dma_start3A_185] : memref<2560x128xi32, #tpu.memory_space<hbm>> -> memref<136x128xi32, #tpu.memory_space<hbm>>
        tpu.enqueue_dma source(%dma_start3A_186 : memref<136x128xi32, #tpu.memory_space<hbm>>) target(%dma_start3A_184 : memref<136x128xi32, #tpu.memory_space<vmem>>) target_semaphore(%run_scoped3A : memref<!tpu.dma_semaphore, #tpu.memory_space<semaphore_mem>>)
        %dma_wait3A_187 = arith.constant 0 : i32
        %dma_wait3A_188 = arith.constant 0 : i32
        %dma_wait3A_189 = tpu.memref_slice %arg7[%dma_wait3A_187, %dma_wait3A_188] : memref<136x128xi32, #tpu.memory_space<vmem>> -> memref<136x128xi32, #tpu.memory_space<vmem>>
        %dma_wait3A_190 = arith.constant 0 : i32
        %dma_wait3A_191 = tpu.memref_slice %arg4[%select_n3A_8, %dma_wait3A_190] : memref<2560x128xi32, #tpu.memory_space<hbm>> -> memref<136x128xi32, #tpu.memory_space<hbm>>
        %dma_wait3A_192 = arith.constant 0 : i32
        %dma_wait3A_193 = arith.constant 0 : i32
        %dma_wait3A_194 = tpu.memref_slice %arg7[%dma_wait3A_192, %dma_wait3A_193] : memref<136x128xi32, #tpu.memory_space<vmem>> -> memref<136x128xi32, #tpu.memory_space<vmem>>
        %dma_wait3A_195 = arith.constant 0 : i32
        %dma_wait3A_196 = tpu.memref_slice %arg4[%select_n3A_8, %dma_wait3A_195] : memref<2560x128xi32, #tpu.memory_space<hbm>> -> memref<136x128xi32, #tpu.memory_space<hbm>>
        tpu.wait_dma2 semaphore(%run_scoped3A : memref<!tpu.dma_semaphore, #tpu.memory_space<semaphore_mem>>) src(%dma_wait3A_196 : memref<136x128xi32, #tpu.memory_space<hbm>>) dst(%dma_wait3A_194 : memref<136x128xi32, #tpu.memory_space<vmem>>)
        tpu.yield
      }) : () -> ()
    } else {
    }
    %eq3A_18 = arith.constant 1 : i32
    %eq3A_19 = arith.cmpi eq, %arg0, %eq3A_18 : i32
    %convert_element_type3A_20 = arith.extui %eq3A_19 : i1 to i32
    %cond3A_21 = arith.constant 0 : i32
    %cond3A_22 = arith.cmpi ne, %convert_element_type3A_20, %cond3A_21 : i32
    scf.if %cond3A_22 {
      "tpu.region"() ({
        %run_scoped3A = tpu.sem_alloc : memref<!tpu.dma_semaphore, #tpu.memory_space<semaphore_mem>>
        %dma_start3A_177 = arith.constant 0 : i32
        %dma_start3A_178 = arith.constant 0 : i32
        %dma_start3A_179 = tpu.memref_slice %arg6[%dma_start3A_177, %dma_start3A_178] : memref<136x128xi32, #tpu.memory_space<vmem>> -> memref<24x128xi32, #tpu.memory_space<vmem>>
        %dma_start3A_180 = arith.constant 0 : i32
        %dma_start3A_181 = tpu.memref_slice %arg3[%select_n3A_8, %dma_start3A_180] : memref<2560x128xi32, #tpu.memory_space<hbm>> -> memref<24x128xi32, #tpu.memory_space<hbm>>
        %dma_start3A_182 = arith.constant 0 : i32
        %dma_start3A_183 = arith.constant 0 : i32
        %dma_start3A_184 = tpu.memref_slice %arg6[%dma_start3A_182, %dma_start3A_183] : memref<136x128xi32, #tpu.memory_space<vmem>> -> memref<24x128xi32, #tpu.memory_space<vmem>>
        %dma_start3A_185 = arith.constant 0 : i32
        %dma_start3A_186 = tpu.memref_slice %arg3[%select_n3A_8, %dma_start3A_185] : memref<2560x128xi32, #tpu.memory_space<hbm>> -> memref<24x128xi32, #tpu.memory_space<hbm>>
        tpu.enqueue_dma source(%dma_start3A_186 : memref<24x128xi32, #tpu.memory_space<hbm>>) target(%dma_start3A_184 : memref<24x128xi32, #tpu.memory_space<vmem>>) target_semaphore(%run_scoped3A : memref<!tpu.dma_semaphore, #tpu.memory_space<semaphore_mem>>)
        %dma_wait3A_187 = arith.constant 0 : i32
        %dma_wait3A_188 = arith.constant 0 : i32
        %dma_wait3A_189 = tpu.memref_slice %arg6[%dma_wait3A_187, %dma_wait3A_188] : memref<136x128xi32, #tpu.memory_space<vmem>> -> memref<24x128xi32, #tpu.memory_space<vmem>>
        %dma_wait3A_190 = arith.constant 0 : i32
        %dma_wait3A_191 = tpu.memref_slice %arg3[%select_n3A_8, %dma_wait3A_190] : memref<2560x128xi32, #tpu.memory_space<hbm>> -> memref<24x128xi32, #tpu.memory_space<hbm>>
        %dma_wait3A_192 = arith.constant 0 : i32
        %dma_wait3A_193 = arith.constant 0 : i32
        %dma_wait3A_194 = tpu.memref_slice %arg6[%dma_wait3A_192, %dma_wait3A_193] : memref<136x128xi32, #tpu.memory_space<vmem>> -> memref<24x128xi32, #tpu.memory_space<vmem>>
        %dma_wait3A_195 = arith.constant 0 : i32
        %dma_wait3A_196 = tpu.memref_slice %arg3[%select_n3A_8, %dma_wait3A_195] : memref<2560x128xi32, #tpu.memory_space<hbm>> -> memref<24x128xi32, #tpu.memory_space<hbm>>
        tpu.wait_dma2 semaphore(%run_scoped3A : memref<!tpu.dma_semaphore, #tpu.memory_space<semaphore_mem>>) src(%dma_wait3A_196 : memref<24x128xi32, #tpu.memory_space<hbm>>) dst(%dma_wait3A_194 : memref<24x128xi32, #tpu.memory_space<vmem>>)
        tpu.yield
      }) : () -> ()
      "tpu.region"() ({
        %run_scoped3A = tpu.sem_alloc : memref<!tpu.dma_semaphore, #tpu.memory_space<semaphore_mem>>
        %dma_start3A_177 = arith.constant 0 : i32
        %dma_start3A_178 = arith.constant 0 : i32
        %dma_start3A_179 = tpu.memref_slice %arg7[%dma_start3A_177, %dma_start3A_178] : memref<136x128xi32, #tpu.memory_space<vmem>> -> memref<24x128xi32, #tpu.memory_space<vmem>>
        %dma_start3A_180 = arith.constant 0 : i32
        %dma_start3A_181 = tpu.memref_slice %arg4[%select_n3A_8, %dma_start3A_180] : memref<2560x128xi32, #tpu.memory_space<hbm>> -> memref<24x128xi32, #tpu.memory_space<hbm>>
        %dma_start3A_182 = arith.constant 0 : i32
        %dma_start3A_183 = arith.constant 0 : i32
        %dma_start3A_184 = tpu.memref_slice %arg7[%dma_start3A_182, %dma_start3A_183] : memref<136x128xi32, #tpu.memory_space<vmem>> -> memref<24x128xi32, #tpu.memory_space<vmem>>
        %dma_start3A_185 = arith.constant 0 : i32
        %dma_start3A_186 = tpu.memref_slice %arg4[%select_n3A_8, %dma_start3A_185] : memref<2560x128xi32, #tpu.memory_space<hbm>> -> memref<24x128xi32, #tpu.memory_space<hbm>>
        tpu.enqueue_dma source(%dma_start3A_186 : memref<24x128xi32, #tpu.memory_space<hbm>>) target(%dma_start3A_184 : memref<24x128xi32, #tpu.memory_space<vmem>>) target_semaphore(%run_scoped3A : memref<!tpu.dma_semaphore, #tpu.memory_space<semaphore_mem>>)
        %dma_wait3A_187 = arith.constant 0 : i32
        %dma_wait3A_188 = arith.constant 0 : i32
        %dma_wait3A_189 = tpu.memref_slice %arg7[%dma_wait3A_187, %dma_wait3A_188] : memref<136x128xi32, #tpu.memory_space<vmem>> -> memref<24x128xi32, #tpu.memory_space<vmem>>
        %dma_wait3A_190 = arith.constant 0 : i32
        %dma_wait3A_191 = tpu.memref_slice %arg4[%select_n3A_8, %dma_wait3A_190] : memref<2560x128xi32, #tpu.memory_space<hbm>> -> memref<24x128xi32, #tpu.memory_space<hbm>>
        %dma_wait3A_192 = arith.constant 0 : i32
        %dma_wait3A_193 = arith.constant 0 : i32
        %dma_wait3A_194 = tpu.memref_slice %arg7[%dma_wait3A_192, %dma_wait3A_193] : memref<136x128xi32, #tpu.memory_space<vmem>> -> memref<24x128xi32, #tpu.memory_space<vmem>>
        %dma_wait3A_195 = arith.constant 0 : i32
        %dma_wait3A_196 = tpu.memref_slice %arg4[%select_n3A_8, %dma_wait3A_195] : memref<2560x128xi32, #tpu.memory_space<hbm>> -> memref<24x128xi32, #tpu.memory_space<hbm>>
        tpu.wait_dma2 semaphore(%run_scoped3A : memref<!tpu.dma_semaphore, #tpu.memory_space<semaphore_mem>>) src(%dma_wait3A_196 : memref<24x128xi32, #tpu.memory_space<hbm>>) dst(%dma_wait3A_194 : memref<24x128xi32, #tpu.memory_space<vmem>>)
        tpu.yield
      }) : () -> ()
    } else {
    }
    %dma_start3A = arith.constant 0 : i32
    %dma_start3A_23 = arith.constant 0 : i32
    %dma_start3A_24 = arith.constant 0 : i32
    %dma_start3A_25 = arith.constant 0 : i32
    %dma_start3A_26 = arith.constant 0 : i32
    %dma_start3A_27 = tpu.memref_slice %arg8[%dma_start3A_23, %dma_start3A_25, %dma_start3A_26] : memref<4x128x16xf32, #tpu.memory_space<vmem>> -> memref<1x128x16xf32, #tpu.memory_space<vmem>>
    %dma_start3A_28 = tpu.memref_squeeze %dma_start3A_27 : memref<1x128x16xf32, #tpu.memory_space<vmem>> -> memref<128x16xf32, #tpu.memory_space<vmem>>
    %dma_start3A_29 = arith.constant 0 : i32
    %dma_start3A_30 = tpu.memref_slice %arg6[%dma_start3A, %dma_start3A_29] : memref<136x128xi32, #tpu.memory_space<vmem>> -> memref<1x128xi32, #tpu.memory_space<vmem>>
    %dma_start3A_31 = tpu.memref_squeeze %dma_start3A_30 : memref<1x128xi32, #tpu.memory_space<vmem>> -> memref<128xi32, #tpu.memory_space<vmem>>
    %dma_start3A_32 = arith.constant 0 : i32
    %dma_start3A_33 = arith.constant 0 : i32
    %dma_start3A_34 = tpu.memref_slice %arg2[%dma_start3A_32, %dma_start3A_33] : memref<10240x16xf32, #tpu.memory_space<hbm>> -> memref<10240x16xf32, #tpu.memory_space<hbm>>
    %dma_start3A_35 = tpu.memref_slice %arg11[%dma_start3A_24] : memref<4x!tpu.dma_semaphore, #tpu.memory_space<semaphore_mem>> -> memref<1x!tpu.dma_semaphore, #tpu.memory_space<semaphore_mem>>
    %dma_start3A_36 = tpu.memref_squeeze %dma_start3A_35 : memref<1x!tpu.dma_semaphore, #tpu.memory_space<semaphore_mem>> -> memref<!tpu.dma_semaphore, #tpu.memory_space<semaphore_mem>>
    tpu.enqueue_indirect_dma source(%dma_start3A_34 : memref<10240x16xf32, #tpu.memory_space<hbm>>) target(%dma_start3A_28 : memref<128x16xf32, #tpu.memory_space<vmem>>) offsets(%dma_start3A_31 : memref<128xi32, #tpu.memory_space<vmem>>) semaphore(%dma_start3A_36 : memref<!tpu.dma_semaphore, #tpu.memory_space<semaphore_mem>>)
    %dma_start3A_37 = arith.constant 1 : i32
    %dma_start3A_38 = arith.constant 1 : i32
    %dma_start3A_39 = arith.constant 1 : i32
    %dma_start3A_40 = arith.constant 0 : i32
    %dma_start3A_41 = arith.constant 0 : i32
    %dma_start3A_42 = tpu.memref_slice %arg8[%dma_start3A_38, %dma_start3A_40, %dma_start3A_41] : memref<4x128x16xf32, #tpu.memory_space<vmem>> -> memref<1x128x16xf32, #tpu.memory_space<vmem>>
    %dma_start3A_43 = tpu.memref_squeeze %dma_start3A_42 : memref<1x128x16xf32, #tpu.memory_space<vmem>> -> memref<128x16xf32, #tpu.memory_space<vmem>>
    %dma_start3A_44 = arith.constant 0 : i32
    %dma_start3A_45 = tpu.memref_slice %arg6[%dma_start3A_37, %dma_start3A_44] : memref<136x128xi32, #tpu.memory_space<vmem>> -> memref<1x128xi32, #tpu.memory_space<vmem>>
    %dma_start3A_46 = tpu.memref_squeeze %dma_start3A_45 : memref<1x128xi32, #tpu.memory_space<vmem>> -> memref<128xi32, #tpu.memory_space<vmem>>
    %dma_start3A_47 = arith.constant 0 : i32
    %dma_start3A_48 = arith.constant 0 : i32
    %dma_start3A_49 = tpu.memref_slice %arg2[%dma_start3A_47, %dma_start3A_48] : memref<10240x16xf32, #tpu.memory_space<hbm>> -> memref<10240x16xf32, #tpu.memory_space<hbm>>
    %dma_start3A_50 = tpu.memref_slice %arg11[%dma_start3A_39] : memref<4x!tpu.dma_semaphore, #tpu.memory_space<semaphore_mem>> -> memref<1x!tpu.dma_semaphore, #tpu.memory_space<semaphore_mem>>
    %dma_start3A_51 = tpu.memref_squeeze %dma_start3A_50 : memref<1x!tpu.dma_semaphore, #tpu.memory_space<semaphore_mem>> -> memref<!tpu.dma_semaphore, #tpu.memory_space<semaphore_mem>>
    tpu.enqueue_indirect_dma source(%dma_start3A_49 : memref<10240x16xf32, #tpu.memory_space<hbm>>) target(%dma_start3A_43 : memref<128x16xf32, #tpu.memory_space<vmem>>) offsets(%dma_start3A_46 : memref<128xi32, #tpu.memory_space<vmem>>) semaphore(%dma_start3A_51 : memref<!tpu.dma_semaphore, #tpu.memory_space<semaphore_mem>>)
    %dma_start3A_52 = arith.constant 2 : i32
    %dma_start3A_53 = arith.constant 2 : i32
    %dma_start3A_54 = arith.constant 2 : i32
    %dma_start3A_55 = arith.constant 0 : i32
    %dma_start3A_56 = arith.constant 0 : i32
    %dma_start3A_57 = tpu.memref_slice %arg8[%dma_start3A_53, %dma_start3A_55, %dma_start3A_56] : memref<4x128x16xf32, #tpu.memory_space<vmem>> -> memref<1x128x16xf32, #tpu.memory_space<vmem>>
    %dma_start3A_58 = tpu.memref_squeeze %dma_start3A_57 : memref<1x128x16xf32, #tpu.memory_space<vmem>> -> memref<128x16xf32, #tpu.memory_space<vmem>>
    %dma_start3A_59 = arith.constant 0 : i32
    %dma_start3A_60 = tpu.memref_slice %arg6[%dma_start3A_52, %dma_start3A_59] : memref<136x128xi32, #tpu.memory_space<vmem>> -> memref<1x128xi32, #tpu.memory_space<vmem>>
    %dma_start3A_61 = tpu.memref_squeeze %dma_start3A_60 : memref<1x128xi32, #tpu.memory_space<vmem>> -> memref<128xi32, #tpu.memory_space<vmem>>
    %dma_start3A_62 = arith.constant 0 : i32
    %dma_start3A_63 = arith.constant 0 : i32
    %dma_start3A_64 = tpu.memref_slice %arg2[%dma_start3A_62, %dma_start3A_63] : memref<10240x16xf32, #tpu.memory_space<hbm>> -> memref<10240x16xf32, #tpu.memory_space<hbm>>
    %dma_start3A_65 = tpu.memref_slice %arg11[%dma_start3A_54] : memref<4x!tpu.dma_semaphore, #tpu.memory_space<semaphore_mem>> -> memref<1x!tpu.dma_semaphore, #tpu.memory_space<semaphore_mem>>
    %dma_start3A_66 = tpu.memref_squeeze %dma_start3A_65 : memref<1x!tpu.dma_semaphore, #tpu.memory_space<semaphore_mem>> -> memref<!tpu.dma_semaphore, #tpu.memory_space<semaphore_mem>>
    tpu.enqueue_indirect_dma source(%dma_start3A_64 : memref<10240x16xf32, #tpu.memory_space<hbm>>) target(%dma_start3A_58 : memref<128x16xf32, #tpu.memory_space<vmem>>) offsets(%dma_start3A_61 : memref<128xi32, #tpu.memory_space<vmem>>) semaphore(%dma_start3A_66 : memref<!tpu.dma_semaphore, #tpu.memory_space<semaphore_mem>>)
    %dma_start3A_67 = arith.constant 3 : i32
    %dma_start3A_68 = arith.constant 3 : i32
    %dma_start3A_69 = arith.constant 3 : i32
    %dma_start3A_70 = arith.constant 0 : i32
    %dma_start3A_71 = arith.constant 0 : i32
    %dma_start3A_72 = tpu.memref_slice %arg8[%dma_start3A_68, %dma_start3A_70, %dma_start3A_71] : memref<4x128x16xf32, #tpu.memory_space<vmem>> -> memref<1x128x16xf32, #tpu.memory_space<vmem>>
    %dma_start3A_73 = tpu.memref_squeeze %dma_start3A_72 : memref<1x128x16xf32, #tpu.memory_space<vmem>> -> memref<128x16xf32, #tpu.memory_space<vmem>>
    %dma_start3A_74 = arith.constant 0 : i32
    %dma_start3A_75 = tpu.memref_slice %arg6[%dma_start3A_67, %dma_start3A_74] : memref<136x128xi32, #tpu.memory_space<vmem>> -> memref<1x128xi32, #tpu.memory_space<vmem>>
    %dma_start3A_76 = tpu.memref_squeeze %dma_start3A_75 : memref<1x128xi32, #tpu.memory_space<vmem>> -> memref<128xi32, #tpu.memory_space<vmem>>
    %dma_start3A_77 = arith.constant 0 : i32
    %dma_start3A_78 = arith.constant 0 : i32
    %dma_start3A_79 = tpu.memref_slice %arg2[%dma_start3A_77, %dma_start3A_78] : memref<10240x16xf32, #tpu.memory_space<hbm>> -> memref<10240x16xf32, #tpu.memory_space<hbm>>
    %dma_start3A_80 = tpu.memref_slice %arg11[%dma_start3A_69] : memref<4x!tpu.dma_semaphore, #tpu.memory_space<semaphore_mem>> -> memref<1x!tpu.dma_semaphore, #tpu.memory_space<semaphore_mem>>
    %dma_start3A_81 = tpu.memref_squeeze %dma_start3A_80 : memref<1x!tpu.dma_semaphore, #tpu.memory_space<semaphore_mem>> -> memref<!tpu.dma_semaphore, #tpu.memory_space<semaphore_mem>>
    tpu.enqueue_indirect_dma source(%dma_start3A_79 : memref<10240x16xf32, #tpu.memory_space<hbm>>) target(%dma_start3A_73 : memref<128x16xf32, #tpu.memory_space<vmem>>) offsets(%dma_start3A_76 : memref<128xi32, #tpu.memory_space<vmem>>) semaphore(%dma_start3A_81 : memref<!tpu.dma_semaphore, #tpu.memory_space<semaphore_mem>>)
    %mul3A_82 = arith.constant 640 : i32
    %mul3A_83 = arith.muli %arg1, %mul3A_82 : i32
    "tpu.region"() ({
      %run_scoped3A = tpu.sem_alloc : memref<!tpu.dma_semaphore, #tpu.memory_space<semaphore_mem>>
      %dma_start3A_177 = arith.constant 0 : i32
      %dma_start3A_178 = tpu.memref_slice %arg10[%mul3A_83, %dma_start3A_177] : memref<10240x16xf32, #tpu.memory_space<vmem_shared>> -> memref<640x16xf32, #tpu.memory_space<vmem_shared>>
      %dma_start3A_179 = arith.constant 0 : i32
      %dma_start3A_180 = tpu.memref_slice %arg10[%mul3A_83, %dma_start3A_179] : memref<10240x16xf32, #tpu.memory_space<vmem_shared>> -> memref<640x16xf32, #tpu.memory_space<vmem_shared>>
      tpu.enqueue_dma source(%arg9 : memref<640x16xf32, #tpu.memory_space<vmem>>) target(%dma_start3A_180 : memref<640x16xf32, #tpu.memory_space<vmem_shared>>) target_semaphore(%run_scoped3A : memref<!tpu.dma_semaphore, #tpu.memory_space<semaphore_mem>>)
      %dma_wait3A_181 = arith.constant 0 : i32
      %dma_wait3A_182 = tpu.memref_slice %arg10[%mul3A_83, %dma_wait3A_181] : memref<10240x16xf32, #tpu.memory_space<vmem_shared>> -> memref<640x16xf32, #tpu.memory_space<vmem_shared>>
      %dma_wait3A_183 = arith.constant 0 : i32
      %dma_wait3A_184 = tpu.memref_slice %arg10[%mul3A_83, %dma_wait3A_183] : memref<10240x16xf32, #tpu.memory_space<vmem_shared>> -> memref<640x16xf32, #tpu.memory_space<vmem_shared>>
      tpu.wait_dma2 semaphore(%run_scoped3A : memref<!tpu.dma_semaphore, #tpu.memory_space<semaphore_mem>>) src(%arg9 : memref<640x16xf32, #tpu.memory_space<vmem>>) dst(%dma_wait3A_184 : memref<640x16xf32, #tpu.memory_space<vmem_shared>>)
      tpu.yield
    }) : () -> ()
    %barrier3A = arith.constant 0 : index
    tpu.barrier barrier_id(%barrier3A)
    %jit3A_84 = arith.constant 4 : i32
    %div3A = arith.divsi %select_n3A, %jit3A_84 : i32
    %sign3A = arith.constant 0 : i32
    %sign3A_85 = arith.cmpi sgt, %select_n3A, %sign3A : i32
    %sign3A_86 = arith.extui %sign3A_85 : i1 to i32
    %sign3A_87 = arith.constant 0 : i32
    %sign3A_88 = arith.cmpi slt, %select_n3A, %sign3A_87 : i32
    %sign3A_89 = arith.extui %sign3A_88 : i1 to i32
    %sign3A_90 = arith.subi %sign3A_86, %sign3A_89 : i32
    %sign3A_91 = arith.constant 0 : i32
    %sign3A_92 = arith.cmpi sgt, %jit3A_84, %sign3A_91 : i32
    %sign3A_93 = arith.extui %sign3A_92 : i1 to i32
    %sign3A_94 = arith.constant 0 : i32
    %sign3A_95 = arith.cmpi slt, %jit3A_84, %sign3A_94 : i32
    %sign3A_96 = arith.extui %sign3A_95 : i1 to i32
    %sign3A_97 = arith.subi %sign3A_93, %sign3A_96 : i32
    %ne3A = arith.cmpi ne, %sign3A_90, %sign3A_97 : i32
    %rem3A = arith.remsi %select_n3A, %jit3A_84 : i32
    %ne3A_98 = arith.constant 0 : i32
    %ne3A_99 = arith.cmpi ne, %rem3A, %ne3A_98 : i32
    %and3A = arith.andi %ne3A, %ne3A_99 : i1
    %sub3A = arith.constant 1 : i32
    %sub3A_100 = arith.subi %div3A, %sub3A : i32
    %select_n3A_101 = arith.select %and3A, %sub3A_100, %div3A : i32
    %while3A = arith.constant 0 : i32
    %while3A_102 = arith.constant 0 : i32
    %while3A_103 = arith.subi %select_n3A_101, %while3A : i32
    %while3A_104 = arith.addi %while3A, %while3A_103 : i32
    %while3A_105 = arith.constant 1 : i32
    %while3A_106 = arith.divsi %while3A_103, %while3A_105 : i32
    %while3A_107 = arith.muli %while3A_106, %while3A_105 : i32
    %while3A_108 = arith.addi %while3A, %while3A_107 : i32
    %while3A_109 = arith.constant 1 : i32
    %while3A_110 = scf.for %while3A_177 = %while3A to %while3A_108 step %while3A_109 iter_args(%while3A_178 = %while3A_102) -> (i32)  : i32 {
      %mul3A_179 = arith.constant 4 : i32
      %mul3A_180 = arith.muli %while3A_177, %mul3A_179 : i32
      %add3A_181 = arith.constant 0 : i32
      %add3A_182 = arith.addi %mul3A_180, %add3A_181 : i32
      %dma_wait3A_183 = arith.constant 0 : i32
      %dma_wait3A_184 = arith.constant 0 : i32
      %dma_wait3A_185 = arith.constant 0 : i32
      %dma_wait3A_186 = arith.constant 0 : i32
      %dma_wait3A_187 = tpu.memref_slice %arg8[%dma_wait3A_183, %dma_wait3A_185, %dma_wait3A_186] : memref<4x128x16xf32, #tpu.memory_space<vmem>> -> memref<1x128x16xf32, #tpu.memory_space<vmem>>
      %dma_wait3A_188 = tpu.memref_squeeze %dma_wait3A_187 : memref<1x128x16xf32, #tpu.memory_space<vmem>> -> memref<128x16xf32, #tpu.memory_space<vmem>>
      %dma_wait3A_189 = arith.constant 0 : i32
      %dma_wait3A_190 = tpu.memref_slice %arg6[%add3A_182, %dma_wait3A_189] : memref<136x128xi32, #tpu.memory_space<vmem>> -> memref<1x128xi32, #tpu.memory_space<vmem>>
      %dma_wait3A_191 = tpu.memref_squeeze %dma_wait3A_190 : memref<1x128xi32, #tpu.memory_space<vmem>> -> memref<128xi32, #tpu.memory_space<vmem>>
      %dma_wait3A_192 = arith.constant 0 : i32
      %dma_wait3A_193 = arith.constant 0 : i32
      %dma_wait3A_194 = tpu.memref_slice %arg2[%dma_wait3A_192, %dma_wait3A_193] : memref<10240x16xf32, #tpu.memory_space<hbm>> -> memref<10240x16xf32, #tpu.memory_space<hbm>>
      %dma_wait3A_195 = tpu.memref_slice %arg11[%dma_wait3A_184] : memref<4x!tpu.dma_semaphore, #tpu.memory_space<semaphore_mem>> -> memref<1x!tpu.dma_semaphore, #tpu.memory_space<semaphore_mem>>
      %dma_wait3A_196 = tpu.memref_squeeze %dma_wait3A_195 : memref<1x!tpu.dma_semaphore, #tpu.memory_space<semaphore_mem>> -> memref<!tpu.dma_semaphore, #tpu.memory_space<semaphore_mem>>
      tpu.wait_indirect_dma semaphore(%dma_wait3A_196 : memref<!tpu.dma_semaphore, #tpu.memory_space<semaphore_mem>>) src(%dma_wait3A_194 : memref<10240x16xf32, #tpu.memory_space<hbm>>) dst(%dma_wait3A_188 : memref<128x16xf32, #tpu.memory_space<vmem>>)
      %dma_start3A_197 = arith.constant 0 : i32
      %dma_start3A_198 = arith.constant 0 : i32
      %dma_start3A_199 = arith.constant 0 : i32
      %dma_start3A_200 = arith.constant 0 : i32
      %dma_start3A_201 = tpu.memref_slice %arg8[%dma_start3A_197, %dma_start3A_199, %dma_start3A_200] : memref<4x128x16xf32, #tpu.memory_space<vmem>> -> memref<1x128x16xf32, #tpu.memory_space<vmem>>
      %dma_start3A_202 = tpu.memref_squeeze %dma_start3A_201 : memref<1x128x16xf32, #tpu.memory_space<vmem>> -> memref<128x16xf32, #tpu.memory_space<vmem>>
      %dma_start3A_203 = arith.constant 0 : i32
      %dma_start3A_204 = tpu.memref_slice %arg7[%add3A_182, %dma_start3A_203] : memref<136x128xi32, #tpu.memory_space<vmem>> -> memref<1x128xi32, #tpu.memory_space<vmem>>
      %dma_start3A_205 = tpu.memref_squeeze %dma_start3A_204 : memref<1x128xi32, #tpu.memory_space<vmem>> -> memref<128xi32, #tpu.memory_space<vmem>>
      %dma_start3A_206 = arith.constant 0 : i32
      %dma_start3A_207 = arith.constant 0 : i32
      %dma_start3A_208 = tpu.memref_slice %arg10[%dma_start3A_206, %dma_start3A_207] : memref<10240x16xf32, #tpu.memory_space<vmem_shared>> -> memref<10240x16xf32, #tpu.memory_space<vmem_shared>>
      %dma_start3A_209 = tpu.memref_slice %arg12[%dma_start3A_198] : memref<4x!tpu.dma_semaphore, #tpu.memory_space<semaphore_mem>> -> memref<1x!tpu.dma_semaphore, #tpu.memory_space<semaphore_mem>>
      %dma_start3A_210 = tpu.memref_squeeze %dma_start3A_209 : memref<1x!tpu.dma_semaphore, #tpu.memory_space<semaphore_mem>> -> memref<!tpu.dma_semaphore, #tpu.memory_space<semaphore_mem>>
      tpu.enqueue_indirect_dma source(%dma_start3A_202 : memref<128x16xf32, #tpu.memory_space<vmem>>) target(%dma_start3A_208 : memref<10240x16xf32, #tpu.memory_space<vmem_shared>>) offsets(%dma_start3A_205 : memref<128xi32, #tpu.memory_space<vmem>>) semaphore(%dma_start3A_210 : memref<!tpu.dma_semaphore, #tpu.memory_space<semaphore_mem>>) {add = true}
      %add3A_211 = arith.constant 1 : i32
      %add3A_212 = arith.addi %mul3A_180, %add3A_211 : i32
      %dma_wait3A_213 = arith.constant 1 : i32
      %dma_wait3A_214 = arith.constant 1 : i32
      %dma_wait3A_215 = arith.constant 0 : i32
      %dma_wait3A_216 = arith.constant 0 : i32
      %dma_wait3A_217 = tpu.memref_slice %arg8[%dma_wait3A_213, %dma_wait3A_215, %dma_wait3A_216] : memref<4x128x16xf32, #tpu.memory_space<vmem>> -> memref<1x128x16xf32, #tpu.memory_space<vmem>>
      %dma_wait3A_218 = tpu.memref_squeeze %dma_wait3A_217 : memref<1x128x16xf32, #tpu.memory_space<vmem>> -> memref<128x16xf32, #tpu.memory_space<vmem>>
      %dma_wait3A_219 = arith.constant 0 : i32
      %dma_wait3A_220 = tpu.memref_slice %arg6[%add3A_212, %dma_wait3A_219] : memref<136x128xi32, #tpu.memory_space<vmem>> -> memref<1x128xi32, #tpu.memory_space<vmem>>
      %dma_wait3A_221 = tpu.memref_squeeze %dma_wait3A_220 : memref<1x128xi32, #tpu.memory_space<vmem>> -> memref<128xi32, #tpu.memory_space<vmem>>
      %dma_wait3A_222 = arith.constant 0 : i32
      %dma_wait3A_223 = arith.constant 0 : i32
      %dma_wait3A_224 = tpu.memref_slice %arg2[%dma_wait3A_222, %dma_wait3A_223] : memref<10240x16xf32, #tpu.memory_space<hbm>> -> memref<10240x16xf32, #tpu.memory_space<hbm>>
      %dma_wait3A_225 = tpu.memref_slice %arg11[%dma_wait3A_214] : memref<4x!tpu.dma_semaphore, #tpu.memory_space<semaphore_mem>> -> memref<1x!tpu.dma_semaphore, #tpu.memory_space<semaphore_mem>>
      %dma_wait3A_226 = tpu.memref_squeeze %dma_wait3A_225 : memref<1x!tpu.dma_semaphore, #tpu.memory_space<semaphore_mem>> -> memref<!tpu.dma_semaphore, #tpu.memory_space<semaphore_mem>>
      tpu.wait_indirect_dma semaphore(%dma_wait3A_226 : memref<!tpu.dma_semaphore, #tpu.memory_space<semaphore_mem>>) src(%dma_wait3A_224 : memref<10240x16xf32, #tpu.memory_space<hbm>>) dst(%dma_wait3A_218 : memref<128x16xf32, #tpu.memory_space<vmem>>)
      %dma_start3A_227 = arith.constant 1 : i32
      %dma_start3A_228 = arith.constant 1 : i32
      %dma_start3A_229 = arith.constant 0 : i32
      %dma_start3A_230 = arith.constant 0 : i32
      %dma_start3A_231 = tpu.memref_slice %arg8[%dma_start3A_227, %dma_start3A_229, %dma_start3A_230] : memref<4x128x16xf32, #tpu.memory_space<vmem>> -> memref<1x128x16xf32, #tpu.memory_space<vmem>>
      %dma_start3A_232 = tpu.memref_squeeze %dma_start3A_231 : memref<1x128x16xf32, #tpu.memory_space<vmem>> -> memref<128x16xf32, #tpu.memory_space<vmem>>
      %dma_start3A_233 = arith.constant 0 : i32
      %dma_start3A_234 = tpu.memref_slice %arg7[%add3A_212, %dma_start3A_233] : memref<136x128xi32, #tpu.memory_space<vmem>> -> memref<1x128xi32, #tpu.memory_space<vmem>>
      %dma_start3A_235 = tpu.memref_squeeze %dma_start3A_234 : memref<1x128xi32, #tpu.memory_space<vmem>> -> memref<128xi32, #tpu.memory_space<vmem>>
      %dma_start3A_236 = arith.constant 0 : i32
      %dma_start3A_237 = arith.constant 0 : i32
      %dma_start3A_238 = tpu.memref_slice %arg10[%dma_start3A_236, %dma_start3A_237] : memref<10240x16xf32, #tpu.memory_space<vmem_shared>> -> memref<10240x16xf32, #tpu.memory_space<vmem_shared>>
      %dma_start3A_239 = tpu.memref_slice %arg12[%dma_start3A_228] : memref<4x!tpu.dma_semaphore, #tpu.memory_space<semaphore_mem>> -> memref<1x!tpu.dma_semaphore, #tpu.memory_space<semaphore_mem>>
      %dma_start3A_240 = tpu.memref_squeeze %dma_start3A_239 : memref<1x!tpu.dma_semaphore, #tpu.memory_space<semaphore_mem>> -> memref<!tpu.dma_semaphore, #tpu.memory_space<semaphore_mem>>
      tpu.enqueue_indirect_dma source(%dma_start3A_232 : memref<128x16xf32, #tpu.memory_space<vmem>>) target(%dma_start3A_238 : memref<10240x16xf32, #tpu.memory_space<vmem_shared>>) offsets(%dma_start3A_235 : memref<128xi32, #tpu.memory_space<vmem>>) semaphore(%dma_start3A_240 : memref<!tpu.dma_semaphore, #tpu.memory_space<semaphore_mem>>) {add = true}
      %add3A_241 = arith.constant 2 : i32
      %add3A_242 = arith.addi %mul3A_180, %add3A_241 : i32
      %dma_wait3A_243 = arith.constant 2 : i32
      %dma_wait3A_244 = arith.constant 2 : i32
      %dma_wait3A_245 = arith.constant 0 : i32
      %dma_wait3A_246 = arith.constant 0 : i32
      %dma_wait3A_247 = tpu.memref_slice %arg8[%dma_wait3A_243, %dma_wait3A_245, %dma_wait3A_246] : memref<4x128x16xf32, #tpu.memory_space<vmem>> -> memref<1x128x16xf32, #tpu.memory_space<vmem>>
      %dma_wait3A_248 = tpu.memref_squeeze %dma_wait3A_247 : memref<1x128x16xf32, #tpu.memory_space<vmem>> -> memref<128x16xf32, #tpu.memory_space<vmem>>
      %dma_wait3A_249 = arith.constant 0 : i32
      %dma_wait3A_250 = tpu.memref_slice %arg6[%add3A_242, %dma_wait3A_249] : memref<136x128xi32, #tpu.memory_space<vmem>> -> memref<1x128xi32, #tpu.memory_space<vmem>>
      %dma_wait3A_251 = tpu.memref_squeeze %dma_wait3A_250 : memref<1x128xi32, #tpu.memory_space<vmem>> -> memref<128xi32, #tpu.memory_space<vmem>>
      %dma_wait3A_252 = arith.constant 0 : i32
      %dma_wait3A_253 = arith.constant 0 : i32
      %dma_wait3A_254 = tpu.memref_slice %arg2[%dma_wait3A_252, %dma_wait3A_253] : memref<10240x16xf32, #tpu.memory_space<hbm>> -> memref<10240x16xf32, #tpu.memory_space<hbm>>
      %dma_wait3A_255 = tpu.memref_slice %arg11[%dma_wait3A_244] : memref<4x!tpu.dma_semaphore, #tpu.memory_space<semaphore_mem>> -> memref<1x!tpu.dma_semaphore, #tpu.memory_space<semaphore_mem>>
      %dma_wait3A_256 = tpu.memref_squeeze %dma_wait3A_255 : memref<1x!tpu.dma_semaphore, #tpu.memory_space<semaphore_mem>> -> memref<!tpu.dma_semaphore, #tpu.memory_space<semaphore_mem>>
      tpu.wait_indirect_dma semaphore(%dma_wait3A_256 : memref<!tpu.dma_semaphore, #tpu.memory_space<semaphore_mem>>) src(%dma_wait3A_254 : memref<10240x16xf32, #tpu.memory_space<hbm>>) dst(%dma_wait3A_248 : memref<128x16xf32, #tpu.memory_space<vmem>>)
      %dma_start3A_257 = arith.constant 2 : i32
      %dma_start3A_258 = arith.constant 2 : i32
      %dma_start3A_259 = arith.constant 0 : i32
      %dma_start3A_260 = arith.constant 0 : i32
      %dma_start3A_261 = tpu.memref_slice %arg8[%dma_start3A_257, %dma_start3A_259, %dma_start3A_260] : memref<4x128x16xf32, #tpu.memory_space<vmem>> -> memref<1x128x16xf32, #tpu.memory_space<vmem>>
      %dma_start3A_262 = tpu.memref_squeeze %dma_start3A_261 : memref<1x128x16xf32, #tpu.memory_space<vmem>> -> memref<128x16xf32, #tpu.memory_space<vmem>>
      %dma_start3A_263 = arith.constant 0 : i32
      %dma_start3A_264 = tpu.memref_slice %arg7[%add3A_242, %dma_start3A_263] : memref<136x128xi32, #tpu.memory_space<vmem>> -> memref<1x128xi32, #tpu.memory_space<vmem>>
      %dma_start3A_265 = tpu.memref_squeeze %dma_start3A_264 : memref<1x128xi32, #tpu.memory_space<vmem>> -> memref<128xi32, #tpu.memory_space<vmem>>
      %dma_start3A_266 = arith.constant 0 : i32
      %dma_start3A_267 = arith.constant 0 : i32
      %dma_start3A_268 = tpu.memref_slice %arg10[%dma_start3A_266, %dma_start3A_267] : memref<10240x16xf32, #tpu.memory_space<vmem_shared>> -> memref<10240x16xf32, #tpu.memory_space<vmem_shared>>
      %dma_start3A_269 = tpu.memref_slice %arg12[%dma_start3A_258] : memref<4x!tpu.dma_semaphore, #tpu.memory_space<semaphore_mem>> -> memref<1x!tpu.dma_semaphore, #tpu.memory_space<semaphore_mem>>
      %dma_start3A_270 = tpu.memref_squeeze %dma_start3A_269 : memref<1x!tpu.dma_semaphore, #tpu.memory_space<semaphore_mem>> -> memref<!tpu.dma_semaphore, #tpu.memory_space<semaphore_mem>>
      tpu.enqueue_indirect_dma source(%dma_start3A_262 : memref<128x16xf32, #tpu.memory_space<vmem>>) target(%dma_start3A_268 : memref<10240x16xf32, #tpu.memory_space<vmem_shared>>) offsets(%dma_start3A_265 : memref<128xi32, #tpu.memory_space<vmem>>) semaphore(%dma_start3A_270 : memref<!tpu.dma_semaphore, #tpu.memory_space<semaphore_mem>>) {add = true}
      %add3A_271 = arith.constant 3 : i32
      %add3A_272 = arith.addi %mul3A_180, %add3A_271 : i32
      %dma_wait3A_273 = arith.constant 3 : i32
      %dma_wait3A_274 = arith.constant 3 : i32
      %dma_wait3A_275 = arith.constant 0 : i32
      %dma_wait3A_276 = arith.constant 0 : i32
      %dma_wait3A_277 = tpu.memref_slice %arg8[%dma_wait3A_273, %dma_wait3A_275, %dma_wait3A_276] : memref<4x128x16xf32, #tpu.memory_space<vmem>> -> memref<1x128x16xf32, #tpu.memory_space<vmem>>
      %dma_wait3A_278 = tpu.memref_squeeze %dma_wait3A_277 : memref<1x128x16xf32, #tpu.memory_space<vmem>> -> memref<128x16xf32, #tpu.memory_space<vmem>>
      %dma_wait3A_279 = arith.constant 0 : i32
      %dma_wait3A_280 = tpu.memref_slice %arg6[%add3A_272, %dma_wait3A_279] : memref<136x128xi32, #tpu.memory_space<vmem>> -> memref<1x128xi32, #tpu.memory_space<vmem>>
      %dma_wait3A_281 = tpu.memref_squeeze %dma_wait3A_280 : memref<1x128xi32, #tpu.memory_space<vmem>> -> memref<128xi32, #tpu.memory_space<vmem>>
      %dma_wait3A_282 = arith.constant 0 : i32
      %dma_wait3A_283 = arith.constant 0 : i32
      %dma_wait3A_284 = tpu.memref_slice %arg2[%dma_wait3A_282, %dma_wait3A_283] : memref<10240x16xf32, #tpu.memory_space<hbm>> -> memref<10240x16xf32, #tpu.memory_space<hbm>>
      %dma_wait3A_285 = tpu.memref_slice %arg11[%dma_wait3A_274] : memref<4x!tpu.dma_semaphore, #tpu.memory_space<semaphore_mem>> -> memref<1x!tpu.dma_semaphore, #tpu.memory_space<semaphore_mem>>
      %dma_wait3A_286 = tpu.memref_squeeze %dma_wait3A_285 : memref<1x!tpu.dma_semaphore, #tpu.memory_space<semaphore_mem>> -> memref<!tpu.dma_semaphore, #tpu.memory_space<semaphore_mem>>
      tpu.wait_indirect_dma semaphore(%dma_wait3A_286 : memref<!tpu.dma_semaphore, #tpu.memory_space<semaphore_mem>>) src(%dma_wait3A_284 : memref<10240x16xf32, #tpu.memory_space<hbm>>) dst(%dma_wait3A_278 : memref<128x16xf32, #tpu.memory_space<vmem>>)
      %dma_start3A_287 = arith.constant 3 : i32
      %dma_start3A_288 = arith.constant 3 : i32
      %dma_start3A_289 = arith.constant 0 : i32
      %dma_start3A_290 = arith.constant 0 : i32
      %dma_start3A_291 = tpu.memref_slice %arg8[%dma_start3A_287, %dma_start3A_289, %dma_start3A_290] : memref<4x128x16xf32, #tpu.memory_space<vmem>> -> memref<1x128x16xf32, #tpu.memory_space<vmem>>
      %dma_start3A_292 = tpu.memref_squeeze %dma_start3A_291 : memref<1x128x16xf32, #tpu.memory_space<vmem>> -> memref<128x16xf32, #tpu.memory_space<vmem>>
      %dma_start3A_293 = arith.constant 0 : i32
      %dma_start3A_294 = tpu.memref_slice %arg7[%add3A_272, %dma_start3A_293] : memref<136x128xi32, #tpu.memory_space<vmem>> -> memref<1x128xi32, #tpu.memory_space<vmem>>
      %dma_start3A_295 = tpu.memref_squeeze %dma_start3A_294 : memref<1x128xi32, #tpu.memory_space<vmem>> -> memref<128xi32, #tpu.memory_space<vmem>>
      %dma_start3A_296 = arith.constant 0 : i32
      %dma_start3A_297 = arith.constant 0 : i32
      %dma_start3A_298 = tpu.memref_slice %arg10[%dma_start3A_296, %dma_start3A_297] : memref<10240x16xf32, #tpu.memory_space<vmem_shared>> -> memref<10240x16xf32, #tpu.memory_space<vmem_shared>>
      %dma_start3A_299 = tpu.memref_slice %arg12[%dma_start3A_288] : memref<4x!tpu.dma_semaphore, #tpu.memory_space<semaphore_mem>> -> memref<1x!tpu.dma_semaphore, #tpu.memory_space<semaphore_mem>>
      %dma_start3A_300 = tpu.memref_squeeze %dma_start3A_299 : memref<1x!tpu.dma_semaphore, #tpu.memory_space<semaphore_mem>> -> memref<!tpu.dma_semaphore, #tpu.memory_space<semaphore_mem>>
      tpu.enqueue_indirect_dma source(%dma_start3A_292 : memref<128x16xf32, #tpu.memory_space<vmem>>) target(%dma_start3A_298 : memref<10240x16xf32, #tpu.memory_space<vmem_shared>>) offsets(%dma_start3A_295 : memref<128xi32, #tpu.memory_space<vmem>>) semaphore(%dma_start3A_300 : memref<!tpu.dma_semaphore, #tpu.memory_space<semaphore_mem>>) {add = true}
      %add3A_301 = arith.constant 4 : i32
      %add3A_302 = arith.addi %mul3A_180, %add3A_301 : i32
      %add3A_303 = arith.constant 0 : i32
      %add3A_304 = arith.addi %add3A_302, %add3A_303 : i32
      %lt3A = arith.cmpi slt, %add3A_304, %select_n3A : i32
      %convert_element_type3A_305 = arith.extui %lt3A : i1 to i32
      %cond3A_306 = arith.constant 0 : i32
      %cond3A_307 = arith.cmpi ne, %convert_element_type3A_305, %cond3A_306 : i32
      scf.if %cond3A_307 {
        %dma_wait3A_333 = arith.constant 0 : i32
        %dma_wait3A_334 = arith.constant 0 : i32
        %dma_wait3A_335 = arith.constant 0 : i32
        %dma_wait3A_336 = arith.constant 0 : i32
        %dma_wait3A_337 = arith.constant 0 : i32
        %dma_wait3A_338 = tpu.memref_slice %arg8[%dma_wait3A_333, %dma_wait3A_336, %dma_wait3A_337] : memref<4x128x16xf32, #tpu.memory_space<vmem>> -> memref<1x128x16xf32, #tpu.memory_space<vmem>>
        %dma_wait3A_339 = tpu.memref_squeeze %dma_wait3A_338 : memref<1x128x16xf32, #tpu.memory_space<vmem>> -> memref<128x16xf32, #tpu.memory_space<vmem>>
        %dma_wait3A_340 = arith.constant 0 : i32
        %dma_wait3A_341 = tpu.memref_slice %arg7[%dma_wait3A_334, %dma_wait3A_340] : memref<136x128xi32, #tpu.memory_space<vmem>> -> memref<1x128xi32, #tpu.memory_space<vmem>>
        %dma_wait3A_342 = tpu.memref_squeeze %dma_wait3A_341 : memref<1x128xi32, #tpu.memory_space<vmem>> -> memref<128xi32, #tpu.memory_space<vmem>>
        %dma_wait3A_343 = arith.constant 0 : i32
        %dma_wait3A_344 = arith.constant 0 : i32
        %dma_wait3A_345 = tpu.memref_slice %arg10[%dma_wait3A_343, %dma_wait3A_344] : memref<10240x16xf32, #tpu.memory_space<vmem_shared>> -> memref<10240x16xf32, #tpu.memory_space<vmem_shared>>
        %dma_wait3A_346 = tpu.memref_slice %arg12[%dma_wait3A_335] : memref<4x!tpu.dma_semaphore, #tpu.memory_space<semaphore_mem>> -> memref<1x!tpu.dma_semaphore, #tpu.memory_space<semaphore_mem>>
        %dma_wait3A_347 = tpu.memref_squeeze %dma_wait3A_346 : memref<1x!tpu.dma_semaphore, #tpu.memory_space<semaphore_mem>> -> memref<!tpu.dma_semaphore, #tpu.memory_space<semaphore_mem>>
        tpu.wait_indirect_dma semaphore(%dma_wait3A_347 : memref<!tpu.dma_semaphore, #tpu.memory_space<semaphore_mem>>) src(%dma_wait3A_339 : memref<128x16xf32, #tpu.memory_space<vmem>>) dst(%dma_wait3A_345 : memref<10240x16xf32, #tpu.memory_space<vmem_shared>>)
        %dma_start3A_348 = arith.constant 0 : i32
        %dma_start3A_349 = arith.constant 0 : i32
        %dma_start3A_350 = arith.constant 0 : i32
        %dma_start3A_351 = arith.constant 0 : i32
        %dma_start3A_352 = tpu.memref_slice %arg8[%dma_start3A_348, %dma_start3A_350, %dma_start3A_351] : memref<4x128x16xf32, #tpu.memory_space<vmem>> -> memref<1x128x16xf32, #tpu.memory_space<vmem>>
        %dma_start3A_353 = tpu.memref_squeeze %dma_start3A_352 : memref<1x128x16xf32, #tpu.memory_space<vmem>> -> memref<128x16xf32, #tpu.memory_space<vmem>>
        %dma_start3A_354 = arith.constant 0 : i32
        %dma_start3A_355 = tpu.memref_slice %arg6[%add3A_304, %dma_start3A_354] : memref<136x128xi32, #tpu.memory_space<vmem>> -> memref<1x128xi32, #tpu.memory_space<vmem>>
        %dma_start3A_356 = tpu.memref_squeeze %dma_start3A_355 : memref<1x128xi32, #tpu.memory_space<vmem>> -> memref<128xi32, #tpu.memory_space<vmem>>
        %dma_start3A_357 = arith.constant 0 : i32
        %dma_start3A_358 = arith.constant 0 : i32
        %dma_start3A_359 = tpu.memref_slice %arg2[%dma_start3A_357, %dma_start3A_358] : memref<10240x16xf32, #tpu.memory_space<hbm>> -> memref<10240x16xf32, #tpu.memory_space<hbm>>
        %dma_start3A_360 = tpu.memref_slice %arg11[%dma_start3A_349] : memref<4x!tpu.dma_semaphore, #tpu.memory_space<semaphore_mem>> -> memref<1x!tpu.dma_semaphore, #tpu.memory_space<semaphore_mem>>
        %dma_start3A_361 = tpu.memref_squeeze %dma_start3A_360 : memref<1x!tpu.dma_semaphore, #tpu.memory_space<semaphore_mem>> -> memref<!tpu.dma_semaphore, #tpu.memory_space<semaphore_mem>>
        tpu.enqueue_indirect_dma source(%dma_start3A_359 : memref<10240x16xf32, #tpu.memory_space<hbm>>) target(%dma_start3A_353 : memref<128x16xf32, #tpu.memory_space<vmem>>) offsets(%dma_start3A_356 : memref<128xi32, #tpu.memory_space<vmem>>) semaphore(%dma_start3A_361 : memref<!tpu.dma_semaphore, #tpu.memory_space<semaphore_mem>>)
      } else {
      }
      %add3A_308 = arith.constant 4 : i32
      %add3A_309 = arith.addi %mul3A_180, %add3A_308 : i32
      %add3A_310 = arith.constant 1 : i32
      %add3A_311 = arith.addi %add3A_309, %add3A_310 : i32
      %lt3A_312 = arith.cmpi slt, %add3A_311, %select_n3A : i32
      %convert_element_type3A_313 = arith.extui %lt3A_312 : i1 to i32
      %cond3A_314 = arith.constant 0 : i32
      %cond3A_315 = arith.cmpi ne, %convert_element_type3A_313, %cond3A_314 : i32
      scf.if %cond3A_315 {
        %dma_wait3A_333 = arith.constant 1 : i32
        %dma_wait3A_334 = arith.constant 1 : i32
        %dma_wait3A_335 = arith.constant 1 : i32
        %dma_wait3A_336 = arith.constant 0 : i32
        %dma_wait3A_337 = arith.constant 0 : i32
        %dma_wait3A_338 = tpu.memref_slice %arg8[%dma_wait3A_333, %dma_wait3A_336, %dma_wait3A_337] : memref<4x128x16xf32, #tpu.memory_space<vmem>> -> memref<1x128x16xf32, #tpu.memory_space<vmem>>
        %dma_wait3A_339 = tpu.memref_squeeze %dma_wait3A_338 : memref<1x128x16xf32, #tpu.memory_space<vmem>> -> memref<128x16xf32, #tpu.memory_space<vmem>>
        %dma_wait3A_340 = arith.constant 0 : i32
        %dma_wait3A_341 = tpu.memref_slice %arg7[%dma_wait3A_334, %dma_wait3A_340] : memref<136x128xi32, #tpu.memory_space<vmem>> -> memref<1x128xi32, #tpu.memory_space<vmem>>
        %dma_wait3A_342 = tpu.memref_squeeze %dma_wait3A_341 : memref<1x128xi32, #tpu.memory_space<vmem>> -> memref<128xi32, #tpu.memory_space<vmem>>
        %dma_wait3A_343 = arith.constant 0 : i32
        %dma_wait3A_344 = arith.constant 0 : i32
        %dma_wait3A_345 = tpu.memref_slice %arg10[%dma_wait3A_343, %dma_wait3A_344] : memref<10240x16xf32, #tpu.memory_space<vmem_shared>> -> memref<10240x16xf32, #tpu.memory_space<vmem_shared>>
        %dma_wait3A_346 = tpu.memref_slice %arg12[%dma_wait3A_335] : memref<4x!tpu.dma_semaphore, #tpu.memory_space<semaphore_mem>> -> memref<1x!tpu.dma_semaphore, #tpu.memory_space<semaphore_mem>>
        %dma_wait3A_347 = tpu.memref_squeeze %dma_wait3A_346 : memref<1x!tpu.dma_semaphore, #tpu.memory_space<semaphore_mem>> -> memref<!tpu.dma_semaphore, #tpu.memory_space<semaphore_mem>>
        tpu.wait_indirect_dma semaphore(%dma_wait3A_347 : memref<!tpu.dma_semaphore, #tpu.memory_space<semaphore_mem>>) src(%dma_wait3A_339 : memref<128x16xf32, #tpu.memory_space<vmem>>) dst(%dma_wait3A_345 : memref<10240x16xf32, #tpu.memory_space<vmem_shared>>)
        %dma_start3A_348 = arith.constant 1 : i32
        %dma_start3A_349 = arith.constant 1 : i32
        %dma_start3A_350 = arith.constant 0 : i32
        %dma_start3A_351 = arith.constant 0 : i32
        %dma_start3A_352 = tpu.memref_slice %arg8[%dma_start3A_348, %dma_start3A_350, %dma_start3A_351] : memref<4x128x16xf32, #tpu.memory_space<vmem>> -> memref<1x128x16xf32, #tpu.memory_space<vmem>>
        %dma_start3A_353 = tpu.memref_squeeze %dma_start3A_352 : memref<1x128x16xf32, #tpu.memory_space<vmem>> -> memref<128x16xf32, #tpu.memory_space<vmem>>
        %dma_start3A_354 = arith.constant 0 : i32
        %dma_start3A_355 = tpu.memref_slice %arg6[%add3A_311, %dma_start3A_354] : memref<136x128xi32, #tpu.memory_space<vmem>> -> memref<1x128xi32, #tpu.memory_space<vmem>>
        %dma_start3A_356 = tpu.memref_squeeze %dma_start3A_355 : memref<1x128xi32, #tpu.memory_space<vmem>> -> memref<128xi32, #tpu.memory_space<vmem>>
        %dma_start3A_357 = arith.constant 0 : i32
        %dma_start3A_358 = arith.constant 0 : i32
        %dma_start3A_359 = tpu.memref_slice %arg2[%dma_start3A_357, %dma_start3A_358] : memref<10240x16xf32, #tpu.memory_space<hbm>> -> memref<10240x16xf32, #tpu.memory_space<hbm>>
        %dma_start3A_360 = tpu.memref_slice %arg11[%dma_start3A_349] : memref<4x!tpu.dma_semaphore, #tpu.memory_space<semaphore_mem>> -> memref<1x!tpu.dma_semaphore, #tpu.memory_space<semaphore_mem>>
        %dma_start3A_361 = tpu.memref_squeeze %dma_start3A_360 : memref<1x!tpu.dma_semaphore, #tpu.memory_space<semaphore_mem>> -> memref<!tpu.dma_semaphore, #tpu.memory_space<semaphore_mem>>
        tpu.enqueue_indirect_dma source(%dma_start3A_359 : memref<10240x16xf32, #tpu.memory_space<hbm>>) target(%dma_start3A_353 : memref<128x16xf32, #tpu.memory_space<vmem>>) offsets(%dma_start3A_356 : memref<128xi32, #tpu.memory_space<vmem>>) semaphore(%dma_start3A_361 : memref<!tpu.dma_semaphore, #tpu.memory_space<semaphore_mem>>)
      } else {
      }
      %add3A_316 = arith.constant 4 : i32
      %add3A_317 = arith.addi %mul3A_180, %add3A_316 : i32
      %add3A_318 = arith.constant 2 : i32
      %add3A_319 = arith.addi %add3A_317, %add3A_318 : i32
      %lt3A_320 = arith.cmpi slt, %add3A_319, %select_n3A : i32
      %convert_element_type3A_321 = arith.extui %lt3A_320 : i1 to i32
      %cond3A_322 = arith.constant 0 : i32
      %cond3A_323 = arith.cmpi ne, %convert_element_type3A_321, %cond3A_322 : i32
      scf.if %cond3A_323 {
        %dma_wait3A_333 = arith.constant 2 : i32
        %dma_wait3A_334 = arith.constant 2 : i32
        %dma_wait3A_335 = arith.constant 2 : i32
        %dma_wait3A_336 = arith.constant 0 : i32
        %dma_wait3A_337 = arith.constant 0 : i32
        %dma_wait3A_338 = tpu.memref_slice %arg8[%dma_wait3A_333, %dma_wait3A_336, %dma_wait3A_337] : memref<4x128x16xf32, #tpu.memory_space<vmem>> -> memref<1x128x16xf32, #tpu.memory_space<vmem>>
        %dma_wait3A_339 = tpu.memref_squeeze %dma_wait3A_338 : memref<1x128x16xf32, #tpu.memory_space<vmem>> -> memref<128x16xf32, #tpu.memory_space<vmem>>
        %dma_wait3A_340 = arith.constant 0 : i32
        %dma_wait3A_341 = tpu.memref_slice %arg7[%dma_wait3A_334, %dma_wait3A_340] : memref<136x128xi32, #tpu.memory_space<vmem>> -> memref<1x128xi32, #tpu.memory_space<vmem>>
        %dma_wait3A_342 = tpu.memref_squeeze %dma_wait3A_341 : memref<1x128xi32, #tpu.memory_space<vmem>> -> memref<128xi32, #tpu.memory_space<vmem>>
        %dma_wait3A_343 = arith.constant 0 : i32
        %dma_wait3A_344 = arith.constant 0 : i32
        %dma_wait3A_345 = tpu.memref_slice %arg10[%dma_wait3A_343, %dma_wait3A_344] : memref<10240x16xf32, #tpu.memory_space<vmem_shared>> -> memref<10240x16xf32, #tpu.memory_space<vmem_shared>>
        %dma_wait3A_346 = tpu.memref_slice %arg12[%dma_wait3A_335] : memref<4x!tpu.dma_semaphore, #tpu.memory_space<semaphore_mem>> -> memref<1x!tpu.dma_semaphore, #tpu.memory_space<semaphore_mem>>
        %dma_wait3A_347 = tpu.memref_squeeze %dma_wait3A_346 : memref<1x!tpu.dma_semaphore, #tpu.memory_space<semaphore_mem>> -> memref<!tpu.dma_semaphore, #tpu.memory_space<semaphore_mem>>
        tpu.wait_indirect_dma semaphore(%dma_wait3A_347 : memref<!tpu.dma_semaphore, #tpu.memory_space<semaphore_mem>>) src(%dma_wait3A_339 : memref<128x16xf32, #tpu.memory_space<vmem>>) dst(%dma_wait3A_345 : memref<10240x16xf32, #tpu.memory_space<vmem_shared>>)
        %dma_start3A_348 = arith.constant 2 : i32
        %dma_start3A_349 = arith.constant 2 : i32
        %dma_start3A_350 = arith.constant 0 : i32
        %dma_start3A_351 = arith.constant 0 : i32
        %dma_start3A_352 = tpu.memref_slice %arg8[%dma_start3A_348, %dma_start3A_350, %dma_start3A_351] : memref<4x128x16xf32, #tpu.memory_space<vmem>> -> memref<1x128x16xf32, #tpu.memory_space<vmem>>
        %dma_start3A_353 = tpu.memref_squeeze %dma_start3A_352 : memref<1x128x16xf32, #tpu.memory_space<vmem>> -> memref<128x16xf32, #tpu.memory_space<vmem>>
        %dma_start3A_354 = arith.constant 0 : i32
        %dma_start3A_355 = tpu.memref_slice %arg6[%add3A_319, %dma_start3A_354] : memref<136x128xi32, #tpu.memory_space<vmem>> -> memref<1x128xi32, #tpu.memory_space<vmem>>
        %dma_start3A_356 = tpu.memref_squeeze %dma_start3A_355 : memref<1x128xi32, #tpu.memory_space<vmem>> -> memref<128xi32, #tpu.memory_space<vmem>>
        %dma_start3A_357 = arith.constant 0 : i32
        %dma_start3A_358 = arith.constant 0 : i32
        %dma_start3A_359 = tpu.memref_slice %arg2[%dma_start3A_357, %dma_start3A_358] : memref<10240x16xf32, #tpu.memory_space<hbm>> -> memref<10240x16xf32, #tpu.memory_space<hbm>>
        %dma_start3A_360 = tpu.memref_slice %arg11[%dma_start3A_349] : memref<4x!tpu.dma_semaphore, #tpu.memory_space<semaphore_mem>> -> memref<1x!tpu.dma_semaphore, #tpu.memory_space<semaphore_mem>>
        %dma_start3A_361 = tpu.memref_squeeze %dma_start3A_360 : memref<1x!tpu.dma_semaphore, #tpu.memory_space<semaphore_mem>> -> memref<!tpu.dma_semaphore, #tpu.memory_space<semaphore_mem>>
        tpu.enqueue_indirect_dma source(%dma_start3A_359 : memref<10240x16xf32, #tpu.memory_space<hbm>>) target(%dma_start3A_353 : memref<128x16xf32, #tpu.memory_space<vmem>>) offsets(%dma_start3A_356 : memref<128xi32, #tpu.memory_space<vmem>>) semaphore(%dma_start3A_361 : memref<!tpu.dma_semaphore, #tpu.memory_space<semaphore_mem>>)
      } else {
      }
      %add3A_324 = arith.constant 4 : i32
      %add3A_325 = arith.addi %mul3A_180, %add3A_324 : i32
      %add3A_326 = arith.constant 3 : i32
      %add3A_327 = arith.addi %add3A_325, %add3A_326 : i32
      %lt3A_328 = arith.cmpi slt, %add3A_327, %select_n3A : i32
      %convert_element_type3A_329 = arith.extui %lt3A_328 : i1 to i32
      %cond3A_330 = arith.constant 0 : i32
      %cond3A_331 = arith.cmpi ne, %convert_element_type3A_329, %cond3A_330 : i32
      scf.if %cond3A_331 {
        %dma_wait3A_333 = arith.constant 3 : i32
        %dma_wait3A_334 = arith.constant 3 : i32
        %dma_wait3A_335 = arith.constant 3 : i32
        %dma_wait3A_336 = arith.constant 0 : i32
        %dma_wait3A_337 = arith.constant 0 : i32
        %dma_wait3A_338 = tpu.memref_slice %arg8[%dma_wait3A_333, %dma_wait3A_336, %dma_wait3A_337] : memref<4x128x16xf32, #tpu.memory_space<vmem>> -> memref<1x128x16xf32, #tpu.memory_space<vmem>>
        %dma_wait3A_339 = tpu.memref_squeeze %dma_wait3A_338 : memref<1x128x16xf32, #tpu.memory_space<vmem>> -> memref<128x16xf32, #tpu.memory_space<vmem>>
        %dma_wait3A_340 = arith.constant 0 : i32
        %dma_wait3A_341 = tpu.memref_slice %arg7[%dma_wait3A_334, %dma_wait3A_340] : memref<136x128xi32, #tpu.memory_space<vmem>> -> memref<1x128xi32, #tpu.memory_space<vmem>>
        %dma_wait3A_342 = tpu.memref_squeeze %dma_wait3A_341 : memref<1x128xi32, #tpu.memory_space<vmem>> -> memref<128xi32, #tpu.memory_space<vmem>>
        %dma_wait3A_343 = arith.constant 0 : i32
        %dma_wait3A_344 = arith.constant 0 : i32
        %dma_wait3A_345 = tpu.memref_slice %arg10[%dma_wait3A_343, %dma_wait3A_344] : memref<10240x16xf32, #tpu.memory_space<vmem_shared>> -> memref<10240x16xf32, #tpu.memory_space<vmem_shared>>
        %dma_wait3A_346 = tpu.memref_slice %arg12[%dma_wait3A_335] : memref<4x!tpu.dma_semaphore, #tpu.memory_space<semaphore_mem>> -> memref<1x!tpu.dma_semaphore, #tpu.memory_space<semaphore_mem>>
        %dma_wait3A_347 = tpu.memref_squeeze %dma_wait3A_346 : memref<1x!tpu.dma_semaphore, #tpu.memory_space<semaphore_mem>> -> memref<!tpu.dma_semaphore, #tpu.memory_space<semaphore_mem>>
        tpu.wait_indirect_dma semaphore(%dma_wait3A_347 : memref<!tpu.dma_semaphore, #tpu.memory_space<semaphore_mem>>) src(%dma_wait3A_339 : memref<128x16xf32, #tpu.memory_space<vmem>>) dst(%dma_wait3A_345 : memref<10240x16xf32, #tpu.memory_space<vmem_shared>>)
        %dma_start3A_348 = arith.constant 3 : i32
        %dma_start3A_349 = arith.constant 3 : i32
        %dma_start3A_350 = arith.constant 0 : i32
        %dma_start3A_351 = arith.constant 0 : i32
        %dma_start3A_352 = tpu.memref_slice %arg8[%dma_start3A_348, %dma_start3A_350, %dma_start3A_351] : memref<4x128x16xf32, #tpu.memory_space<vmem>> -> memref<1x128x16xf32, #tpu.memory_space<vmem>>
        %dma_start3A_353 = tpu.memref_squeeze %dma_start3A_352 : memref<1x128x16xf32, #tpu.memory_space<vmem>> -> memref<128x16xf32, #tpu.memory_space<vmem>>
        %dma_start3A_354 = arith.constant 0 : i32
        %dma_start3A_355 = tpu.memref_slice %arg6[%add3A_327, %dma_start3A_354] : memref<136x128xi32, #tpu.memory_space<vmem>> -> memref<1x128xi32, #tpu.memory_space<vmem>>
        %dma_start3A_356 = tpu.memref_squeeze %dma_start3A_355 : memref<1x128xi32, #tpu.memory_space<vmem>> -> memref<128xi32, #tpu.memory_space<vmem>>
        %dma_start3A_357 = arith.constant 0 : i32
        %dma_start3A_358 = arith.constant 0 : i32
        %dma_start3A_359 = tpu.memref_slice %arg2[%dma_start3A_357, %dma_start3A_358] : memref<10240x16xf32, #tpu.memory_space<hbm>> -> memref<10240x16xf32, #tpu.memory_space<hbm>>
        %dma_start3A_360 = tpu.memref_slice %arg11[%dma_start3A_349] : memref<4x!tpu.dma_semaphore, #tpu.memory_space<semaphore_mem>> -> memref<1x!tpu.dma_semaphore, #tpu.memory_space<semaphore_mem>>
        %dma_start3A_361 = tpu.memref_squeeze %dma_start3A_360 : memref<1x!tpu.dma_semaphore, #tpu.memory_space<semaphore_mem>> -> memref<!tpu.dma_semaphore, #tpu.memory_space<semaphore_mem>>
        tpu.enqueue_indirect_dma source(%dma_start3A_359 : memref<10240x16xf32, #tpu.memory_space<hbm>>) target(%dma_start3A_353 : memref<128x16xf32, #tpu.memory_space<vmem>>) offsets(%dma_start3A_356 : memref<128xi32, #tpu.memory_space<vmem>>) semaphore(%dma_start3A_361 : memref<!tpu.dma_semaphore, #tpu.memory_space<semaphore_mem>>)
      } else {
      }
      %while3A_332 = arith.constant 0 : i32
      scf.yield %while3A_332 : i32
    }
    %while3A_111 = arith.constant 1 : i32
    %while3A_112 = scf.for %while3A_177 = %while3A_108 to %while3A_104 step %while3A_111 iter_args(%while3A_178 = %while3A_110) -> (i32)  : i32 {
      %mul3A_179 = arith.constant 4 : i32
      %mul3A_180 = arith.muli %while3A_177, %mul3A_179 : i32
      %add3A_181 = arith.constant 0 : i32
      %add3A_182 = arith.addi %mul3A_180, %add3A_181 : i32
      %dma_wait3A_183 = arith.constant 0 : i32
      %dma_wait3A_184 = arith.constant 0 : i32
      %dma_wait3A_185 = arith.constant 0 : i32
      %dma_wait3A_186 = arith.constant 0 : i32
      %dma_wait3A_187 = tpu.memref_slice %arg8[%dma_wait3A_183, %dma_wait3A_185, %dma_wait3A_186] : memref<4x128x16xf32, #tpu.memory_space<vmem>> -> memref<1x128x16xf32, #tpu.memory_space<vmem>>
      %dma_wait3A_188 = tpu.memref_squeeze %dma_wait3A_187 : memref<1x128x16xf32, #tpu.memory_space<vmem>> -> memref<128x16xf32, #tpu.memory_space<vmem>>
      %dma_wait3A_189 = arith.constant 0 : i32
      %dma_wait3A_190 = tpu.memref_slice %arg6[%add3A_182, %dma_wait3A_189] : memref<136x128xi32, #tpu.memory_space<vmem>> -> memref<1x128xi32, #tpu.memory_space<vmem>>
      %dma_wait3A_191 = tpu.memref_squeeze %dma_wait3A_190 : memref<1x128xi32, #tpu.memory_space<vmem>> -> memref<128xi32, #tpu.memory_space<vmem>>
      %dma_wait3A_192 = arith.constant 0 : i32
      %dma_wait3A_193 = arith.constant 0 : i32
      %dma_wait3A_194 = tpu.memref_slice %arg2[%dma_wait3A_192, %dma_wait3A_193] : memref<10240x16xf32, #tpu.memory_space<hbm>> -> memref<10240x16xf32, #tpu.memory_space<hbm>>
      %dma_wait3A_195 = tpu.memref_slice %arg11[%dma_wait3A_184] : memref<4x!tpu.dma_semaphore, #tpu.memory_space<semaphore_mem>> -> memref<1x!tpu.dma_semaphore, #tpu.memory_space<semaphore_mem>>
      %dma_wait3A_196 = tpu.memref_squeeze %dma_wait3A_195 : memref<1x!tpu.dma_semaphore, #tpu.memory_space<semaphore_mem>> -> memref<!tpu.dma_semaphore, #tpu.memory_space<semaphore_mem>>
      tpu.wait_indirect_dma semaphore(%dma_wait3A_196 : memref<!tpu.dma_semaphore, #tpu.memory_space<semaphore_mem>>) src(%dma_wait3A_194 : memref<10240x16xf32, #tpu.memory_space<hbm>>) dst(%dma_wait3A_188 : memref<128x16xf32, #tpu.memory_space<vmem>>)
      %dma_start3A_197 = arith.constant 0 : i32
      %dma_start3A_198 = arith.constant 0 : i32
      %dma_start3A_199 = arith.constant 0 : i32
      %dma_start3A_200 = arith.constant 0 : i32
      %dma_start3A_201 = tpu.memref_slice %arg8[%dma_start3A_197, %dma_start3A_199, %dma_start3A_200] : memref<4x128x16xf32, #tpu.memory_space<vmem>> -> memref<1x128x16xf32, #tpu.memory_space<vmem>>
      %dma_start3A_202 = tpu.memref_squeeze %dma_start3A_201 : memref<1x128x16xf32, #tpu.memory_space<vmem>> -> memref<128x16xf32, #tpu.memory_space<vmem>>
      %dma_start3A_203 = arith.constant 0 : i32
      %dma_start3A_204 = tpu.memref_slice %arg7[%add3A_182, %dma_start3A_203] : memref<136x128xi32, #tpu.memory_space<vmem>> -> memref<1x128xi32, #tpu.memory_space<vmem>>
      %dma_start3A_205 = tpu.memref_squeeze %dma_start3A_204 : memref<1x128xi32, #tpu.memory_space<vmem>> -> memref<128xi32, #tpu.memory_space<vmem>>
      %dma_start3A_206 = arith.constant 0 : i32
      %dma_start3A_207 = arith.constant 0 : i32
      %dma_start3A_208 = tpu.memref_slice %arg10[%dma_start3A_206, %dma_start3A_207] : memref<10240x16xf32, #tpu.memory_space<vmem_shared>> -> memref<10240x16xf32, #tpu.memory_space<vmem_shared>>
      %dma_start3A_209 = tpu.memref_slice %arg12[%dma_start3A_198] : memref<4x!tpu.dma_semaphore, #tpu.memory_space<semaphore_mem>> -> memref<1x!tpu.dma_semaphore, #tpu.memory_space<semaphore_mem>>
      %dma_start3A_210 = tpu.memref_squeeze %dma_start3A_209 : memref<1x!tpu.dma_semaphore, #tpu.memory_space<semaphore_mem>> -> memref<!tpu.dma_semaphore, #tpu.memory_space<semaphore_mem>>
      tpu.enqueue_indirect_dma source(%dma_start3A_202 : memref<128x16xf32, #tpu.memory_space<vmem>>) target(%dma_start3A_208 : memref<10240x16xf32, #tpu.memory_space<vmem_shared>>) offsets(%dma_start3A_205 : memref<128xi32, #tpu.memory_space<vmem>>) semaphore(%dma_start3A_210 : memref<!tpu.dma_semaphore, #tpu.memory_space<semaphore_mem>>) {add = true}
      %add3A_211 = arith.constant 1 : i32
      %add3A_212 = arith.addi %mul3A_180, %add3A_211 : i32
      %dma_wait3A_213 = arith.constant 1 : i32
      %dma_wait3A_214 = arith.constant 1 : i32
      %dma_wait3A_215 = arith.constant 0 : i32
      %dma_wait3A_216 = arith.constant 0 : i32
      %dma_wait3A_217 = tpu.memref_slice %arg8[%dma_wait3A_213, %dma_wait3A_215, %dma_wait3A_216] : memref<4x128x16xf32, #tpu.memory_space<vmem>> -> memref<1x128x16xf32, #tpu.memory_space<vmem>>
      %dma_wait3A_218 = tpu.memref_squeeze %dma_wait3A_217 : memref<1x128x16xf32, #tpu.memory_space<vmem>> -> memref<128x16xf32, #tpu.memory_space<vmem>>
      %dma_wait3A_219 = arith.constant 0 : i32
      %dma_wait3A_220 = tpu.memref_slice %arg6[%add3A_212, %dma_wait3A_219] : memref<136x128xi32, #tpu.memory_space<vmem>> -> memref<1x128xi32, #tpu.memory_space<vmem>>
      %dma_wait3A_221 = tpu.memref_squeeze %dma_wait3A_220 : memref<1x128xi32, #tpu.memory_space<vmem>> -> memref<128xi32, #tpu.memory_space<vmem>>
      %dma_wait3A_222 = arith.constant 0 : i32
      %dma_wait3A_223 = arith.constant 0 : i32
      %dma_wait3A_224 = tpu.memref_slice %arg2[%dma_wait3A_222, %dma_wait3A_223] : memref<10240x16xf32, #tpu.memory_space<hbm>> -> memref<10240x16xf32, #tpu.memory_space<hbm>>
      %dma_wait3A_225 = tpu.memref_slice %arg11[%dma_wait3A_214] : memref<4x!tpu.dma_semaphore, #tpu.memory_space<semaphore_mem>> -> memref<1x!tpu.dma_semaphore, #tpu.memory_space<semaphore_mem>>
      %dma_wait3A_226 = tpu.memref_squeeze %dma_wait3A_225 : memref<1x!tpu.dma_semaphore, #tpu.memory_space<semaphore_mem>> -> memref<!tpu.dma_semaphore, #tpu.memory_space<semaphore_mem>>
      tpu.wait_indirect_dma semaphore(%dma_wait3A_226 : memref<!tpu.dma_semaphore, #tpu.memory_space<semaphore_mem>>) src(%dma_wait3A_224 : memref<10240x16xf32, #tpu.memory_space<hbm>>) dst(%dma_wait3A_218 : memref<128x16xf32, #tpu.memory_space<vmem>>)
      %dma_start3A_227 = arith.constant 1 : i32
      %dma_start3A_228 = arith.constant 1 : i32
      %dma_start3A_229 = arith.constant 0 : i32
      %dma_start3A_230 = arith.constant 0 : i32
      %dma_start3A_231 = tpu.memref_slice %arg8[%dma_start3A_227, %dma_start3A_229, %dma_start3A_230] : memref<4x128x16xf32, #tpu.memory_space<vmem>> -> memref<1x128x16xf32, #tpu.memory_space<vmem>>
      %dma_start3A_232 = tpu.memref_squeeze %dma_start3A_231 : memref<1x128x16xf32, #tpu.memory_space<vmem>> -> memref<128x16xf32, #tpu.memory_space<vmem>>
      %dma_start3A_233 = arith.constant 0 : i32
      %dma_start3A_234 = tpu.memref_slice %arg7[%add3A_212, %dma_start3A_233] : memref<136x128xi32, #tpu.memory_space<vmem>> -> memref<1x128xi32, #tpu.memory_space<vmem>>
      %dma_start3A_235 = tpu.memref_squeeze %dma_start3A_234 : memref<1x128xi32, #tpu.memory_space<vmem>> -> memref<128xi32, #tpu.memory_space<vmem>>
      %dma_start3A_236 = arith.constant 0 : i32
      %dma_start3A_237 = arith.constant 0 : i32
      %dma_start3A_238 = tpu.memref_slice %arg10[%dma_start3A_236, %dma_start3A_237] : memref<10240x16xf32, #tpu.memory_space<vmem_shared>> -> memref<10240x16xf32, #tpu.memory_space<vmem_shared>>
      %dma_start3A_239 = tpu.memref_slice %arg12[%dma_start3A_228] : memref<4x!tpu.dma_semaphore, #tpu.memory_space<semaphore_mem>> -> memref<1x!tpu.dma_semaphore, #tpu.memory_space<semaphore_mem>>
      %dma_start3A_240 = tpu.memref_squeeze %dma_start3A_239 : memref<1x!tpu.dma_semaphore, #tpu.memory_space<semaphore_mem>> -> memref<!tpu.dma_semaphore, #tpu.memory_space<semaphore_mem>>
      tpu.enqueue_indirect_dma source(%dma_start3A_232 : memref<128x16xf32, #tpu.memory_space<vmem>>) target(%dma_start3A_238 : memref<10240x16xf32, #tpu.memory_space<vmem_shared>>) offsets(%dma_start3A_235 : memref<128xi32, #tpu.memory_space<vmem>>) semaphore(%dma_start3A_240 : memref<!tpu.dma_semaphore, #tpu.memory_space<semaphore_mem>>) {add = true}
      %add3A_241 = arith.constant 2 : i32
      %add3A_242 = arith.addi %mul3A_180, %add3A_241 : i32
      %dma_wait3A_243 = arith.constant 2 : i32
      %dma_wait3A_244 = arith.constant 2 : i32
      %dma_wait3A_245 = arith.constant 0 : i32
      %dma_wait3A_246 = arith.constant 0 : i32
      %dma_wait3A_247 = tpu.memref_slice %arg8[%dma_wait3A_243, %dma_wait3A_245, %dma_wait3A_246] : memref<4x128x16xf32, #tpu.memory_space<vmem>> -> memref<1x128x16xf32, #tpu.memory_space<vmem>>
      %dma_wait3A_248 = tpu.memref_squeeze %dma_wait3A_247 : memref<1x128x16xf32, #tpu.memory_space<vmem>> -> memref<128x16xf32, #tpu.memory_space<vmem>>
      %dma_wait3A_249 = arith.constant 0 : i32
      %dma_wait3A_250 = tpu.memref_slice %arg6[%add3A_242, %dma_wait3A_249] : memref<136x128xi32, #tpu.memory_space<vmem>> -> memref<1x128xi32, #tpu.memory_space<vmem>>
      %dma_wait3A_251 = tpu.memref_squeeze %dma_wait3A_250 : memref<1x128xi32, #tpu.memory_space<vmem>> -> memref<128xi32, #tpu.memory_space<vmem>>
      %dma_wait3A_252 = arith.constant 0 : i32
      %dma_wait3A_253 = arith.constant 0 : i32
      %dma_wait3A_254 = tpu.memref_slice %arg2[%dma_wait3A_252, %dma_wait3A_253] : memref<10240x16xf32, #tpu.memory_space<hbm>> -> memref<10240x16xf32, #tpu.memory_space<hbm>>
      %dma_wait3A_255 = tpu.memref_slice %arg11[%dma_wait3A_244] : memref<4x!tpu.dma_semaphore, #tpu.memory_space<semaphore_mem>> -> memref<1x!tpu.dma_semaphore, #tpu.memory_space<semaphore_mem>>
      %dma_wait3A_256 = tpu.memref_squeeze %dma_wait3A_255 : memref<1x!tpu.dma_semaphore, #tpu.memory_space<semaphore_mem>> -> memref<!tpu.dma_semaphore, #tpu.memory_space<semaphore_mem>>
      tpu.wait_indirect_dma semaphore(%dma_wait3A_256 : memref<!tpu.dma_semaphore, #tpu.memory_space<semaphore_mem>>) src(%dma_wait3A_254 : memref<10240x16xf32, #tpu.memory_space<hbm>>) dst(%dma_wait3A_248 : memref<128x16xf32, #tpu.memory_space<vmem>>)
      %dma_start3A_257 = arith.constant 2 : i32
      %dma_start3A_258 = arith.constant 2 : i32
      %dma_start3A_259 = arith.constant 0 : i32
      %dma_start3A_260 = arith.constant 0 : i32
      %dma_start3A_261 = tpu.memref_slice %arg8[%dma_start3A_257, %dma_start3A_259, %dma_start3A_260] : memref<4x128x16xf32, #tpu.memory_space<vmem>> -> memref<1x128x16xf32, #tpu.memory_space<vmem>>
      %dma_start3A_262 = tpu.memref_squeeze %dma_start3A_261 : memref<1x128x16xf32, #tpu.memory_space<vmem>> -> memref<128x16xf32, #tpu.memory_space<vmem>>
      %dma_start3A_263 = arith.constant 0 : i32
      %dma_start3A_264 = tpu.memref_slice %arg7[%add3A_242, %dma_start3A_263] : memref<136x128xi32, #tpu.memory_space<vmem>> -> memref<1x128xi32, #tpu.memory_space<vmem>>
      %dma_start3A_265 = tpu.memref_squeeze %dma_start3A_264 : memref<1x128xi32, #tpu.memory_space<vmem>> -> memref<128xi32, #tpu.memory_space<vmem>>
      %dma_start3A_266 = arith.constant 0 : i32
      %dma_start3A_267 = arith.constant 0 : i32
      %dma_start3A_268 = tpu.memref_slice %arg10[%dma_start3A_266, %dma_start3A_267] : memref<10240x16xf32, #tpu.memory_space<vmem_shared>> -> memref<10240x16xf32, #tpu.memory_space<vmem_shared>>
      %dma_start3A_269 = tpu.memref_slice %arg12[%dma_start3A_258] : memref<4x!tpu.dma_semaphore, #tpu.memory_space<semaphore_mem>> -> memref<1x!tpu.dma_semaphore, #tpu.memory_space<semaphore_mem>>
      %dma_start3A_270 = tpu.memref_squeeze %dma_start3A_269 : memref<1x!tpu.dma_semaphore, #tpu.memory_space<semaphore_mem>> -> memref<!tpu.dma_semaphore, #tpu.memory_space<semaphore_mem>>
      tpu.enqueue_indirect_dma source(%dma_start3A_262 : memref<128x16xf32, #tpu.memory_space<vmem>>) target(%dma_start3A_268 : memref<10240x16xf32, #tpu.memory_space<vmem_shared>>) offsets(%dma_start3A_265 : memref<128xi32, #tpu.memory_space<vmem>>) semaphore(%dma_start3A_270 : memref<!tpu.dma_semaphore, #tpu.memory_space<semaphore_mem>>) {add = true}
      %add3A_271 = arith.constant 3 : i32
      %add3A_272 = arith.addi %mul3A_180, %add3A_271 : i32
      %dma_wait3A_273 = arith.constant 3 : i32
      %dma_wait3A_274 = arith.constant 3 : i32
      %dma_wait3A_275 = arith.constant 0 : i32
      %dma_wait3A_276 = arith.constant 0 : i32
      %dma_wait3A_277 = tpu.memref_slice %arg8[%dma_wait3A_273, %dma_wait3A_275, %dma_wait3A_276] : memref<4x128x16xf32, #tpu.memory_space<vmem>> -> memref<1x128x16xf32, #tpu.memory_space<vmem>>
      %dma_wait3A_278 = tpu.memref_squeeze %dma_wait3A_277 : memref<1x128x16xf32, #tpu.memory_space<vmem>> -> memref<128x16xf32, #tpu.memory_space<vmem>>
      %dma_wait3A_279 = arith.constant 0 : i32
      %dma_wait3A_280 = tpu.memref_slice %arg6[%add3A_272, %dma_wait3A_279] : memref<136x128xi32, #tpu.memory_space<vmem>> -> memref<1x128xi32, #tpu.memory_space<vmem>>
      %dma_wait3A_281 = tpu.memref_squeeze %dma_wait3A_280 : memref<1x128xi32, #tpu.memory_space<vmem>> -> memref<128xi32, #tpu.memory_space<vmem>>
      %dma_wait3A_282 = arith.constant 0 : i32
      %dma_wait3A_283 = arith.constant 0 : i32
      %dma_wait3A_284 = tpu.memref_slice %arg2[%dma_wait3A_282, %dma_wait3A_283] : memref<10240x16xf32, #tpu.memory_space<hbm>> -> memref<10240x16xf32, #tpu.memory_space<hbm>>
      %dma_wait3A_285 = tpu.memref_slice %arg11[%dma_wait3A_274] : memref<4x!tpu.dma_semaphore, #tpu.memory_space<semaphore_mem>> -> memref<1x!tpu.dma_semaphore, #tpu.memory_space<semaphore_mem>>
      %dma_wait3A_286 = tpu.memref_squeeze %dma_wait3A_285 : memref<1x!tpu.dma_semaphore, #tpu.memory_space<semaphore_mem>> -> memref<!tpu.dma_semaphore, #tpu.memory_space<semaphore_mem>>
      tpu.wait_indirect_dma semaphore(%dma_wait3A_286 : memref<!tpu.dma_semaphore, #tpu.memory_space<semaphore_mem>>) src(%dma_wait3A_284 : memref<10240x16xf32, #tpu.memory_space<hbm>>) dst(%dma_wait3A_278 : memref<128x16xf32, #tpu.memory_space<vmem>>)
      %dma_start3A_287 = arith.constant 3 : i32
      %dma_start3A_288 = arith.constant 3 : i32
      %dma_start3A_289 = arith.constant 0 : i32
      %dma_start3A_290 = arith.constant 0 : i32
      %dma_start3A_291 = tpu.memref_slice %arg8[%dma_start3A_287, %dma_start3A_289, %dma_start3A_290] : memref<4x128x16xf32, #tpu.memory_space<vmem>> -> memref<1x128x16xf32, #tpu.memory_space<vmem>>
      %dma_start3A_292 = tpu.memref_squeeze %dma_start3A_291 : memref<1x128x16xf32, #tpu.memory_space<vmem>> -> memref<128x16xf32, #tpu.memory_space<vmem>>
      %dma_start3A_293 = arith.constant 0 : i32
      %dma_start3A_294 = tpu.memref_slice %arg7[%add3A_272, %dma_start3A_293] : memref<136x128xi32, #tpu.memory_space<vmem>> -> memref<1x128xi32, #tpu.memory_space<vmem>>
      %dma_start3A_295 = tpu.memref_squeeze %dma_start3A_294 : memref<1x128xi32, #tpu.memory_space<vmem>> -> memref<128xi32, #tpu.memory_space<vmem>>
      %dma_start3A_296 = arith.constant 0 : i32
      %dma_start3A_297 = arith.constant 0 : i32
      %dma_start3A_298 = tpu.memref_slice %arg10[%dma_start3A_296, %dma_start3A_297] : memref<10240x16xf32, #tpu.memory_space<vmem_shared>> -> memref<10240x16xf32, #tpu.memory_space<vmem_shared>>
      %dma_start3A_299 = tpu.memref_slice %arg12[%dma_start3A_288] : memref<4x!tpu.dma_semaphore, #tpu.memory_space<semaphore_mem>> -> memref<1x!tpu.dma_semaphore, #tpu.memory_space<semaphore_mem>>
      %dma_start3A_300 = tpu.memref_squeeze %dma_start3A_299 : memref<1x!tpu.dma_semaphore, #tpu.memory_space<semaphore_mem>> -> memref<!tpu.dma_semaphore, #tpu.memory_space<semaphore_mem>>
      tpu.enqueue_indirect_dma source(%dma_start3A_292 : memref<128x16xf32, #tpu.memory_space<vmem>>) target(%dma_start3A_298 : memref<10240x16xf32, #tpu.memory_space<vmem_shared>>) offsets(%dma_start3A_295 : memref<128xi32, #tpu.memory_space<vmem>>) semaphore(%dma_start3A_300 : memref<!tpu.dma_semaphore, #tpu.memory_space<semaphore_mem>>) {add = true}
      %add3A_301 = arith.constant 4 : i32
      %add3A_302 = arith.addi %mul3A_180, %add3A_301 : i32
      %add3A_303 = arith.constant 0 : i32
      %add3A_304 = arith.addi %add3A_302, %add3A_303 : i32
      %lt3A = arith.cmpi slt, %add3A_304, %select_n3A : i32
      %convert_element_type3A_305 = arith.extui %lt3A : i1 to i32
      %cond3A_306 = arith.constant 0 : i32
      %cond3A_307 = arith.cmpi ne, %convert_element_type3A_305, %cond3A_306 : i32
      scf.if %cond3A_307 {
        %dma_wait3A_333 = arith.constant 0 : i32
        %dma_wait3A_334 = arith.constant 0 : i32
        %dma_wait3A_335 = arith.constant 0 : i32
        %dma_wait3A_336 = arith.constant 0 : i32
        %dma_wait3A_337 = arith.constant 0 : i32
        %dma_wait3A_338 = tpu.memref_slice %arg8[%dma_wait3A_333, %dma_wait3A_336, %dma_wait3A_337] : memref<4x128x16xf32, #tpu.memory_space<vmem>> -> memref<1x128x16xf32, #tpu.memory_space<vmem>>
        %dma_wait3A_339 = tpu.memref_squeeze %dma_wait3A_338 : memref<1x128x16xf32, #tpu.memory_space<vmem>> -> memref<128x16xf32, #tpu.memory_space<vmem>>
        %dma_wait3A_340 = arith.constant 0 : i32
        %dma_wait3A_341 = tpu.memref_slice %arg7[%dma_wait3A_334, %dma_wait3A_340] : memref<136x128xi32, #tpu.memory_space<vmem>> -> memref<1x128xi32, #tpu.memory_space<vmem>>
        %dma_wait3A_342 = tpu.memref_squeeze %dma_wait3A_341 : memref<1x128xi32, #tpu.memory_space<vmem>> -> memref<128xi32, #tpu.memory_space<vmem>>
        %dma_wait3A_343 = arith.constant 0 : i32
        %dma_wait3A_344 = arith.constant 0 : i32
        %dma_wait3A_345 = tpu.memref_slice %arg10[%dma_wait3A_343, %dma_wait3A_344] : memref<10240x16xf32, #tpu.memory_space<vmem_shared>> -> memref<10240x16xf32, #tpu.memory_space<vmem_shared>>
        %dma_wait3A_346 = tpu.memref_slice %arg12[%dma_wait3A_335] : memref<4x!tpu.dma_semaphore, #tpu.memory_space<semaphore_mem>> -> memref<1x!tpu.dma_semaphore, #tpu.memory_space<semaphore_mem>>
        %dma_wait3A_347 = tpu.memref_squeeze %dma_wait3A_346 : memref<1x!tpu.dma_semaphore, #tpu.memory_space<semaphore_mem>> -> memref<!tpu.dma_semaphore, #tpu.memory_space<semaphore_mem>>
        tpu.wait_indirect_dma semaphore(%dma_wait3A_347 : memref<!tpu.dma_semaphore, #tpu.memory_space<semaphore_mem>>) src(%dma_wait3A_339 : memref<128x16xf32, #tpu.memory_space<vmem>>) dst(%dma_wait3A_345 : memref<10240x16xf32, #tpu.memory_space<vmem_shared>>)
        %dma_start3A_348 = arith.constant 0 : i32
        %dma_start3A_349 = arith.constant 0 : i32
        %dma_start3A_350 = arith.constant 0 : i32
        %dma_start3A_351 = arith.constant 0 : i32
        %dma_start3A_352 = tpu.memref_slice %arg8[%dma_start3A_348, %dma_start3A_350, %dma_start3A_351] : memref<4x128x16xf32, #tpu.memory_space<vmem>> -> memref<1x128x16xf32, #tpu.memory_space<vmem>>
        %dma_start3A_353 = tpu.memref_squeeze %dma_start3A_352 : memref<1x128x16xf32, #tpu.memory_space<vmem>> -> memref<128x16xf32, #tpu.memory_space<vmem>>
        %dma_start3A_354 = arith.constant 0 : i32
        %dma_start3A_355 = tpu.memref_slice %arg6[%add3A_304, %dma_start3A_354] : memref<136x128xi32, #tpu.memory_space<vmem>> -> memref<1x128xi32, #tpu.memory_space<vmem>>
        %dma_start3A_356 = tpu.memref_squeeze %dma_start3A_355 : memref<1x128xi32, #tpu.memory_space<vmem>> -> memref<128xi32, #tpu.memory_space<vmem>>
        %dma_start3A_357 = arith.constant 0 : i32
        %dma_start3A_358 = arith.constant 0 : i32
        %dma_start3A_359 = tpu.memref_slice %arg2[%dma_start3A_357, %dma_start3A_358] : memref<10240x16xf32, #tpu.memory_space<hbm>> -> memref<10240x16xf32, #tpu.memory_space<hbm>>
        %dma_start3A_360 = tpu.memref_slice %arg11[%dma_start3A_349] : memref<4x!tpu.dma_semaphore, #tpu.memory_space<semaphore_mem>> -> memref<1x!tpu.dma_semaphore, #tpu.memory_space<semaphore_mem>>
        %dma_start3A_361 = tpu.memref_squeeze %dma_start3A_360 : memref<1x!tpu.dma_semaphore, #tpu.memory_space<semaphore_mem>> -> memref<!tpu.dma_semaphore, #tpu.memory_space<semaphore_mem>>
        tpu.enqueue_indirect_dma source(%dma_start3A_359 : memref<10240x16xf32, #tpu.memory_space<hbm>>) target(%dma_start3A_353 : memref<128x16xf32, #tpu.memory_space<vmem>>) offsets(%dma_start3A_356 : memref<128xi32, #tpu.memory_space<vmem>>) semaphore(%dma_start3A_361 : memref<!tpu.dma_semaphore, #tpu.memory_space<semaphore_mem>>)
      } else {
      }
      %add3A_308 = arith.constant 4 : i32
      %add3A_309 = arith.addi %mul3A_180, %add3A_308 : i32
      %add3A_310 = arith.constant 1 : i32
      %add3A_311 = arith.addi %add3A_309, %add3A_310 : i32
      %lt3A_312 = arith.cmpi slt, %add3A_311, %select_n3A : i32
      %convert_element_type3A_313 = arith.extui %lt3A_312 : i1 to i32
      %cond3A_314 = arith.constant 0 : i32
      %cond3A_315 = arith.cmpi ne, %convert_element_type3A_313, %cond3A_314 : i32
      scf.if %cond3A_315 {
        %dma_wait3A_333 = arith.constant 1 : i32
        %dma_wait3A_334 = arith.constant 1 : i32
        %dma_wait3A_335 = arith.constant 1 : i32
        %dma_wait3A_336 = arith.constant 0 : i32
        %dma_wait3A_337 = arith.constant 0 : i32
        %dma_wait3A_338 = tpu.memref_slice %arg8[%dma_wait3A_333, %dma_wait3A_336, %dma_wait3A_337] : memref<4x128x16xf32, #tpu.memory_space<vmem>> -> memref<1x128x16xf32, #tpu.memory_space<vmem>>
        %dma_wait3A_339 = tpu.memref_squeeze %dma_wait3A_338 : memref<1x128x16xf32, #tpu.memory_space<vmem>> -> memref<128x16xf32, #tpu.memory_space<vmem>>
        %dma_wait3A_340 = arith.constant 0 : i32
        %dma_wait3A_341 = tpu.memref_slice %arg7[%dma_wait3A_334, %dma_wait3A_340] : memref<136x128xi32, #tpu.memory_space<vmem>> -> memref<1x128xi32, #tpu.memory_space<vmem>>
        %dma_wait3A_342 = tpu.memref_squeeze %dma_wait3A_341 : memref<1x128xi32, #tpu.memory_space<vmem>> -> memref<128xi32, #tpu.memory_space<vmem>>
        %dma_wait3A_343 = arith.constant 0 : i32
        %dma_wait3A_344 = arith.constant 0 : i32
        %dma_wait3A_345 = tpu.memref_slice %arg10[%dma_wait3A_343, %dma_wait3A_344] : memref<10240x16xf32, #tpu.memory_space<vmem_shared>> -> memref<10240x16xf32, #tpu.memory_space<vmem_shared>>
        %dma_wait3A_346 = tpu.memref_slice %arg12[%dma_wait3A_335] : memref<4x!tpu.dma_semaphore, #tpu.memory_space<semaphore_mem>> -> memref<1x!tpu.dma_semaphore, #tpu.memory_space<semaphore_mem>>
        %dma_wait3A_347 = tpu.memref_squeeze %dma_wait3A_346 : memref<1x!tpu.dma_semaphore, #tpu.memory_space<semaphore_mem>> -> memref<!tpu.dma_semaphore, #tpu.memory_space<semaphore_mem>>
        tpu.wait_indirect_dma semaphore(%dma_wait3A_347 : memref<!tpu.dma_semaphore, #tpu.memory_space<semaphore_mem>>) src(%dma_wait3A_339 : memref<128x16xf32, #tpu.memory_space<vmem>>) dst(%dma_wait3A_345 : memref<10240x16xf32, #tpu.memory_space<vmem_shared>>)
        %dma_start3A_348 = arith.constant 1 : i32
        %dma_start3A_349 = arith.constant 1 : i32
        %dma_start3A_350 = arith.constant 0 : i32
        %dma_start3A_351 = arith.constant 0 : i32
        %dma_start3A_352 = tpu.memref_slice %arg8[%dma_start3A_348, %dma_start3A_350, %dma_start3A_351] : memref<4x128x16xf32, #tpu.memory_space<vmem>> -> memref<1x128x16xf32, #tpu.memory_space<vmem>>
        %dma_start3A_353 = tpu.memref_squeeze %dma_start3A_352 : memref<1x128x16xf32, #tpu.memory_space<vmem>> -> memref<128x16xf32, #tpu.memory_space<vmem>>
        %dma_start3A_354 = arith.constant 0 : i32
        %dma_start3A_355 = tpu.memref_slice %arg6[%add3A_311, %dma_start3A_354] : memref<136x128xi32, #tpu.memory_space<vmem>> -> memref<1x128xi32, #tpu.memory_space<vmem>>
        %dma_start3A_356 = tpu.memref_squeeze %dma_start3A_355 : memref<1x128xi32, #tpu.memory_space<vmem>> -> memref<128xi32, #tpu.memory_space<vmem>>
        %dma_start3A_357 = arith.constant 0 : i32
        %dma_start3A_358 = arith.constant 0 : i32
        %dma_start3A_359 = tpu.memref_slice %arg2[%dma_start3A_357, %dma_start3A_358] : memref<10240x16xf32, #tpu.memory_space<hbm>> -> memref<10240x16xf32, #tpu.memory_space<hbm>>
        %dma_start3A_360 = tpu.memref_slice %arg11[%dma_start3A_349] : memref<4x!tpu.dma_semaphore, #tpu.memory_space<semaphore_mem>> -> memref<1x!tpu.dma_semaphore, #tpu.memory_space<semaphore_mem>>
        %dma_start3A_361 = tpu.memref_squeeze %dma_start3A_360 : memref<1x!tpu.dma_semaphore, #tpu.memory_space<semaphore_mem>> -> memref<!tpu.dma_semaphore, #tpu.memory_space<semaphore_mem>>
        tpu.enqueue_indirect_dma source(%dma_start3A_359 : memref<10240x16xf32, #tpu.memory_space<hbm>>) target(%dma_start3A_353 : memref<128x16xf32, #tpu.memory_space<vmem>>) offsets(%dma_start3A_356 : memref<128xi32, #tpu.memory_space<vmem>>) semaphore(%dma_start3A_361 : memref<!tpu.dma_semaphore, #tpu.memory_space<semaphore_mem>>)
      } else {
      }
      %add3A_316 = arith.constant 4 : i32
      %add3A_317 = arith.addi %mul3A_180, %add3A_316 : i32
      %add3A_318 = arith.constant 2 : i32
      %add3A_319 = arith.addi %add3A_317, %add3A_318 : i32
      %lt3A_320 = arith.cmpi slt, %add3A_319, %select_n3A : i32
      %convert_element_type3A_321 = arith.extui %lt3A_320 : i1 to i32
      %cond3A_322 = arith.constant 0 : i32
      %cond3A_323 = arith.cmpi ne, %convert_element_type3A_321, %cond3A_322 : i32
      scf.if %cond3A_323 {
        %dma_wait3A_333 = arith.constant 2 : i32
        %dma_wait3A_334 = arith.constant 2 : i32
        %dma_wait3A_335 = arith.constant 2 : i32
        %dma_wait3A_336 = arith.constant 0 : i32
        %dma_wait3A_337 = arith.constant 0 : i32
        %dma_wait3A_338 = tpu.memref_slice %arg8[%dma_wait3A_333, %dma_wait3A_336, %dma_wait3A_337] : memref<4x128x16xf32, #tpu.memory_space<vmem>> -> memref<1x128x16xf32, #tpu.memory_space<vmem>>
        %dma_wait3A_339 = tpu.memref_squeeze %dma_wait3A_338 : memref<1x128x16xf32, #tpu.memory_space<vmem>> -> memref<128x16xf32, #tpu.memory_space<vmem>>
        %dma_wait3A_340 = arith.constant 0 : i32
        %dma_wait3A_341 = tpu.memref_slice %arg7[%dma_wait3A_334, %dma_wait3A_340] : memref<136x128xi32, #tpu.memory_space<vmem>> -> memref<1x128xi32, #tpu.memory_space<vmem>>
        %dma_wait3A_342 = tpu.memref_squeeze %dma_wait3A_341 : memref<1x128xi32, #tpu.memory_space<vmem>> -> memref<128xi32, #tpu.memory_space<vmem>>
        %dma_wait3A_343 = arith.constant 0 : i32
        %dma_wait3A_344 = arith.constant 0 : i32
        %dma_wait3A_345 = tpu.memref_slice %arg10[%dma_wait3A_343, %dma_wait3A_344] : memref<10240x16xf32, #tpu.memory_space<vmem_shared>> -> memref<10240x16xf32, #tpu.memory_space<vmem_shared>>
        %dma_wait3A_346 = tpu.memref_slice %arg12[%dma_wait3A_335] : memref<4x!tpu.dma_semaphore, #tpu.memory_space<semaphore_mem>> -> memref<1x!tpu.dma_semaphore, #tpu.memory_space<semaphore_mem>>
        %dma_wait3A_347 = tpu.memref_squeeze %dma_wait3A_346 : memref<1x!tpu.dma_semaphore, #tpu.memory_space<semaphore_mem>> -> memref<!tpu.dma_semaphore, #tpu.memory_space<semaphore_mem>>
        tpu.wait_indirect_dma semaphore(%dma_wait3A_347 : memref<!tpu.dma_semaphore, #tpu.memory_space<semaphore_mem>>) src(%dma_wait3A_339 : memref<128x16xf32, #tpu.memory_space<vmem>>) dst(%dma_wait3A_345 : memref<10240x16xf32, #tpu.memory_space<vmem_shared>>)
        %dma_start3A_348 = arith.constant 2 : i32
        %dma_start3A_349 = arith.constant 2 : i32
        %dma_start3A_350 = arith.constant 0 : i32
        %dma_start3A_351 = arith.constant 0 : i32
        %dma_start3A_352 = tpu.memref_slice %arg8[%dma_start3A_348, %dma_start3A_350, %dma_start3A_351] : memref<4x128x16xf32, #tpu.memory_space<vmem>> -> memref<1x128x16xf32, #tpu.memory_space<vmem>>
        %dma_start3A_353 = tpu.memref_squeeze %dma_start3A_352 : memref<1x128x16xf32, #tpu.memory_space<vmem>> -> memref<128x16xf32, #tpu.memory_space<vmem>>
        %dma_start3A_354 = arith.constant 0 : i32
        %dma_start3A_355 = tpu.memref_slice %arg6[%add3A_319, %dma_start3A_354] : memref<136x128xi32, #tpu.memory_space<vmem>> -> memref<1x128xi32, #tpu.memory_space<vmem>>
        %dma_start3A_356 = tpu.memref_squeeze %dma_start3A_355 : memref<1x128xi32, #tpu.memory_space<vmem>> -> memref<128xi32, #tpu.memory_space<vmem>>
        %dma_start3A_357 = arith.constant 0 : i32
        %dma_start3A_358 = arith.constant 0 : i32
        %dma_start3A_359 = tpu.memref_slice %arg2[%dma_start3A_357, %dma_start3A_358] : memref<10240x16xf32, #tpu.memory_space<hbm>> -> memref<10240x16xf32, #tpu.memory_space<hbm>>
        %dma_start3A_360 = tpu.memref_slice %arg11[%dma_start3A_349] : memref<4x!tpu.dma_semaphore, #tpu.memory_space<semaphore_mem>> -> memref<1x!tpu.dma_semaphore, #tpu.memory_space<semaphore_mem>>
        %dma_start3A_361 = tpu.memref_squeeze %dma_start3A_360 : memref<1x!tpu.dma_semaphore, #tpu.memory_space<semaphore_mem>> -> memref<!tpu.dma_semaphore, #tpu.memory_space<semaphore_mem>>
        tpu.enqueue_indirect_dma source(%dma_start3A_359 : memref<10240x16xf32, #tpu.memory_space<hbm>>) target(%dma_start3A_353 : memref<128x16xf32, #tpu.memory_space<vmem>>) offsets(%dma_start3A_356 : memref<128xi32, #tpu.memory_space<vmem>>) semaphore(%dma_start3A_361 : memref<!tpu.dma_semaphore, #tpu.memory_space<semaphore_mem>>)
      } else {
      }
      %add3A_324 = arith.constant 4 : i32
      %add3A_325 = arith.addi %mul3A_180, %add3A_324 : i32
      %add3A_326 = arith.constant 3 : i32
      %add3A_327 = arith.addi %add3A_325, %add3A_326 : i32
      %lt3A_328 = arith.cmpi slt, %add3A_327, %select_n3A : i32
      %convert_element_type3A_329 = arith.extui %lt3A_328 : i1 to i32
      %cond3A_330 = arith.constant 0 : i32
      %cond3A_331 = arith.cmpi ne, %convert_element_type3A_329, %cond3A_330 : i32
      scf.if %cond3A_331 {
        %dma_wait3A_333 = arith.constant 3 : i32
        %dma_wait3A_334 = arith.constant 3 : i32
        %dma_wait3A_335 = arith.constant 3 : i32
        %dma_wait3A_336 = arith.constant 0 : i32
        %dma_wait3A_337 = arith.constant 0 : i32
        %dma_wait3A_338 = tpu.memref_slice %arg8[%dma_wait3A_333, %dma_wait3A_336, %dma_wait3A_337] : memref<4x128x16xf32, #tpu.memory_space<vmem>> -> memref<1x128x16xf32, #tpu.memory_space<vmem>>
        %dma_wait3A_339 = tpu.memref_squeeze %dma_wait3A_338 : memref<1x128x16xf32, #tpu.memory_space<vmem>> -> memref<128x16xf32, #tpu.memory_space<vmem>>
        %dma_wait3A_340 = arith.constant 0 : i32
        %dma_wait3A_341 = tpu.memref_slice %arg7[%dma_wait3A_334, %dma_wait3A_340] : memref<136x128xi32, #tpu.memory_space<vmem>> -> memref<1x128xi32, #tpu.memory_space<vmem>>
        %dma_wait3A_342 = tpu.memref_squeeze %dma_wait3A_341 : memref<1x128xi32, #tpu.memory_space<vmem>> -> memref<128xi32, #tpu.memory_space<vmem>>
        %dma_wait3A_343 = arith.constant 0 : i32
        %dma_wait3A_344 = arith.constant 0 : i32
        %dma_wait3A_345 = tpu.memref_slice %arg10[%dma_wait3A_343, %dma_wait3A_344] : memref<10240x16xf32, #tpu.memory_space<vmem_shared>> -> memref<10240x16xf32, #tpu.memory_space<vmem_shared>>
        %dma_wait3A_346 = tpu.memref_slice %arg12[%dma_wait3A_335] : memref<4x!tpu.dma_semaphore, #tpu.memory_space<semaphore_mem>> -> memref<1x!tpu.dma_semaphore, #tpu.memory_space<semaphore_mem>>
        %dma_wait3A_347 = tpu.memref_squeeze %dma_wait3A_346 : memref<1x!tpu.dma_semaphore, #tpu.memory_space<semaphore_mem>> -> memref<!tpu.dma_semaphore, #tpu.memory_space<semaphore_mem>>
        tpu.wait_indirect_dma semaphore(%dma_wait3A_347 : memref<!tpu.dma_semaphore, #tpu.memory_space<semaphore_mem>>) src(%dma_wait3A_339 : memref<128x16xf32, #tpu.memory_space<vmem>>) dst(%dma_wait3A_345 : memref<10240x16xf32, #tpu.memory_space<vmem_shared>>)
        %dma_start3A_348 = arith.constant 3 : i32
        %dma_start3A_349 = arith.constant 3 : i32
        %dma_start3A_350 = arith.constant 0 : i32
        %dma_start3A_351 = arith.constant 0 : i32
        %dma_start3A_352 = tpu.memref_slice %arg8[%dma_start3A_348, %dma_start3A_350, %dma_start3A_351] : memref<4x128x16xf32, #tpu.memory_space<vmem>> -> memref<1x128x16xf32, #tpu.memory_space<vmem>>
        %dma_start3A_353 = tpu.memref_squeeze %dma_start3A_352 : memref<1x128x16xf32, #tpu.memory_space<vmem>> -> memref<128x16xf32, #tpu.memory_space<vmem>>
        %dma_start3A_354 = arith.constant 0 : i32
        %dma_start3A_355 = tpu.memref_slice %arg6[%add3A_327, %dma_start3A_354] : memref<136x128xi32, #tpu.memory_space<vmem>> -> memref<1x128xi32, #tpu.memory_space<vmem>>
        %dma_start3A_356 = tpu.memref_squeeze %dma_start3A_355 : memref<1x128xi32, #tpu.memory_space<vmem>> -> memref<128xi32, #tpu.memory_space<vmem>>
        %dma_start3A_357 = arith.constant 0 : i32
        %dma_start3A_358 = arith.constant 0 : i32
        %dma_start3A_359 = tpu.memref_slice %arg2[%dma_start3A_357, %dma_start3A_358] : memref<10240x16xf32, #tpu.memory_space<hbm>> -> memref<10240x16xf32, #tpu.memory_space<hbm>>
        %dma_start3A_360 = tpu.memref_slice %arg11[%dma_start3A_349] : memref<4x!tpu.dma_semaphore, #tpu.memory_space<semaphore_mem>> -> memref<1x!tpu.dma_semaphore, #tpu.memory_space<semaphore_mem>>
        %dma_start3A_361 = tpu.memref_squeeze %dma_start3A_360 : memref<1x!tpu.dma_semaphore, #tpu.memory_space<semaphore_mem>> -> memref<!tpu.dma_semaphore, #tpu.memory_space<semaphore_mem>>
        tpu.enqueue_indirect_dma source(%dma_start3A_359 : memref<10240x16xf32, #tpu.memory_space<hbm>>) target(%dma_start3A_353 : memref<128x16xf32, #tpu.memory_space<vmem>>) offsets(%dma_start3A_356 : memref<128xi32, #tpu.memory_space<vmem>>) semaphore(%dma_start3A_361 : memref<!tpu.dma_semaphore, #tpu.memory_space<semaphore_mem>>)
      } else {
      }
      %while3A_332 = arith.constant 0 : i32
      scf.yield %while3A_332 : i32
    }
    %dma_wait3A = arith.constant 0 : i32
    %dma_wait3A_113 = arith.constant 0 : i32
    %dma_wait3A_114 = arith.constant 0 : i32
    %dma_wait3A_115 = arith.constant 0 : i32
    %dma_wait3A_116 = arith.constant 0 : i32
    %dma_wait3A_117 = tpu.memref_slice %arg8[%dma_wait3A, %dma_wait3A_115, %dma_wait3A_116] : memref<4x128x16xf32, #tpu.memory_space<vmem>> -> memref<1x128x16xf32, #tpu.memory_space<vmem>>
    %dma_wait3A_118 = tpu.memref_squeeze %dma_wait3A_117 : memref<1x128x16xf32, #tpu.memory_space<vmem>> -> memref<128x16xf32, #tpu.memory_space<vmem>>
    %dma_wait3A_119 = arith.constant 0 : i32
    %dma_wait3A_120 = tpu.memref_slice %arg7[%dma_wait3A_113, %dma_wait3A_119] : memref<136x128xi32, #tpu.memory_space<vmem>> -> memref<1x128xi32, #tpu.memory_space<vmem>>
    %dma_wait3A_121 = tpu.memref_squeeze %dma_wait3A_120 : memref<1x128xi32, #tpu.memory_space<vmem>> -> memref<128xi32, #tpu.memory_space<vmem>>
    %dma_wait3A_122 = arith.constant 0 : i32
    %dma_wait3A_123 = arith.constant 0 : i32
    %dma_wait3A_124 = tpu.memref_slice %arg10[%dma_wait3A_122, %dma_wait3A_123] : memref<10240x16xf32, #tpu.memory_space<vmem_shared>> -> memref<10240x16xf32, #tpu.memory_space<vmem_shared>>
    %dma_wait3A_125 = tpu.memref_slice %arg12[%dma_wait3A_114] : memref<4x!tpu.dma_semaphore, #tpu.memory_space<semaphore_mem>> -> memref<1x!tpu.dma_semaphore, #tpu.memory_space<semaphore_mem>>
    %dma_wait3A_126 = tpu.memref_squeeze %dma_wait3A_125 : memref<1x!tpu.dma_semaphore, #tpu.memory_space<semaphore_mem>> -> memref<!tpu.dma_semaphore, #tpu.memory_space<semaphore_mem>>
    tpu.wait_indirect_dma semaphore(%dma_wait3A_126 : memref<!tpu.dma_semaphore, #tpu.memory_space<semaphore_mem>>) src(%dma_wait3A_118 : memref<128x16xf32, #tpu.memory_space<vmem>>) dst(%dma_wait3A_124 : memref<10240x16xf32, #tpu.memory_space<vmem_shared>>)
    %dma_wait3A_127 = arith.constant 1 : i32
    %dma_wait3A_128 = arith.constant 1 : i32
    %dma_wait3A_129 = arith.constant 1 : i32
    %dma_wait3A_130 = arith.constant 0 : i32
    %dma_wait3A_131 = arith.constant 0 : i32
    %dma_wait3A_132 = tpu.memref_slice %arg8[%dma_wait3A_127, %dma_wait3A_130, %dma_wait3A_131] : memref<4x128x16xf32, #tpu.memory_space<vmem>> -> memref<1x128x16xf32, #tpu.memory_space<vmem>>
    %dma_wait3A_133 = tpu.memref_squeeze %dma_wait3A_132 : memref<1x128x16xf32, #tpu.memory_space<vmem>> -> memref<128x16xf32, #tpu.memory_space<vmem>>
    %dma_wait3A_134 = arith.constant 0 : i32
    %dma_wait3A_135 = tpu.memref_slice %arg7[%dma_wait3A_128, %dma_wait3A_134] : memref<136x128xi32, #tpu.memory_space<vmem>> -> memref<1x128xi32, #tpu.memory_space<vmem>>
    %dma_wait3A_136 = tpu.memref_squeeze %dma_wait3A_135 : memref<1x128xi32, #tpu.memory_space<vmem>> -> memref<128xi32, #tpu.memory_space<vmem>>
    %dma_wait3A_137 = arith.constant 0 : i32
    %dma_wait3A_138 = arith.constant 0 : i32
    %dma_wait3A_139 = tpu.memref_slice %arg10[%dma_wait3A_137, %dma_wait3A_138] : memref<10240x16xf32, #tpu.memory_space<vmem_shared>> -> memref<10240x16xf32, #tpu.memory_space<vmem_shared>>
    %dma_wait3A_140 = tpu.memref_slice %arg12[%dma_wait3A_129] : memref<4x!tpu.dma_semaphore, #tpu.memory_space<semaphore_mem>> -> memref<1x!tpu.dma_semaphore, #tpu.memory_space<semaphore_mem>>
    %dma_wait3A_141 = tpu.memref_squeeze %dma_wait3A_140 : memref<1x!tpu.dma_semaphore, #tpu.memory_space<semaphore_mem>> -> memref<!tpu.dma_semaphore, #tpu.memory_space<semaphore_mem>>
    tpu.wait_indirect_dma semaphore(%dma_wait3A_141 : memref<!tpu.dma_semaphore, #tpu.memory_space<semaphore_mem>>) src(%dma_wait3A_133 : memref<128x16xf32, #tpu.memory_space<vmem>>) dst(%dma_wait3A_139 : memref<10240x16xf32, #tpu.memory_space<vmem_shared>>)
    %dma_wait3A_142 = arith.constant 2 : i32
    %dma_wait3A_143 = arith.constant 2 : i32
    %dma_wait3A_144 = arith.constant 2 : i32
    %dma_wait3A_145 = arith.constant 0 : i32
    %dma_wait3A_146 = arith.constant 0 : i32
    %dma_wait3A_147 = tpu.memref_slice %arg8[%dma_wait3A_142, %dma_wait3A_145, %dma_wait3A_146] : memref<4x128x16xf32, #tpu.memory_space<vmem>> -> memref<1x128x16xf32, #tpu.memory_space<vmem>>
    %dma_wait3A_148 = tpu.memref_squeeze %dma_wait3A_147 : memref<1x128x16xf32, #tpu.memory_space<vmem>> -> memref<128x16xf32, #tpu.memory_space<vmem>>
    %dma_wait3A_149 = arith.constant 0 : i32
    %dma_wait3A_150 = tpu.memref_slice %arg7[%dma_wait3A_143, %dma_wait3A_149] : memref<136x128xi32, #tpu.memory_space<vmem>> -> memref<1x128xi32, #tpu.memory_space<vmem>>
    %dma_wait3A_151 = tpu.memref_squeeze %dma_wait3A_150 : memref<1x128xi32, #tpu.memory_space<vmem>> -> memref<128xi32, #tpu.memory_space<vmem>>
    %dma_wait3A_152 = arith.constant 0 : i32
    %dma_wait3A_153 = arith.constant 0 : i32
    %dma_wait3A_154 = tpu.memref_slice %arg10[%dma_wait3A_152, %dma_wait3A_153] : memref<10240x16xf32, #tpu.memory_space<vmem_shared>> -> memref<10240x16xf32, #tpu.memory_space<vmem_shared>>
    %dma_wait3A_155 = tpu.memref_slice %arg12[%dma_wait3A_144] : memref<4x!tpu.dma_semaphore, #tpu.memory_space<semaphore_mem>> -> memref<1x!tpu.dma_semaphore, #tpu.memory_space<semaphore_mem>>
    %dma_wait3A_156 = tpu.memref_squeeze %dma_wait3A_155 : memref<1x!tpu.dma_semaphore, #tpu.memory_space<semaphore_mem>> -> memref<!tpu.dma_semaphore, #tpu.memory_space<semaphore_mem>>
    tpu.wait_indirect_dma semaphore(%dma_wait3A_156 : memref<!tpu.dma_semaphore, #tpu.memory_space<semaphore_mem>>) src(%dma_wait3A_148 : memref<128x16xf32, #tpu.memory_space<vmem>>) dst(%dma_wait3A_154 : memref<10240x16xf32, #tpu.memory_space<vmem_shared>>)
    %dma_wait3A_157 = arith.constant 3 : i32
    %dma_wait3A_158 = arith.constant 3 : i32
    %dma_wait3A_159 = arith.constant 3 : i32
    %dma_wait3A_160 = arith.constant 0 : i32
    %dma_wait3A_161 = arith.constant 0 : i32
    %dma_wait3A_162 = tpu.memref_slice %arg8[%dma_wait3A_157, %dma_wait3A_160, %dma_wait3A_161] : memref<4x128x16xf32, #tpu.memory_space<vmem>> -> memref<1x128x16xf32, #tpu.memory_space<vmem>>
    %dma_wait3A_163 = tpu.memref_squeeze %dma_wait3A_162 : memref<1x128x16xf32, #tpu.memory_space<vmem>> -> memref<128x16xf32, #tpu.memory_space<vmem>>
    %dma_wait3A_164 = arith.constant 0 : i32
    %dma_wait3A_165 = tpu.memref_slice %arg7[%dma_wait3A_158, %dma_wait3A_164] : memref<136x128xi32, #tpu.memory_space<vmem>> -> memref<1x128xi32, #tpu.memory_space<vmem>>
    %dma_wait3A_166 = tpu.memref_squeeze %dma_wait3A_165 : memref<1x128xi32, #tpu.memory_space<vmem>> -> memref<128xi32, #tpu.memory_space<vmem>>
    %dma_wait3A_167 = arith.constant 0 : i32
    %dma_wait3A_168 = arith.constant 0 : i32
    %dma_wait3A_169 = tpu.memref_slice %arg10[%dma_wait3A_167, %dma_wait3A_168] : memref<10240x16xf32, #tpu.memory_space<vmem_shared>> -> memref<10240x16xf32, #tpu.memory_space<vmem_shared>>
    %dma_wait3A_170 = tpu.memref_slice %arg12[%dma_wait3A_159] : memref<4x!tpu.dma_semaphore, #tpu.memory_space<semaphore_mem>> -> memref<1x!tpu.dma_semaphore, #tpu.memory_space<semaphore_mem>>
    %dma_wait3A_171 = tpu.memref_squeeze %dma_wait3A_170 : memref<1x!tpu.dma_semaphore, #tpu.memory_space<semaphore_mem>> -> memref<!tpu.dma_semaphore, #tpu.memory_space<semaphore_mem>>
    tpu.wait_indirect_dma semaphore(%dma_wait3A_171 : memref<!tpu.dma_semaphore, #tpu.memory_space<semaphore_mem>>) src(%dma_wait3A_163 : memref<128x16xf32, #tpu.memory_space<vmem>>) dst(%dma_wait3A_169 : memref<10240x16xf32, #tpu.memory_space<vmem_shared>>)
    %barrier3A_172 = arith.constant 0 : index
    tpu.barrier barrier_id(%barrier3A_172)
    %mul3A_173 = arith.constant 640 : i32
    %mul3A_174 = arith.muli %arg1, %mul3A_173 : i32
    %mul3A_175 = arith.constant 640 : i32
    %mul3A_176 = arith.muli %arg1, %mul3A_175 : i32
    "tpu.region"() ({
      %run_scoped3A = tpu.sem_alloc : memref<!tpu.dma_semaphore, #tpu.memory_space<semaphore_mem>>
      %dma_start3A_177 = arith.constant 0 : i32
      %dma_start3A_178 = tpu.memref_slice %arg5[%arg0, %mul3A_176, %dma_start3A_177] : memref<2x10240x16xf32, #tpu.memory_space<hbm>> -> memref<1x640x16xf32, #tpu.memory_space<hbm>>
      %dma_start3A_179 = tpu.memref_squeeze %dma_start3A_178 : memref<1x640x16xf32, #tpu.memory_space<hbm>> -> memref<640x16xf32, #tpu.memory_space<hbm>>
      %dma_start3A_180 = arith.constant 0 : i32
      %dma_start3A_181 = tpu.memref_slice %arg10[%mul3A_174, %dma_start3A_180] : memref<10240x16xf32, #tpu.memory_space<vmem_shared>> -> memref<640x16xf32, #tpu.memory_space<vmem_shared>>
      tpu.enqueue_dma source(%dma_start3A_181 : memref<640x16xf32, #tpu.memory_space<vmem_shared>>) target(%dma_start3A_179 : memref<640x16xf32, #tpu.memory_space<hbm>>) target_semaphore(%run_scoped3A : memref<!tpu.dma_semaphore, #tpu.memory_space<semaphore_mem>>)
      %dma_wait3A_182 = arith.constant 0 : i32
      %dma_wait3A_183 = tpu.memref_slice %arg5[%arg0, %mul3A_176, %dma_wait3A_182] : memref<2x10240x16xf32, #tpu.memory_space<hbm>> -> memref<1x640x16xf32, #tpu.memory_space<hbm>>
      %dma_wait3A_184 = tpu.memref_squeeze %dma_wait3A_183 : memref<1x640x16xf32, #tpu.memory_space<hbm>> -> memref<640x16xf32, #tpu.memory_space<hbm>>
      %dma_wait3A_185 = arith.constant 0 : i32
      %dma_wait3A_186 = tpu.memref_slice %arg10[%mul3A_174, %dma_wait3A_185] : memref<10240x16xf32, #tpu.memory_space<vmem_shared>> -> memref<640x16xf32, #tpu.memory_space<vmem_shared>>
      tpu.wait_dma2 semaphore(%run_scoped3A : memref<!tpu.dma_semaphore, #tpu.memory_space<semaphore_mem>>) src(%dma_wait3A_186 : memref<640x16xf32, #tpu.memory_space<vmem_shared>>) dst(%dma_wait3A_184 : memref<640x16xf32, #tpu.memory_space<hbm>>)
      tpu.yield
    }) : () -> ()
    return
  }
}

#map = affine_map<(d0, d1) -> (0, 0)>
#map1 = affine_map<(d0, d1) -> (0, 0, 0)>
module attributes {stable_mosaic.version = 14 : i64} {
  func.func @k(%arg0: i32, %arg1: i32, %arg2: memref<10240x16xf32, #tpu.memory_space<hbm>>, %arg3: memref<2560x128xi32, #tpu.memory_space<hbm>>, %arg4: memref<2560x128xi32, #tpu.memory_space<hbm>>, %arg5: memref<2x10240x16xf32, #tpu.memory_space<hbm>>, %arg6: memref<136x128xi32, #tpu.memory_space<vmem>>, %arg7: memref<136x128xi32, #tpu.memory_space<vmem>>, %arg8: memref<4x128x16xf32, #tpu.memory_space<vmem>>, %arg9: memref<640x16xf32, #tpu.memory_space<vmem>>, %arg10: memref<10240x16xf32, #tpu.memory_space<vmem_shared>>, %arg11: memref<4x!tpu.dma_semaphore, #tpu.memory_space<semaphore_mem>>, %arg12: memref<4x!tpu.dma_semaphore, #tpu.memory_space<semaphore_mem>>) attributes {dimension_semantics = [#tpu.dimension_semantics<core_parallel>, #tpu.dimension_semantics<subcore_parallel>], iteration_bounds = array<i64: 2, 16>, scalar_prefetch = 0 : i64, scratch_operands = 7 : i64, tpu.core_type = #tpu.core_type<sc_vector_subcore>, window_params = [{transform_indices = #map}, {transform_indices = #map}, {transform_indices = #map}, {transform_indices = #map1}]} {
    %eq3A = arith.constant 0 : i32
    %eq3A_0 = arith.cmpi eq, %arg0, %eq3A : i32
    %jit3A = arith.constant 136 : i32
    %jit3A_1 = arith.constant 24 : i32
    %select_n3A = arith.select %eq3A_0, %jit3A, %jit3A_1 : i32
    %eq3A_2 = arith.constant 0 : i32
    %eq3A_3 = arith.cmpi eq, %arg0, %eq3A_2 : i32
    %mul3A = arith.constant 136 : i32
    %mul3A_4 = arith.muli %arg1, %mul3A : i32
    %mul3A_5 = arith.constant 24 : i32
    %mul3A_6 = arith.muli %arg1, %mul3A_5 : i32
    %add3A = arith.constant 2176 : i32
    %add3A_7 = arith.addi %add3A, %mul3A_6 : i32
    %select_n3A_8 = arith.select %eq3A_3, %mul3A_4, %add3A_7 : i32
    %scan3A = arith.constant 0 : i32
    %scan3A_9 = arith.constant 0 : i32
    %scan3A_10 = arith.constant 640 : i32
    %scan3A_11 = arith.addi %scan3A_9, %scan3A_10 : i32
    %scan3A_12 = arith.constant 1 : i32
    %scan3A_13 = scf.for %scan3A_177 = %scan3A_9 to %scan3A_11 step %scan3A_12 iter_args(%scan3A_178 = %scan3A) -> (i32)  : i32 {
      %broadcast_in_dim3A = arith.constant 0.000000e+00 : f32
      %broadcast_in_dim3A_179 = vector.broadcast %broadcast_in_dim3A : f32 to vector<16xf32>
      %swap3A = arith.index_cast %scan3A_177 : i32 to index
      %swap3A_180 = arith.constant 0 : index
      %swap3A_181 = tpu.vector_load %arg9[%swap3A, %swap3A_180] {strides = array<i32>} : memref<640x16xf32, #tpu.memory_space<vmem>>, vector<1x16xf32>,
      %swap3A_182 = vector.shape_cast %swap3A_181 : vector<1x16xf32> to vector<16xf32>
      %swap3A_183 = vector.shape_cast %broadcast_in_dim3A_179 : vector<16xf32> to vector<1x16xf32>
      tpu.vector_store %arg9[%swap3A, %swap3A_180], %swap3A_183 {strides = array<i32>} : memref<640x16xf32, #tpu.memory_space<vmem>>, vector<1x16xf32>,
      %scan3A_184 = arith.constant 0 : i32
      scf.yield %scan3A_184 : i32
    }
    %scan3A_14 = arith.constant 640 : i32
    %eq3A_15 = arith.constant 0 : i32
    %eq3A_16 = arith.cmpi eq, %arg0, %eq3A_15 : i32
    %convert_element_type3A = arith.extui %eq3A_16 : i1 to i32
    %cond3A = arith.constant 0 : i32
    %cond3A_17 = arith.cmpi ne, %convert_element_type3A, %cond3A : i32
    scf.if %cond3A_17 {
      "tpu.region"() ({
        %run_scoped3A = tpu.sem_alloc : memref<!tpu.dma_semaphore, #tpu.memory_space<semaphore_mem>>
        %dma_start3A_177 = arith.constant 0 : i32
        %dma_start3A_178 = arith.constant 0 : i32
        %dma_start3A_179 = tpu.memref_slice %arg6[%dma_start3A_177, %dma_start3A_178] : memref<136x128xi32, #tpu.memory_space<vmem>> -> memref<136x128xi32, #tpu.memory_space<vmem>>
        %dma_start3A_180 = arith.constant 0 : i32
        %dma_start3A_181 = tpu.memref_slice %arg3[%select_n3A_8, %dma_start3A_180] : memref<2560x128xi32, #tpu.memory_space<hbm>> -> memref<136x128xi32, #tpu.memory_space<hbm>>
        %dma_start3A_182 = arith.constant 0 : i32
        %dma_start3A_183 = arith.constant 0 : i32
        %dma_start3A_184 = tpu.memref_slice %arg6[%dma_start3A_182, %dma_start3A_183] : memref<136x128xi32, #tpu.memory_space<vmem>> -> memref<136x128xi32, #tpu.memory_space<vmem>>
        %dma_start3A_185 = arith.constant 0 : i32
        %dma_start3A_186 = tpu.memref_slice %arg3[%select_n3A_8, %dma_start3A_185] : memref<2560x128xi32, #tpu.memory_space<hbm>> -> memref<136x128xi32, #tpu.memory_space<hbm>>
        tpu.enqueue_dma source(%dma_start3A_186 : memref<136x128xi32, #tpu.memory_space<hbm>>) target(%dma_start3A_184 : memref<136x128xi32, #tpu.memory_space<vmem>>) target_semaphore(%run_scoped3A : memref<!tpu.dma_semaphore, #tpu.memory_space<semaphore_mem>>)
        %dma_wait3A_187 = arith.constant 0 : i32
        %dma_wait3A_188 = arith.constant 0 : i32
        %dma_wait3A_189 = tpu.memref_slice %arg6[%dma_wait3A_187, %dma_wait3A_188] : memref<136x128xi32, #tpu.memory_space<vmem>> -> memref<136x128xi32, #tpu.memory_space<vmem>>
        %dma_wait3A_190 = arith.constant 0 : i32
        %dma_wait3A_191 = tpu.memref_slice %arg3[%select_n3A_8, %dma_wait3A_190] : memref<2560x128xi32, #tpu.memory_space<hbm>> -> memref<136x128xi32, #tpu.memory_space<hbm>>
        %dma_wait3A_192 = arith.constant 0 : i32
        %dma_wait3A_193 = arith.constant 0 : i32
        %dma_wait3A_194 = tpu.memref_slice %arg6[%dma_wait3A_192, %dma_wait3A_193] : memref<136x128xi32, #tpu.memory_space<vmem>> -> memref<136x128xi32, #tpu.memory_space<vmem>>
        %dma_wait3A_195 = arith.constant 0 : i32
        %dma_wait3A_196 = tpu.memref_slice %arg3[%select_n3A_8, %dma_wait3A_195] : memref<2560x128xi32, #tpu.memory_space<hbm>> -> memref<136x128xi32, #tpu.memory_space<hbm>>
        tpu.wait_dma2 semaphore(%run_scoped3A : memref<!tpu.dma_semaphore, #tpu.memory_space<semaphore_mem>>) src(%dma_wait3A_196 : memref<136x128xi32, #tpu.memory_space<hbm>>) dst(%dma_wait3A_194 : memref<136x128xi32, #tpu.memory_space<vmem>>)
        tpu.yield
      }) : () -> ()
      "tpu.region"() ({
        %run_scoped3A = tpu.sem_alloc : memref<!tpu.dma_semaphore, #tpu.memory_space<semaphore_mem>>
        %dma_start3A_177 = arith.constant 0 : i32
        %dma_start3A_178 = arith.constant 0 : i32
        %dma_start3A_179 = tpu.memref_slice %arg7[%dma_start3A_177, %dma_start3A_178] : memref<136x128xi32, #tpu.memory_space<vmem>> -> memref<136x128xi32, #tpu.memory_space<vmem>>
        %dma_start3A_180 = arith.constant 0 : i32
        %dma_start3A_181 = tpu.memref_slice %arg4[%select_n3A_8, %dma_start3A_180] : memref<2560x128xi32, #tpu.memory_space<hbm>> -> memref<136x128xi32, #tpu.memory_space<hbm>>
        %dma_start3A_182 = arith.constant 0 : i32
        %dma_start3A_183 = arith.constant 0 : i32
        %dma_start3A_184 = tpu.memref_slice %arg7[%dma_start3A_182, %dma_start3A_183] : memref<136x128xi32, #tpu.memory_space<vmem>> -> memref<136x128xi32, #tpu.memory_space<vmem>>
        %dma_start3A_185 = arith.constant 0 : i32
        %dma_start3A_186 = tpu.memref_slice %arg4[%select_n3A_8, %dma_start3A_185] : memref<2560x128xi32, #tpu.memory_space<hbm>> -> memref<136x128xi32, #tpu.memory_space<hbm>>
        tpu.enqueue_dma source(%dma_start3A_186 : memref<136x128xi32, #tpu.memory_space<hbm>>) target(%dma_start3A_184 : memref<136x128xi32, #tpu.memory_space<vmem>>) target_semaphore(%run_scoped3A : memref<!tpu.dma_semaphore, #tpu.memory_space<semaphore_mem>>)
        %dma_wait3A_187 = arith.constant 0 : i32
        %dma_wait3A_188 = arith.constant 0 : i32
        %dma_wait3A_189 = tpu.memref_slice %arg7[%dma_wait3A_187, %dma_wait3A_188] : memref<136x128xi32, #tpu.memory_space<vmem>> -> memref<136x128xi32, #tpu.memory_space<vmem>>
        %dma_wait3A_190 = arith.constant 0 : i32
        %dma_wait3A_191 = tpu.memref_slice %arg4[%select_n3A_8, %dma_wait3A_190] : memref<2560x128xi32, #tpu.memory_space<hbm>> -> memref<136x128xi32, #tpu.memory_space<hbm>>
        %dma_wait3A_192 = arith.constant 0 : i32
        %dma_wait3A_193 = arith.constant 0 : i32
        %dma_wait3A_194 = tpu.memref_slice %arg7[%dma_wait3A_192, %dma_wait3A_193] : memref<136x128xi32, #tpu.memory_space<vmem>> -> memref<136x128xi32, #tpu.memory_space<vmem>>
        %dma_wait3A_195 = arith.constant 0 : i32
        %dma_wait3A_196 = tpu.memref_slice %arg4[%select_n3A_8, %dma_wait3A_195] : memref<2560x128xi32, #tpu.memory_space<hbm>> -> memref<136x128xi32, #tpu.memory_space<hbm>>
        tpu.wait_dma2 semaphore(%run_scoped3A : memref<!tpu.dma_semaphore, #tpu.memory_space<semaphore_mem>>) src(%dma_wait3A_196 : memref<136x128xi32, #tpu.memory_space<hbm>>) dst(%dma_wait3A_194 : memref<136x128xi32, #tpu.memory_space<vmem>>)
        tpu.yield
      }) : () -> ()
    } else {
    }
    %eq3A_18 = arith.constant 1 : i32
    %eq3A_19 = arith.cmpi eq, %arg0, %eq3A_18 : i32
    %convert_element_type3A_20 = arith.extui %eq3A_19 : i1 to i32
    %cond3A_21 = arith.constant 0 : i32
    %cond3A_22 = arith.cmpi ne, %convert_element_type3A_20, %cond3A_21 : i32
    scf.if %cond3A_22 {
      "tpu.region"() ({
        %run_scoped3A = tpu.sem_alloc : memref<!tpu.dma_semaphore, #tpu.memory_space<semaphore_mem>>
        %dma_start3A_177 = arith.constant 0 : i32
        %dma_start3A_178 = arith.constant 0 : i32
        %dma_start3A_179 = tpu.memref_slice %arg6[%dma_start3A_177, %dma_start3A_178] : memref<136x128xi32, #tpu.memory_space<vmem>> -> memref<24x128xi32, #tpu.memory_space<vmem>>
        %dma_start3A_180 = arith.constant 0 : i32
        %dma_start3A_181 = tpu.memref_slice %arg3[%select_n3A_8, %dma_start3A_180] : memref<2560x128xi32, #tpu.memory_space<hbm>> -> memref<24x128xi32, #tpu.memory_space<hbm>>
        %dma_start3A_182 = arith.constant 0 : i32
        %dma_start3A_183 = arith.constant 0 : i32
        %dma_start3A_184 = tpu.memref_slice %arg6[%dma_start3A_182, %dma_start3A_183] : memref<136x128xi32, #tpu.memory_space<vmem>> -> memref<24x128xi32, #tpu.memory_space<vmem>>
        %dma_start3A_185 = arith.constant 0 : i32
        %dma_start3A_186 = tpu.memref_slice %arg3[%select_n3A_8, %dma_start3A_185] : memref<2560x128xi32, #tpu.memory_space<hbm>> -> memref<24x128xi32, #tpu.memory_space<hbm>>
        tpu.enqueue_dma source(%dma_start3A_186 : memref<24x128xi32, #tpu.memory_space<hbm>>) target(%dma_start3A_184 : memref<24x128xi32, #tpu.memory_space<vmem>>) target_semaphore(%run_scoped3A : memref<!tpu.dma_semaphore, #tpu.memory_space<semaphore_mem>>)
        %dma_wait3A_187 = arith.constant 0 : i32
        %dma_wait3A_188 = arith.constant 0 : i32
        %dma_wait3A_189 = tpu.memref_slice %arg6[%dma_wait3A_187, %dma_wait3A_188] : memref<136x128xi32, #tpu.memory_space<vmem>> -> memref<24x128xi32, #tpu.memory_space<vmem>>
        %dma_wait3A_190 = arith.constant 0 : i32
        %dma_wait3A_191 = tpu.memref_slice %arg3[%select_n3A_8, %dma_wait3A_190] : memref<2560x128xi32, #tpu.memory_space<hbm>> -> memref<24x128xi32, #tpu.memory_space<hbm>>
        %dma_wait3A_192 = arith.constant 0 : i32
        %dma_wait3A_193 = arith.constant 0 : i32
        %dma_wait3A_194 = tpu.memref_slice %arg6[%dma_wait3A_192, %dma_wait3A_193] : memref<136x128xi32, #tpu.memory_space<vmem>> -> memref<24x128xi32, #tpu.memory_space<vmem>>
        %dma_wait3A_195 = arith.constant 0 : i32
        %dma_wait3A_196 = tpu.memref_slice %arg3[%select_n3A_8, %dma_wait3A_195] : memref<2560x128xi32, #tpu.memory_space<hbm>> -> memref<24x128xi32, #tpu.memory_space<hbm>>
        tpu.wait_dma2 semaphore(%run_scoped3A : memref<!tpu.dma_semaphore, #tpu.memory_space<semaphore_mem>>) src(%dma_wait3A_196 : memref<24x128xi32, #tpu.memory_space<hbm>>) dst(%dma_wait3A_194 : memref<24x128xi32, #tpu.memory_space<vmem>>)
        tpu.yield
      }) : () -> ()
      "tpu.region"() ({
        %run_scoped3A = tpu.sem_alloc : memref<!tpu.dma_semaphore, #tpu.memory_space<semaphore_mem>>
        %dma_start3A_177 = arith.constant 0 : i32
        %dma_start3A_178 = arith.constant 0 : i32
        %dma_start3A_179 = tpu.memref_slice %arg7[%dma_start3A_177, %dma_start3A_178] : memref<136x128xi32, #tpu.memory_space<vmem>> -> memref<24x128xi32, #tpu.memory_space<vmem>>
        %dma_start3A_180 = arith.constant 0 : i32
        %dma_start3A_181 = tpu.memref_slice %arg4[%select_n3A_8, %dma_start3A_180] : memref<2560x128xi32, #tpu.memory_space<hbm>> -> memref<24x128xi32, #tpu.memory_space<hbm>>
        %dma_start3A_182 = arith.constant 0 : i32
        %dma_start3A_183 = arith.constant 0 : i32
        %dma_start3A_184 = tpu.memref_slice %arg7[%dma_start3A_182, %dma_start3A_183] : memref<136x128xi32, #tpu.memory_space<vmem>> -> memref<24x128xi32, #tpu.memory_space<vmem>>
        %dma_start3A_185 = arith.constant 0 : i32
        %dma_start3A_186 = tpu.memref_slice %arg4[%select_n3A_8, %dma_start3A_185] : memref<2560x128xi32, #tpu.memory_space<hbm>> -> memref<24x128xi32, #tpu.memory_space<hbm>>
        tpu.enqueue_dma source(%dma_start3A_186 : memref<24x128xi32, #tpu.memory_space<hbm>>) target(%dma_start3A_184 : memref<24x128xi32, #tpu.memory_space<vmem>>) target_semaphore(%run_scoped3A : memref<!tpu.dma_semaphore, #tpu.memory_space<semaphore_mem>>)
        %dma_wait3A_187 = arith.constant 0 : i32
        %dma_wait3A_188 = arith.constant 0 : i32
        %dma_wait3A_189 = tpu.memref_slice %arg7[%dma_wait3A_187, %dma_wait3A_188] : memref<136x128xi32, #tpu.memory_space<vmem>> -> memref<24x128xi32, #tpu.memory_space<vmem>>
        %dma_wait3A_190 = arith.constant 0 : i32
        %dma_wait3A_191 = tpu.memref_slice %arg4[%select_n3A_8, %dma_wait3A_190] : memref<2560x128xi32, #tpu.memory_space<hbm>> -> memref<24x128xi32, #tpu.memory_space<hbm>>
        %dma_wait3A_192 = arith.constant 0 : i32
        %dma_wait3A_193 = arith.constant 0 : i32
        %dma_wait3A_194 = tpu.memref_slice %arg7[%dma_wait3A_192, %dma_wait3A_193] : memref<136x128xi32, #tpu.memory_space<vmem>> -> memref<24x128xi32, #tpu.memory_space<vmem>>
        %dma_wait3A_195 = arith.constant 0 : i32
        %dma_wait3A_196 = tpu.memref_slice %arg4[%select_n3A_8, %dma_wait3A_195] : memref<2560x128xi32, #tpu.memory_space<hbm>> -> memref<24x128xi32, #tpu.memory_space<hbm>>
        tpu.wait_dma2 semaphore(%run_scoped3A : memref<!tpu.dma_semaphore, #tpu.memory_space<semaphore_mem>>) src(%dma_wait3A_196 : memref<24x128xi32, #tpu.memory_space<hbm>>) dst(%dma_wait3A_194 : memref<24x128xi32, #tpu.memory_space<vmem>>)
        tpu.yield
      }) : () -> ()
    } else {
    }
    %dma_start3A = arith.constant 0 : i32
    %dma_start3A_23 = arith.constant 0 : i32
    %dma_start3A_24 = arith.constant 0 : i32
    %dma_start3A_25 = arith.constant 0 : i32
    %dma_start3A_26 = arith.constant 0 : i32
    %dma_start3A_27 = tpu.memref_slice %arg8[%dma_start3A_23, %dma_start3A_25, %dma_start3A_26] : memref<4x128x16xf32, #tpu.memory_space<vmem>> -> memref<1x128x16xf32, #tpu.memory_space<vmem>>
    %dma_start3A_28 = tpu.memref_squeeze %dma_start3A_27 : memref<1x128x16xf32, #tpu.memory_space<vmem>> -> memref<128x16xf32, #tpu.memory_space<vmem>>
    %dma_start3A_29 = arith.constant 0 : i32
    %dma_start3A_30 = tpu.memref_slice %arg6[%dma_start3A, %dma_start3A_29] : memref<136x128xi32, #tpu.memory_space<vmem>> -> memref<1x128xi32, #tpu.memory_space<vmem>>
    %dma_start3A_31 = tpu.memref_squeeze %dma_start3A_30 : memref<1x128xi32, #tpu.memory_space<vmem>> -> memref<128xi32, #tpu.memory_space<vmem>>
    %dma_start3A_32 = arith.constant 0 : i32
    %dma_start3A_33 = arith.constant 0 : i32
    %dma_start3A_34 = tpu.memref_slice %arg2[%dma_start3A_32, %dma_start3A_33] : memref<10240x16xf32, #tpu.memory_space<hbm>> -> memref<10240x16xf32, #tpu.memory_space<hbm>>
    %dma_start3A_35 = tpu.memref_slice %arg11[%dma_start3A_24] : memref<4x!tpu.dma_semaphore, #tpu.memory_space<semaphore_mem>> -> memref<1x!tpu.dma_semaphore, #tpu.memory_space<semaphore_mem>>
    %dma_start3A_36 = tpu.memref_squeeze %dma_start3A_35 : memref<1x!tpu.dma_semaphore, #tpu.memory_space<semaphore_mem>> -> memref<!tpu.dma_semaphore, #tpu.memory_space<semaphore_mem>>
    tpu.enqueue_indirect_dma source(%dma_start3A_34 : memref<10240x16xf32, #tpu.memory_space<hbm>>) target(%dma_start3A_28 : memref<128x16xf32, #tpu.memory_space<vmem>>) offsets(%dma_start3A_31 : memref<128xi32, #tpu.memory_space<vmem>>) semaphore(%dma_start3A_36 : memref<!tpu.dma_semaphore, #tpu.memory_space<semaphore_mem>>)
    %dma_start3A_37 = arith.constant 1 : i32
    %dma_start3A_38 = arith.constant 1 : i32
    %dma_start3A_39 = arith.constant 1 : i32
    %dma_start3A_40 = arith.constant 0 : i32
    %dma_start3A_41 = arith.constant 0 : i32
    %dma_start3A_42 = tpu.memref_slice %arg8[%dma_start3A_38, %dma_start3A_40, %dma_start3A_41] : memref<4x128x16xf32, #tpu.memory_space<vmem>> -> memref<1x128x16xf32, #tpu.memory_space<vmem>>
    %dma_start3A_43 = tpu.memref_squeeze %dma_start3A_42 : memref<1x128x16xf32, #tpu.memory_space<vmem>> -> memref<128x16xf32, #tpu.memory_space<vmem>>
    %dma_start3A_44 = arith.constant 0 : i32
    %dma_start3A_45 = tpu.memref_slice %arg6[%dma_start3A_37, %dma_start3A_44] : memref<136x128xi32, #tpu.memory_space<vmem>> -> memref<1x128xi32, #tpu.memory_space<vmem>>
    %dma_start3A_46 = tpu.memref_squeeze %dma_start3A_45 : memref<1x128xi32, #tpu.memory_space<vmem>> -> memref<128xi32, #tpu.memory_space<vmem>>
    %dma_start3A_47 = arith.constant 0 : i32
    %dma_start3A_48 = arith.constant 0 : i32
    %dma_start3A_49 = tpu.memref_slice %arg2[%dma_start3A_47, %dma_start3A_48] : memref<10240x16xf32, #tpu.memory_space<hbm>> -> memref<10240x16xf32, #tpu.memory_space<hbm>>
    %dma_start3A_50 = tpu.memref_slice %arg11[%dma_start3A_39] : memref<4x!tpu.dma_semaphore, #tpu.memory_space<semaphore_mem>> -> memref<1x!tpu.dma_semaphore, #tpu.memory_space<semaphore_mem>>
    %dma_start3A_51 = tpu.memref_squeeze %dma_start3A_50 : memref<1x!tpu.dma_semaphore, #tpu.memory_space<semaphore_mem>> -> memref<!tpu.dma_semaphore, #tpu.memory_space<semaphore_mem>>
    tpu.enqueue_indirect_dma source(%dma_start3A_49 : memref<10240x16xf32, #tpu.memory_space<hbm>>) target(%dma_start3A_43 : memref<128x16xf32, #tpu.memory_space<vmem>>) offsets(%dma_start3A_46 : memref<128xi32, #tpu.memory_space<vmem>>) semaphore(%dma_start3A_51 : memref<!tpu.dma_semaphore, #tpu.memory_space<semaphore_mem>>)
    %dma_start3A_52 = arith.constant 2 : i32
    %dma_start3A_53 = arith.constant 2 : i32
    %dma_start3A_54 = arith.constant 2 : i32
    %dma_start3A_55 = arith.constant 0 : i32
    %dma_start3A_56 = arith.constant 0 : i32
    %dma_start3A_57 = tpu.memref_slice %arg8[%dma_start3A_53, %dma_start3A_55, %dma_start3A_56] : memref<4x128x16xf32, #tpu.memory_space<vmem>> -> memref<1x128x16xf32, #tpu.memory_space<vmem>>
    %dma_start3A_58 = tpu.memref_squeeze %dma_start3A_57 : memref<1x128x16xf32, #tpu.memory_space<vmem>> -> memref<128x16xf32, #tpu.memory_space<vmem>>
    %dma_start3A_59 = arith.constant 0 : i32
    %dma_start3A_60 = tpu.memref_slice %arg6[%dma_start3A_52, %dma_start3A_59] : memref<136x128xi32, #tpu.memory_space<vmem>> -> memref<1x128xi32, #tpu.memory_space<vmem>>
    %dma_start3A_61 = tpu.memref_squeeze %dma_start3A_60 : memref<1x128xi32, #tpu.memory_space<vmem>> -> memref<128xi32, #tpu.memory_space<vmem>>
    %dma_start3A_62 = arith.constant 0 : i32
    %dma_start3A_63 = arith.constant 0 : i32
    %dma_start3A_64 = tpu.memref_slice %arg2[%dma_start3A_62, %dma_start3A_63] : memref<10240x16xf32, #tpu.memory_space<hbm>> -> memref<10240x16xf32, #tpu.memory_space<hbm>>
    %dma_start3A_65 = tpu.memref_slice %arg11[%dma_start3A_54] : memref<4x!tpu.dma_semaphore, #tpu.memory_space<semaphore_mem>> -> memref<1x!tpu.dma_semaphore, #tpu.memory_space<semaphore_mem>>
    %dma_start3A_66 = tpu.memref_squeeze %dma_start3A_65 : memref<1x!tpu.dma_semaphore, #tpu.memory_space<semaphore_mem>> -> memref<!tpu.dma_semaphore, #tpu.memory_space<semaphore_mem>>
    tpu.enqueue_indirect_dma source(%dma_start3A_64 : memref<10240x16xf32, #tpu.memory_space<hbm>>) target(%dma_start3A_58 : memref<128x16xf32, #tpu.memory_space<vmem>>) offsets(%dma_start3A_61 : memref<128xi32, #tpu.memory_space<vmem>>) semaphore(%dma_start3A_66 : memref<!tpu.dma_semaphore, #tpu.memory_space<semaphore_mem>>)
    %dma_start3A_67 = arith.constant 3 : i32
    %dma_start3A_68 = arith.constant 3 : i32
    %dma_start3A_69 = arith.constant 3 : i32
    %dma_start3A_70 = arith.constant 0 : i32
    %dma_start3A_71 = arith.constant 0 : i32
    %dma_start3A_72 = tpu.memref_slice %arg8[%dma_start3A_68, %dma_start3A_70, %dma_start3A_71] : memref<4x128x16xf32, #tpu.memory_space<vmem>> -> memref<1x128x16xf32, #tpu.memory_space<vmem>>
    %dma_start3A_73 = tpu.memref_squeeze %dma_start3A_72 : memref<1x128x16xf32, #tpu.memory_space<vmem>> -> memref<128x16xf32, #tpu.memory_space<vmem>>
    %dma_start3A_74 = arith.constant 0 : i32
    %dma_start3A_75 = tpu.memref_slice %arg6[%dma_start3A_67, %dma_start3A_74] : memref<136x128xi32, #tpu.memory_space<vmem>> -> memref<1x128xi32, #tpu.memory_space<vmem>>
    %dma_start3A_76 = tpu.memref_squeeze %dma_start3A_75 : memref<1x128xi32, #tpu.memory_space<vmem>> -> memref<128xi32, #tpu.memory_space<vmem>>
    %dma_start3A_77 = arith.constant 0 : i32
    %dma_start3A_78 = arith.constant 0 : i32
    %dma_start3A_79 = tpu.memref_slice %arg2[%dma_start3A_77, %dma_start3A_78] : memref<10240x16xf32, #tpu.memory_space<hbm>> -> memref<10240x16xf32, #tpu.memory_space<hbm>>
    %dma_start3A_80 = tpu.memref_slice %arg11[%dma_start3A_69] : memref<4x!tpu.dma_semaphore, #tpu.memory_space<semaphore_mem>> -> memref<1x!tpu.dma_semaphore, #tpu.memory_space<semaphore_mem>>
    %dma_start3A_81 = tpu.memref_squeeze %dma_start3A_80 : memref<1x!tpu.dma_semaphore, #tpu.memory_space<semaphore_mem>> -> memref<!tpu.dma_semaphore, #tpu.memory_space<semaphore_mem>>
    tpu.enqueue_indirect_dma source(%dma_start3A_79 : memref<10240x16xf32, #tpu.memory_space<hbm>>) target(%dma_start3A_73 : memref<128x16xf32, #tpu.memory_space<vmem>>) offsets(%dma_start3A_76 : memref<128xi32, #tpu.memory_space<vmem>>) semaphore(%dma_start3A_81 : memref<!tpu.dma_semaphore, #tpu.memory_space<semaphore_mem>>)
    %mul3A_82 = arith.constant 640 : i32
    %mul3A_83 = arith.muli %arg1, %mul3A_82 : i32
    "tpu.region"() ({
      %run_scoped3A = tpu.sem_alloc : memref<!tpu.dma_semaphore, #tpu.memory_space<semaphore_mem>>
      %dma_start3A_177 = arith.constant 0 : i32
      %dma_start3A_178 = tpu.memref_slice %arg10[%mul3A_83, %dma_start3A_177] : memref<10240x16xf32, #tpu.memory_space<vmem_shared>> -> memref<640x16xf32, #tpu.memory_space<vmem_shared>>
      %dma_start3A_179 = arith.constant 0 : i32
      %dma_start3A_180 = tpu.memref_slice %arg10[%mul3A_83, %dma_start3A_179] : memref<10240x16xf32, #tpu.memory_space<vmem_shared>> -> memref<640x16xf32, #tpu.memory_space<vmem_shared>>
      tpu.enqueue_dma source(%arg9 : memref<640x16xf32, #tpu.memory_space<vmem>>) target(%dma_start3A_180 : memref<640x16xf32, #tpu.memory_space<vmem_shared>>) target_semaphore(%run_scoped3A : memref<!tpu.dma_semaphore, #tpu.memory_space<semaphore_mem>>)
      %dma_wait3A_181 = arith.constant 0 : i32
      %dma_wait3A_182 = tpu.memref_slice %arg10[%mul3A_83, %dma_wait3A_181] : memref<10240x16xf32, #tpu.memory_space<vmem_shared>> -> memref<640x16xf32, #tpu.memory_space<vmem_shared>>
      %dma_wait3A_183 = arith.constant 0 : i32
      %dma_wait3A_184 = tpu.memref_slice %arg10[%mul3A_83, %dma_wait3A_183] : memref<10240x16xf32, #tpu.memory_space<vmem_shared>> -> memref<640x16xf32, #tpu.memory_space<vmem_shared>>
      tpu.wait_dma2 semaphore(%run_scoped3A : memref<!tpu.dma_semaphore, #tpu.memory_space<semaphore_mem>>) src(%arg9 : memref<640x16xf32, #tpu.memory_space<vmem>>) dst(%dma_wait3A_184 : memref<640x16xf32, #tpu.memory_space<vmem_shared>>)
      tpu.yield
    }) : () -> ()
    %barrier3A = arith.constant 0 : index
    tpu.barrier barrier_id(%barrier3A)
    %jit3A_84 = arith.constant 4 : i32
    %div3A = arith.divsi %select_n3A, %jit3A_84 : i32
    %sign3A = arith.constant 0 : i32
    %sign3A_85 = arith.cmpi sgt, %select_n3A, %sign3A : i32
    %sign3A_86 = arith.extui %sign3A_85 : i1 to i32
    %sign3A_87 = arith.constant 0 : i32
    %sign3A_88 = arith.cmpi slt, %select_n3A, %sign3A_87 : i32
    %sign3A_89 = arith.extui %sign3A_88 : i1 to i32
    %sign3A_90 = arith.subi %sign3A_86, %sign3A_89 : i32
    %sign3A_91 = arith.constant 0 : i32
    %sign3A_92 = arith.cmpi sgt, %jit3A_84, %sign3A_91 : i32
    %sign3A_93 = arith.extui %sign3A_92 : i1 to i32
    %sign3A_94 = arith.constant 0 : i32
    %sign3A_95 = arith.cmpi slt, %jit3A_84, %sign3A_94 : i32
    %sign3A_96 = arith.extui %sign3A_95 : i1 to i32
    %sign3A_97 = arith.subi %sign3A_93, %sign3A_96 : i32
    %ne3A = arith.cmpi ne, %sign3A_90, %sign3A_97 : i32
    %rem3A = arith.remsi %select_n3A, %jit3A_84 : i32
    %ne3A_98 = arith.constant 0 : i32
    %ne3A_99 = arith.cmpi ne, %rem3A, %ne3A_98 : i32
    %and3A = arith.andi %ne3A, %ne3A_99 : i1
    %sub3A = arith.constant 1 : i32
    %sub3A_100 = arith.subi %div3A, %sub3A : i32
    %select_n3A_101 = arith.select %and3A, %sub3A_100, %div3A : i32
    %while3A = arith.constant 0 : i32
    %while3A_102 = arith.constant 0 : i32
    %while3A_103 = arith.subi %select_n3A_101, %while3A : i32
    %while3A_104 = arith.addi %while3A, %while3A_103 : i32
    %while3A_105 = arith.constant 1 : i32
    %while3A_106 = arith.divsi %while3A_103, %while3A_105 : i32
    %while3A_107 = arith.muli %while3A_106, %while3A_105 : i32
    %while3A_108 = arith.addi %while3A, %while3A_107 : i32
    %while3A_109 = arith.constant 1 : i32
    %while3A_110 = scf.for %while3A_177 = %while3A to %while3A_108 step %while3A_109 iter_args(%while3A_178 = %while3A_102) -> (i32)  : i32 {
      %mul3A_179 = arith.constant 4 : i32
      %mul3A_180 = arith.muli %while3A_177, %mul3A_179 : i32
      %add3A_181 = arith.constant 0 : i32
      %add3A_182 = arith.addi %mul3A_180, %add3A_181 : i32
      %dma_wait3A_183 = arith.constant 0 : i32
      %dma_wait3A_184 = arith.constant 0 : i32
      %dma_wait3A_185 = arith.constant 0 : i32
      %dma_wait3A_186 = arith.constant 0 : i32
      %dma_wait3A_187 = tpu.memref_slice %arg8[%dma_wait3A_183, %dma_wait3A_185, %dma_wait3A_186] : memref<4x128x16xf32, #tpu.memory_space<vmem>> -> memref<1x128x16xf32, #tpu.memory_space<vmem>>
      %dma_wait3A_188 = tpu.memref_squeeze %dma_wait3A_187 : memref<1x128x16xf32, #tpu.memory_space<vmem>> -> memref<128x16xf32, #tpu.memory_space<vmem>>
      %dma_wait3A_189 = arith.constant 0 : i32
      %dma_wait3A_190 = tpu.memref_slice %arg6[%add3A_182, %dma_wait3A_189] : memref<136x128xi32, #tpu.memory_space<vmem>> -> memref<1x128xi32, #tpu.memory_space<vmem>>
      %dma_wait3A_191 = tpu.memref_squeeze %dma_wait3A_190 : memref<1x128xi32, #tpu.memory_space<vmem>> -> memref<128xi32, #tpu.memory_space<vmem>>
      %dma_wait3A_192 = arith.constant 0 : i32
      %dma_wait3A_193 = arith.constant 0 : i32
      %dma_wait3A_194 = tpu.memref_slice %arg2[%dma_wait3A_192, %dma_wait3A_193] : memref<10240x16xf32, #tpu.memory_space<hbm>> -> memref<10240x16xf32, #tpu.memory_space<hbm>>
      %dma_wait3A_195 = tpu.memref_slice %arg11[%dma_wait3A_184] : memref<4x!tpu.dma_semaphore, #tpu.memory_space<semaphore_mem>> -> memref<1x!tpu.dma_semaphore, #tpu.memory_space<semaphore_mem>>
      %dma_wait3A_196 = tpu.memref_squeeze %dma_wait3A_195 : memref<1x!tpu.dma_semaphore, #tpu.memory_space<semaphore_mem>> -> memref<!tpu.dma_semaphore, #tpu.memory_space<semaphore_mem>>
      tpu.wait_indirect_dma semaphore(%dma_wait3A_196 : memref<!tpu.dma_semaphore, #tpu.memory_space<semaphore_mem>>) src(%dma_wait3A_194 : memref<10240x16xf32, #tpu.memory_space<hbm>>) dst(%dma_wait3A_188 : memref<128x16xf32, #tpu.memory_space<vmem>>)
      %dma_start3A_197 = arith.constant 0 : i32
      %dma_start3A_198 = arith.constant 0 : i32
      %dma_start3A_199 = arith.constant 0 : i32
      %dma_start3A_200 = arith.constant 0 : i32
      %dma_start3A_201 = tpu.memref_slice %arg8[%dma_start3A_197, %dma_start3A_199, %dma_start3A_200] : memref<4x128x16xf32, #tpu.memory_space<vmem>> -> memref<1x128x16xf32, #tpu.memory_space<vmem>>
      %dma_start3A_202 = tpu.memref_squeeze %dma_start3A_201 : memref<1x128x16xf32, #tpu.memory_space<vmem>> -> memref<128x16xf32, #tpu.memory_space<vmem>>
      %dma_start3A_203 = arith.constant 0 : i32
      %dma_start3A_204 = tpu.memref_slice %arg7[%add3A_182, %dma_start3A_203] : memref<136x128xi32, #tpu.memory_space<vmem>> -> memref<1x128xi32, #tpu.memory_space<vmem>>
      %dma_start3A_205 = tpu.memref_squeeze %dma_start3A_204 : memref<1x128xi32, #tpu.memory_space<vmem>> -> memref<128xi32, #tpu.memory_space<vmem>>
      %dma_start3A_206 = arith.constant 0 : i32
      %dma_start3A_207 = arith.constant 0 : i32
      %dma_start3A_208 = tpu.memref_slice %arg10[%dma_start3A_206, %dma_start3A_207] : memref<10240x16xf32, #tpu.memory_space<vmem_shared>> -> memref<10240x16xf32, #tpu.memory_space<vmem_shared>>
      %dma_start3A_209 = tpu.memref_slice %arg12[%dma_start3A_198] : memref<4x!tpu.dma_semaphore, #tpu.memory_space<semaphore_mem>> -> memref<1x!tpu.dma_semaphore, #tpu.memory_space<semaphore_mem>>
      %dma_start3A_210 = tpu.memref_squeeze %dma_start3A_209 : memref<1x!tpu.dma_semaphore, #tpu.memory_space<semaphore_mem>> -> memref<!tpu.dma_semaphore, #tpu.memory_space<semaphore_mem>>
      tpu.enqueue_indirect_dma source(%dma_start3A_202 : memref<128x16xf32, #tpu.memory_space<vmem>>) target(%dma_start3A_208 : memref<10240x16xf32, #tpu.memory_space<vmem_shared>>) offsets(%dma_start3A_205 : memref<128xi32, #tpu.memory_space<vmem>>) semaphore(%dma_start3A_210 : memref<!tpu.dma_semaphore, #tpu.memory_space<semaphore_mem>>) {add = true}
      %add3A_211 = arith.constant 1 : i32
      %add3A_212 = arith.addi %mul3A_180, %add3A_211 : i32
      %dma_wait3A_213 = arith.constant 1 : i32
      %dma_wait3A_214 = arith.constant 1 : i32
      %dma_wait3A_215 = arith.constant 0 : i32
      %dma_wait3A_216 = arith.constant 0 : i32
      %dma_wait3A_217 = tpu.memref_slice %arg8[%dma_wait3A_213, %dma_wait3A_215, %dma_wait3A_216] : memref<4x128x16xf32, #tpu.memory_space<vmem>> -> memref<1x128x16xf32, #tpu.memory_space<vmem>>
      %dma_wait3A_218 = tpu.memref_squeeze %dma_wait3A_217 : memref<1x128x16xf32, #tpu.memory_space<vmem>> -> memref<128x16xf32, #tpu.memory_space<vmem>>
      %dma_wait3A_219 = arith.constant 0 : i32
      %dma_wait3A_220 = tpu.memref_slice %arg6[%add3A_212, %dma_wait3A_219] : memref<136x128xi32, #tpu.memory_space<vmem>> -> memref<1x128xi32, #tpu.memory_space<vmem>>
      %dma_wait3A_221 = tpu.memref_squeeze %dma_wait3A_220 : memref<1x128xi32, #tpu.memory_space<vmem>> -> memref<128xi32, #tpu.memory_space<vmem>>
      %dma_wait3A_222 = arith.constant 0 : i32
      %dma_wait3A_223 = arith.constant 0 : i32
      %dma_wait3A_224 = tpu.memref_slice %arg2[%dma_wait3A_222, %dma_wait3A_223] : memref<10240x16xf32, #tpu.memory_space<hbm>> -> memref<10240x16xf32, #tpu.memory_space<hbm>>
      %dma_wait3A_225 = tpu.memref_slice %arg11[%dma_wait3A_214] : memref<4x!tpu.dma_semaphore, #tpu.memory_space<semaphore_mem>> -> memref<1x!tpu.dma_semaphore, #tpu.memory_space<semaphore_mem>>
      %dma_wait3A_226 = tpu.memref_squeeze %dma_wait3A_225 : memref<1x!tpu.dma_semaphore, #tpu.memory_space<semaphore_mem>> -> memref<!tpu.dma_semaphore, #tpu.memory_space<semaphore_mem>>
      tpu.wait_indirect_dma semaphore(%dma_wait3A_226 : memref<!tpu.dma_semaphore, #tpu.memory_space<semaphore_mem>>) src(%dma_wait3A_224 : memref<10240x16xf32, #tpu.memory_space<hbm>>) dst(%dma_wait3A_218 : memref<128x16xf32, #tpu.memory_space<vmem>>)
      %dma_start3A_227 = arith.constant 1 : i32
      %dma_start3A_228 = arith.constant 1 : i32
      %dma_start3A_229 = arith.constant 0 : i32
      %dma_start3A_230 = arith.constant 0 : i32
      %dma_start3A_231 = tpu.memref_slice %arg8[%dma_start3A_227, %dma_start3A_229, %dma_start3A_230] : memref<4x128x16xf32, #tpu.memory_space<vmem>> -> memref<1x128x16xf32, #tpu.memory_space<vmem>>
      %dma_start3A_232 = tpu.memref_squeeze %dma_start3A_231 : memref<1x128x16xf32, #tpu.memory_space<vmem>> -> memref<128x16xf32, #tpu.memory_space<vmem>>
      %dma_start3A_233 = arith.constant 0 : i32
      %dma_start3A_234 = tpu.memref_slice %arg7[%add3A_212, %dma_start3A_233] : memref<136x128xi32, #tpu.memory_space<vmem>> -> memref<1x128xi32, #tpu.memory_space<vmem>>
      %dma_start3A_235 = tpu.memref_squeeze %dma_start3A_234 : memref<1x128xi32, #tpu.memory_space<vmem>> -> memref<128xi32, #tpu.memory_space<vmem>>
      %dma_start3A_236 = arith.constant 0 : i32
      %dma_start3A_237 = arith.constant 0 : i32
      %dma_start3A_238 = tpu.memref_slice %arg10[%dma_start3A_236, %dma_start3A_237] : memref<10240x16xf32, #tpu.memory_space<vmem_shared>> -> memref<10240x16xf32, #tpu.memory_space<vmem_shared>>
      %dma_start3A_239 = tpu.memref_slice %arg12[%dma_start3A_228] : memref<4x!tpu.dma_semaphore, #tpu.memory_space<semaphore_mem>> -> memref<1x!tpu.dma_semaphore, #tpu.memory_space<semaphore_mem>>
      %dma_start3A_240 = tpu.memref_squeeze %dma_start3A_239 : memref<1x!tpu.dma_semaphore, #tpu.memory_space<semaphore_mem>> -> memref<!tpu.dma_semaphore, #tpu.memory_space<semaphore_mem>>
      tpu.enqueue_indirect_dma source(%dma_start3A_232 : memref<128x16xf32, #tpu.memory_space<vmem>>) target(%dma_start3A_238 : memref<10240x16xf32, #tpu.memory_space<vmem_shared>>) offsets(%dma_start3A_235 : memref<128xi32, #tpu.memory_space<vmem>>) semaphore(%dma_start3A_240 : memref<!tpu.dma_semaphore, #tpu.memory_space<semaphore_mem>>) {add = true}
      %add3A_241 = arith.constant 2 : i32
      %add3A_242 = arith.addi %mul3A_180, %add3A_241 : i32
      %dma_wait3A_243 = arith.constant 2 : i32
      %dma_wait3A_244 = arith.constant 2 : i32
      %dma_wait3A_245 = arith.constant 0 : i32
      %dma_wait3A_246 = arith.constant 0 : i32
      %dma_wait3A_247 = tpu.memref_slice %arg8[%dma_wait3A_243, %dma_wait3A_245, %dma_wait3A_246] : memref<4x128x16xf32, #tpu.memory_space<vmem>> -> memref<1x128x16xf32, #tpu.memory_space<vmem>>
      %dma_wait3A_248 = tpu.memref_squeeze %dma_wait3A_247 : memref<1x128x16xf32, #tpu.memory_space<vmem>> -> memref<128x16xf32, #tpu.memory_space<vmem>>
      %dma_wait3A_249 = arith.constant 0 : i32
      %dma_wait3A_250 = tpu.memref_slice %arg6[%add3A_242, %dma_wait3A_249] : memref<136x128xi32, #tpu.memory_space<vmem>> -> memref<1x128xi32, #tpu.memory_space<vmem>>
      %dma_wait3A_251 = tpu.memref_squeeze %dma_wait3A_250 : memref<1x128xi32, #tpu.memory_space<vmem>> -> memref<128xi32, #tpu.memory_space<vmem>>
      %dma_wait3A_252 = arith.constant 0 : i32
      %dma_wait3A_253 = arith.constant 0 : i32
      %dma_wait3A_254 = tpu.memref_slice %arg2[%dma_wait3A_252, %dma_wait3A_253] : memref<10240x16xf32, #tpu.memory_space<hbm>> -> memref<10240x16xf32, #tpu.memory_space<hbm>>
      %dma_wait3A_255 = tpu.memref_slice %arg11[%dma_wait3A_244] : memref<4x!tpu.dma_semaphore, #tpu.memory_space<semaphore_mem>> -> memref<1x!tpu.dma_semaphore, #tpu.memory_space<semaphore_mem>>
      %dma_wait3A_256 = tpu.memref_squeeze %dma_wait3A_255 : memref<1x!tpu.dma_semaphore, #tpu.memory_space<semaphore_mem>> -> memref<!tpu.dma_semaphore, #tpu.memory_space<semaphore_mem>>
      tpu.wait_indirect_dma semaphore(%dma_wait3A_256 : memref<!tpu.dma_semaphore, #tpu.memory_space<semaphore_mem>>) src(%dma_wait3A_254 : memref<10240x16xf32, #tpu.memory_space<hbm>>) dst(%dma_wait3A_248 : memref<128x16xf32, #tpu.memory_space<vmem>>)
      %dma_start3A_257 = arith.constant 2 : i32
      %dma_start3A_258 = arith.constant 2 : i32
      %dma_start3A_259 = arith.constant 0 : i32
      %dma_start3A_260 = arith.constant 0 : i32
      %dma_start3A_261 = tpu.memref_slice %arg8[%dma_start3A_257, %dma_start3A_259, %dma_start3A_260] : memref<4x128x16xf32, #tpu.memory_space<vmem>> -> memref<1x128x16xf32, #tpu.memory_space<vmem>>
      %dma_start3A_262 = tpu.memref_squeeze %dma_start3A_261 : memref<1x128x16xf32, #tpu.memory_space<vmem>> -> memref<128x16xf32, #tpu.memory_space<vmem>>
      %dma_start3A_263 = arith.constant 0 : i32
      %dma_start3A_264 = tpu.memref_slice %arg7[%add3A_242, %dma_start3A_263] : memref<136x128xi32, #tpu.memory_space<vmem>> -> memref<1x128xi32, #tpu.memory_space<vmem>>
      %dma_start3A_265 = tpu.memref_squeeze %dma_start3A_264 : memref<1x128xi32, #tpu.memory_space<vmem>> -> memref<128xi32, #tpu.memory_space<vmem>>
      %dma_start3A_266 = arith.constant 0 : i32
      %dma_start3A_267 = arith.constant 0 : i32
      %dma_start3A_268 = tpu.memref_slice %arg10[%dma_start3A_266, %dma_start3A_267] : memref<10240x16xf32, #tpu.memory_space<vmem_shared>> -> memref<10240x16xf32, #tpu.memory_space<vmem_shared>>
      %dma_start3A_269 = tpu.memref_slice %arg12[%dma_start3A_258] : memref<4x!tpu.dma_semaphore, #tpu.memory_space<semaphore_mem>> -> memref<1x!tpu.dma_semaphore, #tpu.memory_space<semaphore_mem>>
      %dma_start3A_270 = tpu.memref_squeeze %dma_start3A_269 : memref<1x!tpu.dma_semaphore, #tpu.memory_space<semaphore_mem>> -> memref<!tpu.dma_semaphore, #tpu.memory_space<semaphore_mem>>
      tpu.enqueue_indirect_dma source(%dma_start3A_262 : memref<128x16xf32, #tpu.memory_space<vmem>>) target(%dma_start3A_268 : memref<10240x16xf32, #tpu.memory_space<vmem_shared>>) offsets(%dma_start3A_265 : memref<128xi32, #tpu.memory_space<vmem>>) semaphore(%dma_start3A_270 : memref<!tpu.dma_semaphore, #tpu.memory_space<semaphore_mem>>) {add = true}
      %add3A_271 = arith.constant 3 : i32
      %add3A_272 = arith.addi %mul3A_180, %add3A_271 : i32
      %dma_wait3A_273 = arith.constant 3 : i32
      %dma_wait3A_274 = arith.constant 3 : i32
      %dma_wait3A_275 = arith.constant 0 : i32
      %dma_wait3A_276 = arith.constant 0 : i32
      %dma_wait3A_277 = tpu.memref_slice %arg8[%dma_wait3A_273, %dma_wait3A_275, %dma_wait3A_276] : memref<4x128x16xf32, #tpu.memory_space<vmem>> -> memref<1x128x16xf32, #tpu.memory_space<vmem>>
      %dma_wait3A_278 = tpu.memref_squeeze %dma_wait3A_277 : memref<1x128x16xf32, #tpu.memory_space<vmem>> -> memref<128x16xf32, #tpu.memory_space<vmem>>
      %dma_wait3A_279 = arith.constant 0 : i32
      %dma_wait3A_280 = tpu.memref_slice %arg6[%add3A_272, %dma_wait3A_279] : memref<136x128xi32, #tpu.memory_space<vmem>> -> memref<1x128xi32, #tpu.memory_space<vmem>>
      %dma_wait3A_281 = tpu.memref_squeeze %dma_wait3A_280 : memref<1x128xi32, #tpu.memory_space<vmem>> -> memref<128xi32, #tpu.memory_space<vmem>>
      %dma_wait3A_282 = arith.constant 0 : i32
      %dma_wait3A_283 = arith.constant 0 : i32
      %dma_wait3A_284 = tpu.memref_slice %arg2[%dma_wait3A_282, %dma_wait3A_283] : memref<10240x16xf32, #tpu.memory_space<hbm>> -> memref<10240x16xf32, #tpu.memory_space<hbm>>
      %dma_wait3A_285 = tpu.memref_slice %arg11[%dma_wait3A_274] : memref<4x!tpu.dma_semaphore, #tpu.memory_space<semaphore_mem>> -> memref<1x!tpu.dma_semaphore, #tpu.memory_space<semaphore_mem>>
      %dma_wait3A_286 = tpu.memref_squeeze %dma_wait3A_285 : memref<1x!tpu.dma_semaphore, #tpu.memory_space<semaphore_mem>> -> memref<!tpu.dma_semaphore, #tpu.memory_space<semaphore_mem>>
      tpu.wait_indirect_dma semaphore(%dma_wait3A_286 : memref<!tpu.dma_semaphore, #tpu.memory_space<semaphore_mem>>) src(%dma_wait3A_284 : memref<10240x16xf32, #tpu.memory_space<hbm>>) dst(%dma_wait3A_278 : memref<128x16xf32, #tpu.memory_space<vmem>>)
      %dma_start3A_287 = arith.constant 3 : i32
      %dma_start3A_288 = arith.constant 3 : i32
      %dma_start3A_289 = arith.constant 0 : i32
      %dma_start3A_290 = arith.constant 0 : i32
      %dma_start3A_291 = tpu.memref_slice %arg8[%dma_start3A_287, %dma_start3A_289, %dma_start3A_290] : memref<4x128x16xf32, #tpu.memory_space<vmem>> -> memref<1x128x16xf32, #tpu.memory_space<vmem>>
      %dma_start3A_292 = tpu.memref_squeeze %dma_start3A_291 : memref<1x128x16xf32, #tpu.memory_space<vmem>> -> memref<128x16xf32, #tpu.memory_space<vmem>>
      %dma_start3A_293 = arith.constant 0 : i32
      %dma_start3A_294 = tpu.memref_slice %arg7[%add3A_272, %dma_start3A_293] : memref<136x128xi32, #tpu.memory_space<vmem>> -> memref<1x128xi32, #tpu.memory_space<vmem>>
      %dma_start3A_295 = tpu.memref_squeeze %dma_start3A_294 : memref<1x128xi32, #tpu.memory_space<vmem>> -> memref<128xi32, #tpu.memory_space<vmem>>
      %dma_start3A_296 = arith.constant 0 : i32
      %dma_start3A_297 = arith.constant 0 : i32
      %dma_start3A_298 = tpu.memref_slice %arg10[%dma_start3A_296, %dma_start3A_297] : memref<10240x16xf32, #tpu.memory_space<vmem_shared>> -> memref<10240x16xf32, #tpu.memory_space<vmem_shared>>
      %dma_start3A_299 = tpu.memref_slice %arg12[%dma_start3A_288] : memref<4x!tpu.dma_semaphore, #tpu.memory_space<semaphore_mem>> -> memref<1x!tpu.dma_semaphore, #tpu.memory_space<semaphore_mem>>
      %dma_start3A_300 = tpu.memref_squeeze %dma_start3A_299 : memref<1x!tpu.dma_semaphore, #tpu.memory_space<semaphore_mem>> -> memref<!tpu.dma_semaphore, #tpu.memory_space<semaphore_mem>>
      tpu.enqueue_indirect_dma source(%dma_start3A_292 : memref<128x16xf32, #tpu.memory_space<vmem>>) target(%dma_start3A_298 : memref<10240x16xf32, #tpu.memory_space<vmem_shared>>) offsets(%dma_start3A_295 : memref<128xi32, #tpu.memory_space<vmem>>) semaphore(%dma_start3A_300 : memref<!tpu.dma_semaphore, #tpu.memory_space<semaphore_mem>>) {add = true}
      %add3A_301 = arith.constant 4 : i32
      %add3A_302 = arith.addi %mul3A_180, %add3A_301 : i32
      %add3A_303 = arith.constant 0 : i32
      %add3A_304 = arith.addi %add3A_302, %add3A_303 : i32
      %lt3A = arith.cmpi slt, %add3A_304, %select_n3A : i32
      %convert_element_type3A_305 = arith.extui %lt3A : i1 to i32
      %cond3A_306 = arith.constant 0 : i32
      %cond3A_307 = arith.cmpi ne, %convert_element_type3A_305, %cond3A_306 : i32
      scf.if %cond3A_307 {
        %dma_wait3A_333 = arith.constant 0 : i32
        %dma_wait3A_334 = arith.constant 0 : i32
        %dma_wait3A_335 = arith.constant 0 : i32
        %dma_wait3A_336 = arith.constant 0 : i32
        %dma_wait3A_337 = arith.constant 0 : i32
        %dma_wait3A_338 = tpu.memref_slice %arg8[%dma_wait3A_333, %dma_wait3A_336, %dma_wait3A_337] : memref<4x128x16xf32, #tpu.memory_space<vmem>> -> memref<1x128x16xf32, #tpu.memory_space<vmem>>
        %dma_wait3A_339 = tpu.memref_squeeze %dma_wait3A_338 : memref<1x128x16xf32, #tpu.memory_space<vmem>> -> memref<128x16xf32, #tpu.memory_space<vmem>>
        %dma_wait3A_340 = arith.constant 0 : i32
        %dma_wait3A_341 = tpu.memref_slice %arg7[%dma_wait3A_334, %dma_wait3A_340] : memref<136x128xi32, #tpu.memory_space<vmem>> -> memref<1x128xi32, #tpu.memory_space<vmem>>
        %dma_wait3A_342 = tpu.memref_squeeze %dma_wait3A_341 : memref<1x128xi32, #tpu.memory_space<vmem>> -> memref<128xi32, #tpu.memory_space<vmem>>
        %dma_wait3A_343 = arith.constant 0 : i32
        %dma_wait3A_344 = arith.constant 0 : i32
        %dma_wait3A_345 = tpu.memref_slice %arg10[%dma_wait3A_343, %dma_wait3A_344] : memref<10240x16xf32, #tpu.memory_space<vmem_shared>> -> memref<10240x16xf32, #tpu.memory_space<vmem_shared>>
        %dma_wait3A_346 = tpu.memref_slice %arg12[%dma_wait3A_335] : memref<4x!tpu.dma_semaphore, #tpu.memory_space<semaphore_mem>> -> memref<1x!tpu.dma_semaphore, #tpu.memory_space<semaphore_mem>>
        %dma_wait3A_347 = tpu.memref_squeeze %dma_wait3A_346 : memref<1x!tpu.dma_semaphore, #tpu.memory_space<semaphore_mem>> -> memref<!tpu.dma_semaphore, #tpu.memory_space<semaphore_mem>>
        tpu.wait_indirect_dma semaphore(%dma_wait3A_347 : memref<!tpu.dma_semaphore, #tpu.memory_space<semaphore_mem>>) src(%dma_wait3A_339 : memref<128x16xf32, #tpu.memory_space<vmem>>) dst(%dma_wait3A_345 : memref<10240x16xf32, #tpu.memory_space<vmem_shared>>)
        %dma_start3A_348 = arith.constant 0 : i32
        %dma_start3A_349 = arith.constant 0 : i32
        %dma_start3A_350 = arith.constant 0 : i32
        %dma_start3A_351 = arith.constant 0 : i32
        %dma_start3A_352 = tpu.memref_slice %arg8[%dma_start3A_348, %dma_start3A_350, %dma_start3A_351] : memref<4x128x16xf32, #tpu.memory_space<vmem>> -> memref<1x128x16xf32, #tpu.memory_space<vmem>>
        %dma_start3A_353 = tpu.memref_squeeze %dma_start3A_352 : memref<1x128x16xf32, #tpu.memory_space<vmem>> -> memref<128x16xf32, #tpu.memory_space<vmem>>
        %dma_start3A_354 = arith.constant 0 : i32
        %dma_start3A_355 = tpu.memref_slice %arg6[%add3A_304, %dma_start3A_354] : memref<136x128xi32, #tpu.memory_space<vmem>> -> memref<1x128xi32, #tpu.memory_space<vmem>>
        %dma_start3A_356 = tpu.memref_squeeze %dma_start3A_355 : memref<1x128xi32, #tpu.memory_space<vmem>> -> memref<128xi32, #tpu.memory_space<vmem>>
        %dma_start3A_357 = arith.constant 0 : i32
        %dma_start3A_358 = arith.constant 0 : i32
        %dma_start3A_359 = tpu.memref_slice %arg2[%dma_start3A_357, %dma_start3A_358] : memref<10240x16xf32, #tpu.memory_space<hbm>> -> memref<10240x16xf32, #tpu.memory_space<hbm>>
        %dma_start3A_360 = tpu.memref_slice %arg11[%dma_start3A_349] : memref<4x!tpu.dma_semaphore, #tpu.memory_space<semaphore_mem>> -> memref<1x!tpu.dma_semaphore, #tpu.memory_space<semaphore_mem>>
        %dma_start3A_361 = tpu.memref_squeeze %dma_start3A_360 : memref<1x!tpu.dma_semaphore, #tpu.memory_space<semaphore_mem>> -> memref<!tpu.dma_semaphore, #tpu.memory_space<semaphore_mem>>
        tpu.enqueue_indirect_dma source(%dma_start3A_359 : memref<10240x16xf32, #tpu.memory_space<hbm>>) target(%dma_start3A_353 : memref<128x16xf32, #tpu.memory_space<vmem>>) offsets(%dma_start3A_356 : memref<128xi32, #tpu.memory_space<vmem>>) semaphore(%dma_start3A_361 : memref<!tpu.dma_semaphore, #tpu.memory_space<semaphore_mem>>)
      } else {
      }
      %add3A_308 = arith.constant 4 : i32
      %add3A_309 = arith.addi %mul3A_180, %add3A_308 : i32
      %add3A_310 = arith.constant 1 : i32
      %add3A_311 = arith.addi %add3A_309, %add3A_310 : i32
      %lt3A_312 = arith.cmpi slt, %add3A_311, %select_n3A : i32
      %convert_element_type3A_313 = arith.extui %lt3A_312 : i1 to i32
      %cond3A_314 = arith.constant 0 : i32
      %cond3A_315 = arith.cmpi ne, %convert_element_type3A_313, %cond3A_314 : i32
      scf.if %cond3A_315 {
        %dma_wait3A_333 = arith.constant 1 : i32
        %dma_wait3A_334 = arith.constant 1 : i32
        %dma_wait3A_335 = arith.constant 1 : i32
        %dma_wait3A_336 = arith.constant 0 : i32
        %dma_wait3A_337 = arith.constant 0 : i32
        %dma_wait3A_338 = tpu.memref_slice %arg8[%dma_wait3A_333, %dma_wait3A_336, %dma_wait3A_337] : memref<4x128x16xf32, #tpu.memory_space<vmem>> -> memref<1x128x16xf32, #tpu.memory_space<vmem>>
        %dma_wait3A_339 = tpu.memref_squeeze %dma_wait3A_338 : memref<1x128x16xf32, #tpu.memory_space<vmem>> -> memref<128x16xf32, #tpu.memory_space<vmem>>
        %dma_wait3A_340 = arith.constant 0 : i32
        %dma_wait3A_341 = tpu.memref_slice %arg7[%dma_wait3A_334, %dma_wait3A_340] : memref<136x128xi32, #tpu.memory_space<vmem>> -> memref<1x128xi32, #tpu.memory_space<vmem>>
        %dma_wait3A_342 = tpu.memref_squeeze %dma_wait3A_341 : memref<1x128xi32, #tpu.memory_space<vmem>> -> memref<128xi32, #tpu.memory_space<vmem>>
        %dma_wait3A_343 = arith.constant 0 : i32
        %dma_wait3A_344 = arith.constant 0 : i32
        %dma_wait3A_345 = tpu.memref_slice %arg10[%dma_wait3A_343, %dma_wait3A_344] : memref<10240x16xf32, #tpu.memory_space<vmem_shared>> -> memref<10240x16xf32, #tpu.memory_space<vmem_shared>>
        %dma_wait3A_346 = tpu.memref_slice %arg12[%dma_wait3A_335] : memref<4x!tpu.dma_semaphore, #tpu.memory_space<semaphore_mem>> -> memref<1x!tpu.dma_semaphore, #tpu.memory_space<semaphore_mem>>
        %dma_wait3A_347 = tpu.memref_squeeze %dma_wait3A_346 : memref<1x!tpu.dma_semaphore, #tpu.memory_space<semaphore_mem>> -> memref<!tpu.dma_semaphore, #tpu.memory_space<semaphore_mem>>
        tpu.wait_indirect_dma semaphore(%dma_wait3A_347 : memref<!tpu.dma_semaphore, #tpu.memory_space<semaphore_mem>>) src(%dma_wait3A_339 : memref<128x16xf32, #tpu.memory_space<vmem>>) dst(%dma_wait3A_345 : memref<10240x16xf32, #tpu.memory_space<vmem_shared>>)
        %dma_start3A_348 = arith.constant 1 : i32
        %dma_start3A_349 = arith.constant 1 : i32
        %dma_start3A_350 = arith.constant 0 : i32
        %dma_start3A_351 = arith.constant 0 : i32
        %dma_start3A_352 = tpu.memref_slice %arg8[%dma_start3A_348, %dma_start3A_350, %dma_start3A_351] : memref<4x128x16xf32, #tpu.memory_space<vmem>> -> memref<1x128x16xf32, #tpu.memory_space<vmem>>
        %dma_start3A_353 = tpu.memref_squeeze %dma_start3A_352 : memref<1x128x16xf32, #tpu.memory_space<vmem>> -> memref<128x16xf32, #tpu.memory_space<vmem>>
        %dma_start3A_354 = arith.constant 0 : i32
        %dma_start3A_355 = tpu.memref_slice %arg6[%add3A_311, %dma_start3A_354] : memref<136x128xi32, #tpu.memory_space<vmem>> -> memref<1x128xi32, #tpu.memory_space<vmem>>
        %dma_start3A_356 = tpu.memref_squeeze %dma_start3A_355 : memref<1x128xi32, #tpu.memory_space<vmem>> -> memref<128xi32, #tpu.memory_space<vmem>>
        %dma_start3A_357 = arith.constant 0 : i32
        %dma_start3A_358 = arith.constant 0 : i32
        %dma_start3A_359 = tpu.memref_slice %arg2[%dma_start3A_357, %dma_start3A_358] : memref<10240x16xf32, #tpu.memory_space<hbm>> -> memref<10240x16xf32, #tpu.memory_space<hbm>>
        %dma_start3A_360 = tpu.memref_slice %arg11[%dma_start3A_349] : memref<4x!tpu.dma_semaphore, #tpu.memory_space<semaphore_mem>> -> memref<1x!tpu.dma_semaphore, #tpu.memory_space<semaphore_mem>>
        %dma_start3A_361 = tpu.memref_squeeze %dma_start3A_360 : memref<1x!tpu.dma_semaphore, #tpu.memory_space<semaphore_mem>> -> memref<!tpu.dma_semaphore, #tpu.memory_space<semaphore_mem>>
        tpu.enqueue_indirect_dma source(%dma_start3A_359 : memref<10240x16xf32, #tpu.memory_space<hbm>>) target(%dma_start3A_353 : memref<128x16xf32, #tpu.memory_space<vmem>>) offsets(%dma_start3A_356 : memref<128xi32, #tpu.memory_space<vmem>>) semaphore(%dma_start3A_361 : memref<!tpu.dma_semaphore, #tpu.memory_space<semaphore_mem>>)
      } else {
      }
      %add3A_316 = arith.constant 4 : i32
      %add3A_317 = arith.addi %mul3A_180, %add3A_316 : i32
      %add3A_318 = arith.constant 2 : i32
      %add3A_319 = arith.addi %add3A_317, %add3A_318 : i32
      %lt3A_320 = arith.cmpi slt, %add3A_319, %select_n3A : i32
      %convert_element_type3A_321 = arith.extui %lt3A_320 : i1 to i32
      %cond3A_322 = arith.constant 0 : i32
      %cond3A_323 = arith.cmpi ne, %convert_element_type3A_321, %cond3A_322 : i32
      scf.if %cond3A_323 {
        %dma_wait3A_333 = arith.constant 2 : i32
        %dma_wait3A_334 = arith.constant 2 : i32
        %dma_wait3A_335 = arith.constant 2 : i32
        %dma_wait3A_336 = arith.constant 0 : i32
        %dma_wait3A_337 = arith.constant 0 : i32
        %dma_wait3A_338 = tpu.memref_slice %arg8[%dma_wait3A_333, %dma_wait3A_336, %dma_wait3A_337] : memref<4x128x16xf32, #tpu.memory_space<vmem>> -> memref<1x128x16xf32, #tpu.memory_space<vmem>>
        %dma_wait3A_339 = tpu.memref_squeeze %dma_wait3A_338 : memref<1x128x16xf32, #tpu.memory_space<vmem>> -> memref<128x16xf32, #tpu.memory_space<vmem>>
        %dma_wait3A_340 = arith.constant 0 : i32
        %dma_wait3A_341 = tpu.memref_slice %arg7[%dma_wait3A_334, %dma_wait3A_340] : memref<136x128xi32, #tpu.memory_space<vmem>> -> memref<1x128xi32, #tpu.memory_space<vmem>>
        %dma_wait3A_342 = tpu.memref_squeeze %dma_wait3A_341 : memref<1x128xi32, #tpu.memory_space<vmem>> -> memref<128xi32, #tpu.memory_space<vmem>>
        %dma_wait3A_343 = arith.constant 0 : i32
        %dma_wait3A_344 = arith.constant 0 : i32
        %dma_wait3A_345 = tpu.memref_slice %arg10[%dma_wait3A_343, %dma_wait3A_344] : memref<10240x16xf32, #tpu.memory_space<vmem_shared>> -> memref<10240x16xf32, #tpu.memory_space<vmem_shared>>
        %dma_wait3A_346 = tpu.memref_slice %arg12[%dma_wait3A_335] : memref<4x!tpu.dma_semaphore, #tpu.memory_space<semaphore_mem>> -> memref<1x!tpu.dma_semaphore, #tpu.memory_space<semaphore_mem>>
        %dma_wait3A_347 = tpu.memref_squeeze %dma_wait3A_346 : memref<1x!tpu.dma_semaphore, #tpu.memory_space<semaphore_mem>> -> memref<!tpu.dma_semaphore, #tpu.memory_space<semaphore_mem>>
        tpu.wait_indirect_dma semaphore(%dma_wait3A_347 : memref<!tpu.dma_semaphore, #tpu.memory_space<semaphore_mem>>) src(%dma_wait3A_339 : memref<128x16xf32, #tpu.memory_space<vmem>>) dst(%dma_wait3A_345 : memref<10240x16xf32, #tpu.memory_space<vmem_shared>>)
        %dma_start3A_348 = arith.constant 2 : i32
        %dma_start3A_349 = arith.constant 2 : i32
        %dma_start3A_350 = arith.constant 0 : i32
        %dma_start3A_351 = arith.constant 0 : i32
        %dma_start3A_352 = tpu.memref_slice %arg8[%dma_start3A_348, %dma_start3A_350, %dma_start3A_351] : memref<4x128x16xf32, #tpu.memory_space<vmem>> -> memref<1x128x16xf32, #tpu.memory_space<vmem>>
        %dma_start3A_353 = tpu.memref_squeeze %dma_start3A_352 : memref<1x128x16xf32, #tpu.memory_space<vmem>> -> memref<128x16xf32, #tpu.memory_space<vmem>>
        %dma_start3A_354 = arith.constant 0 : i32
        %dma_start3A_355 = tpu.memref_slice %arg6[%add3A_319, %dma_start3A_354] : memref<136x128xi32, #tpu.memory_space<vmem>> -> memref<1x128xi32, #tpu.memory_space<vmem>>
        %dma_start3A_356 = tpu.memref_squeeze %dma_start3A_355 : memref<1x128xi32, #tpu.memory_space<vmem>> -> memref<128xi32, #tpu.memory_space<vmem>>
        %dma_start3A_357 = arith.constant 0 : i32
        %dma_start3A_358 = arith.constant 0 : i32
        %dma_start3A_359 = tpu.memref_slice %arg2[%dma_start3A_357, %dma_start3A_358] : memref<10240x16xf32, #tpu.memory_space<hbm>> -> memref<10240x16xf32, #tpu.memory_space<hbm>>
        %dma_start3A_360 = tpu.memref_slice %arg11[%dma_start3A_349] : memref<4x!tpu.dma_semaphore, #tpu.memory_space<semaphore_mem>> -> memref<1x!tpu.dma_semaphore, #tpu.memory_space<semaphore_mem>>
        %dma_start3A_361 = tpu.memref_squeeze %dma_start3A_360 : memref<1x!tpu.dma_semaphore, #tpu.memory_space<semaphore_mem>> -> memref<!tpu.dma_semaphore, #tpu.memory_space<semaphore_mem>>
        tpu.enqueue_indirect_dma source(%dma_start3A_359 : memref<10240x16xf32, #tpu.memory_space<hbm>>) target(%dma_start3A_353 : memref<128x16xf32, #tpu.memory_space<vmem>>) offsets(%dma_start3A_356 : memref<128xi32, #tpu.memory_space<vmem>>) semaphore(%dma_start3A_361 : memref<!tpu.dma_semaphore, #tpu.memory_space<semaphore_mem>>)
      } else {
      }
      %add3A_324 = arith.constant 4 : i32
      %add3A_325 = arith.addi %mul3A_180, %add3A_324 : i32
      %add3A_326 = arith.constant 3 : i32
      %add3A_327 = arith.addi %add3A_325, %add3A_326 : i32
      %lt3A_328 = arith.cmpi slt, %add3A_327, %select_n3A : i32
      %convert_element_type3A_329 = arith.extui %lt3A_328 : i1 to i32
      %cond3A_330 = arith.constant 0 : i32
      %cond3A_331 = arith.cmpi ne, %convert_element_type3A_329, %cond3A_330 : i32
      scf.if %cond3A_331 {
        %dma_wait3A_333 = arith.constant 3 : i32
        %dma_wait3A_334 = arith.constant 3 : i32
        %dma_wait3A_335 = arith.constant 3 : i32
        %dma_wait3A_336 = arith.constant 0 : i32
        %dma_wait3A_337 = arith.constant 0 : i32
        %dma_wait3A_338 = tpu.memref_slice %arg8[%dma_wait3A_333, %dma_wait3A_336, %dma_wait3A_337] : memref<4x128x16xf32, #tpu.memory_space<vmem>> -> memref<1x128x16xf32, #tpu.memory_space<vmem>>
        %dma_wait3A_339 = tpu.memref_squeeze %dma_wait3A_338 : memref<1x128x16xf32, #tpu.memory_space<vmem>> -> memref<128x16xf32, #tpu.memory_space<vmem>>
        %dma_wait3A_340 = arith.constant 0 : i32
        %dma_wait3A_341 = tpu.memref_slice %arg7[%dma_wait3A_334, %dma_wait3A_340] : memref<136x128xi32, #tpu.memory_space<vmem>> -> memref<1x128xi32, #tpu.memory_space<vmem>>
        %dma_wait3A_342 = tpu.memref_squeeze %dma_wait3A_341 : memref<1x128xi32, #tpu.memory_space<vmem>> -> memref<128xi32, #tpu.memory_space<vmem>>
        %dma_wait3A_343 = arith.constant 0 : i32
        %dma_wait3A_344 = arith.constant 0 : i32
        %dma_wait3A_345 = tpu.memref_slice %arg10[%dma_wait3A_343, %dma_wait3A_344] : memref<10240x16xf32, #tpu.memory_space<vmem_shared>> -> memref<10240x16xf32, #tpu.memory_space<vmem_shared>>
        %dma_wait3A_346 = tpu.memref_slice %arg12[%dma_wait3A_335] : memref<4x!tpu.dma_semaphore, #tpu.memory_space<semaphore_mem>> -> memref<1x!tpu.dma_semaphore, #tpu.memory_space<semaphore_mem>>
        %dma_wait3A_347 = tpu.memref_squeeze %dma_wait3A_346 : memref<1x!tpu.dma_semaphore, #tpu.memory_space<semaphore_mem>> -> memref<!tpu.dma_semaphore, #tpu.memory_space<semaphore_mem>>
        tpu.wait_indirect_dma semaphore(%dma_wait3A_347 : memref<!tpu.dma_semaphore, #tpu.memory_space<semaphore_mem>>) src(%dma_wait3A_339 : memref<128x16xf32, #tpu.memory_space<vmem>>) dst(%dma_wait3A_345 : memref<10240x16xf32, #tpu.memory_space<vmem_shared>>)
        %dma_start3A_348 = arith.constant 3 : i32
        %dma_start3A_349 = arith.constant 3 : i32
        %dma_start3A_350 = arith.constant 0 : i32
        %dma_start3A_351 = arith.constant 0 : i32
        %dma_start3A_352 = tpu.memref_slice %arg8[%dma_start3A_348, %dma_start3A_350, %dma_start3A_351] : memref<4x128x16xf32, #tpu.memory_space<vmem>> -> memref<1x128x16xf32, #tpu.memory_space<vmem>>
        %dma_start3A_353 = tpu.memref_squeeze %dma_start3A_352 : memref<1x128x16xf32, #tpu.memory_space<vmem>> -> memref<128x16xf32, #tpu.memory_space<vmem>>
        %dma_start3A_354 = arith.constant 0 : i32
        %dma_start3A_355 = tpu.memref_slice %arg6[%add3A_327, %dma_start3A_354] : memref<136x128xi32, #tpu.memory_space<vmem>> -> memref<1x128xi32, #tpu.memory_space<vmem>>
        %dma_start3A_356 = tpu.memref_squeeze %dma_start3A_355 : memref<1x128xi32, #tpu.memory_space<vmem>> -> memref<128xi32, #tpu.memory_space<vmem>>
        %dma_start3A_357 = arith.constant 0 : i32
        %dma_start3A_358 = arith.constant 0 : i32
        %dma_start3A_359 = tpu.memref_slice %arg2[%dma_start3A_357, %dma_start3A_358] : memref<10240x16xf32, #tpu.memory_space<hbm>> -> memref<10240x16xf32, #tpu.memory_space<hbm>>
        %dma_start3A_360 = tpu.memref_slice %arg11[%dma_start3A_349] : memref<4x!tpu.dma_semaphore, #tpu.memory_space<semaphore_mem>> -> memref<1x!tpu.dma_semaphore, #tpu.memory_space<semaphore_mem>>
        %dma_start3A_361 = tpu.memref_squeeze %dma_start3A_360 : memref<1x!tpu.dma_semaphore, #tpu.memory_space<semaphore_mem>> -> memref<!tpu.dma_semaphore, #tpu.memory_space<semaphore_mem>>
        tpu.enqueue_indirect_dma source(%dma_start3A_359 : memref<10240x16xf32, #tpu.memory_space<hbm>>) target(%dma_start3A_353 : memref<128x16xf32, #tpu.memory_space<vmem>>) offsets(%dma_start3A_356 : memref<128xi32, #tpu.memory_space<vmem>>) semaphore(%dma_start3A_361 : memref<!tpu.dma_semaphore, #tpu.memory_space<semaphore_mem>>)
      } else {
      }
      %while3A_332 = arith.constant 0 : i32
      scf.yield %while3A_332 : i32
    }
    %while3A_111 = arith.constant 1 : i32
    %while3A_112 = scf.for %while3A_177 = %while3A_108 to %while3A_104 step %while3A_111 iter_args(%while3A_178 = %while3A_110) -> (i32)  : i32 {
      %mul3A_179 = arith.constant 4 : i32
      %mul3A_180 = arith.muli %while3A_177, %mul3A_179 : i32
      %add3A_181 = arith.constant 0 : i32
      %add3A_182 = arith.addi %mul3A_180, %add3A_181 : i32
      %dma_wait3A_183 = arith.constant 0 : i32
      %dma_wait3A_184 = arith.constant 0 : i32
      %dma_wait3A_185 = arith.constant 0 : i32
      %dma_wait3A_186 = arith.constant 0 : i32
      %dma_wait3A_187 = tpu.memref_slice %arg8[%dma_wait3A_183, %dma_wait3A_185, %dma_wait3A_186] : memref<4x128x16xf32, #tpu.memory_space<vmem>> -> memref<1x128x16xf32, #tpu.memory_space<vmem>>
      %dma_wait3A_188 = tpu.memref_squeeze %dma_wait3A_187 : memref<1x128x16xf32, #tpu.memory_space<vmem>> -> memref<128x16xf32, #tpu.memory_space<vmem>>
      %dma_wait3A_189 = arith.constant 0 : i32
      %dma_wait3A_190 = tpu.memref_slice %arg6[%add3A_182, %dma_wait3A_189] : memref<136x128xi32, #tpu.memory_space<vmem>> -> memref<1x128xi32, #tpu.memory_space<vmem>>
      %dma_wait3A_191 = tpu.memref_squeeze %dma_wait3A_190 : memref<1x128xi32, #tpu.memory_space<vmem>> -> memref<128xi32, #tpu.memory_space<vmem>>
      %dma_wait3A_192 = arith.constant 0 : i32
      %dma_wait3A_193 = arith.constant 0 : i32
      %dma_wait3A_194 = tpu.memref_slice %arg2[%dma_wait3A_192, %dma_wait3A_193] : memref<10240x16xf32, #tpu.memory_space<hbm>> -> memref<10240x16xf32, #tpu.memory_space<hbm>>
      %dma_wait3A_195 = tpu.memref_slice %arg11[%dma_wait3A_184] : memref<4x!tpu.dma_semaphore, #tpu.memory_space<semaphore_mem>> -> memref<1x!tpu.dma_semaphore, #tpu.memory_space<semaphore_mem>>
      %dma_wait3A_196 = tpu.memref_squeeze %dma_wait3A_195 : memref<1x!tpu.dma_semaphore, #tpu.memory_space<semaphore_mem>> -> memref<!tpu.dma_semaphore, #tpu.memory_space<semaphore_mem>>
      tpu.wait_indirect_dma semaphore(%dma_wait3A_196 : memref<!tpu.dma_semaphore, #tpu.memory_space<semaphore_mem>>) src(%dma_wait3A_194 : memref<10240x16xf32, #tpu.memory_space<hbm>>) dst(%dma_wait3A_188 : memref<128x16xf32, #tpu.memory_space<vmem>>)
      %dma_start3A_197 = arith.constant 0 : i32
      %dma_start3A_198 = arith.constant 0 : i32
      %dma_start3A_199 = arith.constant 0 : i32
      %dma_start3A_200 = arith.constant 0 : i32
      %dma_start3A_201 = tpu.memref_slice %arg8[%dma_start3A_197, %dma_start3A_199, %dma_start3A_200] : memref<4x128x16xf32, #tpu.memory_space<vmem>> -> memref<1x128x16xf32, #tpu.memory_space<vmem>>
      %dma_start3A_202 = tpu.memref_squeeze %dma_start3A_201 : memref<1x128x16xf32, #tpu.memory_space<vmem>> -> memref<128x16xf32, #tpu.memory_space<vmem>>
      %dma_start3A_203 = arith.constant 0 : i32
      %dma_start3A_204 = tpu.memref_slice %arg7[%add3A_182, %dma_start3A_203] : memref<136x128xi32, #tpu.memory_space<vmem>> -> memref<1x128xi32, #tpu.memory_space<vmem>>
      %dma_start3A_205 = tpu.memref_squeeze %dma_start3A_204 : memref<1x128xi32, #tpu.memory_space<vmem>> -> memref<128xi32, #tpu.memory_space<vmem>>
      %dma_start3A_206 = arith.constant 0 : i32
      %dma_start3A_207 = arith.constant 0 : i32
      %dma_start3A_208 = tpu.memref_slice %arg10[%dma_start3A_206, %dma_start3A_207] : memref<10240x16xf32, #tpu.memory_space<vmem_shared>> -> memref<10240x16xf32, #tpu.memory_space<vmem_shared>>
      %dma_start3A_209 = tpu.memref_slice %arg12[%dma_start3A_198] : memref<4x!tpu.dma_semaphore, #tpu.memory_space<semaphore_mem>> -> memref<1x!tpu.dma_semaphore, #tpu.memory_space<semaphore_mem>>
      %dma_start3A_210 = tpu.memref_squeeze %dma_start3A_209 : memref<1x!tpu.dma_semaphore, #tpu.memory_space<semaphore_mem>> -> memref<!tpu.dma_semaphore, #tpu.memory_space<semaphore_mem>>
      tpu.enqueue_indirect_dma source(%dma_start3A_202 : memref<128x16xf32, #tpu.memory_space<vmem>>) target(%dma_start3A_208 : memref<10240x16xf32, #tpu.memory_space<vmem_shared>>) offsets(%dma_start3A_205 : memref<128xi32, #tpu.memory_space<vmem>>) semaphore(%dma_start3A_210 : memref<!tpu.dma_semaphore, #tpu.memory_space<semaphore_mem>>) {add = true}
      %add3A_211 = arith.constant 1 : i32
      %add3A_212 = arith.addi %mul3A_180, %add3A_211 : i32
      %dma_wait3A_213 = arith.constant 1 : i32
      %dma_wait3A_214 = arith.constant 1 : i32
      %dma_wait3A_215 = arith.constant 0 : i32
      %dma_wait3A_216 = arith.constant 0 : i32
      %dma_wait3A_217 = tpu.memref_slice %arg8[%dma_wait3A_213, %dma_wait3A_215, %dma_wait3A_216] : memref<4x128x16xf32, #tpu.memory_space<vmem>> -> memref<1x128x16xf32, #tpu.memory_space<vmem>>
      %dma_wait3A_218 = tpu.memref_squeeze %dma_wait3A_217 : memref<1x128x16xf32, #tpu.memory_space<vmem>> -> memref<128x16xf32, #tpu.memory_space<vmem>>
      %dma_wait3A_219 = arith.constant 0 : i32
      %dma_wait3A_220 = tpu.memref_slice %arg6[%add3A_212, %dma_wait3A_219] : memref<136x128xi32, #tpu.memory_space<vmem>> -> memref<1x128xi32, #tpu.memory_space<vmem>>
      %dma_wait3A_221 = tpu.memref_squeeze %dma_wait3A_220 : memref<1x128xi32, #tpu.memory_space<vmem>> -> memref<128xi32, #tpu.memory_space<vmem>>
      %dma_wait3A_222 = arith.constant 0 : i32
      %dma_wait3A_223 = arith.constant 0 : i32
      %dma_wait3A_224 = tpu.memref_slice %arg2[%dma_wait3A_222, %dma_wait3A_223] : memref<10240x16xf32, #tpu.memory_space<hbm>> -> memref<10240x16xf32, #tpu.memory_space<hbm>>
      %dma_wait3A_225 = tpu.memref_slice %arg11[%dma_wait3A_214] : memref<4x!tpu.dma_semaphore, #tpu.memory_space<semaphore_mem>> -> memref<1x!tpu.dma_semaphore, #tpu.memory_space<semaphore_mem>>
      %dma_wait3A_226 = tpu.memref_squeeze %dma_wait3A_225 : memref<1x!tpu.dma_semaphore, #tpu.memory_space<semaphore_mem>> -> memref<!tpu.dma_semaphore, #tpu.memory_space<semaphore_mem>>
      tpu.wait_indirect_dma semaphore(%dma_wait3A_226 : memref<!tpu.dma_semaphore, #tpu.memory_space<semaphore_mem>>) src(%dma_wait3A_224 : memref<10240x16xf32, #tpu.memory_space<hbm>>) dst(%dma_wait3A_218 : memref<128x16xf32, #tpu.memory_space<vmem>>)
      %dma_start3A_227 = arith.constant 1 : i32
      %dma_start3A_228 = arith.constant 1 : i32
      %dma_start3A_229 = arith.constant 0 : i32
      %dma_start3A_230 = arith.constant 0 : i32
      %dma_start3A_231 = tpu.memref_slice %arg8[%dma_start3A_227, %dma_start3A_229, %dma_start3A_230] : memref<4x128x16xf32, #tpu.memory_space<vmem>> -> memref<1x128x16xf32, #tpu.memory_space<vmem>>
      %dma_start3A_232 = tpu.memref_squeeze %dma_start3A_231 : memref<1x128x16xf32, #tpu.memory_space<vmem>> -> memref<128x16xf32, #tpu.memory_space<vmem>>
      %dma_start3A_233 = arith.constant 0 : i32
      %dma_start3A_234 = tpu.memref_slice %arg7[%add3A_212, %dma_start3A_233] : memref<136x128xi32, #tpu.memory_space<vmem>> -> memref<1x128xi32, #tpu.memory_space<vmem>>
      %dma_start3A_235 = tpu.memref_squeeze %dma_start3A_234 : memref<1x128xi32, #tpu.memory_space<vmem>> -> memref<128xi32, #tpu.memory_space<vmem>>
      %dma_start3A_236 = arith.constant 0 : i32
      %dma_start3A_237 = arith.constant 0 : i32
      %dma_start3A_238 = tpu.memref_slice %arg10[%dma_start3A_236, %dma_start3A_237] : memref<10240x16xf32, #tpu.memory_space<vmem_shared>> -> memref<10240x16xf32, #tpu.memory_space<vmem_shared>>
      %dma_start3A_239 = tpu.memref_slice %arg12[%dma_start3A_228] : memref<4x!tpu.dma_semaphore, #tpu.memory_space<semaphore_mem>> -> memref<1x!tpu.dma_semaphore, #tpu.memory_space<semaphore_mem>>
      %dma_start3A_240 = tpu.memref_squeeze %dma_start3A_239 : memref<1x!tpu.dma_semaphore, #tpu.memory_space<semaphore_mem>> -> memref<!tpu.dma_semaphore, #tpu.memory_space<semaphore_mem>>
      tpu.enqueue_indirect_dma source(%dma_start3A_232 : memref<128x16xf32, #tpu.memory_space<vmem>>) target(%dma_start3A_238 : memref<10240x16xf32, #tpu.memory_space<vmem_shared>>) offsets(%dma_start3A_235 : memref<128xi32, #tpu.memory_space<vmem>>) semaphore(%dma_start3A_240 : memref<!tpu.dma_semaphore, #tpu.memory_space<semaphore_mem>>) {add = true}
      %add3A_241 = arith.constant 2 : i32
      %add3A_242 = arith.addi %mul3A_180, %add3A_241 : i32
      %dma_wait3A_243 = arith.constant 2 : i32
      %dma_wait3A_244 = arith.constant 2 : i32
      %dma_wait3A_245 = arith.constant 0 : i32
      %dma_wait3A_246 = arith.constant 0 : i32
      %dma_wait3A_247 = tpu.memref_slice %arg8[%dma_wait3A_243, %dma_wait3A_245, %dma_wait3A_246] : memref<4x128x16xf32, #tpu.memory_space<vmem>> -> memref<1x128x16xf32, #tpu.memory_space<vmem>>
      %dma_wait3A_248 = tpu.memref_squeeze %dma_wait3A_247 : memref<1x128x16xf32, #tpu.memory_space<vmem>> -> memref<128x16xf32, #tpu.memory_space<vmem>>
      %dma_wait3A_249 = arith.constant 0 : i32
      %dma_wait3A_250 = tpu.memref_slice %arg6[%add3A_242, %dma_wait3A_249] : memref<136x128xi32, #tpu.memory_space<vmem>> -> memref<1x128xi32, #tpu.memory_space<vmem>>
      %dma_wait3A_251 = tpu.memref_squeeze %dma_wait3A_250 : memref<1x128xi32, #tpu.memory_space<vmem>> -> memref<128xi32, #tpu.memory_space<vmem>>
      %dma_wait3A_252 = arith.constant 0 : i32
      %dma_wait3A_253 = arith.constant 0 : i32
      %dma_wait3A_254 = tpu.memref_slice %arg2[%dma_wait3A_252, %dma_wait3A_253] : memref<10240x16xf32, #tpu.memory_space<hbm>> -> memref<10240x16xf32, #tpu.memory_space<hbm>>
      %dma_wait3A_255 = tpu.memref_slice %arg11[%dma_wait3A_244] : memref<4x!tpu.dma_semaphore, #tpu.memory_space<semaphore_mem>> -> memref<1x!tpu.dma_semaphore, #tpu.memory_space<semaphore_mem>>
      %dma_wait3A_256 = tpu.memref_squeeze %dma_wait3A_255 : memref<1x!tpu.dma_semaphore, #tpu.memory_space<semaphore_mem>> -> memref<!tpu.dma_semaphore, #tpu.memory_space<semaphore_mem>>
      tpu.wait_indirect_dma semaphore(%dma_wait3A_256 : memref<!tpu.dma_semaphore, #tpu.memory_space<semaphore_mem>>) src(%dma_wait3A_254 : memref<10240x16xf32, #tpu.memory_space<hbm>>) dst(%dma_wait3A_248 : memref<128x16xf32, #tpu.memory_space<vmem>>)
      %dma_start3A_257 = arith.constant 2 : i32
      %dma_start3A_258 = arith.constant 2 : i32
      %dma_start3A_259 = arith.constant 0 : i32
      %dma_start3A_260 = arith.constant 0 : i32
      %dma_start3A_261 = tpu.memref_slice %arg8[%dma_start3A_257, %dma_start3A_259, %dma_start3A_260] : memref<4x128x16xf32, #tpu.memory_space<vmem>> -> memref<1x128x16xf32, #tpu.memory_space<vmem>>
      %dma_start3A_262 = tpu.memref_squeeze %dma_start3A_261 : memref<1x128x16xf32, #tpu.memory_space<vmem>> -> memref<128x16xf32, #tpu.memory_space<vmem>>
      %dma_start3A_263 = arith.constant 0 : i32
      %dma_start3A_264 = tpu.memref_slice %arg7[%add3A_242, %dma_start3A_263] : memref<136x128xi32, #tpu.memory_space<vmem>> -> memref<1x128xi32, #tpu.memory_space<vmem>>
      %dma_start3A_265 = tpu.memref_squeeze %dma_start3A_264 : memref<1x128xi32, #tpu.memory_space<vmem>> -> memref<128xi32, #tpu.memory_space<vmem>>
      %dma_start3A_266 = arith.constant 0 : i32
      %dma_start3A_267 = arith.constant 0 : i32
      %dma_start3A_268 = tpu.memref_slice %arg10[%dma_start3A_266, %dma_start3A_267] : memref<10240x16xf32, #tpu.memory_space<vmem_shared>> -> memref<10240x16xf32, #tpu.memory_space<vmem_shared>>
      %dma_start3A_269 = tpu.memref_slice %arg12[%dma_start3A_258] : memref<4x!tpu.dma_semaphore, #tpu.memory_space<semaphore_mem>> -> memref<1x!tpu.dma_semaphore, #tpu.memory_space<semaphore_mem>>
      %dma_start3A_270 = tpu.memref_squeeze %dma_start3A_269 : memref<1x!tpu.dma_semaphore, #tpu.memory_space<semaphore_mem>> -> memref<!tpu.dma_semaphore, #tpu.memory_space<semaphore_mem>>
      tpu.enqueue_indirect_dma source(%dma_start3A_262 : memref<128x16xf32, #tpu.memory_space<vmem>>) target(%dma_start3A_268 : memref<10240x16xf32, #tpu.memory_space<vmem_shared>>) offsets(%dma_start3A_265 : memref<128xi32, #tpu.memory_space<vmem>>) semaphore(%dma_start3A_270 : memref<!tpu.dma_semaphore, #tpu.memory_space<semaphore_mem>>) {add = true}
      %add3A_271 = arith.constant 3 : i32
      %add3A_272 = arith.addi %mul3A_180, %add3A_271 : i32
      %dma_wait3A_273 = arith.constant 3 : i32
      %dma_wait3A_274 = arith.constant 3 : i32
      %dma_wait3A_275 = arith.constant 0 : i32
      %dma_wait3A_276 = arith.constant 0 : i32
      %dma_wait3A_277 = tpu.memref_slice %arg8[%dma_wait3A_273, %dma_wait3A_275, %dma_wait3A_276] : memref<4x128x16xf32, #tpu.memory_space<vmem>> -> memref<1x128x16xf32, #tpu.memory_space<vmem>>
      %dma_wait3A_278 = tpu.memref_squeeze %dma_wait3A_277 : memref<1x128x16xf32, #tpu.memory_space<vmem>> -> memref<128x16xf32, #tpu.memory_space<vmem>>
      %dma_wait3A_279 = arith.constant 0 : i32
      %dma_wait3A_280 = tpu.memref_slice %arg6[%add3A_272, %dma_wait3A_279] : memref<136x128xi32, #tpu.memory_space<vmem>> -> memref<1x128xi32, #tpu.memory_space<vmem>>
      %dma_wait3A_281 = tpu.memref_squeeze %dma_wait3A_280 : memref<1x128xi32, #tpu.memory_space<vmem>> -> memref<128xi32, #tpu.memory_space<vmem>>
      %dma_wait3A_282 = arith.constant 0 : i32
      %dma_wait3A_283 = arith.constant 0 : i32
      %dma_wait3A_284 = tpu.memref_slice %arg2[%dma_wait3A_282, %dma_wait3A_283] : memref<10240x16xf32, #tpu.memory_space<hbm>> -> memref<10240x16xf32, #tpu.memory_space<hbm>>
      %dma_wait3A_285 = tpu.memref_slice %arg11[%dma_wait3A_274] : memref<4x!tpu.dma_semaphore, #tpu.memory_space<semaphore_mem>> -> memref<1x!tpu.dma_semaphore, #tpu.memory_space<semaphore_mem>>
      %dma_wait3A_286 = tpu.memref_squeeze %dma_wait3A_285 : memref<1x!tpu.dma_semaphore, #tpu.memory_space<semaphore_mem>> -> memref<!tpu.dma_semaphore, #tpu.memory_space<semaphore_mem>>
      tpu.wait_indirect_dma semaphore(%dma_wait3A_286 : memref<!tpu.dma_semaphore, #tpu.memory_space<semaphore_mem>>) src(%dma_wait3A_284 : memref<10240x16xf32, #tpu.memory_space<hbm>>) dst(%dma_wait3A_278 : memref<128x16xf32, #tpu.memory_space<vmem>>)
      %dma_start3A_287 = arith.constant 3 : i32
      %dma_start3A_288 = arith.constant 3 : i32
      %dma_start3A_289 = arith.constant 0 : i32
      %dma_start3A_290 = arith.constant 0 : i32
      %dma_start3A_291 = tpu.memref_slice %arg8[%dma_start3A_287, %dma_start3A_289, %dma_start3A_290] : memref<4x128x16xf32, #tpu.memory_space<vmem>> -> memref<1x128x16xf32, #tpu.memory_space<vmem>>
      %dma_start3A_292 = tpu.memref_squeeze %dma_start3A_291 : memref<1x128x16xf32, #tpu.memory_space<vmem>> -> memref<128x16xf32, #tpu.memory_space<vmem>>
      %dma_start3A_293 = arith.constant 0 : i32
      %dma_start3A_294 = tpu.memref_slice %arg7[%add3A_272, %dma_start3A_293] : memref<136x128xi32, #tpu.memory_space<vmem>> -> memref<1x128xi32, #tpu.memory_space<vmem>>
      %dma_start3A_295 = tpu.memref_squeeze %dma_start3A_294 : memref<1x128xi32, #tpu.memory_space<vmem>> -> memref<128xi32, #tpu.memory_space<vmem>>
      %dma_start3A_296 = arith.constant 0 : i32
      %dma_start3A_297 = arith.constant 0 : i32
      %dma_start3A_298 = tpu.memref_slice %arg10[%dma_start3A_296, %dma_start3A_297] : memref<10240x16xf32, #tpu.memory_space<vmem_shared>> -> memref<10240x16xf32, #tpu.memory_space<vmem_shared>>
      %dma_start3A_299 = tpu.memref_slice %arg12[%dma_start3A_288] : memref<4x!tpu.dma_semaphore, #tpu.memory_space<semaphore_mem>> -> memref<1x!tpu.dma_semaphore, #tpu.memory_space<semaphore_mem>>
      %dma_start3A_300 = tpu.memref_squeeze %dma_start3A_299 : memref<1x!tpu.dma_semaphore, #tpu.memory_space<semaphore_mem>> -> memref<!tpu.dma_semaphore, #tpu.memory_space<semaphore_mem>>
      tpu.enqueue_indirect_dma source(%dma_start3A_292 : memref<128x16xf32, #tpu.memory_space<vmem>>) target(%dma_start3A_298 : memref<10240x16xf32, #tpu.memory_space<vmem_shared>>) offsets(%dma_start3A_295 : memref<128xi32, #tpu.memory_space<vmem>>) semaphore(%dma_start3A_300 : memref<!tpu.dma_semaphore, #tpu.memory_space<semaphore_mem>>) {add = true}
      %add3A_301 = arith.constant 4 : i32
      %add3A_302 = arith.addi %mul3A_180, %add3A_301 : i32
      %add3A_303 = arith.constant 0 : i32
      %add3A_304 = arith.addi %add3A_302, %add3A_303 : i32
      %lt3A = arith.cmpi slt, %add3A_304, %select_n3A : i32
      %convert_element_type3A_305 = arith.extui %lt3A : i1 to i32
      %cond3A_306 = arith.constant 0 : i32
      %cond3A_307 = arith.cmpi ne, %convert_element_type3A_305, %cond3A_306 : i32
      scf.if %cond3A_307 {
        %dma_wait3A_333 = arith.constant 0 : i32
        %dma_wait3A_334 = arith.constant 0 : i32
        %dma_wait3A_335 = arith.constant 0 : i32
        %dma_wait3A_336 = arith.constant 0 : i32
        %dma_wait3A_337 = arith.constant 0 : i32
        %dma_wait3A_338 = tpu.memref_slice %arg8[%dma_wait3A_333, %dma_wait3A_336, %dma_wait3A_337] : memref<4x128x16xf32, #tpu.memory_space<vmem>> -> memref<1x128x16xf32, #tpu.memory_space<vmem>>
        %dma_wait3A_339 = tpu.memref_squeeze %dma_wait3A_338 : memref<1x128x16xf32, #tpu.memory_space<vmem>> -> memref<128x16xf32, #tpu.memory_space<vmem>>
        %dma_wait3A_340 = arith.constant 0 : i32
        %dma_wait3A_341 = tpu.memref_slice %arg7[%dma_wait3A_334, %dma_wait3A_340] : memref<136x128xi32, #tpu.memory_space<vmem>> -> memref<1x128xi32, #tpu.memory_space<vmem>>
        %dma_wait3A_342 = tpu.memref_squeeze %dma_wait3A_341 : memref<1x128xi32, #tpu.memory_space<vmem>> -> memref<128xi32, #tpu.memory_space<vmem>>
        %dma_wait3A_343 = arith.constant 0 : i32
        %dma_wait3A_344 = arith.constant 0 : i32
        %dma_wait3A_345 = tpu.memref_slice %arg10[%dma_wait3A_343, %dma_wait3A_344] : memref<10240x16xf32, #tpu.memory_space<vmem_shared>> -> memref<10240x16xf32, #tpu.memory_space<vmem_shared>>
        %dma_wait3A_346 = tpu.memref_slice %arg12[%dma_wait3A_335] : memref<4x!tpu.dma_semaphore, #tpu.memory_space<semaphore_mem>> -> memref<1x!tpu.dma_semaphore, #tpu.memory_space<semaphore_mem>>
        %dma_wait3A_347 = tpu.memref_squeeze %dma_wait3A_346 : memref<1x!tpu.dma_semaphore, #tpu.memory_space<semaphore_mem>> -> memref<!tpu.dma_semaphore, #tpu.memory_space<semaphore_mem>>
        tpu.wait_indirect_dma semaphore(%dma_wait3A_347 : memref<!tpu.dma_semaphore, #tpu.memory_space<semaphore_mem>>) src(%dma_wait3A_339 : memref<128x16xf32, #tpu.memory_space<vmem>>) dst(%dma_wait3A_345 : memref<10240x16xf32, #tpu.memory_space<vmem_shared>>)
        %dma_start3A_348 = arith.constant 0 : i32
        %dma_start3A_349 = arith.constant 0 : i32
        %dma_start3A_350 = arith.constant 0 : i32
        %dma_start3A_351 = arith.constant 0 : i32
        %dma_start3A_352 = tpu.memref_slice %arg8[%dma_start3A_348, %dma_start3A_350, %dma_start3A_351] : memref<4x128x16xf32, #tpu.memory_space<vmem>> -> memref<1x128x16xf32, #tpu.memory_space<vmem>>
        %dma_start3A_353 = tpu.memref_squeeze %dma_start3A_352 : memref<1x128x16xf32, #tpu.memory_space<vmem>> -> memref<128x16xf32, #tpu.memory_space<vmem>>
        %dma_start3A_354 = arith.constant 0 : i32
        %dma_start3A_355 = tpu.memref_slice %arg6[%add3A_304, %dma_start3A_354] : memref<136x128xi32, #tpu.memory_space<vmem>> -> memref<1x128xi32, #tpu.memory_space<vmem>>
        %dma_start3A_356 = tpu.memref_squeeze %dma_start3A_355 : memref<1x128xi32, #tpu.memory_space<vmem>> -> memref<128xi32, #tpu.memory_space<vmem>>
        %dma_start3A_357 = arith.constant 0 : i32
        %dma_start3A_358 = arith.constant 0 : i32
        %dma_start3A_359 = tpu.memref_slice %arg2[%dma_start3A_357, %dma_start3A_358] : memref<10240x16xf32, #tpu.memory_space<hbm>> -> memref<10240x16xf32, #tpu.memory_space<hbm>>
        %dma_start3A_360 = tpu.memref_slice %arg11[%dma_start3A_349] : memref<4x!tpu.dma_semaphore, #tpu.memory_space<semaphore_mem>> -> memref<1x!tpu.dma_semaphore, #tpu.memory_space<semaphore_mem>>
        %dma_start3A_361 = tpu.memref_squeeze %dma_start3A_360 : memref<1x!tpu.dma_semaphore, #tpu.memory_space<semaphore_mem>> -> memref<!tpu.dma_semaphore, #tpu.memory_space<semaphore_mem>>
        tpu.enqueue_indirect_dma source(%dma_start3A_359 : memref<10240x16xf32, #tpu.memory_space<hbm>>) target(%dma_start3A_353 : memref<128x16xf32, #tpu.memory_space<vmem>>) offsets(%dma_start3A_356 : memref<128xi32, #tpu.memory_space<vmem>>) semaphore(%dma_start3A_361 : memref<!tpu.dma_semaphore, #tpu.memory_space<semaphore_mem>>)
      } else {
      }
      %add3A_308 = arith.constant 4 : i32
      %add3A_309 = arith.addi %mul3A_180, %add3A_308 : i32
      %add3A_310 = arith.constant 1 : i32
      %add3A_311 = arith.addi %add3A_309, %add3A_310 : i32
      %lt3A_312 = arith.cmpi slt, %add3A_311, %select_n3A : i32
      %convert_element_type3A_313 = arith.extui %lt3A_312 : i1 to i32
      %cond3A_314 = arith.constant 0 : i32
      %cond3A_315 = arith.cmpi ne, %convert_element_type3A_313, %cond3A_314 : i32
      scf.if %cond3A_315 {
        %dma_wait3A_333 = arith.constant 1 : i32
        %dma_wait3A_334 = arith.constant 1 : i32
        %dma_wait3A_335 = arith.constant 1 : i32
        %dma_wait3A_336 = arith.constant 0 : i32
        %dma_wait3A_337 = arith.constant 0 : i32
        %dma_wait3A_338 = tpu.memref_slice %arg8[%dma_wait3A_333, %dma_wait3A_336, %dma_wait3A_337] : memref<4x128x16xf32, #tpu.memory_space<vmem>> -> memref<1x128x16xf32, #tpu.memory_space<vmem>>
        %dma_wait3A_339 = tpu.memref_squeeze %dma_wait3A_338 : memref<1x128x16xf32, #tpu.memory_space<vmem>> -> memref<128x16xf32, #tpu.memory_space<vmem>>
        %dma_wait3A_340 = arith.constant 0 : i32
        %dma_wait3A_341 = tpu.memref_slice %arg7[%dma_wait3A_334, %dma_wait3A_340] : memref<136x128xi32, #tpu.memory_space<vmem>> -> memref<1x128xi32, #tpu.memory_space<vmem>>
        %dma_wait3A_342 = tpu.memref_squeeze %dma_wait3A_341 : memref<1x128xi32, #tpu.memory_space<vmem>> -> memref<128xi32, #tpu.memory_space<vmem>>
        %dma_wait3A_343 = arith.constant 0 : i32
        %dma_wait3A_344 = arith.constant 0 : i32
        %dma_wait3A_345 = tpu.memref_slice %arg10[%dma_wait3A_343, %dma_wait3A_344] : memref<10240x16xf32, #tpu.memory_space<vmem_shared>> -> memref<10240x16xf32, #tpu.memory_space<vmem_shared>>
        %dma_wait3A_346 = tpu.memref_slice %arg12[%dma_wait3A_335] : memref<4x!tpu.dma_semaphore, #tpu.memory_space<semaphore_mem>> -> memref<1x!tpu.dma_semaphore, #tpu.memory_space<semaphore_mem>>
        %dma_wait3A_347 = tpu.memref_squeeze %dma_wait3A_346 : memref<1x!tpu.dma_semaphore, #tpu.memory_space<semaphore_mem>> -> memref<!tpu.dma_semaphore, #tpu.memory_space<semaphore_mem>>
        tpu.wait_indirect_dma semaphore(%dma_wait3A_347 : memref<!tpu.dma_semaphore, #tpu.memory_space<semaphore_mem>>) src(%dma_wait3A_339 : memref<128x16xf32, #tpu.memory_space<vmem>>) dst(%dma_wait3A_345 : memref<10240x16xf32, #tpu.memory_space<vmem_shared>>)
        %dma_start3A_348 = arith.constant 1 : i32
        %dma_start3A_349 = arith.constant 1 : i32
        %dma_start3A_350 = arith.constant 0 : i32
        %dma_start3A_351 = arith.constant 0 : i32
        %dma_start3A_352 = tpu.memref_slice %arg8[%dma_start3A_348, %dma_start3A_350, %dma_start3A_351] : memref<4x128x16xf32, #tpu.memory_space<vmem>> -> memref<1x128x16xf32, #tpu.memory_space<vmem>>
        %dma_start3A_353 = tpu.memref_squeeze %dma_start3A_352 : memref<1x128x16xf32, #tpu.memory_space<vmem>> -> memref<128x16xf32, #tpu.memory_space<vmem>>
        %dma_start3A_354 = arith.constant 0 : i32
        %dma_start3A_355 = tpu.memref_slice %arg6[%add3A_311, %dma_start3A_354] : memref<136x128xi32, #tpu.memory_space<vmem>> -> memref<1x128xi32, #tpu.memory_space<vmem>>
        %dma_start3A_356 = tpu.memref_squeeze %dma_start3A_355 : memref<1x128xi32, #tpu.memory_space<vmem>> -> memref<128xi32, #tpu.memory_space<vmem>>
        %dma_start3A_357 = arith.constant 0 : i32
        %dma_start3A_358 = arith.constant 0 : i32
        %dma_start3A_359 = tpu.memref_slice %arg2[%dma_start3A_357, %dma_start3A_358] : memref<10240x16xf32, #tpu.memory_space<hbm>> -> memref<10240x16xf32, #tpu.memory_space<hbm>>
        %dma_start3A_360 = tpu.memref_slice %arg11[%dma_start3A_349] : memref<4x!tpu.dma_semaphore, #tpu.memory_space<semaphore_mem>> -> memref<1x!tpu.dma_semaphore, #tpu.memory_space<semaphore_mem>>
        %dma_start3A_361 = tpu.memref_squeeze %dma_start3A_360 : memref<1x!tpu.dma_semaphore, #tpu.memory_space<semaphore_mem>> -> memref<!tpu.dma_semaphore, #tpu.memory_space<semaphore_mem>>
        tpu.enqueue_indirect_dma source(%dma_start3A_359 : memref<10240x16xf32, #tpu.memory_space<hbm>>) target(%dma_start3A_353 : memref<128x16xf32, #tpu.memory_space<vmem>>) offsets(%dma_start3A_356 : memref<128xi32, #tpu.memory_space<vmem>>) semaphore(%dma_start3A_361 : memref<!tpu.dma_semaphore, #tpu.memory_space<semaphore_mem>>)
      } else {
      }
      %add3A_316 = arith.constant 4 : i32
      %add3A_317 = arith.addi %mul3A_180, %add3A_316 : i32
      %add3A_318 = arith.constant 2 : i32
      %add3A_319 = arith.addi %add3A_317, %add3A_318 : i32
      %lt3A_320 = arith.cmpi slt, %add3A_319, %select_n3A : i32
      %convert_element_type3A_321 = arith.extui %lt3A_320 : i1 to i32
      %cond3A_322 = arith.constant 0 : i32
      %cond3A_323 = arith.cmpi ne, %convert_element_type3A_321, %cond3A_322 : i32
      scf.if %cond3A_323 {
        %dma_wait3A_333 = arith.constant 2 : i32
        %dma_wait3A_334 = arith.constant 2 : i32
        %dma_wait3A_335 = arith.constant 2 : i32
        %dma_wait3A_336 = arith.constant 0 : i32
        %dma_wait3A_337 = arith.constant 0 : i32
        %dma_wait3A_338 = tpu.memref_slice %arg8[%dma_wait3A_333, %dma_wait3A_336, %dma_wait3A_337] : memref<4x128x16xf32, #tpu.memory_space<vmem>> -> memref<1x128x16xf32, #tpu.memory_space<vmem>>
        %dma_wait3A_339 = tpu.memref_squeeze %dma_wait3A_338 : memref<1x128x16xf32, #tpu.memory_space<vmem>> -> memref<128x16xf32, #tpu.memory_space<vmem>>
        %dma_wait3A_340 = arith.constant 0 : i32
        %dma_wait3A_341 = tpu.memref_slice %arg7[%dma_wait3A_334, %dma_wait3A_340] : memref<136x128xi32, #tpu.memory_space<vmem>> -> memref<1x128xi32, #tpu.memory_space<vmem>>
        %dma_wait3A_342 = tpu.memref_squeeze %dma_wait3A_341 : memref<1x128xi32, #tpu.memory_space<vmem>> -> memref<128xi32, #tpu.memory_space<vmem>>
        %dma_wait3A_343 = arith.constant 0 : i32
        %dma_wait3A_344 = arith.constant 0 : i32
        %dma_wait3A_345 = tpu.memref_slice %arg10[%dma_wait3A_343, %dma_wait3A_344] : memref<10240x16xf32, #tpu.memory_space<vmem_shared>> -> memref<10240x16xf32, #tpu.memory_space<vmem_shared>>
        %dma_wait3A_346 = tpu.memref_slice %arg12[%dma_wait3A_335] : memref<4x!tpu.dma_semaphore, #tpu.memory_space<semaphore_mem>> -> memref<1x!tpu.dma_semaphore, #tpu.memory_space<semaphore_mem>>
        %dma_wait3A_347 = tpu.memref_squeeze %dma_wait3A_346 : memref<1x!tpu.dma_semaphore, #tpu.memory_space<semaphore_mem>> -> memref<!tpu.dma_semaphore, #tpu.memory_space<semaphore_mem>>
        tpu.wait_indirect_dma semaphore(%dma_wait3A_347 : memref<!tpu.dma_semaphore, #tpu.memory_space<semaphore_mem>>) src(%dma_wait3A_339 : memref<128x16xf32, #tpu.memory_space<vmem>>) dst(%dma_wait3A_345 : memref<10240x16xf32, #tpu.memory_space<vmem_shared>>)
        %dma_start3A_348 = arith.constant 2 : i32
        %dma_start3A_349 = arith.constant 2 : i32
        %dma_start3A_350 = arith.constant 0 : i32
        %dma_start3A_351 = arith.constant 0 : i32
        %dma_start3A_352 = tpu.memref_slice %arg8[%dma_start3A_348, %dma_start3A_350, %dma_start3A_351] : memref<4x128x16xf32, #tpu.memory_space<vmem>> -> memref<1x128x16xf32, #tpu.memory_space<vmem>>
        %dma_start3A_353 = tpu.memref_squeeze %dma_start3A_352 : memref<1x128x16xf32, #tpu.memory_space<vmem>> -> memref<128x16xf32, #tpu.memory_space<vmem>>
        %dma_start3A_354 = arith.constant 0 : i32
        %dma_start3A_355 = tpu.memref_slice %arg6[%add3A_319, %dma_start3A_354] : memref<136x128xi32, #tpu.memory_space<vmem>> -> memref<1x128xi32, #tpu.memory_space<vmem>>
        %dma_start3A_356 = tpu.memref_squeeze %dma_start3A_355 : memref<1x128xi32, #tpu.memory_space<vmem>> -> memref<128xi32, #tpu.memory_space<vmem>>
        %dma_start3A_357 = arith.constant 0 : i32
        %dma_start3A_358 = arith.constant 0 : i32
        %dma_start3A_359 = tpu.memref_slice %arg2[%dma_start3A_357, %dma_start3A_358] : memref<10240x16xf32, #tpu.memory_space<hbm>> -> memref<10240x16xf32, #tpu.memory_space<hbm>>
        %dma_start3A_360 = tpu.memref_slice %arg11[%dma_start3A_349] : memref<4x!tpu.dma_semaphore, #tpu.memory_space<semaphore_mem>> -> memref<1x!tpu.dma_semaphore, #tpu.memory_space<semaphore_mem>>
        %dma_start3A_361 = tpu.memref_squeeze %dma_start3A_360 : memref<1x!tpu.dma_semaphore, #tpu.memory_space<semaphore_mem>> -> memref<!tpu.dma_semaphore, #tpu.memory_space<semaphore_mem>>
        tpu.enqueue_indirect_dma source(%dma_start3A_359 : memref<10240x16xf32, #tpu.memory_space<hbm>>) target(%dma_start3A_353 : memref<128x16xf32, #tpu.memory_space<vmem>>) offsets(%dma_start3A_356 : memref<128xi32, #tpu.memory_space<vmem>>) semaphore(%dma_start3A_361 : memref<!tpu.dma_semaphore, #tpu.memory_space<semaphore_mem>>)
      } else {
      }
      %add3A_324 = arith.constant 4 : i32
      %add3A_325 = arith.addi %mul3A_180, %add3A_324 : i32
      %add3A_326 = arith.constant 3 : i32
      %add3A_327 = arith.addi %add3A_325, %add3A_326 : i32
      %lt3A_328 = arith.cmpi slt, %add3A_327, %select_n3A : i32
      %convert_element_type3A_329 = arith.extui %lt3A_328 : i1 to i32
      %cond3A_330 = arith.constant 0 : i32
      %cond3A_331 = arith.cmpi ne, %convert_element_type3A_329, %cond3A_330 : i32
      scf.if %cond3A_331 {
        %dma_wait3A_333 = arith.constant 3 : i32
        %dma_wait3A_334 = arith.constant 3 : i32
        %dma_wait3A_335 = arith.constant 3 : i32
        %dma_wait3A_336 = arith.constant 0 : i32
        %dma_wait3A_337 = arith.constant 0 : i32
        %dma_wait3A_338 = tpu.memref_slice %arg8[%dma_wait3A_333, %dma_wait3A_336, %dma_wait3A_337] : memref<4x128x16xf32, #tpu.memory_space<vmem>> -> memref<1x128x16xf32, #tpu.memory_space<vmem>>
        %dma_wait3A_339 = tpu.memref_squeeze %dma_wait3A_338 : memref<1x128x16xf32, #tpu.memory_space<vmem>> -> memref<128x16xf32, #tpu.memory_space<vmem>>
        %dma_wait3A_340 = arith.constant 0 : i32
        %dma_wait3A_341 = tpu.memref_slice %arg7[%dma_wait3A_334, %dma_wait3A_340] : memref<136x128xi32, #tpu.memory_space<vmem>> -> memref<1x128xi32, #tpu.memory_space<vmem>>
        %dma_wait3A_342 = tpu.memref_squeeze %dma_wait3A_341 : memref<1x128xi32, #tpu.memory_space<vmem>> -> memref<128xi32, #tpu.memory_space<vmem>>
        %dma_wait3A_343 = arith.constant 0 : i32
        %dma_wait3A_344 = arith.constant 0 : i32
        %dma_wait3A_345 = tpu.memref_slice %arg10[%dma_wait3A_343, %dma_wait3A_344] : memref<10240x16xf32, #tpu.memory_space<vmem_shared>> -> memref<10240x16xf32, #tpu.memory_space<vmem_shared>>
        %dma_wait3A_346 = tpu.memref_slice %arg12[%dma_wait3A_335] : memref<4x!tpu.dma_semaphore, #tpu.memory_space<semaphore_mem>> -> memref<1x!tpu.dma_semaphore, #tpu.memory_space<semaphore_mem>>
        %dma_wait3A_347 = tpu.memref_squeeze %dma_wait3A_346 : memref<1x!tpu.dma_semaphore, #tpu.memory_space<semaphore_mem>> -> memref<!tpu.dma_semaphore, #tpu.memory_space<semaphore_mem>>
        tpu.wait_indirect_dma semaphore(%dma_wait3A_347 : memref<!tpu.dma_semaphore, #tpu.memory_space<semaphore_mem>>) src(%dma_wait3A_339 : memref<128x16xf32, #tpu.memory_space<vmem>>) dst(%dma_wait3A_345 : memref<10240x16xf32, #tpu.memory_space<vmem_shared>>)
        %dma_start3A_348 = arith.constant 3 : i32
        %dma_start3A_349 = arith.constant 3 : i32
        %dma_start3A_350 = arith.constant 0 : i32
        %dma_start3A_351 = arith.constant 0 : i32
        %dma_start3A_352 = tpu.memref_slice %arg8[%dma_start3A_348, %dma_start3A_350, %dma_start3A_351] : memref<4x128x16xf32, #tpu.memory_space<vmem>> -> memref<1x128x16xf32, #tpu.memory_space<vmem>>
        %dma_start3A_353 = tpu.memref_squeeze %dma_start3A_352 : memref<1x128x16xf32, #tpu.memory_space<vmem>> -> memref<128x16xf32, #tpu.memory_space<vmem>>
        %dma_start3A_354 = arith.constant 0 : i32
        %dma_start3A_355 = tpu.memref_slice %arg6[%add3A_327, %dma_start3A_354] : memref<136x128xi32, #tpu.memory_space<vmem>> -> memref<1x128xi32, #tpu.memory_space<vmem>>
        %dma_start3A_356 = tpu.memref_squeeze %dma_start3A_355 : memref<1x128xi32, #tpu.memory_space<vmem>> -> memref<128xi32, #tpu.memory_space<vmem>>
        %dma_start3A_357 = arith.constant 0 : i32
        %dma_start3A_358 = arith.constant 0 : i32
        %dma_start3A_359 = tpu.memref_slice %arg2[%dma_start3A_357, %dma_start3A_358] : memref<10240x16xf32, #tpu.memory_space<hbm>> -> memref<10240x16xf32, #tpu.memory_space<hbm>>
        %dma_start3A_360 = tpu.memref_slice %arg11[%dma_start3A_349] : memref<4x!tpu.dma_semaphore, #tpu.memory_space<semaphore_mem>> -> memref<1x!tpu.dma_semaphore, #tpu.memory_space<semaphore_mem>>
        %dma_start3A_361 = tpu.memref_squeeze %dma_start3A_360 : memref<1x!tpu.dma_semaphore, #tpu.memory_space<semaphore_mem>> -> memref<!tpu.dma_semaphore, #tpu.memory_space<semaphore_mem>>
        tpu.enqueue_indirect_dma source(%dma_start3A_359 : memref<10240x16xf32, #tpu.memory_space<hbm>>) target(%dma_start3A_353 : memref<128x16xf32, #tpu.memory_space<vmem>>) offsets(%dma_start3A_356 : memref<128xi32, #tpu.memory_space<vmem>>) semaphore(%dma_start3A_361 : memref<!tpu.dma_semaphore, #tpu.memory_space<semaphore_mem>>)
      } else {
      }
      %while3A_332 = arith.constant 0 : i32
      scf.yield %while3A_332 : i32
    }
    %dma_wait3A = arith.constant 0 : i32
    %dma_wait3A_113 = arith.constant 0 : i32
    %dma_wait3A_114 = arith.constant 0 : i32
    %dma_wait3A_115 = arith.constant 0 : i32
    %dma_wait3A_116 = arith.constant 0 : i32
    %dma_wait3A_117 = tpu.memref_slice %arg8[%dma_wait3A, %dma_wait3A_115, %dma_wait3A_116] : memref<4x128x16xf32, #tpu.memory_space<vmem>> -> memref<1x128x16xf32, #tpu.memory_space<vmem>>
    %dma_wait3A_118 = tpu.memref_squeeze %dma_wait3A_117 : memref<1x128x16xf32, #tpu.memory_space<vmem>> -> memref<128x16xf32, #tpu.memory_space<vmem>>
    %dma_wait3A_119 = arith.constant 0 : i32
    %dma_wait3A_120 = tpu.memref_slice %arg7[%dma_wait3A_113, %dma_wait3A_119] : memref<136x128xi32, #tpu.memory_space<vmem>> -> memref<1x128xi32, #tpu.memory_space<vmem>>
    %dma_wait3A_121 = tpu.memref_squeeze %dma_wait3A_120 : memref<1x128xi32, #tpu.memory_space<vmem>> -> memref<128xi32, #tpu.memory_space<vmem>>
    %dma_wait3A_122 = arith.constant 0 : i32
    %dma_wait3A_123 = arith.constant 0 : i32
    %dma_wait3A_124 = tpu.memref_slice %arg10[%dma_wait3A_122, %dma_wait3A_123] : memref<10240x16xf32, #tpu.memory_space<vmem_shared>> -> memref<10240x16xf32, #tpu.memory_space<vmem_shared>>
    %dma_wait3A_125 = tpu.memref_slice %arg12[%dma_wait3A_114] : memref<4x!tpu.dma_semaphore, #tpu.memory_space<semaphore_mem>> -> memref<1x!tpu.dma_semaphore, #tpu.memory_space<semaphore_mem>>
    %dma_wait3A_126 = tpu.memref_squeeze %dma_wait3A_125 : memref<1x!tpu.dma_semaphore, #tpu.memory_space<semaphore_mem>> -> memref<!tpu.dma_semaphore, #tpu.memory_space<semaphore_mem>>
    tpu.wait_indirect_dma semaphore(%dma_wait3A_126 : memref<!tpu.dma_semaphore, #tpu.memory_space<semaphore_mem>>) src(%dma_wait3A_118 : memref<128x16xf32, #tpu.memory_space<vmem>>) dst(%dma_wait3A_124 : memref<10240x16xf32, #tpu.memory_space<vmem_shared>>)
    %dma_wait3A_127 = arith.constant 1 : i32
    %dma_wait3A_128 = arith.constant 1 : i32
    %dma_wait3A_129 = arith.constant 1 : i32
    %dma_wait3A_130 = arith.constant 0 : i32
    %dma_wait3A_131 = arith.constant 0 : i32
    %dma_wait3A_132 = tpu.memref_slice %arg8[%dma_wait3A_127, %dma_wait3A_130, %dma_wait3A_131] : memref<4x128x16xf32, #tpu.memory_space<vmem>> -> memref<1x128x16xf32, #tpu.memory_space<vmem>>
    %dma_wait3A_133 = tpu.memref_squeeze %dma_wait3A_132 : memref<1x128x16xf32, #tpu.memory_space<vmem>> -> memref<128x16xf32, #tpu.memory_space<vmem>>
    %dma_wait3A_134 = arith.constant 0 : i32
    %dma_wait3A_135 = tpu.memref_slice %arg7[%dma_wait3A_128, %dma_wait3A_134] : memref<136x128xi32, #tpu.memory_space<vmem>> -> memref<1x128xi32, #tpu.memory_space<vmem>>
    %dma_wait3A_136 = tpu.memref_squeeze %dma_wait3A_135 : memref<1x128xi32, #tpu.memory_space<vmem>> -> memref<128xi32, #tpu.memory_space<vmem>>
    %dma_wait3A_137 = arith.constant 0 : i32
    %dma_wait3A_138 = arith.constant 0 : i32
    %dma_wait3A_139 = tpu.memref_slice %arg10[%dma_wait3A_137, %dma_wait3A_138] : memref<10240x16xf32, #tpu.memory_space<vmem_shared>> -> memref<10240x16xf32, #tpu.memory_space<vmem_shared>>
    %dma_wait3A_140 = tpu.memref_slice %arg12[%dma_wait3A_129] : memref<4x!tpu.dma_semaphore, #tpu.memory_space<semaphore_mem>> -> memref<1x!tpu.dma_semaphore, #tpu.memory_space<semaphore_mem>>
    %dma_wait3A_141 = tpu.memref_squeeze %dma_wait3A_140 : memref<1x!tpu.dma_semaphore, #tpu.memory_space<semaphore_mem>> -> memref<!tpu.dma_semaphore, #tpu.memory_space<semaphore_mem>>
    tpu.wait_indirect_dma semaphore(%dma_wait3A_141 : memref<!tpu.dma_semaphore, #tpu.memory_space<semaphore_mem>>) src(%dma_wait3A_133 : memref<128x16xf32, #tpu.memory_space<vmem>>) dst(%dma_wait3A_139 : memref<10240x16xf32, #tpu.memory_space<vmem_shared>>)
    %dma_wait3A_142 = arith.constant 2 : i32
    %dma_wait3A_143 = arith.constant 2 : i32
    %dma_wait3A_144 = arith.constant 2 : i32
    %dma_wait3A_145 = arith.constant 0 : i32
    %dma_wait3A_146 = arith.constant 0 : i32
    %dma_wait3A_147 = tpu.memref_slice %arg8[%dma_wait3A_142, %dma_wait3A_145, %dma_wait3A_146] : memref<4x128x16xf32, #tpu.memory_space<vmem>> -> memref<1x128x16xf32, #tpu.memory_space<vmem>>
    %dma_wait3A_148 = tpu.memref_squeeze %dma_wait3A_147 : memref<1x128x16xf32, #tpu.memory_space<vmem>> -> memref<128x16xf32, #tpu.memory_space<vmem>>
    %dma_wait3A_149 = arith.constant 0 : i32
    %dma_wait3A_150 = tpu.memref_slice %arg7[%dma_wait3A_143, %dma_wait3A_149] : memref<136x128xi32, #tpu.memory_space<vmem>> -> memref<1x128xi32, #tpu.memory_space<vmem>>
    %dma_wait3A_151 = tpu.memref_squeeze %dma_wait3A_150 : memref<1x128xi32, #tpu.memory_space<vmem>> -> memref<128xi32, #tpu.memory_space<vmem>>
    %dma_wait3A_152 = arith.constant 0 : i32
    %dma_wait3A_153 = arith.constant 0 : i32
    %dma_wait3A_154 = tpu.memref_slice %arg10[%dma_wait3A_152, %dma_wait3A_153] : memref<10240x16xf32, #tpu.memory_space<vmem_shared>> -> memref<10240x16xf32, #tpu.memory_space<vmem_shared>>
    %dma_wait3A_155 = tpu.memref_slice %arg12[%dma_wait3A_144] : memref<4x!tpu.dma_semaphore, #tpu.memory_space<semaphore_mem>> -> memref<1x!tpu.dma_semaphore, #tpu.memory_space<semaphore_mem>>
    %dma_wait3A_156 = tpu.memref_squeeze %dma_wait3A_155 : memref<1x!tpu.dma_semaphore, #tpu.memory_space<semaphore_mem>> -> memref<!tpu.dma_semaphore, #tpu.memory_space<semaphore_mem>>
    tpu.wait_indirect_dma semaphore(%dma_wait3A_156 : memref<!tpu.dma_semaphore, #tpu.memory_space<semaphore_mem>>) src(%dma_wait3A_148 : memref<128x16xf32, #tpu.memory_space<vmem>>) dst(%dma_wait3A_154 : memref<10240x16xf32, #tpu.memory_space<vmem_shared>>)
    %dma_wait3A_157 = arith.constant 3 : i32
    %dma_wait3A_158 = arith.constant 3 : i32
    %dma_wait3A_159 = arith.constant 3 : i32
    %dma_wait3A_160 = arith.constant 0 : i32
    %dma_wait3A_161 = arith.constant 0 : i32
    %dma_wait3A_162 = tpu.memref_slice %arg8[%dma_wait3A_157, %dma_wait3A_160, %dma_wait3A_161] : memref<4x128x16xf32, #tpu.memory_space<vmem>> -> memref<1x128x16xf32, #tpu.memory_space<vmem>>
    %dma_wait3A_163 = tpu.memref_squeeze %dma_wait3A_162 : memref<1x128x16xf32, #tpu.memory_space<vmem>> -> memref<128x16xf32, #tpu.memory_space<vmem>>
    %dma_wait3A_164 = arith.constant 0 : i32
    %dma_wait3A_165 = tpu.memref_slice %arg7[%dma_wait3A_158, %dma_wait3A_164] : memref<136x128xi32, #tpu.memory_space<vmem>> -> memref<1x128xi32, #tpu.memory_space<vmem>>
    %dma_wait3A_166 = tpu.memref_squeeze %dma_wait3A_165 : memref<1x128xi32, #tpu.memory_space<vmem>> -> memref<128xi32, #tpu.memory_space<vmem>>
    %dma_wait3A_167 = arith.constant 0 : i32
    %dma_wait3A_168 = arith.constant 0 : i32
    %dma_wait3A_169 = tpu.memref_slice %arg10[%dma_wait3A_167, %dma_wait3A_168] : memref<10240x16xf32, #tpu.memory_space<vmem_shared>> -> memref<10240x16xf32, #tpu.memory_space<vmem_shared>>
    %dma_wait3A_170 = tpu.memref_slice %arg12[%dma_wait3A_159] : memref<4x!tpu.dma_semaphore, #tpu.memory_space<semaphore_mem>> -> memref<1x!tpu.dma_semaphore, #tpu.memory_space<semaphore_mem>>
    %dma_wait3A_171 = tpu.memref_squeeze %dma_wait3A_170 : memref<1x!tpu.dma_semaphore, #tpu.memory_space<semaphore_mem>> -> memref<!tpu.dma_semaphore, #tpu.memory_space<semaphore_mem>>
    tpu.wait_indirect_dma semaphore(%dma_wait3A_171 : memref<!tpu.dma_semaphore, #tpu.memory_space<semaphore_mem>>) src(%dma_wait3A_163 : memref<128x16xf32, #tpu.memory_space<vmem>>) dst(%dma_wait3A_169 : memref<10240x16xf32, #tpu.memory_space<vmem_shared>>)
    %barrier3A_172 = arith.constant 0 : index
    tpu.barrier barrier_id(%barrier3A_172)
    %mul3A_173 = arith.constant 640 : i32
    %mul3A_174 = arith.muli %arg1, %mul3A_173 : i32
    %mul3A_175 = arith.constant 640 : i32
    %mul3A_176 = arith.muli %arg1, %mul3A_175 : i32
    "tpu.region"() ({
      %run_scoped3A = tpu.sem_alloc : memref<!tpu.dma_semaphore, #tpu.memory_space<semaphore_mem>>
      %dma_start3A_177 = arith.constant 0 : i32
      %dma_start3A_178 = tpu.memref_slice %arg5[%arg0, %mul3A_176, %dma_start3A_177] : memref<2x10240x16xf32, #tpu.memory_space<hbm>> -> memref<1x640x16xf32, #tpu.memory_space<hbm>>
      %dma_start3A_179 = tpu.memref_squeeze %dma_start3A_178 : memref<1x640x16xf32, #tpu.memory_space<hbm>> -> memref<640x16xf32, #tpu.memory_space<hbm>>
      %dma_start3A_180 = arith.constant 0 : i32
      %dma_start3A_181 = tpu.memref_slice %arg10[%mul3A_174, %dma_start3A_180] : memref<10240x16xf32, #tpu.memory_space<vmem_shared>> -> memref<640x16xf32, #tpu.memory_space<vmem_shared>>
      tpu.enqueue_dma source(%dma_start3A_181 : memref<640x16xf32, #tpu.memory_space<vmem_shared>>) target(%dma_start3A_179 : memref<640x16xf32, #tpu.memory_space<hbm>>) target_semaphore(%run_scoped3A : memref<!tpu.dma_semaphore, #tpu.memory_space<semaphore_mem>>)
      %dma_wait3A_182 = arith.constant 0 : i32
      %dma_wait3A_183 = tpu.memref_slice %arg5[%arg0, %mul3A_176, %dma_wait3A_182] : memref<2x10240x16xf32, #tpu.memory_space<hbm>> -> memref<1x640x16xf32, #tpu.memory_space<hbm>>
      %dma_wait3A_184 = tpu.memref_squeeze %dma_wait3A_183 : memref<1x640x16xf32, #tpu.memory_space<hbm>> -> memref<640x16xf32, #tpu.memory_space<hbm>>
      %dma_wait3A_185 = arith.constant 0 : i32
      %dma_wait3A_186 = tpu.memref_slice %arg10[%mul3A_174, %dma_wait3A_185] : memref<10240x16xf32, #tpu.memory_space<vmem_shared>> -> memref<640x16xf32, #tpu.memory_space<vmem_shared>>
      tpu.wait_dma2 semaphore(%run_scoped3A : memref<!tpu.dma_semaphore, #tpu.memory_space<semaphore_mem>>) src(%dma_wait3A_186 : memref<640x16xf32, #tpu.memory_space<vmem_shared>>) dst(%dma_wait3A_184 : memref<640x16xf32, #tpu.memory_space<hbm>>)
      tpu.yield
    }) : () -> ()
    return
  }
}

module attributes {stable_mosaic.version = 14 : i64} {
  func.func @body(%arg0: i32, %arg1: memref<2000x128xf32, #tpu.memory_space<vmem>>, %arg2: memref<128x16xf32, #tpu.memory_space<vmem>>, %arg3: memref<2000x16xf32, #tpu.memory_space<vmem>>) attributes {dimension_semantics = [#tpu.dimension_semantics<arbitrary>], iteration_bounds = array<i64: 5>, scalar_prefetch = 0 : i64, scratch_operands = 0 : i64, tpu.core_type = #tpu.core_type<tc>, window_params = [{transform_indices = @transform_0, window_bounds = array<i64: 2000, 128>}, {pipeline_mode = #tpu.pipeline_mode<synchronous>, transform_indices = @transform_1, window_bounds = array<i64: 128, 16>}, {transform_indices = @transform_2, window_bounds = array<i64: 2000, 16>}]} {
    %get3A = arith.constant 0 : index
    %get3A_0 = arith.constant 0 : index
    %get3A_1 = vector.load %arg1[%get3A, %get3A_0] : memref<2000x128xf32, #tpu.memory_space<vmem>>, vector<2000x128xf32>
    %get3A_2 = arith.constant 0 : index
    %get3A_3 = arith.constant 0 : index
    %get3A_4 = vector.load %arg2[%get3A_2, %get3A_3] : memref<128x16xf32, #tpu.memory_space<vmem>>, vector<128x16xf32>
    %dot_general3A = arith.constant dense<0.000000e+00> : vector<2000x16xf32>
    %dot_general3A_5 = tpu.matmul %get3A_1, %get3A_4, %dot_general3A {dimension_numbers = #tpu.dot_dimension_numbers<[1], [0], [0], [1], [0, 0, 1, 1], [], []>, transpose_lhs_hint = false} : vector<2000x128xf32>, vector<128x16xf32>, vector<2000x16xf32> -> vector<2000x16xf32>
    %swap3A = arith.constant 0 : index
    %swap3A_6 = arith.constant 0 : index
    %swap3A_7 = vector.load %arg3[%swap3A, %swap3A_6] : memref<2000x16xf32, #tpu.memory_space<vmem>>, vector<2000x16xf32>
    tpu.vector_store %arg3[%swap3A, %swap3A_6], %dot_general3A_5 {strides = array<i32>} : memref<2000x16xf32, #tpu.memory_space<vmem>>, vector<2000x16xf32>,
    return
  }
  func.func @transform_0(%arg0: i32) -> (i32, i32) {
    %c0_i32 = arith.constant 0 : i32
    %c0_i32_0 = arith.constant 0 : i32
    return %arg0, %c0_i32 : i32, i32
  }
  func.func @transform_1(%arg0: i32) -> (i32, i32) {
    %c0_i32 = arith.constant 0 : i32
    %c0_i32_0 = arith.constant 0 : i32
    %c0_i32_1 = arith.constant 0 : i32
    return %c0_i32, %c0_i32_0 : i32, i32
  }
  func.func @transform_2(%arg0: i32) -> (i32, i32) {
    %c0_i32 = arith.constant 0 : i32
    %c0_i32_0 = arith.constant 0 : i32
    return %arg0, %c0_i32 : i32, i32
  }
}

module attributes {stable_mosaic.version = 14 : i64} {
  func.func @body(%arg0: i32, %arg1: memref<2x256x128xf32, #tpu.memory_space<vmem>>, %arg2: memref<256x128xf32, #tpu.memory_space<vmem>>, %arg3: memref<256x128xf32, #tpu.memory_space<vmem>>, %arg4: memref<256x128xf32, #tpu.memory_space<vmem>>) attributes {dimension_semantics = [#tpu.dimension_semantics<arbitrary>], iteration_bounds = array<i64: 5>, scalar_prefetch = 0 : i64, scratch_operands = 0 : i64, tpu.core_type = #tpu.core_type<tc>, window_params = [{transform_indices = @transform_0, window_bounds = array<i64: 2, 256, 128>}, {transform_indices = @transform_1, window_bounds = array<i64: 256, 128>}, {transform_indices = @transform_2, window_bounds = array<i64: 256, 128>}, {transform_indices = @transform_3, window_bounds = array<i64: 256, 128>}]} {
    %get3A = arith.constant 0 : index
    %get3A_0 = arith.constant 0 : index
    %get3A_1 = arith.constant 0 : index
    %get3A_2 = vector.load %arg1[%get3A, %get3A_0, %get3A_1] : memref<2x256x128xf32, #tpu.memory_space<vmem>>, vector<1x256x128xf32>
    %get3A_3 = vector.shape_cast %get3A_2 : vector<1x256x128xf32> to vector<256x128xf32>
    %get3A_4 = arith.constant 1 : index
    %get3A_5 = arith.constant 0 : index
    %get3A_6 = arith.constant 0 : index
    %get3A_7 = vector.load %arg1[%get3A_4, %get3A_5, %get3A_6] : memref<2x256x128xf32, #tpu.memory_space<vmem>>, vector<1x256x128xf32>
    %get3A_8 = vector.shape_cast %get3A_7 : vector<1x256x128xf32> to vector<256x128xf32>
    %add3A = arith.addf %get3A_3, %get3A_8 : vector<256x128xf32>
    %add3A_9 = arith.constant 1.000000e+00 : f32
    %add3A_10 = vector.broadcast %add3A_9 : f32 to vector<256x128xf32>
    %add3A_11 = arith.addf %add3A, %add3A_10 : vector<256x128xf32>
    %rsqrt3A = math.rsqrt %add3A_11 : vector<256x128xf32>
    %swap3A = arith.constant 0 : index
    %swap3A_12 = arith.constant 0 : index
    %swap3A_13 = vector.load %arg3[%swap3A, %swap3A_12] : memref<256x128xf32, #tpu.memory_space<vmem>>, vector<256x128xf32>
    tpu.vector_store %arg3[%swap3A, %swap3A_12], %rsqrt3A {strides = array<i32>} : memref<256x128xf32, #tpu.memory_space<vmem>>, vector<256x128xf32>,
    %get3A_14 = arith.constant 0 : index
    %get3A_15 = arith.constant 0 : index
    %get3A_16 = vector.load %arg2[%get3A_14, %get3A_15] : memref<256x128xf32, #tpu.memory_space<vmem>>, vector<256x128xf32>
    %mul3A = arith.mulf %get3A_16, %rsqrt3A : vector<256x128xf32>
    %swap3A_17 = arith.constant 0 : index
    %swap3A_18 = arith.constant 0 : index
    %swap3A_19 = vector.load %arg4[%swap3A_17, %swap3A_18] : memref<256x128xf32, #tpu.memory_space<vmem>>, vector<256x128xf32>
    tpu.vector_store %arg4[%swap3A_17, %swap3A_18], %mul3A {strides = array<i32>} : memref<256x128xf32, #tpu.memory_space<vmem>>, vector<256x128xf32>,
    return
  }
  func.func @transform_0(%arg0: i32) -> (i32, i32, i32) {
    %c0_i32 = arith.constant 0 : i32
    %c0_i32_0 = arith.constant 0 : i32
    %c0_i32_1 = arith.constant 0 : i32
    return %c0_i32, %arg0, %c0_i32_0 : i32, i32, i32
  }
  func.func @transform_1(%arg0: i32) -> (i32, i32) {
    %c0_i32 = arith.constant 0 : i32
    %c0_i32_0 = arith.constant 0 : i32
    return %arg0, %c0_i32 : i32, i32
  }
  func.func @transform_2(%arg0: i32) -> (i32, i32) {
    %c0_i32 = arith.constant 0 : i32
    %c0_i32_0 = arith.constant 0 : i32
    return %arg0, %c0_i32 : i32, i32
  }
  func.func @transform_3(%arg0: i32) -> (i32, i32) {
    %c0_i32 = arith.constant 0 : i32
    %c0_i32_0 = arith.constant 0 : i32
    return %arg0, %c0_i32 : i32, i32
  }
}

module attributes {stable_mosaic.version = 14 : i64} {
  func.func @body(%arg0: i32, %arg1: memref<2x256x128xf32, #tpu.memory_space<vmem>>, %arg2: memref<256x128xf32, #tpu.memory_space<vmem>>, %arg3: memref<256x128xf32, #tpu.memory_space<vmem>>, %arg4: memref<1x128xf32, #tpu.memory_space<vmem>>, %arg5: memref<128x128xf32, #tpu.memory_space<vmem>>, %arg6: memref<256x128xf32, #tpu.memory_space<vmem>>, %arg7: memref<1x1x128xf32, #tpu.memory_space<vmem>>) attributes {dimension_semantics = [#tpu.dimension_semantics<arbitrary>], iteration_bounds = array<i64: 5>, scalar_prefetch = 0 : i64, scratch_operands = 0 : i64, tpu.core_type = #tpu.core_type<tc>, window_params = [{transform_indices = @transform_0, window_bounds = array<i64: 2, 256, 128>}, {transform_indices = @transform_1, window_bounds = array<i64: 256, 128>}, {transform_indices = @transform_2, window_bounds = array<i64: 256, 128>}, {pipeline_mode = #tpu.pipeline_mode<synchronous>, transform_indices = @transform_3, window_bounds = array<i64: 1, 128>}, {pipeline_mode = #tpu.pipeline_mode<synchronous>, transform_indices = @transform_4, window_bounds = array<i64: 128, 128>}, {transform_indices = @transform_5, window_bounds = array<i64: 256, 128>}, {transform_indices = @transform_6, window_bounds = array<i64: 1, 1, 128>}]} {
    %get3A = arith.constant 0 : index
    %get3A_0 = arith.constant 0 : index
    %get3A_1 = arith.constant 0 : index
    %get3A_2 = vector.load %arg1[%get3A, %get3A_0, %get3A_1] : memref<2x256x128xf32, #tpu.memory_space<vmem>>, vector<1x256x128xf32>
    %get3A_3 = vector.shape_cast %get3A_2 : vector<1x256x128xf32> to vector<256x128xf32>
    %get3A_4 = arith.constant 1 : index
    %get3A_5 = arith.constant 0 : index
    %get3A_6 = arith.constant 0 : index
    %get3A_7 = vector.load %arg1[%get3A_4, %get3A_5, %get3A_6] : memref<2x256x128xf32, #tpu.memory_space<vmem>>, vector<1x256x128xf32>
    %get3A_8 = vector.shape_cast %get3A_7 : vector<1x256x128xf32> to vector<256x128xf32>
    %add3A = arith.addf %get3A_3, %get3A_8 : vector<256x128xf32>
    %get3A_9 = arith.constant 0 : index
    %get3A_10 = arith.constant 0 : index
    %get3A_11 = vector.load %arg3[%get3A_9, %get3A_10] : memref<256x128xf32, #tpu.memory_space<vmem>>, vector<256x128xf32>
    %get3A_12 = arith.constant 0 : index
    %get3A_13 = arith.constant 0 : index
    %get3A_14 = vector.load %arg2[%get3A_12, %get3A_13] : memref<256x128xf32, #tpu.memory_space<vmem>>, vector<256x128xf32>
    %add3A_15 = arith.addf %add3A, %get3A_14 : vector<256x128xf32>
    %mul3A = arith.mulf %get3A_11, %add3A_15 : vector<256x128xf32>
    %get3A_16 = arith.constant 0 : index
    %get3A_17 = arith.constant 0 : index
    %get3A_18 = vector.load %arg4[%get3A_16, %get3A_17] : memref<1x128xf32, #tpu.memory_space<vmem>>, vector<1x128xf32>
    %add3A_19 = vector.broadcast %get3A_18 : vector<1x128xf32> to vector<256x128xf32>
    %add3A_20 = arith.addf %mul3A, %add3A_19 : vector<256x128xf32>
    %max3A = arith.constant 0.000000e+00 : f32
    %max3A_21 = vector.broadcast %max3A : f32 to vector<256x128xf32>
    %max3A_22 = arith.maximumf %add3A_20, %max3A_21 : vector<256x128xf32>
    %get3A_23 = arith.constant 0 : index
    %get3A_24 = arith.constant 0 : index
    %get3A_25 = vector.load %arg5[%get3A_23, %get3A_24] : memref<128x128xf32, #tpu.memory_space<vmem>>, vector<128x128xf32>
    %dot_general3A = arith.constant dense<0.000000e+00> : vector<256x128xf32>
    %dot_general3A_26 = tpu.matmul %max3A_22, %get3A_25, %dot_general3A {dimension_numbers = #tpu.dot_dimension_numbers<[1], [0], [0], [1], [0, 0, 1, 1], [], []>, transpose_lhs_hint = false} : vector<256x128xf32>, vector<128x128xf32>, vector<256x128xf32> -> vector<256x128xf32>
    %mul3A_27 = arith.mulf %dot_general3A_26, %get3A_11 : vector<256x128xf32>
    %swap3A = arith.constant 0 : index
    %swap3A_28 = arith.constant 0 : index
    %swap3A_29 = vector.load %arg6[%swap3A, %swap3A_28] : memref<256x128xf32, #tpu.memory_space<vmem>>, vector<256x128xf32>
    tpu.vector_store %arg6[%swap3A, %swap3A_28], %mul3A_27 {strides = array<i32>} : memref<256x128xf32, #tpu.memory_space<vmem>>, vector<256x128xf32>,
    %iota3A = tpu.iota {dimensions = array<i32: 0>} : vector<256x128xi32>
    %mul3A_30 = arith.constant 256 : i32
    %mul3A_31 = arith.muli %arg0, %mul3A_30 : i32
    %add3A_32 = vector.broadcast %mul3A_31 : i32 to vector<256x128xi32>
    %add3A_33 = arith.addi %iota3A, %add3A_32 : vector<256x128xi32>
    %mul3A_34 = arith.constant 8 : i32
    %mul3A_35 = vector.broadcast %mul3A_34 : i32 to vector<256x128xi32>
    %mul3A_36 = arith.muli %add3A_33, %mul3A_35 : vector<256x128xi32>
    %iota3A_37 = tpu.iota {dimensions = array<i32: 1>} : vector<256x128xi32>
    %jit3A = arith.constant 16 : i32
    %div3A = vector.broadcast %jit3A : i32 to vector<256x128xi32>
    %div3A_38 = arith.divsi %iota3A_37, %div3A : vector<256x128xi32>
    %sign3A = arith.constant 0 : i32
    %sign3A_39 = vector.broadcast %sign3A : i32 to vector<256x128xi32>
    %sign3A_40 = arith.cmpi sgt, %iota3A_37, %sign3A_39 : vector<256x128xi32>
    %sign3A_41 = arith.extui %sign3A_40 : vector<256x128xi1> to vector<256x128xi32>
    %sign3A_42 = arith.constant 0 : i32
    %sign3A_43 = vector.broadcast %sign3A_42 : i32 to vector<256x128xi32>
    %sign3A_44 = arith.cmpi slt, %iota3A_37, %sign3A_43 : vector<256x128xi32>
    %sign3A_45 = arith.extui %sign3A_44 : vector<256x128xi1> to vector<256x128xi32>
    %sign3A_46 = arith.subi %sign3A_41, %sign3A_45 : vector<256x128xi32>
    %sign3A_47 = arith.constant 0 : i32
    %sign3A_48 = arith.cmpi sgt, %jit3A, %sign3A_47 : i32
    %sign3A_49 = arith.extui %sign3A_48 : i1 to i32
    %sign3A_50 = arith.constant 0 : i32
    %sign3A_51 = arith.cmpi slt, %jit3A, %sign3A_50 : i32
    %sign3A_52 = arith.extui %sign3A_51 : i1 to i32
    %sign3A_53 = arith.subi %sign3A_49, %sign3A_52 : i32
    %ne3A = vector.broadcast %sign3A_53 : i32 to vector<256x128xi32>
    %ne3A_54 = arith.cmpi ne, %sign3A_46, %ne3A : vector<256x128xi32>
    %rem3A = vector.broadcast %jit3A : i32 to vector<256x128xi32>
    %rem3A_55 = arith.remsi %iota3A_37, %rem3A : vector<256x128xi32>
    %ne3A_56 = arith.constant 0 : i32
    %ne3A_57 = vector.broadcast %ne3A_56 : i32 to vector<256x128xi32>
    %ne3A_58 = arith.cmpi ne, %rem3A_55, %ne3A_57 : vector<256x128xi32>
    %and3A = arith.andi %ne3A_54, %ne3A_58 : vector<256x128xi1>
    %sub3A = arith.constant 1 : i32
    %sub3A_59 = vector.broadcast %sub3A : i32 to vector<256x128xi32>
    %sub3A_60 = arith.subi %div3A_38, %sub3A_59 : vector<256x128xi32>
    %select_n3A = arith.select %and3A, %sub3A_60, %div3A_38 : vector<256x128xi1>, vector<256x128xi32>
    %add3A_61 = arith.addi %mul3A_36, %select_n3A : vector<256x128xi32>
    %lt3A = arith.constant 10000 : i32
    %lt3A_62 = vector.broadcast %lt3A : i32 to vector<256x128xi32>
    %lt3A_63 = arith.cmpi slt, %add3A_61, %lt3A_62 : vector<256x128xi32>
    %jit3A_64 = arith.constant 0.000000e+00 : f32
    %broadcast_in_dim3A = vector.broadcast %jit3A_64 : f32 to vector<256x128xf32>
    %select_n3A_65 = arith.select %lt3A_63, %max3A_22, %broadcast_in_dim3A : vector<256x128xi1>, vector<256x128xf32>
    %reduce_sum3A = arith.constant dense<0.000000e+00> : vector<128xf32>
    %reduce_sum3A_66 = vector.multi_reduction <add>, %select_n3A_65, %reduce_sum3A [0] : vector<256x128xf32> to vector<128xf32>
    %broadcast_in_dim3A_67 = vector.shape_cast %reduce_sum3A_66 : vector<128xf32> to vector<1x128xf32>
    %broadcast_in_dim3A_68 = vector.shape_cast %broadcast_in_dim3A_67 : vector<1x128xf32> to vector<1x1x128xf32>
    %swap3A_69 = arith.constant 0 : index
    %swap3A_70 = arith.constant 0 : index
    %swap3A_71 = arith.constant 0 : index
    %swap3A_72 = vector.load %arg7[%swap3A_69, %swap3A_70, %swap3A_71] : memref<1x1x128xf32, #tpu.memory_space<vmem>>, vector<1x1x128xf32>
    tpu.vector_store %arg7[%swap3A_69, %swap3A_70, %swap3A_71], %broadcast_in_dim3A_68 {strides = array<i32>} : memref<1x1x128xf32, #tpu.memory_space<vmem>>, vector<1x1x128xf32>,
    return
  }
  func.func @transform_0(%arg0: i32) -> (i32, i32, i32) {
    %c0_i32 = arith.constant 0 : i32
    %c0_i32_0 = arith.constant 0 : i32
    %c0_i32_1 = arith.constant 0 : i32
    return %c0_i32, %arg0, %c0_i32_0 : i32, i32, i32
  }
  func.func @transform_1(%arg0: i32) -> (i32, i32) {
    %c0_i32 = arith.constant 0 : i32
    %c0_i32_0 = arith.constant 0 : i32
    return %arg0, %c0_i32 : i32, i32
  }
  func.func @transform_2(%arg0: i32) -> (i32, i32) {
    %c0_i32 = arith.constant 0 : i32
    %c0_i32_0 = arith.constant 0 : i32
    return %arg0, %c0_i32 : i32, i32
  }
  func.func @transform_3(%arg0: i32) -> (i32, i32) {
    %c0_i32 = arith.constant 0 : i32
    %c0_i32_0 = arith.constant 0 : i32
    %c0_i32_1 = arith.constant 0 : i32
    return %c0_i32, %c0_i32_0 : i32, i32
  }
  func.func @transform_4(%arg0: i32) -> (i32, i32) {
    %c0_i32 = arith.constant 0 : i32
    %c0_i32_0 = arith.constant 0 : i32
    %c0_i32_1 = arith.constant 0 : i32
    return %c0_i32, %c0_i32_0 : i32, i32
  }
  func.func @transform_5(%arg0: i32) -> (i32, i32) {
    %c0_i32 = arith.constant 0 : i32
    %c0_i32_0 = arith.constant 0 : i32
    return %arg0, %c0_i32 : i32, i32
  }
  func.func @transform_6(%arg0: i32) -> (i32, i32, i32) {
    %c0_i32 = arith.constant 0 : i32
    %c0_i32_0 = arith.constant 0 : i32
    %c0_i32_1 = arith.constant 0 : i32
    return %arg0, %c0_i32, %c0_i32_0 : i32, i32, i32
  }
}

module attributes {stable_mosaic.version = 14 : i64} {
  func.func @body(%arg0: i32, %arg1: memref<2x256x128xf32, #tpu.memory_space<vmem>>, %arg2: memref<256x128xf32, #tpu.memory_space<vmem>>, %arg3: memref<256x128xf32, #tpu.memory_space<vmem>>, %arg4: memref<1x128xf32, #tpu.memory_space<vmem>>, %arg5: memref<128x128xf32, #tpu.memory_space<vmem>>, %arg6: memref<256x128xf32, #tpu.memory_space<vmem>>) attributes {dimension_semantics = [#tpu.dimension_semantics<arbitrary>], iteration_bounds = array<i64: 5>, scalar_prefetch = 0 : i64, scratch_operands = 0 : i64, tpu.core_type = #tpu.core_type<tc>, window_params = [{transform_indices = @transform_0, window_bounds = array<i64: 2, 256, 128>}, {transform_indices = @transform_1, window_bounds = array<i64: 256, 128>}, {transform_indices = @transform_2, window_bounds = array<i64: 256, 128>}, {pipeline_mode = #tpu.pipeline_mode<synchronous>, transform_indices = @transform_3, window_bounds = array<i64: 1, 128>}, {pipeline_mode = #tpu.pipeline_mode<synchronous>, transform_indices = @transform_4, window_bounds = array<i64: 128, 128>}, {transform_indices = @transform_5, window_bounds = array<i64: 256, 128>}]} {
    %get3A = arith.constant 0 : index
    %get3A_0 = arith.constant 0 : index
    %get3A_1 = arith.constant 0 : index
    %get3A_2 = vector.load %arg1[%get3A, %get3A_0, %get3A_1] : memref<2x256x128xf32, #tpu.memory_space<vmem>>, vector<1x256x128xf32>
    %get3A_3 = vector.shape_cast %get3A_2 : vector<1x256x128xf32> to vector<256x128xf32>
    %get3A_4 = arith.constant 1 : index
    %get3A_5 = arith.constant 0 : index
    %get3A_6 = arith.constant 0 : index
    %get3A_7 = vector.load %arg1[%get3A_4, %get3A_5, %get3A_6] : memref<2x256x128xf32, #tpu.memory_space<vmem>>, vector<1x256x128xf32>
    %get3A_8 = vector.shape_cast %get3A_7 : vector<1x256x128xf32> to vector<256x128xf32>
    %add3A = arith.addf %get3A_3, %get3A_8 : vector<256x128xf32>
    %get3A_9 = arith.constant 0 : index
    %get3A_10 = arith.constant 0 : index
    %get3A_11 = vector.load %arg3[%get3A_9, %get3A_10] : memref<256x128xf32, #tpu.memory_space<vmem>>, vector<256x128xf32>
    %get3A_12 = arith.constant 0 : index
    %get3A_13 = arith.constant 0 : index
    %get3A_14 = vector.load %arg2[%get3A_12, %get3A_13] : memref<256x128xf32, #tpu.memory_space<vmem>>, vector<256x128xf32>
    %add3A_15 = arith.addf %add3A, %get3A_14 : vector<256x128xf32>
    %mul3A = arith.mulf %get3A_11, %add3A_15 : vector<256x128xf32>
    %get3A_16 = arith.constant 0 : index
    %get3A_17 = arith.constant 0 : index
    %get3A_18 = vector.load %arg4[%get3A_16, %get3A_17] : memref<1x128xf32, #tpu.memory_space<vmem>>, vector<1x128xf32>
    %add3A_19 = vector.broadcast %get3A_18 : vector<1x128xf32> to vector<256x128xf32>
    %add3A_20 = arith.addf %mul3A, %add3A_19 : vector<256x128xf32>
    %max3A = arith.constant 0.000000e+00 : f32
    %max3A_21 = vector.broadcast %max3A : f32 to vector<256x128xf32>
    %max3A_22 = arith.maximumf %add3A_20, %max3A_21 : vector<256x128xf32>
    %get3A_23 = arith.constant 0 : index
    %get3A_24 = arith.constant 0 : index
    %get3A_25 = vector.load %arg5[%get3A_23, %get3A_24] : memref<128x128xf32, #tpu.memory_space<vmem>>, vector<128x128xf32>
    %dot_general3A = arith.constant dense<0.000000e+00> : vector<256x128xf32>
    %dot_general3A_26 = tpu.matmul %max3A_22, %get3A_25, %dot_general3A {dimension_numbers = #tpu.dot_dimension_numbers<[1], [0], [0], [1], [0, 0, 1, 1], [], []>, transpose_lhs_hint = false} : vector<256x128xf32>, vector<128x128xf32>, vector<256x128xf32> -> vector<256x128xf32>
    %mul3A_27 = arith.mulf %dot_general3A_26, %get3A_11 : vector<256x128xf32>
    %swap3A = arith.constant 0 : index
    %swap3A_28 = arith.constant 0 : index
    %swap3A_29 = vector.load %arg6[%swap3A, %swap3A_28] : memref<256x128xf32, #tpu.memory_space<vmem>>, vector<256x128xf32>
    tpu.vector_store %arg6[%swap3A, %swap3A_28], %mul3A_27 {strides = array<i32>} : memref<256x128xf32, #tpu.memory_space<vmem>>, vector<256x128xf32>,
    return
  }
  func.func @transform_0(%arg0: i32) -> (i32, i32, i32) {
    %c0_i32 = arith.constant 0 : i32
    %c0_i32_0 = arith.constant 0 : i32
    %c0_i32_1 = arith.constant 0 : i32
    return %c0_i32, %arg0, %c0_i32_0 : i32, i32, i32
  }
  func.func @transform_1(%arg0: i32) -> (i32, i32) {
    %c0_i32 = arith.constant 0 : i32
    %c0_i32_0 = arith.constant 0 : i32
    return %arg0, %c0_i32 : i32, i32
  }
  func.func @transform_2(%arg0: i32) -> (i32, i32) {
    %c0_i32 = arith.constant 0 : i32
    %c0_i32_0 = arith.constant 0 : i32
    return %arg0, %c0_i32 : i32, i32
  }
  func.func @transform_3(%arg0: i32) -> (i32, i32) {
    %c0_i32 = arith.constant 0 : i32
    %c0_i32_0 = arith.constant 0 : i32
    %c0_i32_1 = arith.constant 0 : i32
    return %c0_i32, %c0_i32_0 : i32, i32
  }
  func.func @transform_4(%arg0: i32) -> (i32, i32) {
    %c0_i32 = arith.constant 0 : i32
    %c0_i32_0 = arith.constant 0 : i32
    %c0_i32_1 = arith.constant 0 : i32
    return %c0_i32, %c0_i32_0 : i32, i32
  }
  func.func @transform_5(%arg0: i32) -> (i32, i32) {
    %c0_i32 = arith.constant 0 : i32
    %c0_i32_0 = arith.constant 0 : i32
    return %arg0, %c0_i32 : i32, i32
  }
}

module attributes {stable_mosaic.version = 14 : i64} {
  func.func @body(%arg0: memref<2x1280x128xf32, #tpu.memory_space<vmem>>, %arg1: memref<1280x128xf32, #tpu.memory_space<vmem>>, %arg2: memref<1280x128xf32, #tpu.memory_space<vmem>>, %arg3: memref<1x1xf32, #tpu.memory_space<vmem>>, %arg4: memref<5x1x128xf32, #tpu.memory_space<vmem>>, %arg5: memref<128x1xf32, #tpu.memory_space<vmem>>, %arg6: memref<1x1xf32, #tpu.memory_space<vmem>>, %arg7: memref<1280x128xf32, #tpu.memory_space<vmem>>, %arg8: memref<1x1xf32, #tpu.memory_space<vmem>>) attributes {dimension_semantics = [], scalar_prefetch = 0 : i64, scratch_operands = 0 : i64, tpu.core_type = #tpu.core_type<tc>} {
    %get3A = arith.constant 0 : index
    %get3A_0 = arith.constant 0 : index
    %get3A_1 = arith.constant 0 : index
    %get3A_2 = vector.load %arg0[%get3A, %get3A_0, %get3A_1] : memref<2x1280x128xf32, #tpu.memory_space<vmem>>, vector<1x1280x128xf32>
    %get3A_3 = vector.shape_cast %get3A_2 : vector<1x1280x128xf32> to vector<1280x128xf32>
    %get3A_4 = arith.constant 1 : index
    %get3A_5 = arith.constant 0 : index
    %get3A_6 = arith.constant 0 : index
    %get3A_7 = vector.load %arg0[%get3A_4, %get3A_5, %get3A_6] : memref<2x1280x128xf32, #tpu.memory_space<vmem>>, vector<1x1280x128xf32>
    %get3A_8 = vector.shape_cast %get3A_7 : vector<1x1280x128xf32> to vector<1280x128xf32>
    %add3A = arith.addf %get3A_3, %get3A_8 : vector<1280x128xf32>
    %get3A_9 = arith.constant 0 : index
    %get3A_10 = arith.constant 0 : index
    %get3A_11 = vector.load %arg2[%get3A_9, %get3A_10] : memref<1280x128xf32, #tpu.memory_space<vmem>>, vector<1280x128xf32>
    %get3A_12 = arith.constant 0 : index
    %get3A_13 = arith.constant 0 : index
    %get3A_14 = vector.load %arg1[%get3A_12, %get3A_13] : memref<1280x128xf32, #tpu.memory_space<vmem>>, vector<1280x128xf32>
    %add3A_15 = arith.addf %add3A, %get3A_14 : vector<1280x128xf32>
    %mul3A = arith.mulf %get3A_11, %add3A_15 : vector<1280x128xf32>
    %get3A_16 = arith.constant 0 : index
    %get3A_17 = arith.constant 0 : index
    %get3A_18 = vector.load %arg3[%get3A_16, %get3A_17] : memref<1x1xf32, #tpu.memory_space<vmem>>, vector<1x1xf32>
    %get3A_19 = vector.extract %get3A_18[0, 0] : f32 from vector<1x1xf32>
    %add3A_20 = vector.broadcast %get3A_19 : f32 to vector<1280x128xf32>
    %add3A_21 = arith.addf %mul3A, %add3A_20 : vector<1280x128xf32>
    %iota3A = tpu.iota {dimensions = array<i32: 0>} : vector<1280x128xi32>
    %mul3A_22 = arith.constant 8 : i32
    %mul3A_23 = vector.broadcast %mul3A_22 : i32 to vector<1280x128xi32>
    %mul3A_24 = arith.muli %iota3A, %mul3A_23 : vector<1280x128xi32>
    %iota3A_25 = tpu.iota {dimensions = array<i32: 1>} : vector<1280x128xi32>
    %jit3A = arith.constant 16 : i32
    %div3A = vector.broadcast %jit3A : i32 to vector<1280x128xi32>
    %div3A_26 = arith.divsi %iota3A_25, %div3A : vector<1280x128xi32>
    %sign3A = arith.constant 0 : i32
    %sign3A_27 = vector.broadcast %sign3A : i32 to vector<1280x128xi32>
    %sign3A_28 = arith.cmpi sgt, %iota3A_25, %sign3A_27 : vector<1280x128xi32>
    %sign3A_29 = arith.extui %sign3A_28 : vector<1280x128xi1> to vector<1280x128xi32>
    %sign3A_30 = arith.constant 0 : i32
    %sign3A_31 = vector.broadcast %sign3A_30 : i32 to vector<1280x128xi32>
    %sign3A_32 = arith.cmpi slt, %iota3A_25, %sign3A_31 : vector<1280x128xi32>
    %sign3A_33 = arith.extui %sign3A_32 : vector<1280x128xi1> to vector<1280x128xi32>
    %sign3A_34 = arith.subi %sign3A_29, %sign3A_33 : vector<1280x128xi32>
    %sign3A_35 = arith.constant 0 : i32
    %sign3A_36 = arith.cmpi sgt, %jit3A, %sign3A_35 : i32
    %sign3A_37 = arith.extui %sign3A_36 : i1 to i32
    %sign3A_38 = arith.constant 0 : i32
    %sign3A_39 = arith.cmpi slt, %jit3A, %sign3A_38 : i32
    %sign3A_40 = arith.extui %sign3A_39 : i1 to i32
    %sign3A_41 = arith.subi %sign3A_37, %sign3A_40 : i32
    %ne3A = vector.broadcast %sign3A_41 : i32 to vector<1280x128xi32>
    %ne3A_42 = arith.cmpi ne, %sign3A_34, %ne3A : vector<1280x128xi32>
    %rem3A = vector.broadcast %jit3A : i32 to vector<1280x128xi32>
    %rem3A_43 = arith.remsi %iota3A_25, %rem3A : vector<1280x128xi32>
    %ne3A_44 = arith.constant 0 : i32
    %ne3A_45 = vector.broadcast %ne3A_44 : i32 to vector<1280x128xi32>
    %ne3A_46 = arith.cmpi ne, %rem3A_43, %ne3A_45 : vector<1280x128xi32>
    %and3A = arith.andi %ne3A_42, %ne3A_46 : vector<1280x128xi1>
    %sub3A = arith.constant 1 : i32
    %sub3A_47 = vector.broadcast %sub3A : i32 to vector<1280x128xi32>
    %sub3A_48 = arith.subi %div3A_26, %sub3A_47 : vector<1280x128xi32>
    %select_n3A = arith.select %and3A, %sub3A_48, %div3A_26 : vector<1280x128xi1>, vector<1280x128xi32>
    %add3A_49 = arith.addi %mul3A_24, %select_n3A : vector<1280x128xi32>
    %lt3A = arith.constant 10000 : i32
    %lt3A_50 = vector.broadcast %lt3A : i32 to vector<1280x128xi32>
    %lt3A_51 = arith.cmpi slt, %add3A_49, %lt3A_50 : vector<1280x128xi32>
    %jit3A_52 = arith.constant 0xFF800000 : f32
    %broadcast_in_dim3A = vector.broadcast %jit3A_52 : f32 to vector<1280x128xf32>
    %select_n3A_53 = arith.select %lt3A_51, %add3A_21, %broadcast_in_dim3A : vector<1280x128xi1>, vector<1280x128xf32>
    %reduce_max3A = vector.shape_cast %select_n3A_53 : vector<1280x128xf32> to vector<1x1280x128xf32>
    %reduce_max3A_54 = arith.constant dense<0xFF800000> : vector<1xf32>
    %reduce_max3A_55 = vector.multi_reduction <maximumf>, %reduce_max3A, %reduce_max3A_54 [1, 2] : vector<1x1280x128xf32> to vector<1xf32>
    %reduce_max3A_56 = vector.shape_cast %reduce_max3A_55 : vector<1xf32> to vector<1x1x1xf32>
    %reduce_max3A_57 = vector.extract %reduce_max3A_56[0, 0, 0] : f32 from vector<1x1x1xf32>
    %sub3A_58 = vector.broadcast %reduce_max3A_57 : f32 to vector<1280x128xf32>
    %sub3A_59 = arith.subf %select_n3A_53, %sub3A_58 : vector<1280x128xf32>
    %exp3A = math.exp %sub3A_59 : vector<1280x128xf32>
    %jit3A_60 = arith.constant 0.000000e+00 : f32
    %broadcast_in_dim3A_61 = vector.broadcast %jit3A_60 : f32 to vector<1280x128xf32>
    %select_n3A_62 = arith.select %lt3A_51, %exp3A, %broadcast_in_dim3A_61 : vector<1280x128xi1>, vector<1280x128xf32>
    %reduce_sum3A = vector.shape_cast %select_n3A_62 : vector<1280x128xf32> to vector<1x1280x128xf32>
    %reduce_sum3A_63 = arith.constant dense<0.000000e+00> : vector<1xf32>
    %reduce_sum3A_64 = vector.multi_reduction <add>, %reduce_sum3A, %reduce_sum3A_63 [1, 2] : vector<1x1280x128xf32> to vector<1xf32>
    %reduce_sum3A_65 = vector.shape_cast %reduce_sum3A_64 : vector<1xf32> to vector<1x1x1xf32>
    %reduce_sum3A_66 = vector.extract %reduce_sum3A_65[0, 0, 0] : f32 from vector<1x1x1xf32>
    %div3A_67 = arith.constant 1.600000e+01 : f32
    %div3A_68 = arith.divf %div3A_67, %reduce_sum3A_66 : f32
    %mul3A_69 = vector.broadcast %div3A_68 : f32 to vector<1280x128xf32>
    %mul3A_70 = arith.mulf %select_n3A_62, %mul3A_69 : vector<1280x128xf32>
    %swap3A = arith.constant 0 : index
    %swap3A_71 = arith.constant 0 : index
    %swap3A_72 = vector.load %arg7[%swap3A, %swap3A_71] : memref<1280x128xf32, #tpu.memory_space<vmem>>, vector<1280x128xf32>
    tpu.vector_store %arg7[%swap3A, %swap3A_71], %mul3A_70 {strides = array<i32>} : memref<1280x128xf32, #tpu.memory_space<vmem>>, vector<1280x128xf32>,
    %get3A_73 = arith.constant 0 : index
    %get3A_74 = arith.constant 0 : index
    %get3A_75 = arith.constant 0 : index
    %get3A_76 = vector.load %arg4[%get3A_73, %get3A_74, %get3A_75] : memref<5x1x128xf32, #tpu.memory_space<vmem>>, vector<5x1x128xf32>
    %reduce_sum3A_77 = arith.constant dense<0.000000e+00> : vector<1x128xf32>
    %reduce_sum3A_78 = vector.multi_reduction <add>, %get3A_76, %reduce_sum3A_77 [0] : vector<5x1x128xf32> to vector<1x128xf32>
    %get3A_79 = arith.constant 0 : index
    %get3A_80 = arith.constant 0 : index
    %get3A_81 = vector.load %arg5[%get3A_79, %get3A_80] : memref<128x1xf32, #tpu.memory_space<vmem>>, vector<128x1xf32>
    %dot_general3A = arith.constant dense<0.000000e+00> : vector<1x1xf32>
    %dot_general3A_82 = tpu.matmul %reduce_sum3A_78, %get3A_81, %dot_general3A {dimension_numbers = #tpu.dot_dimension_numbers<[1], [0], [0], [1], [0, 0, 1, 1], [], []>, transpose_lhs_hint = false} : vector<1x128xf32>, vector<128x1xf32>, vector<1x1xf32> -> vector<1x1xf32>
    %mul3A_83 = arith.constant 9.99999974E-5 : f32
    %mul3A_84 = vector.broadcast %mul3A_83 : f32 to vector<1x1xf32>
    %mul3A_85 = arith.mulf %dot_general3A_82, %mul3A_84 : vector<1x1xf32>
    %get3A_86 = arith.constant 0 : index
    %get3A_87 = arith.constant 0 : index
    %get3A_88 = vector.load %arg6[%get3A_86, %get3A_87] : memref<1x1xf32, #tpu.memory_space<vmem>>, vector<1x1xf32>
    %add3A_89 = arith.addf %mul3A_85, %get3A_88 : vector<1x1xf32>
    %swap3A_90 = arith.constant 0 : index
    %swap3A_91 = arith.constant 0 : index
    %swap3A_92 = vector.load %arg8[%swap3A_90, %swap3A_91] : memref<1x1xf32, #tpu.memory_space<vmem>>, vector<1x1xf32>
    tpu.vector_store %arg8[%swap3A_90, %swap3A_91], %add3A_89 {strides = array<i32>} : memref<1x1xf32, #tpu.memory_space<vmem>>, vector<1x1xf32>,
    return
  }
}

</mosaic_0001>

<sc_bundles>
// kernel: kernel.11.cloned.1.call-start
scs
__scs_entry_jumppad:
0x0: {  	(pc) =	sbr.rel $0x88, $3  }
0x1: {  	(tag) =	ssettag $0x0;
	lr =	simm.s32 $0x1  }
0x2: {  	[smem:$0x3F97] =	sst lr;
	_ =	strace $0xD0000000  }
0x3: {  	_ = 	snop  }
0x4: {  	_ = 	snop  }
0x5: {  	_ = 	snop  }
0x6: {  	_ = 	snop  }
0x7: {  	_ = 	snop  }
__scs_overlays_trampoline_lowered:
0x8: {  	[smem:$0x3FA6] =	sst s0  }
0x9: {  	[smem:$0x3FA7] =	sst s1  }
0xa: {  	[smem:$0x3FA8] =	sst s2  }
0xb: {  	[smem:$0x3FA9] =	sst s3  }
0xc: {  	[smem:$0x3FAA] =	sst s4  }
0xd: {  	[smem:$0x3FAB] =	sst s5  }
0xe: {  	[smem:$0x3FAC] =	sst s6  }
0xf: {  	[smem:$0x3FAD] =	sst s7  }
0x10: {  	[smem:$0x3FAE] =	sst s8  }
0x11: {  	[smem:$0x3FAF] =	sst s9;
	s0 =	simm.s32 @!p0 $0x0  }
0x12: {  	s1 =	sld [smem:$0x3F95];
	s0 =	simm.s32 @p0 $0x1  }
0x13: {  	[smem:$0x3FB0] =	sst s0;
	s0 =	simm.s32 @!p1 $0x0  }
0x14: {  	s2 =	sld [smem:$0x3F94];
	s0 =	simm.s32 @p1 $0x1  }
0x15: {  	[smem:$0x3FB1] =	sst s0;
	s0 =	simm.s32 @!p2 $0x0  }
0x16: {  	s3 =	sld [smem:$0x3FDB];
	s0 =	simm.s32 @p2 $0x1  }
0x17: {  	s4 =	simm.s32 $0x1BF5;
	[smem:$0x3FB3] =	sst s0  }
0x18: {  	s0 =	sld [smem:$0x3F96];
	_ =	swait.ge [sflag:s4], $0x0  }
0x19: {  	s7 =	sld [smem:$0x3F97]  }
0x1a: {  	s8 =	sadd.s32 $0xFFFFE003, lr  }
0x1b: {  	s9 =	sadd.s32 $0xFFFFFEF7, lr;
	s5 =	simm.s32 $0xFFFFFFFF;
	p2 =	slt.u32 s8, $0xFFFFF086  }
0x1c: {  	p1 =	slt.u32 s9, $0xF7A;
	s5 =	simm.s32 @!p2 $0x0  }
0x1d: {  	s5 =	simm.s32 @p1 $0x1;
	p0 =	seq.s32 s7, s2  }
0x1e: {  	s7 =	smul.u32 @!p0 $0xF7A, s2;
	p2 =	seq.s32 @!p0 s5, $0x0  }
0x1f: {  	s9 =	smul.u32 $0xF7A, s1;
	s8 =	simm.s32 @!p0 $0x1BF5;
	p2 =	por !p2, p0  }
0x20: {  	[sflag:s8] =	ssyncset.s32 @!p0 $0xFFFFF086;
	s6 =	sadd.s32 @!p0 s3, s7;
	s7 =	simm.s32 @!p0 $0x108  }
0x21: {  	s3 =	sadd.s32 s3, s9;
	s6 =	sadd.s32 @!p0 $0x88, s6;
	s7 =	simm.s32 @p2 $0x1082  }
0x22: {  	[simem:s7], [sflag:s8] =	dma.local @!p0 [hbm:s6], $0xF7A  }
0x23: {  	s9 =	sor.u32 $0xD0000000, s2;
	s6 =	simm.s32 $0x108;
	_ =	swait.ge @!p0 [sflag:s8], $0x0  }
0x24: {  	s3 =	sadd.s32 $0x88, s3;
	s6 =	simm.s32 @!p1 $0x1082;
	[sflag:s4] =	ssyncset.s32 $0xFFFFF086  }
0x25: {  	[simem:s6], [sflag:s4] =	dma.local [hbm:s3], $0xF7A  }
0x26: {  	[smem:$0x3F97] =	sst s1;
	(tag) =	ssettag s2;
	_ =	strace s9  }
0x27: {  	s1 =	sld [smem:$0x3FA7]  }
0x28: {  	s2 =	sld [smem:$0x3FA8]  }
0x29: {  	s4 =	sld [smem:$0x3FAA]  }
0x2a: {  	p0 =	seq.s32 s5, $0x0;
	s5 =	sld [smem:$0x3FAB]  }
0x2b: {  	s6 =	sld [smem:$0x3FAC]  }
0x2c: {  	s7 =	sld [smem:$0x3FAD]  }
0x2d: {  	s3 =	simm.s32 $0x108;
	s8 =	sld [smem:$0x3FAE]  }
0x2e: {  	s3 =	simm.s32 @!p0 $0x1082;
	s9 =	sld [smem:$0x3FAF]  }
0x2f: {  	lr =	sadd.s32 s0, s3;
	s0 =	sld [smem:$0x3FA6]  }
0x30: {  	s3 =	sld [smem:$0x3FA9]  }
0x31: {  	[smem:$0x3FB2] =	sst s10  }
0x32: {  	s10 =	sld [smem:$0x3FB0];
	_ =	sdelay $0x3  }
0x33: {  	p0 =	seq.s32 s10, $0x1;
	s10 =	sld [smem:$0x3FB2];
	_ =	sdelay $0x3  }
0x34: {  	[smem:$0x3FB2] =	sst s10  }
0x35: {  	s10 =	sld [smem:$0x3FB1];
	_ =	sdelay $0x3  }
0x36: {  	p1 =	seq.s32 s10, $0x1;
	s10 =	sld [smem:$0x3FB2];
	_ =	sdelay $0x3  }
0x37: {  	[smem:$0x3FB2] =	sst s10  }
0x38: {  	s10 =	sld [smem:$0x3FB3]  }
0x39: {  	_ = 	snop;
	(pc) =	sbr.ind lr, $3  }
0x3a: {  	_ = 	snop  }
0x3b: {  	_ = 	snop  }
0x3c: {  	p2 =	seq.s32 s10, $0x1;
	s10 =	sld [smem:$0x3FB2]  }
0x3d: {  	_ =	shalt  }
0x3e: {  	_ =	shalt  }
0x3f: {  	_ =	shalt  }
0x40: {  	_ =	shalt  }
0x41: {  	_ =	shalt  }
0x42: {  	_ =	shalt  }
0x43: {  	_ =	shalt  }
0x44: {  	_ =	shalt  }
0x45: {  	_ =	shalt  }
0x46: {  	_ =	shalt  }
0x47: {  	_ =	shalt  }
0x48: {  	_ =	shalt  }
0x49: {  	_ =	shalt  }
0x4a: {  	_ =	shalt  }
0x4b: {  	_ =	shalt  }
0x4c: {  	_ =	shalt  }
0x4d: {  	_ =	shalt  }
0x4e: {  	_ =	shalt  }
0x4f: {  	_ =	shalt  }
0x50: {  	_ =	shalt  }
0x51: {  	_ =	shalt  }
0x52: {  	_ =	shalt  }
0x53: {  	_ =	shalt  }
0x54: {  	_ =	shalt  }
0x55: {  	_ =	shalt  }
0x56: {  	_ =	shalt  }
0x57: {  	_ =	shalt  }
0x58: {  	_ =	shalt  }
0x59: {  	_ =	shalt  }
0x5a: {  	_ =	shalt  }
0x5b: {  	_ =	shalt  }
0x5c: {  	_ =	shalt  }
0x5d: {  	_ =	shalt  }
0x5e: {  	_ =	shalt  }
0x5f: {  	_ =	shalt  }
0x60: {  	_ =	shalt  }
0x61: {  	_ =	shalt  }
0x62: {  	_ =	shalt  }
0x63: {  	_ =	shalt  }
0x64: {  	_ =	shalt  }
0x65: {  	_ =	shalt  }
0x66: {  	_ =	shalt  }
0x67: {  	_ =	shalt  }
0x68: {  	_ =	shalt  }
0x69: {  	_ =	shalt  }
0x6a: {  	_ =	shalt  }
0x6b: {  	_ =	shalt  }
0x6c: {  	_ =	shalt  }
0x6d: {  	_ =	shalt  }
0x6e: {  	_ =	shalt  }
0x6f: {  	_ =	shalt  }
0x70: {  	_ =	shalt  }
0x71: {  	_ =	shalt  }
0x72: {  	_ =	shalt  }
0x73: {  	_ =	shalt  }
0x74: {  	_ =	shalt  }
0x75: {  	_ =	shalt  }
0x76: {  	_ =	shalt  }
0x77: {  	_ =	shalt  }
0x78: {  	_ =	shalt  }
0x79: {  	_ =	shalt  }
0x7a: {  	_ =	shalt  }
0x7b: {  	_ =	shalt  }
0x7c: {  	_ =	shalt  }
0x7d: {  	_ =	shalt  }
0x7e: {  	_ =	shalt  }
0x7f: {  	_ =	shalt  }
0x80: {  	_ =	shalt  }
0x81: {  	_ =	shalt  }
0x82: {  	_ =	shalt  }
0x83: {  	_ =	shalt  }
0x84: {  	_ =	shalt  }
0x85: {  	_ =	shalt  }
0x86: {  	_ =	shalt  }
0x87: {  	_ =	shalt  }
.Lfunc_end0:
.L_simem_size_0:
called_computation_lowered:
.L_overlay_start_0:
0x88: {  	s2 =	sld [smem:$0x3FD9]  }
0x89: {  	s3 =	sld [smem:$0x3FFE];
	_ =	sdelay $0x1  }
0x8a: {  	s1 =	srdreg.scid  }
0x8b: {  	s0 =	sand.u32 $0x1, s1  }
0x8c: {  	s16 =	sshll.u32 s0, $0xA;
	s2 =	sadd.s32 s3, s2  }
0x8d: {  	s2 =	sadd.s32 s2, s16  }
0x8e: {  	[smem:$0x3FBE] =	sst s2  }
0x8f: {  	_ = 	snop  }
0x90: {  	(tm) =	ssettm $0x1  }
0x91: {  	s17 =	sld [smem:$0x3FFB];
	_ =	sdelay $0x3  }
0x92: {  	_ =	strace s17  }
0x93: {  	s2 =	sld [smem:$0x3FFC];
	_ =	sdelay $0x3  }
0x94: {  	_ =	strace s2  }
0x95: {  	s2 =	sld [smem:$0x3FFD];
	_ =	sdelay $0x3  }
0x96: {  	_ =	strace s2  }
0x97: {  	_ =	strace $0x8FFFFFFF  }
0x98: {  	s18 =	sld [smem:$0x3FDB];
	_ =	sdelay $0x1  }
0x99: {  	s19 =	simm.s32 $_scs_section_size  }
0x9a: {  	s4 =	simm.s32 $_size__tile_overlayer_lowered;
	s5 =	simm.s32 $_tile_overlayer_lowered  }
0x9b: {  	s22 =	simm.s32 $0x1BFF;
	s21 =	sshll.u32 s5, $0x1;
	s2 =	sadd.s32 s19, s18  }
0x9c: {  	s6 =	simm.s32 $0x0;
	s20 =	sshll.u32 s4, $0x1;
	s4 =	sadd.s32 s21, s2  }
0x9d: {  	[timem:s6], [sflag:s22] =	dma.local [hbm:s4], s20  }
0x9e: {  	_ =	swait.ge [sflag:s22], s20  }
0x9f: {  	s3 =	ssub.s32 $0x0, s20;
	[sflag:s22] =	ssyncset.done $0x0  }
0xa0: {  	[sflag:s22] =	ssyncadd.s32 s3;
	_ =	sdelay $0x1  }
0xa1: {  	s23 =	simm.s32 $0x1B8B  }
0xa2: {  	_ =	swait.ge [sflag:s23], $0x1  }
0xa3: {  	[sflag:s23] =	ssyncset.done $0x0  }
0xa4: {  	s25 =	simm.s32 $0x1B8E;
	s24 =	sld [smem:$0x3FFE];
	[sflag:s23] =	ssyncadd.s32 $0xFFFFFFFF  }
0xa5: {  	s26 =	simm.s32 $execute0_lowered;
	[smem:$0x3FD2] =	sst s25  }
0xa6: {  	s4 =	sshll.u32 s26, $0x1;
	_ =	strace $0x80000046;
	[dreg:$0x1] =	wrdreg $0xFFFFFFFF  }
0xa7: {  	s28 =	simm.s32 $_size_execute0_lowered;
	s2 =	sadd.s32 s2, s4;
	[dreg:$0x0] =	wrdreg $0x0  }
0xa8: {  	s4 =	sshll.u32 s28, $0x1;
	[dreg:$0x2] =	wrdreg s2  }
0xa9: {  	[dreg:$0x3] =	wrdreg s4  }
0xaa: {  	[dreg:$0x4] =	wrdreg $0xC0  }
0xab: {  	_ =	task [dreg:s6], $0x5FFFF  }
0xac: {  	[dreg:$0x1] =	wrdreg $0xFFFFFFFF  }
0xad: {  	[dreg:$0x0] =	wrdreg $0x60  }
0xae: {  	[dreg:$0x2] =	wrdreg s24  }
0xaf: {  	[dreg:$0x3] =	wrdreg $0x68000  }
0xb0: {  	[dreg:$0x4] =	wrdreg $0x9  }
0xb1: {  	_ =	task.clear_ibuf [dreg:s6], $0x5FFFF;
	_ =	strace $0x90000046  }
0xb2: {  	s29 =	simm.s32 $0x9;
	_ =	strace $0x80000048  }
0xb3: {  	_ =	swait.ge [sflag:s29], $0x1  }
0xb4: {  	[sflag:s29] =	ssyncadd.s32 $0xFFFFFFFF  }
0xb5: {  	_ =	strace $0x90000048  }
0xb6: {  	_ =	sfence  }
0xb7: {  	s30 =	sld [smem:$0x0];
	_ =	sdelay $0x2  }
0xb8: {  	s31 =	sshll.u32 s1, $0xD;
	s1 =	sshrl.u32 s1, $0x2  }
0xb9: {  	s3 =	sand.u32 $0x4000, s31;
	s1 =	sadd.s32 s1, s30  }
0xba: {  	s0 =	sor.u32 s3, s0;
	s1 =	sshll.u32 s1, $0x11  }
0xbb: {  	s0 =	sor.u32 s1, s0  }
0xbc: {  	s0 =	sadd.s32 $0x8F2B, s0  }
0xbd: {  	[sflag:s0] =	ssyncadd.remote.s32 $0x1  }
0xbe: {  	_ =	sfence.sel $0xFFFF  }
0xbf: {  	[dreg:$0x0] =	wrdreg $0xFFFFFFFF;
	(pc) =	sbr.abs _section_cstart, $3  }
0xc0: {  	[dreg:$0x1] =	wrdreg $0xFFFFFFFF  }
0xc1: {  	_ =	task.clear_ibuf [dreg:s6], $0x2FFFF;
	_ =	strace $0x9FFFFFFF  }
0xc2: {  	(tm) =	ssettm $0x7FFFFFFF  }
0xc3: {  	_ =	shalt  }
tec
execute0_lowered:
.L_overlay_start_1:
0x0: {  	(tag) =	ssettag $0x1  }
0x1: {  	s4 =	rddreg [dreg:$0x0]  }
0x2: {  	s2 =	rddreg [dreg:$0x1]  }
0x3: {  	s0 =	rddreg [dreg:$0x2]  }
0x4: {  	s5 =	srdreg.scid;
	s1 =	stileid.u32  }
0x5: {  	s3 =	simm.s32 $0x0;
	s13 =	simm.s32 $0x100;
	s14 =	simm.s32 $0x180  }
0x6: {  	s15 =	simm.s32 $0x1;
	s16 =	simm.s32 $0x2;
	s6 =	smul.u32 $0x2800, s1  }
0x7: {  	s17 =	simm.s32 $0x3;
	s18 =	simm.s32 $0x4;
	s8 =	smul.u32 $0x300, s1  }
0x8: {  	s19 =	simm.s32 $0x0;
	s9 =	sand.u32 $0x1, s5;
	s11 =	smul.u32 $0x700, s1  }
0x9: {  	[smem:$0x7FF] =	sst s3;
	s7 =	sadd.s32 $0x3200, s4;
	s5 =	smul.u32 $0x28000, s9  }
0xa: {  	_ =	strace $0x80000047;
	s10 =	ssub.s32 $0x2, s9;
	p0 =	sne.s32 s9, $0x0  }
0xb: {  	s9 =	simm.s32 $0x4000;
	s29 =	sshrl.u32 s10, $0x1;
	s30 =	sadd.s32 s8, s7  }
0xc: {  	s5 =	sadd.s32 s6, s5;
	s31 =	ssub.s32 s10, s29;
	s6 =	sadd.s32 s6, s2  }
0xd: {  	s10 =	simm.s32 $0x5;
	s5 =	sshrl.u32 s5, $0x3;
	s8 =	smax.u32 s31, $0x1  }
0xe: {  	s12 =	sadd.s32 s5, s4;
	s4 =	sadd.s32 $0x7000, s30;
	s5 =	sadd.s32 s7, s11  }
0xf: {  	v0 =	vimm.f32 $0.0e+00;
	v1 =	vimm.f32 $1.000000000e+00;
	s11 =	simm.s32 $0x80;
	s7 =	sadd.s32 $0xD200, s12;
	s12 =	simm.s32 $0x3800  }
.LBB2_1:
0x10: {  	s20 =	simm.s32 $0x0  }
.LBB2_2:
0x11: {  	p1 =	sne.s32 s20, $0x9FC0  }
.Ltmp0:
0x12: {  	_ = 	snop;
	(pc) =	sbr.rel @p1 .LBB2_2-.Ltmp0, $3  }
0x13: {  	_ =	sdelay $0x1  }
0x14: {  	s21 =	sshra.s32 s20, $0x2  }
0x15: {  	s20 =	sadd.s32 $0x40, s20;
	[tilespmem:s21+$0x4000] =	vst v0  }
0x16: {  	s20 =	simm.s32 $0x40;
	s21 =	simm.s32 $0x0  }
.LBB2_4:
0x17: {  	p1 =	sne.s32 s20, $0x1FC0;
	[tilespmem:s21+$0x3800] =	vst v1;
	s21 =	smov.u32 s20;
	s20 =	sadd.s32 $0x40, s20  }
.Ltmp1:
0x18: {  	(pc) =	sbr.rel @p1 .LBB2_4-.Ltmp1, $2  }
0x19: {  	_ =	sdelay $0x2  }
0x1a: {  	s21 =	sshra.s32 s21, $0x2  }
0x1b: {  	[tilespmem:s21+$0x3800] =	vst v1;
	s20 =	simm.s32 @p0 $0x0  }
0x1c: {  	[tilespmem:s20], [sflag:$0x5] =	stream.linear.gather @p0 [hbm4b:s4+s20], $0x1800, $0x38;
	[tilespmem:$0x9000] =	vst v63  }
0x1d: {  	s20 =	simm.s32 @p0 $0x5  }
0x1e: {  	_ =	swait.ge @p0 [sflag:s20], $0x1800  }
0x1f: {  	[sflag:s20] =	ssyncset.done @p0 $0x0  }
0x20: {  	[sflag:s20] =	ssyncadd.s32 @p0 $0xFFFFE800;
	s20 =	simm.s32 @!p0 $0x0  }
0x21: {  	[tilespmem:s20], [sflag:$0x5] =	stream.linear.gather @!p0 [hbm4b:s5+s20], $0x3800, $0x38;
	[tilespmem:$0x9000] =	vst v63  }
0x22: {  	s20 =	simm.s32 @!p0 $0x5  }
0x23: {  	_ =	swait.ge @!p0 [sflag:s20], $0x3800  }
0x24: {  	[sflag:s20] =	ssyncset.done @!p0 $0x0  }
0x25: {  	[sflag:s20] =	ssyncadd.s32 @!p0 $0xFFFFC800  }
0x26: {  	[spmem:s6] =	stream.linear.scatter [tilespmem:s9], [sflag:$0x5], $0x2800, $0x38;
	[tilespmem:$0x9000] =	vst v63  }
0x27: {  	_ =	swait.ge [sflag:s10], $0x2800  }
0x28: {  	[sflag:s10] =	ssyncset.done $0x0  }
0x29: {  	[sflag:s10] =	ssyncadd.s32 $0xFFFFD800  }
0x2a: {  	[bflag:$0x0] =	sbarrier.arrive $0xFFFF  }
0x2b: {  	[spmem:s2] =	stream.indirect.scatter.add.f32 [tilespmem:s12], [sflag:$0x1], $0x10, s3, s11, $0xb8;
	[tilespmem:$0x9000] =	vst v63  }
0x2c: {  	_ = 	snop  }
0x2d: {  	[spmem:s2] =	stream.indirect.scatter.add.f32 [tilespmem:s12], [sflag:$0x2], $0x10, s11, s11, $0xb8;
	[tilespmem:$0x9000] =	vst v63  }
0x2e: {  	_ = 	snop  }
0x2f: {  	[spmem:s2] =	stream.indirect.scatter.add.f32 [tilespmem:s12], [sflag:$0x3], $0x10, s13, s11, $0xb8;
	[tilespmem:$0x9000] =	vst v63  }
0x30: {  	_ = 	snop  }
0x31: {  	[spmem:s2] =	stream.indirect.scatter.add.f32 [tilespmem:s12], [sflag:$0x4], $0x10, s14, s11, $0xb8;
	[tilespmem:$0x9000] =	vst v63  }
0x32: {  	_ =	swait.ge [sflag:s15], $0x800  }
0x33: {  	[sflag:s15] =	ssyncset.done $0x0  }
0x34: {  	s29 =	simm.s32 $0x200;
	[sflag:s15] =	ssyncadd.s32 $0xFFFFF800  }
0x35: {  	[spmem:s2] =	stream.indirect.scatter.add.f32 [tilespmem:s12], [sflag:$0x1], $0x10, s29, s11, $0xb8;
	[tilespmem:$0x9000] =	vst v63  }
0x36: {  	_ =	swait.ge [sflag:s16], $0x800  }
0x37: {  	s20 =	simm.s32 @!p0 $0x1C;
	[sflag:s16] =	ssyncset.done $0x0  }
0x38: {  	s30 =	simm.s32 $0x280;
	s20 =	simm.s32 @p0 $0xC;
	[sflag:s16] =	ssyncadd.s32 $0xFFFFF800  }
0x39: {  	[spmem:s2] =	stream.indirect.scatter.add.f32 [tilespmem:s12], [sflag:$0x2], $0x10, s30, s11, $0xb8;
	[tilespmem:$0x9000] =	vst v63  }
0x3a: {  	s20 =	sadd.s32 $0xFFFFFFFF, s20;
	_ =	swait.ge [sflag:s17], $0x800  }
0x3b: {  	p1 =	sne.s32 s20, $0x1;
	[sflag:s17] =	ssyncset.done $0x0  }
.Ltmp2:
0x3c: {  	s31 =	simm.s32 $0x300;
	[sflag:s17] =	ssyncadd.s32 $0xFFFFF800;
	(pc) =	sbr.rel @!p1 .LBB2_7-.Ltmp2, $4  }
0x3d: {  	[spmem:s2] =	stream.indirect.scatter.add.f32 [tilespmem:s12], [sflag:$0x3], $0x10, s31, s11, $0xb8;
	[tilespmem:$0x9000] =	vst v63  }
0x3e: {  	_ =	swait.ge [sflag:s18], $0x800  }
0x3f: {  	s22 =	simm.s32 $0x380;
	[sflag:s18] =	ssyncset.done $0x0  }
0x40: {  	s21 =	simm.s32 $0x580;
	s20 =	sadd.s32 $0xFFFFFFFF, s20;
	[sflag:s18] =	ssyncadd.s32 $0xFFFFF800  }
.LBB2_6:
0x41: {  	[spmem:s2] =	stream.indirect.scatter.add.f32 [tilespmem:s12], [sflag:$0x4], $0x10, s22, s11, $0xb8;
	[tilespmem:$0x9000] =	vst v63  }
0x42: {  	p1 =	sne.s32 s20, $0x1;
	s20 =	sadd.s32 $0xFFFFFFFF, s20;
	_ =	swait.ge [sflag:s15], $0x800  }
0x43: {  	s22 =	smov.u32 s21;
	[sflag:s15] =	ssyncset.done $0x0  }
0x44: {  	s23 =	sadd.s32 $0xFFFFFE80, s21;
	[sflag:s15] =	ssyncadd.s32 $0xFFFFF800  }
0x45: {  	[spmem:s2] =	stream.indirect.scatter.add.f32 [tilespmem:s12], [sflag:$0x1], $0x10, s23, s11, $0xb8;
	[tilespmem:$0x9000] =	vst v63  }
0x46: {  	_ =	swait.ge [sflag:s16], $0x800  }
0x47: {  	[sflag:s16] =	ssyncset.done $0x0  }
0x48: {  	s23 =	sadd.s32 $0xFFFFFF00, s21;
	[sflag:s16] =	ssyncadd.s32 $0xFFFFF800  }
0x49: {  	[spmem:s2] =	stream.indirect.scatter.add.f32 [tilespmem:s12], [sflag:$0x2], $0x10, s23, s11, $0xb8;
	[tilespmem:$0x9000] =	vst v63  }
0x4a: {  	_ =	swait.ge [sflag:s17], $0x800  }
0x4b: {  	[sflag:s17] =	ssyncset.done $0x0  }
.Ltmp3:
0x4c: {  	s23 =	sadd.s32 $0xFFFFFF80, s21;
	[sflag:s17] =	ssyncadd.s32 $0xFFFFF800;
	(pc) =	sbr.rel @p1 .LBB2_6-.Ltmp3, $4  }
0x4d: {  	[spmem:s2] =	stream.indirect.scatter.add.f32 [tilespmem:s12], [sflag:$0x3], $0x10, s23, s11, $0xb8;
	[tilespmem:$0x9000] =	vst v63  }
0x4e: {  	_ =	swait.ge [sflag:s18], $0x800  }
0x4f: {  	[sflag:s18] =	ssyncset.done $0x0  }
0x50: {  	s21 =	sadd.s32 $0x200, s21;
	[sflag:s18] =	ssyncadd.s32 $0xFFFFF800  }
.LBB2_7:
0x51: {  	[spmem:s2] =	stream.indirect.scatter.add.f32 [tilespmem:s12], [sflag:$0x4], $0x10, s22, s11, $0xb8;
	[tilespmem:$0x9000] =	vst v63  }
0x52: {  	_ =	swait.ge [sflag:s15], $0x800  }
0x53: {  	[sflag:s15] =	ssyncset.done $0x0  }
0x54: {  	[sflag:s15] =	ssyncadd.s32 $0xFFFFF800  }
0x55: {  	_ =	swait.ge [sflag:s16], $0x800  }
0x56: {  	[sflag:s16] =	ssyncset.done $0x0  }
0x57: {  	[sflag:s16] =	ssyncadd.s32 $0xFFFFF800  }
0x58: {  	_ =	swait.ge [sflag:s17], $0x800  }
0x59: {  	[sflag:s17] =	ssyncset.done $0x0  }
0x5a: {  	[sflag:s17] =	ssyncadd.s32 $0xFFFFF800  }
0x5b: {  	_ =	swait.ge [sflag:s18], $0x800  }
0x5c: {  	s20 =	sshll.u32 s1, $0x6;
	s19 =	sadd.s32 $0x1, s19;
	[sflag:s18] =	ssyncset.done $0x0  }
0x5d: {  	s21 =	sshrl.u32 s6, $0x3;
	p1 =	sne.s32 s19, s8;
	[sflag:s18] =	ssyncadd.s32 $0xFFFFF800  }
.Ltmp4:
0x5e: {  	s20 =	sor.u32 $0x1C05, s20;
	[bflag:$0x0] =	sbarrier.arrive $0xFFFF;
	(pc) =	sbr.rel @p1 .LBB2_1-.Ltmp4, $4  }
0x5f: {  	[hbm:s7], [sflag:s20] =	dma.local [spmem:s21], $0x500  }
0x60: {  	_ =	swait.ge [sflag:s10], $0x500  }
0x61: {  	[sflag:s10] =	ssyncset.done $0x0  }
0x62: {  	[sflag:s10] =	ssyncadd.s32 $0xFFFFFB00  }
0x63: {  	_ =	sfence.sel $0x180000  }
0x64: {  	[bflag:$0x0] =	sbarrier.arrive $0xFFFF  }
0x65: {  	p0 =	sne.s32 s1, $0x0;
	_ =	strace $0x90000047  }
0x66: {  	s0 =	sadd.s32 @!p0 $0x100000, s0;
	[bflag:$0x2] =	sbarrier.arrive $0xFFFF  }
0x67: {  	[sflag:s0] =	ssyncadd.tile.s32 @!p0 $0x1;
	_ =	shalt  }
.Lfunc_end2:
_tile_overlayer_lowered:
.L_overlay_start_2:
0x68: {  	(tag) =	ssettag $0x2  }
0x69: {  	s0 =	rddreg [dreg:$0x0];
	s2 =	stileid.u32  }
0x6a: {  	s1 =	rddreg [dreg:$0x1];
	p0 =	sne.s32 s2, $0x0  }
0x6b: {  	s3 =	rddreg [dreg:$0x2];
	[bflag:$0x3] =	sbarrier.arrive $0xFFFF;
	s2 =	simm.s32 @!p0 $0x1C05  }
0x6c: {  	[timem:s3], [sflag:s2] =	dma.local @!p0 [hbm:s0], s1  }
0x6d: {  	s0 =	simm.s32 @!p0 $0x5  }
0x6e: {  	_ =	swait.ge @!p0 [sflag:s0], s1  }
0x6f: {  	s1 =	ssub.s32 @!p0 $0x0, s1;
	[sflag:s0] =	ssyncset.done @!p0 $0x0  }
0x70: {  	[sflag:s0] =	ssyncadd.s32 @!p0 s1  }
0x71: {  	[bflag:$0x3] =	sbarrier.arrive $0xFFFF  }
0x72: {  	_ =	shalt  }

// kernel: kernel.14.cloned.1.call-start
scs
__scs_entry_jumppad:
0x0: {  	(pc) =	sbr.rel $0x88, $3  }
0x1: {  	(tag) =	ssettag $0x0;
	lr =	simm.s32 $0x1  }
0x2: {  	[smem:$0x3F97] =	sst lr;
	_ =	strace $0xD0000000  }
0x3: {  	_ = 	snop  }
0x4: {  	_ = 	snop  }
0x5: {  	_ = 	snop  }
0x6: {  	_ = 	snop  }
0x7: {  	_ = 	snop  }
__scs_overlays_trampoline_lowered:
0x8: {  	[smem:$0x3FA6] =	sst s0  }
0x9: {  	[smem:$0x3FA7] =	sst s1  }
0xa: {  	[smem:$0x3FA8] =	sst s2  }
0xb: {  	[smem:$0x3FA9] =	sst s3  }
0xc: {  	[smem:$0x3FAA] =	sst s4  }
0xd: {  	[smem:$0x3FAB] =	sst s5  }
0xe: {  	[smem:$0x3FAC] =	sst s6  }
0xf: {  	[smem:$0x3FAD] =	sst s7  }
0x10: {  	[smem:$0x3FAE] =	sst s8  }
0x11: {  	[smem:$0x3FAF] =	sst s9;
	s0 =	simm.s32 @!p0 $0x0  }
0x12: {  	s1 =	sld [smem:$0x3F95];
	s0 =	simm.s32 @p0 $0x1  }
0x13: {  	[smem:$0x3FB0] =	sst s0;
	s0 =	simm.s32 @!p1 $0x0  }
0x14: {  	s2 =	sld [smem:$0x3F94];
	s0 =	simm.s32 @p1 $0x1  }
0x15: {  	[smem:$0x3FB1] =	sst s0;
	s0 =	simm.s32 @!p2 $0x0  }
0x16: {  	s3 =	sld [smem:$0x3FDB];
	s0 =	simm.s32 @p2 $0x1  }
0x17: {  	s4 =	simm.s32 $0x1BF5;
	[smem:$0x3FB3] =	sst s0  }
0x18: {  	s0 =	sld [smem:$0x3F96];
	_ =	swait.ge [sflag:s4], $0x0  }
0x19: {  	s7 =	sld [smem:$0x3F97]  }
0x1a: {  	s8 =	sadd.s32 $0xFFFFE003, lr  }
0x1b: {  	s9 =	sadd.s32 $0xFFFFFEF7, lr;
	s5 =	simm.s32 $0xFFFFFFFF;
	p2 =	slt.u32 s8, $0xFFFFF086  }
0x1c: {  	p1 =	slt.u32 s9, $0xF7A;
	s5 =	simm.s32 @!p2 $0x0  }
0x1d: {  	s5 =	simm.s32 @p1 $0x1;
	p0 =	seq.s32 s7, s2  }
0x1e: {  	s7 =	smul.u32 @!p0 $0xF7A, s2;
	p2 =	seq.s32 @!p0 s5, $0x0  }
0x1f: {  	s9 =	smul.u32 $0xF7A, s1;
	s8 =	simm.s32 @!p0 $0x1BF5;
	p2 =	por !p2, p0  }
0x20: {  	[sflag:s8] =	ssyncset.s32 @!p0 $0xFFFFF086;
	s6 =	sadd.s32 @!p0 s3, s7;
	s7 =	simm.s32 @!p0 $0x108  }
0x21: {  	s3 =	sadd.s32 s3, s9;
	s6 =	sadd.s32 @!p0 $0x88, s6;
	s7 =	simm.s32 @p2 $0x1082  }
0x22: {  	[simem:s7], [sflag:s8] =	dma.local @!p0 [hbm:s6], $0xF7A  }
0x23: {  	s9 =	sor.u32 $0xD0000000, s2;
	s6 =	simm.s32 $0x108;
	_ =	swait.ge @!p0 [sflag:s8], $0x0  }
0x24: {  	s3 =	sadd.s32 $0x88, s3;
	s6 =	simm.s32 @!p1 $0x1082;
	[sflag:s4] =	ssyncset.s32 $0xFFFFF086  }
0x25: {  	[simem:s6], [sflag:s4] =	dma.local [hbm:s3], $0xF7A  }
0x26: {  	[smem:$0x3F97] =	sst s1;
	(tag) =	ssettag s2;
	_ =	strace s9  }
0x27: {  	s1 =	sld [smem:$0x3FA7]  }
0x28: {  	s2 =	sld [smem:$0x3FA8]  }
0x29: {  	s4 =	sld [smem:$0x3FAA]  }
0x2a: {  	p0 =	seq.s32 s5, $0x0;
	s5 =	sld [smem:$0x3FAB]  }
0x2b: {  	s6 =	sld [smem:$0x3FAC]  }
0x2c: {  	s7 =	sld [smem:$0x3FAD]  }
0x2d: {  	s3 =	simm.s32 $0x108;
	s8 =	sld [smem:$0x3FAE]  }
0x2e: {  	s3 =	simm.s32 @!p0 $0x1082;
	s9 =	sld [smem:$0x3FAF]  }
0x2f: {  	lr =	sadd.s32 s0, s3;
	s0 =	sld [smem:$0x3FA6]  }
0x30: {  	s3 =	sld [smem:$0x3FA9]  }
0x31: {  	[smem:$0x3FB2] =	sst s10  }
0x32: {  	s10 =	sld [smem:$0x3FB0];
	_ =	sdelay $0x3  }
0x33: {  	p0 =	seq.s32 s10, $0x1;
	s10 =	sld [smem:$0x3FB2];
	_ =	sdelay $0x3  }
0x34: {  	[smem:$0x3FB2] =	sst s10  }
0x35: {  	s10 =	sld [smem:$0x3FB1];
	_ =	sdelay $0x3  }
0x36: {  	p1 =	seq.s32 s10, $0x1;
	s10 =	sld [smem:$0x3FB2];
	_ =	sdelay $0x3  }
0x37: {  	[smem:$0x3FB2] =	sst s10  }
0x38: {  	s10 =	sld [smem:$0x3FB3]  }
0x39: {  	_ = 	snop;
	(pc) =	sbr.ind lr, $3  }
0x3a: {  	_ = 	snop  }
0x3b: {  	_ = 	snop  }
0x3c: {  	p2 =	seq.s32 s10, $0x1;
	s10 =	sld [smem:$0x3FB2]  }
0x3d: {  	_ =	shalt  }
0x3e: {  	_ =	shalt  }
0x3f: {  	_ =	shalt  }
0x40: {  	_ =	shalt  }
0x41: {  	_ =	shalt  }
0x42: {  	_ =	shalt  }
0x43: {  	_ =	shalt  }
0x44: {  	_ =	shalt  }
0x45: {  	_ =	shalt  }
0x46: {  	_ =	shalt  }
0x47: {  	_ =	shalt  }
0x48: {  	_ =	shalt  }
0x49: {  	_ =	shalt  }
0x4a: {  	_ =	shalt  }
0x4b: {  	_ =	shalt  }
0x4c: {  	_ =	shalt  }
0x4d: {  	_ =	shalt  }
0x4e: {  	_ =	shalt  }
0x4f: {  	_ =	shalt  }
0x50: {  	_ =	shalt  }
0x51: {  	_ =	shalt  }
0x52: {  	_ =	shalt  }
0x53: {  	_ =	shalt  }
0x54: {  	_ =	shalt  }
0x55: {  	_ =	shalt  }
0x56: {  	_ =	shalt  }
0x57: {  	_ =	shalt  }
0x58: {  	_ =	shalt  }
0x59: {  	_ =	shalt  }
0x5a: {  	_ =	shalt  }
0x5b: {  	_ =	shalt  }
0x5c: {  	_ =	shalt  }
0x5d: {  	_ =	shalt  }
0x5e: {  	_ =	shalt  }
0x5f: {  	_ =	shalt  }
0x60: {  	_ =	shalt  }
0x61: {  	_ =	shalt  }
0x62: {  	_ =	shalt  }
0x63: {  	_ =	shalt  }
0x64: {  	_ =	shalt  }
0x65: {  	_ =	shalt  }
0x66: {  	_ =	shalt  }
0x67: {  	_ =	shalt  }
0x68: {  	_ =	shalt  }
0x69: {  	_ =	shalt  }
0x6a: {  	_ =	shalt  }
0x6b: {  	_ =	shalt  }
0x6c: {  	_ =	shalt  }
0x6d: {  	_ =	shalt  }
0x6e: {  	_ =	shalt  }
0x6f: {  	_ =	shalt  }
0x70: {  	_ =	shalt  }
0x71: {  	_ =	shalt  }
0x72: {  	_ =	shalt  }
0x73: {  	_ =	shalt  }
0x74: {  	_ =	shalt  }
0x75: {  	_ =	shalt  }
0x76: {  	_ =	shalt  }
0x77: {  	_ =	shalt  }
0x78: {  	_ =	shalt  }
0x79: {  	_ =	shalt  }
0x7a: {  	_ =	shalt  }
0x7b: {  	_ =	shalt  }
0x7c: {  	_ =	shalt  }
0x7d: {  	_ =	shalt  }
0x7e: {  	_ =	shalt  }
0x7f: {  	_ =	shalt  }
0x80: {  	_ =	shalt  }
0x81: {  	_ =	shalt  }
0x82: {  	_ =	shalt  }
0x83: {  	_ =	shalt  }
0x84: {  	_ =	shalt  }
0x85: {  	_ =	shalt  }
0x86: {  	_ =	shalt  }
0x87: {  	_ =	shalt  }
.Lfunc_end0:
.L_simem_size_0:
called_computation.1_lowered:
.L_overlay_start_0:
0x88: {  	s2 =	sld [smem:$0x3FD9]  }
0x89: {  	s3 =	sld [smem:$0x3FFE];
	_ =	sdelay $0x1  }
0x8a: {  	s1 =	srdreg.scid  }
0x8b: {  	s0 =	sand.u32 $0x1, s1  }
0x8c: {  	s16 =	sshll.u32 s0, $0xA;
	s2 =	sadd.s32 s3, s2  }
0x8d: {  	s2 =	sadd.s32 s2, s16  }
0x8e: {  	[smem:$0x3FBE] =	sst s2  }
0x8f: {  	_ = 	snop  }
0x90: {  	(tm) =	ssettm $0x1  }
0x91: {  	s17 =	sld [smem:$0x3FFB];
	_ =	sdelay $0x3  }
0x92: {  	_ =	strace s17  }
0x93: {  	s2 =	sld [smem:$0x3FFC];
	_ =	sdelay $0x3  }
0x94: {  	_ =	strace s2  }
0x95: {  	s2 =	sld [smem:$0x3FFD];
	_ =	sdelay $0x3  }
0x96: {  	_ =	strace s2  }
0x97: {  	_ =	strace $0x8FFFFFFF  }
0x98: {  	s18 =	sld [smem:$0x3FDB];
	_ =	sdelay $0x1  }
0x99: {  	s19 =	simm.s32 $_scs_section_size  }
0x9a: {  	s4 =	simm.s32 $_size__tile_overlayer_lowered;
	s5 =	simm.s32 $_tile_overlayer_lowered  }
0x9b: {  	s22 =	simm.s32 $0x1BFF;
	s21 =	sshll.u32 s5, $0x1;
	s2 =	sadd.s32 s19, s18  }
0x9c: {  	s6 =	simm.s32 $0x0;
	s20 =	sshll.u32 s4, $0x1;
	s4 =	sadd.s32 s21, s2  }
0x9d: {  	[timem:s6], [sflag:s22] =	dma.local [hbm:s4], s20  }
0x9e: {  	_ =	swait.ge [sflag:s22], s20  }
0x9f: {  	s3 =	ssub.s32 $0x0, s20;
	[sflag:s22] =	ssyncset.done $0x0  }
0xa0: {  	[sflag:s22] =	ssyncadd.s32 s3;
	_ =	sdelay $0x1  }
0xa1: {  	s23 =	simm.s32 $0x1B8B  }
0xa2: {  	_ =	swait.ge [sflag:s23], $0x1  }
0xa3: {  	[sflag:s23] =	ssyncset.done $0x0  }
0xa4: {  	s25 =	simm.s32 $0x1B8E;
	s24 =	sld [smem:$0x3FFE];
	[sflag:s23] =	ssyncadd.s32 $0xFFFFFFFF  }
0xa5: {  	s26 =	simm.s32 $execute0_lowered;
	[smem:$0x3FD2] =	sst s25  }
0xa6: {  	s4 =	sshll.u32 s26, $0x1;
	_ =	strace $0x80000049;
	[dreg:$0x1] =	wrdreg $0xFFFFFFFF  }
0xa7: {  	s28 =	simm.s32 $_size_execute0_lowered;
	s2 =	sadd.s32 s2, s4;
	[dreg:$0x0] =	wrdreg $0x0  }
0xa8: {  	s4 =	sshll.u32 s28, $0x1;
	[dreg:$0x2] =	wrdreg s2  }
0xa9: {  	[dreg:$0x3] =	wrdreg s4  }
0xaa: {  	[dreg:$0x4] =	wrdreg $0xC0  }
0xab: {  	_ =	task [dreg:s6], $0x5FFFF  }
0xac: {  	[dreg:$0x1] =	wrdreg $0xFFFFFFFF  }
0xad: {  	[dreg:$0x0] =	wrdreg $0x60  }
0xae: {  	[dreg:$0x2] =	wrdreg s24  }
0xaf: {  	[dreg:$0x3] =	wrdreg $0xD0000  }
0xb0: {  	[dreg:$0x4] =	wrdreg $0x9  }
0xb1: {  	_ =	task.clear_ibuf [dreg:s6], $0x5FFFF;
	_ =	strace $0x90000049  }
0xb2: {  	s29 =	simm.s32 $0x9;
	_ =	strace $0x8000004B  }
0xb3: {  	_ =	swait.ge [sflag:s29], $0x1  }
0xb4: {  	[sflag:s29] =	ssyncadd.s32 $0xFFFFFFFF  }
0xb5: {  	_ =	strace $0x9000004B  }
0xb6: {  	_ =	sfence  }
0xb7: {  	s30 =	sld [smem:$0x0];
	_ =	sdelay $0x2  }
0xb8: {  	s31 =	sshll.u32 s1, $0xD;
	s1 =	sshrl.u32 s1, $0x2  }
0xb9: {  	s3 =	sand.u32 $0x4000, s31;
	s1 =	sadd.s32 s1, s30  }
0xba: {  	s0 =	sor.u32 s3, s0;
	s1 =	sshll.u32 s1, $0x11  }
0xbb: {  	s0 =	sor.u32 s1, s0  }
0xbc: {  	s0 =	sadd.s32 $0x8F2B, s0  }
0xbd: {  	[sflag:s0] =	ssyncadd.remote.s32 $0x1  }
0xbe: {  	_ =	sfence.sel $0xFFFF  }
0xbf: {  	[dreg:$0x0] =	wrdreg $0xFFFFFFFF;
	(pc) =	sbr.abs _section_cstart, $3  }
0xc0: {  	[dreg:$0x1] =	wrdreg $0xFFFFFFFF  }
0xc1: {  	_ =	task.clear_ibuf [dreg:s6], $0x2FFFF;
	_ =	strace $0x9FFFFFFF  }
0xc2: {  	(tm) =	ssettm $0x7FFFFFFF  }
0xc3: {  	_ =	shalt  }
tec
execute0_lowered:
.L_overlay_start_1:
0x0: {  	(tag) =	ssettag $0x1  }
0x1: {  	s0 =	rddreg [dreg:$0x0]  }
0x2: {  	s2 =	rddreg [dreg:$0x1]  }
0x3: {  	s4 =	srdreg.scid;
	s1 =	stileid.u32;
	s3 =	simm.s32 $0x0  }
0x4: {  	s17 =	simm.s32 $0x9800;
	s19 =	simm.s32 $0xA000;
	s21 =	simm.s32 $0x9  }
0x5: {  	s22 =	simm.s32 $0x1;
	s23 =	simm.s32 $0x2;
	s24 =	simm.s32 $0x3  }
0x6: {  	s25 =	simm.s32 $0x4;
	s26 =	simm.s32 $0x5;
	s28 =	simm.s32 $0x6  }
0x7: {  	s29 =	simm.s32 $0x7;
	s30 =	simm.s32 $0x8;
	s10 =	smul.u32 $0x2800, s1  }
0x8: {  	s13 =	sand.u32 $0x1, s4;
	[smem:$0x7FF] =	sst s3;
	s7 =	smul.u32 $0x180, s1  }
0x9: {  	s4 =	sadd.s32 $0xD200, s0;
	s8 =	sadd.s32 $0x17200, s0;
	s12 =	smul.u32 $0x880, s1  }
0xa: {  	s9 =	sadd.s32 $0x3200, s0;
	s5 =	smul.u32 $0x28000, s13;
	s6 =	ssub.s32 $0x2, s13  }
0xb: {  	_ =	strace $0x8000004A;
	p0 =	seq.s32 s13, $0x0;
	s11 =	sshrl.u32 s6, $0x1  }
0xc: {  	s7 =	sadd.s32 $0x8800, s7;
	s5 =	sadd.s32 s10, s5;
	s14 =	ssub.s32 s6, s11  }
0xd: {  	s6 =	sadd.s32 s8, s7;
	s7 =	sadd.s32 s9, s7;
	s5 =	sshrl.u32 s5, $0x3  }
0xe: {  	s8 =	sadd.s32 s8, s12;
	s0 =	sadd.s32 s5, s0;
	s5 =	simm.s32 $0x88  }
0xf: {  	s9 =	sadd.s32 s9, s12;
	s10 =	sadd.s32 s10, s2;
	s5 =	simm.s32 @!p0 $0x18  }
0x10: {  	s12 =	smax.u32 s14, $0x1;
	s14 =	simm.s32 $0x8800;
	s31 =	sshll.u32 s5, $0x9  }
0x11: {  	s11 =	sadd.s32 $0x21200, s0;
	p0 =	sne.s32 s13, $0x0;
	s15 =	sadd.s32 $0xFFFFF800, s31  }
0x12: {  	v0 =	vimm.f32 $0.0e+00;
	s13 =	simm.s32 $0x80;
	[dreg:$0x3] =	wrdreg s15;
	s15 =	simm.s32 $0x9000  }
.LBB2_1:
0x13: {  	s0 =	simm.s32 $0x40;
	s31 =	simm.s32 $0x0  }
.LBB2_2:
0x14: {  	p1 =	sne.s32 s0, $0x9FC0;
	[tilespmem:s31+$0xA800] =	vst v0;
	s31 =	smov.u32 s0;
	s0 =	sadd.s32 $0x40, s0  }
.Ltmp0:
0x15: {  	(pc) =	sbr.rel @p1 .LBB2_2-.Ltmp0, $2  }
0x16: {  	_ =	sdelay $0x2  }
0x17: {  	s31 =	sshra.s32 s31, $0x2  }
0x18: {  	[tilespmem:s31+$0xA800] =	vst v0;
	s0 =	simm.s32 @p0 $0x0;
	s31 =	simm.s32 @p0 $0x9  }
0x19: {  	[tilespmem:s0], [sflag:$0x9] =	stream.linear.gather @p0 [hbm4b:s6+s0], $0xC00, $0x38;
	[tilespmem:$0xF800] =	vst v63  }
0x1a: {  	_ =	swait.ge @p0 [sflag:s31], $0xC00  }
0x1b: {  	[sflag:s31] =	ssyncset.done @p0 $0x0  }
0x1c: {  	s1 =	simm.s32 @p0 $0x4400;
	[sflag:s31] =	ssyncadd.s32 @p0 $0xFFFFF400  }
0x1d: {  	[tilespmem:s1], [sflag:$0x9] =	stream.linear.gather @p0 [hbm4b:s7+s0], $0xC00, $0x38;
	[tilespmem:$0xF800] =	vst v63  }
0x1e: {  	_ =	swait.ge @p0 [sflag:s31], $0xC00  }
0x1f: {  	[sflag:s31] =	ssyncset.done @p0 $0x0  }
0x20: {  	s0 =	simm.s32 @!p0 $0x0;
	s1 =	simm.s32 @!p0 $0x9;
	[sflag:s31] =	ssyncadd.s32 @p0 $0xFFFFF400  }
0x21: {  	[tilespmem:s0], [sflag:$0x9] =	stream.linear.gather @!p0 [hbm4b:s8+s0], $0x4400, $0x38;
	[tilespmem:$0xF800] =	vst v63  }
0x22: {  	_ =	swait.ge @!p0 [sflag:s1], $0x4400  }
0x23: {  	[sflag:s1] =	ssyncset.done @!p0 $0x0  }
0x24: {  	s31 =	simm.s32 @!p0 $0x4400;
	[sflag:s1] =	ssyncadd.s32 @!p0 $0xFFFFBC00  }
0x25: {  	[tilespmem:s31], [sflag:$0x9] =	stream.linear.gather @!p0 [hbm4b:s9+s0], $0x4400, $0x38;
	[tilespmem:$0xF800] =	vst v63  }
0x26: {  	_ =	swait.ge @!p0 [sflag:s1], $0x4400  }
0x27: {  	[sflag:s1] =	ssyncset.done @!p0 $0x0  }
0x28: {  	s31 =	simm.s32 $0x0;
	[sflag:s1] =	ssyncadd.s32 @!p0 $0xFFFFBC00  }
0x29: {  	[tilespmem:s14], [sflag:$0x1] =	stream.indirect.gather [hbm4b:s4+s13], $0x10, s31, s13, $0xb8;
	[tilespmem:$0xF800] =	vst v63  }
0x2a: {  	_ = 	snop  }
0x2b: {  	[tilespmem:s15], [sflag:$0x2] =	stream.indirect.gather [hbm4b:s4+s13], $0x10, s13, s13, $0xb8;
	[tilespmem:$0xF800] =	vst v63  }
0x2c: {  	s16 =	simm.s32 $0x100  }
0x2d: {  	[tilespmem:s17], [sflag:$0x3] =	stream.indirect.gather [hbm4b:s4+s13], $0x10, s16, s13, $0xb8;
	[tilespmem:$0xF800] =	vst v63  }
0x2e: {  	s18 =	simm.s32 $0x180  }
0x2f: {  	[tilespmem:s19], [sflag:$0x4] =	stream.indirect.gather [hbm4b:s4+s13], $0x10, s18, s13, $0xb8;
	[tilespmem:$0xF800] =	vst v63  }
0x30: {  	s20 =	simm.s32 $0xA800  }
0x31: {  	[spmem:s10] =	stream.linear.scatter [tilespmem:s20], [sflag:$0x9], $0x2800, $0x38;
	[tilespmem:$0xF800] =	vst v63  }
0x32: {  	_ =	swait.ge [sflag:s21], $0x2800  }
0x33: {  	[sflag:s21] =	ssyncset.done $0x0  }
0x34: {  	[sflag:s21] =	ssyncadd.s32 $0xFFFFD800  }
0x35: {  	s0 =	simm.s32 $0x7;
	[bflag:$0x0] =	sbarrier.arrive $0xFFFF  }
.LBB2_4:
0x36: {  	_ =	swait.ge [sflag:s22], $0x800  }
0x37: {  	s1 =	sshra.s32 s31, $0x2;
	[sflag:s22] =	ssyncset.done $0x0  }
0x38: {  	s16 =	sadd.s32 $0x4400, s1;
	[sflag:s22] =	ssyncadd.s32 $0xFFFFF800  }
0x39: {  	[spmem:s2] =	stream.indirect.scatter.add.f32 [tilespmem:s14], [sflag:$0x5], $0x10, s16, s13, $0xb8;
	[tilespmem:$0xF800] =	vst v63  }
0x3a: {  	_ =	swait.ge [sflag:s23], $0x800  }
0x3b: {  	[sflag:s23] =	ssyncset.done $0x0  }
0x3c: {  	s18 =	sadd.s32 $0x4480, s1;
	[sflag:s23] =	ssyncadd.s32 $0xFFFFF800  }
0x3d: {  	[spmem:s2] =	stream.indirect.scatter.add.f32 [tilespmem:s15], [sflag:$0x6], $0x10, s18, s13, $0xb8;
	[tilespmem:$0xF800] =	vst v63  }
0x3e: {  	_ =	swait.ge [sflag:s24], $0x800  }
0x3f: {  	[sflag:s24] =	ssyncset.done $0x0  }
0x40: {  	s20 =	sadd.s32 $0x4500, s1;
	[sflag:s24] =	ssyncadd.s32 $0xFFFFF800  }
0x41: {  	[spmem:s2] =	stream.indirect.scatter.add.f32 [tilespmem:s17], [sflag:$0x7], $0x10, s20, s13, $0xb8;
	[tilespmem:$0xF800] =	vst v63  }
0x42: {  	_ =	swait.ge [sflag:s25], $0x800  }
0x43: {  	s16 =	sadd.s32 $0xFFFFFFFD, s0;
	[sflag:s25] =	ssyncset.done $0x0  }
0x44: {  	s1 =	sadd.s32 $0x4580, s1;
	p1 =	sge.u32 s16, s5;
	[sflag:s25] =	ssyncadd.s32 $0xFFFFF800  }
0x45: {  	[spmem:s2] =	stream.indirect.scatter.add.f32 [tilespmem:s19], [sflag:$0x8], $0x10, s1, s13, $0xb8;
	[tilespmem:$0xF800] =	vst v63  }
0x46: {  	s1 =	simm.s32 @!p1 $0x5  }
0x47: {  	_ =	swait.ge @!p1 [sflag:s1], $0x800  }
0x48: {  	[sflag:s1] =	ssyncset.done @!p1 $0x0  }
0x49: {  	[sflag:s1] =	ssyncadd.s32 @!p1 $0xFFFFF800;
	s1 =	sshra.s32 @!p1 s31, $0x2  }
0x4a: {  	s16 =	simm.s32 @!p1 $0x80;
	s18 =	simm.s32 @!p1 $0x8800;
	s1 =	sadd.s32 @!p1 $0x200, s1  }
0x4b: {  	[tilespmem:s18], [sflag:$0x1] =	stream.indirect.gather @!p1 [hbm4b:s4+s16], $0x10, s1, s16, $0xb8;
	[tilespmem:$0xF800] =	vst v63  }
0x4c: {  	s18 =	sadd.s32 $0xFFFFFFFE, s0  }
0x4d: {  	p1 =	sge.u32 s18, s5  }
0x4e: {  	s1 =	simm.s32 @!p1 $0x6  }
0x4f: {  	_ =	swait.ge @!p1 [sflag:s1], $0x800  }
0x50: {  	[sflag:s1] =	ssyncset.done @!p1 $0x0  }
0x51: {  	s20 =	sadd.s32 $0xFFFFFFFF, s0;
	[sflag:s1] =	ssyncadd.s32 @!p1 $0xFFFFF800;
	s1 =	sshra.s32 @!p1 s31, $0x2  }
0x52: {  	s16 =	simm.s32 @!p1 $0x80;
	s18 =	simm.s32 @!p1 $0x9000;
	s1 =	sadd.s32 @!p1 $0x280, s1  }
0x53: {  	[tilespmem:s18], [sflag:$0x2] =	stream.indirect.gather @!p1 [hbm4b:s4+s16], $0x10, s1, s16, $0xb8;
	[tilespmem:$0xF800] =	vst v63  }
0x54: {  	p1 =	sge.u32 s20, s5  }
0x55: {  	s1 =	simm.s32 @!p1 $0x7  }
0x56: {  	_ =	swait.ge @!p1 [sflag:s1], $0x800  }
0x57: {  	[sflag:s1] =	ssyncset.done @!p1 $0x0  }
0x58: {  	[sflag:s1] =	ssyncadd.s32 @!p1 $0xFFFFF800;
	s1 =	sshra.s32 @!p1 s31, $0x2  }
0x59: {  	s16 =	simm.s32 @!p1 $0x80;
	s18 =	simm.s32 @!p1 $0x9800;
	s1 =	sadd.s32 @!p1 $0x300, s1  }
0x5a: {  	[tilespmem:s18], [sflag:$0x3] =	stream.indirect.gather @!p1 [hbm4b:s4+s16], $0x10, s1, s16, $0xb8;
	[tilespmem:$0xF800] =	vst v63  }
0x5b: {  	p1 =	sge.u32 s0, s5  }
0x5c: {  	s1 =	simm.s32 @!p1 $0x8  }
0x5d: {  	s16 =	sshra.s32 @!p1 s31, $0x2;
	s18 =	simm.s32 @!p1 $0xA000;
	_ =	swait.ge @!p1 [sflag:s1], $0x800  }
0x5e: {  	s31 =	sadd.s32 $0x800, s31;
	[sflag:s1] =	ssyncset.done @!p1 $0x0;
	s20 =	rddreg [dreg:$0x3]  }
0x5f: {  	[sflag:s1] =	ssyncadd.s32 @!p1 $0xFFFFF800;
	s1 =	sadd.s32 @!p1 $0x380, s16;
	s16 =	simm.s32 @!p1 $0x80  }
0x60: {  	[tilespmem:s18], [sflag:$0x4] =	stream.indirect.gather @!p1 [hbm4b:s4+s16], $0x10, s1, s16, $0xb8;
	[tilespmem:$0xF800] =	vst v63  }
0x61: {  	p1 =	sne.s32 s20, s31  }
.Ltmp1:
0x62: {  	_ = 	snop;
	(pc) =	sbr.rel @p1 .LBB2_4-.Ltmp1, $2  }
0x63: {  	_ =	sdelay $0x2  }
0x64: {  	s0 =	sadd.s32 $0x4, s0  }
0x65: {  	_ =	swait.ge [sflag:s22], $0x800  }
0x66: {  	s1 =	sshra.s32 s31, $0x2;
	[sflag:s22] =	ssyncset.done $0x0  }
0x67: {  	s16 =	sadd.s32 $0x4400, s1;
	[sflag:s22] =	ssyncadd.s32 $0xFFFFF800  }
0x68: {  	[spmem:s2] =	stream.indirect.scatter.add.f32 [tilespmem:s14], [sflag:$0x5], $0x10, s16, s13, $0xb8;
	[tilespmem:$0xF800] =	vst v63  }
0x69: {  	_ =	swait.ge [sflag:s23], $0x800  }
0x6a: {  	[sflag:s23] =	ssyncset.done $0x0  }
0x6b: {  	s20 =	sadd.s32 $0x4480, s1;
	[sflag:s23] =	ssyncadd.s32 $0xFFFFF800  }
0x6c: {  	[spmem:s2] =	stream.indirect.scatter.add.f32 [tilespmem:s15], [sflag:$0x6], $0x10, s20, s13, $0xb8;
	[tilespmem:$0xF800] =	vst v63  }
0x6d: {  	_ =	swait.ge [sflag:s24], $0x800  }
0x6e: {  	[sflag:s24] =	ssyncset.done $0x0  }
0x6f: {  	s18 =	sadd.s32 $0x4500, s1;
	[sflag:s24] =	ssyncadd.s32 $0xFFFFF800  }
0x70: {  	[spmem:s2] =	stream.indirect.scatter.add.f32 [tilespmem:s17], [sflag:$0x7], $0x10, s18, s13, $0xb8;
	[tilespmem:$0xF800] =	vst v63  }
0x71: {  	_ =	swait.ge [sflag:s25], $0x800  }
0x72: {  	s20 =	sadd.s32 $0xFFFFFFFD, s0;
	[sflag:s25] =	ssyncset.done $0x0  }
0x73: {  	s1 =	sadd.s32 $0x4580, s1;
	p1 =	sge.u32 s20, s5;
	[sflag:s25] =	ssyncadd.s32 $0xFFFFF800  }
0x74: {  	[spmem:s2] =	stream.indirect.scatter.add.f32 [tilespmem:s19], [sflag:$0x8], $0x10, s1, s13, $0xb8;
	[tilespmem:$0xF800] =	vst v63  }
0x75: {  	s1 =	simm.s32 @!p1 $0x5  }
0x76: {  	_ =	swait.ge @!p1 [sflag:s1], $0x800  }
0x77: {  	[sflag:s1] =	ssyncset.done @!p1 $0x0  }
0x78: {  	[sflag:s1] =	ssyncadd.s32 @!p1 $0xFFFFF800;
	s1 =	sshra.s32 @!p1 s31, $0x2  }
0x79: {  	s16 =	simm.s32 @!p1 $0x80;
	s18 =	simm.s32 @!p1 $0x8800;
	s1 =	sadd.s32 @!p1 $0x200, s1  }
0x7a: {  	[tilespmem:s18], [sflag:$0x1] =	stream.indirect.gather @!p1 [hbm4b:s4+s16], $0x10, s1, s16, $0xb8;
	[tilespmem:$0xF800] =	vst v63  }
0x7b: {  	s16 =	sadd.s32 $0xFFFFFFFE, s0  }
0x7c: {  	p1 =	sge.u32 s16, s5  }
0x7d: {  	s1 =	simm.s32 @!p1 $0x6  }
0x7e: {  	_ =	swait.ge @!p1 [sflag:s1], $0x800  }
0x7f: {  	[sflag:s1] =	ssyncset.done @!p1 $0x0  }
0x80: {  	[sflag:s1] =	ssyncadd.s32 @!p1 $0xFFFFF800;
	s1 =	sshra.s32 @!p1 s31, $0x2  }
0x81: {  	s16 =	simm.s32 @!p1 $0x80;
	s18 =	simm.s32 @!p1 $0x9000;
	s1 =	sadd.s32 @!p1 $0x280, s1  }
0x82: {  	[tilespmem:s18], [sflag:$0x2] =	stream.indirect.gather @!p1 [hbm4b:s4+s16], $0x10, s1, s16, $0xb8;
	[tilespmem:$0xF800] =	vst v63  }
0x83: {  	s18 =	sadd.s32 $0xFFFFFFFF, s0  }
0x84: {  	p1 =	sge.u32 s18, s5  }
0x85: {  	s1 =	simm.s32 @!p1 $0x7  }
0x86: {  	_ =	swait.ge @!p1 [sflag:s1], $0x800  }
0x87: {  	[sflag:s1] =	ssyncset.done @!p1 $0x0  }
0x88: {  	[sflag:s1] =	ssyncadd.s32 @!p1 $0xFFFFF800;
	s1 =	sshra.s32 @!p1 s31, $0x2  }
0x89: {  	s16 =	simm.s32 @!p1 $0x80;
	s18 =	simm.s32 @!p1 $0x9800;
	s1 =	sadd.s32 @!p1 $0x300, s1  }
0x8a: {  	[tilespmem:s18], [sflag:$0x3] =	stream.indirect.gather @!p1 [hbm4b:s4+s16], $0x10, s1, s16, $0xb8;
	[tilespmem:$0xF800] =	vst v63  }
0x8b: {  	p1 =	sge.u32 s0, s5  }
0x8c: {  	s0 =	simm.s32 @!p1 $0x8  }
0x8d: {  	_ =	swait.ge @!p1 [sflag:s0], $0x800  }
0x8e: {  	[sflag:s0] =	ssyncset.done @!p1 $0x0  }
0x8f: {  	[sflag:s0] =	ssyncadd.s32 @!p1 $0xFFFFF800;
	s0 =	sshra.s32 @!p1 s31, $0x2  }
0x90: {  	s1 =	simm.s32 @!p1 $0x80;
	s16 =	simm.s32 @!p1 $0xA000;
	s0 =	sadd.s32 @!p1 $0x380, s0  }
0x91: {  	[tilespmem:s16], [sflag:$0x4] =	stream.indirect.gather @!p1 [hbm4b:s4+s1], $0x10, s0, s1, $0xb8;
	[tilespmem:$0xF800] =	vst v63  }
0x92: {  	_ =	swait.ge [sflag:s26], $0x800  }
0x93: {  	[sflag:s26] =	ssyncset.done $0x0  }
0x94: {  	[sflag:s26] =	ssyncadd.s32 $0xFFFFF800  }
0x95: {  	_ =	swait.ge [sflag:s28], $0x800  }
0x96: {  	[sflag:s28] =	ssyncset.done $0x0  }
0x97: {  	[sflag:s28] =	ssyncadd.s32 $0xFFFFF800  }
0x98: {  	_ =	swait.ge [sflag:s29], $0x800  }
0x99: {  	[sflag:s29] =	ssyncset.done $0x0  }
0x9a: {  	[sflag:s29] =	ssyncadd.s32 $0xFFFFF800  }
0x9b: {  	s3 =	sadd.s32 $0x1, s3;
	_ =	swait.ge [sflag:s30], $0x800  }
0x9c: {  	s20 =	stileid.u32;
	s31 =	sshrl.u32 s10, $0x3;
	[sflag:s30] =	ssyncset.done $0x0  }
0x9d: {  	s0 =	sshll.u32 s20, $0x6;
	p1 =	sne.s32 s3, s12;
	[sflag:s30] =	ssyncadd.s32 $0xFFFFF800  }
.Ltmp2:
0x9e: {  	s0 =	sor.u32 $0x1C09, s0;
	[bflag:$0x0] =	sbarrier.arrive $0xFFFF;
	(pc) =	sbr.rel @p1 .LBB2_1-.Ltmp2, $4  }
0x9f: {  	[hbm:s11], [sflag:s0] =	dma.local [spmem:s31], $0x500  }
0xa0: {  	_ =	swait.ge [sflag:s21], $0x500  }
0xa1: {  	[sflag:s21] =	ssyncset.done $0x0  }
0xa2: {  	[sflag:s21] =	ssyncadd.s32 $0xFFFFFB00  }
0xa3: {  	_ =	sfence.sel $0x180000  }
0xa4: {  	[bflag:$0x0] =	sbarrier.arrive $0xFFFF  }
0xa5: {  	_ =	strace $0x9000004A  }
0xa6: {  	s0 =	stileid.u32;
	[bflag:$0x2] =	sbarrier.arrive $0xFFFF  }
0xa7: {  	p0 =	sne.s32 s0, $0x0;
	s0 =	rddreg [dreg:$0x2]  }
0xa8: {  	s0 =	sadd.s32 @!p0 $0x100000, s0  }
0xa9: {  	[sflag:s0] =	ssyncadd.tile.s32 @!p0 $0x1;
	_ =	shalt  }
.Lfunc_end2:
_tile_overlayer_lowered:
.L_overlay_start_2:
0xaa: {  	(tag) =	ssettag $0x2  }
0xab: {  	s0 =	rddreg [dreg:$0x0];
	s2 =	stileid.u32  }
0xac: {  	s1 =	rddreg [dreg:$0x1];
	p0 =	sne.s32 s2, $0x0  }
0xad: {  	s3 =	rddreg [dreg:$0x2];
	[bflag:$0x3] =	sbarrier.arrive $0xFFFF;
	s2 =	simm.s32 @!p0 $0x1C09  }
0xae: {  	[timem:s3], [sflag:s2] =	dma.local @!p0 [hbm:s0], s1  }
0xaf: {  	s0 =	simm.s32 @!p0 $0x9  }
0xb0: {  	_ =	swait.ge @!p0 [sflag:s0], s1  }
0xb1: {  	s1 =	ssub.s32 @!p0 $0x0, s1;
	[sflag:s0] =	ssyncset.done @!p0 $0x0  }
0xb2: {  	[sflag:s0] =	ssyncadd.s32 @!p0 s1  }
0xb3: {  	[bflag:$0x3] =	sbarrier.arrive $0xFFFF  }
0xb4: {  	_ =	shalt  }

// kernel: kernel.17.cloned.1.call-start
scs
__scs_entry_jumppad:
0x0: {  	(pc) =	sbr.rel $0x88, $3  }
0x1: {  	(tag) =	ssettag $0x0;
	lr =	simm.s32 $0x1  }
0x2: {  	[smem:$0x3F97] =	sst lr;
	_ =	strace $0xD0000000  }
0x3: {  	_ = 	snop  }
0x4: {  	_ = 	snop  }
0x5: {  	_ = 	snop  }
0x6: {  	_ = 	snop  }
0x7: {  	_ = 	snop  }
__scs_overlays_trampoline_lowered:
0x8: {  	[smem:$0x3FA6] =	sst s0  }
0x9: {  	[smem:$0x3FA7] =	sst s1  }
0xa: {  	[smem:$0x3FA8] =	sst s2  }
0xb: {  	[smem:$0x3FA9] =	sst s3  }
0xc: {  	[smem:$0x3FAA] =	sst s4  }
0xd: {  	[smem:$0x3FAB] =	sst s5  }
0xe: {  	[smem:$0x3FAC] =	sst s6  }
0xf: {  	[smem:$0x3FAD] =	sst s7  }
0x10: {  	[smem:$0x3FAE] =	sst s8  }
0x11: {  	[smem:$0x3FAF] =	sst s9;
	s0 =	simm.s32 @!p0 $0x0  }
0x12: {  	s1 =	sld [smem:$0x3F95];
	s0 =	simm.s32 @p0 $0x1  }
0x13: {  	[smem:$0x3FB0] =	sst s0;
	s0 =	simm.s32 @!p1 $0x0  }
0x14: {  	s2 =	sld [smem:$0x3F94];
	s0 =	simm.s32 @p1 $0x1  }
0x15: {  	[smem:$0x3FB1] =	sst s0;
	s0 =	simm.s32 @!p2 $0x0  }
0x16: {  	s3 =	sld [smem:$0x3FDB];
	s0 =	simm.s32 @p2 $0x1  }
0x17: {  	s4 =	simm.s32 $0x1BF5;
	[smem:$0x3FB3] =	sst s0  }
0x18: {  	s0 =	sld [smem:$0x3F96];
	_ =	swait.ge [sflag:s4], $0x0  }
0x19: {  	s7 =	sld [smem:$0x3F97]  }
0x1a: {  	s8 =	sadd.s32 $0xFFFFE003, lr  }
0x1b: {  	s9 =	sadd.s32 $0xFFFFFEF7, lr;
	s5 =	simm.s32 $0xFFFFFFFF;
	p2 =	slt.u32 s8, $0xFFFFF086  }
0x1c: {  	p1 =	slt.u32 s9, $0xF7A;
	s5 =	simm.s32 @!p2 $0x0  }
0x1d: {  	s5 =	simm.s32 @p1 $0x1;
	p0 =	seq.s32 s7, s2  }
0x1e: {  	s7 =	smul.u32 @!p0 $0xF7A, s2;
	p2 =	seq.s32 @!p0 s5, $0x0  }
0x1f: {  	s9 =	smul.u32 $0xF7A, s1;
	s8 =	simm.s32 @!p0 $0x1BF5;
	p2 =	por !p2, p0  }
0x20: {  	[sflag:s8] =	ssyncset.s32 @!p0 $0xFFFFF086;
	s6 =	sadd.s32 @!p0 s3, s7;
	s7 =	simm.s32 @!p0 $0x108  }
0x21: {  	s3 =	sadd.s32 s3, s9;
	s6 =	sadd.s32 @!p0 $0x88, s6;
	s7 =	simm.s32 @p2 $0x1082  }
0x22: {  	[simem:s7], [sflag:s8] =	dma.local @!p0 [hbm:s6], $0xF7A  }
0x23: {  	s9 =	sor.u32 $0xD0000000, s2;
	s6 =	simm.s32 $0x108;
	_ =	swait.ge @!p0 [sflag:s8], $0x0  }
0x24: {  	s3 =	sadd.s32 $0x88, s3;
	s6 =	simm.s32 @!p1 $0x1082;
	[sflag:s4] =	ssyncset.s32 $0xFFFFF086  }
0x25: {  	[simem:s6], [sflag:s4] =	dma.local [hbm:s3], $0xF7A  }
0x26: {  	[smem:$0x3F97] =	sst s1;
	(tag) =	ssettag s2;
	_ =	strace s9  }
0x27: {  	s1 =	sld [smem:$0x3FA7]  }
0x28: {  	s2 =	sld [smem:$0x3FA8]  }
0x29: {  	s4 =	sld [smem:$0x3FAA]  }
0x2a: {  	p0 =	seq.s32 s5, $0x0;
	s5 =	sld [smem:$0x3FAB]  }
0x2b: {  	s6 =	sld [smem:$0x3FAC]  }
0x2c: {  	s7 =	sld [smem:$0x3FAD]  }
0x2d: {  	s3 =	simm.s32 $0x108;
	s8 =	sld [smem:$0x3FAE]  }
0x2e: {  	s3 =	simm.s32 @!p0 $0x1082;
	s9 =	sld [smem:$0x3FAF]  }
0x2f: {  	lr =	sadd.s32 s0, s3;
	s0 =	sld [smem:$0x3FA6]  }
0x30: {  	s3 =	sld [smem:$0x3FA9]  }
0x31: {  	[smem:$0x3FB2] =	sst s10  }
0x32: {  	s10 =	sld [smem:$0x3FB0];
	_ =	sdelay $0x3  }
0x33: {  	p0 =	seq.s32 s10, $0x1;
	s10 =	sld [smem:$0x3FB2];
	_ =	sdelay $0x3  }
0x34: {  	[smem:$0x3FB2] =	sst s10  }
0x35: {  	s10 =	sld [smem:$0x3FB1];
	_ =	sdelay $0x3  }
0x36: {  	p1 =	seq.s32 s10, $0x1;
	s10 =	sld [smem:$0x3FB2];
	_ =	sdelay $0x3  }
0x37: {  	[smem:$0x3FB2] =	sst s10  }
0x38: {  	s10 =	sld [smem:$0x3FB3]  }
0x39: {  	_ = 	snop;
	(pc) =	sbr.ind lr, $3  }
0x3a: {  	_ = 	snop  }
0x3b: {  	_ = 	snop  }
0x3c: {  	p2 =	seq.s32 s10, $0x1;
	s10 =	sld [smem:$0x3FB2]  }
0x3d: {  	_ =	shalt  }
0x3e: {  	_ =	shalt  }
0x3f: {  	_ =	shalt  }
0x40: {  	_ =	shalt  }
0x41: {  	_ =	shalt  }
0x42: {  	_ =	shalt  }
0x43: {  	_ =	shalt  }
0x44: {  	_ =	shalt  }
0x45: {  	_ =	shalt  }
0x46: {  	_ =	shalt  }
0x47: {  	_ =	shalt  }
0x48: {  	_ =	shalt  }
0x49: {  	_ =	shalt  }
0x4a: {  	_ =	shalt  }
0x4b: {  	_ =	shalt  }
0x4c: {  	_ =	shalt  }
0x4d: {  	_ =	shalt  }
0x4e: {  	_ =	shalt  }
0x4f: {  	_ =	shalt  }
0x50: {  	_ =	shalt  }
0x51: {  	_ =	shalt  }
0x52: {  	_ =	shalt  }
0x53: {  	_ =	shalt  }
0x54: {  	_ =	shalt  }
0x55: {  	_ =	shalt  }
0x56: {  	_ =	shalt  }
0x57: {  	_ =	shalt  }
0x58: {  	_ =	shalt  }
0x59: {  	_ =	shalt  }
0x5a: {  	_ =	shalt  }
0x5b: {  	_ =	shalt  }
0x5c: {  	_ =	shalt  }
0x5d: {  	_ =	shalt  }
0x5e: {  	_ =	shalt  }
0x5f: {  	_ =	shalt  }
0x60: {  	_ =	shalt  }
0x61: {  	_ =	shalt  }
0x62: {  	_ =	shalt  }
0x63: {  	_ =	shalt  }
0x64: {  	_ =	shalt  }
0x65: {  	_ =	shalt  }
0x66: {  	_ =	shalt  }
0x67: {  	_ =	shalt  }
0x68: {  	_ =	shalt  }
0x69: {  	_ =	shalt  }
0x6a: {  	_ =	shalt  }
0x6b: {  	_ =	shalt  }
0x6c: {  	_ =	shalt  }
0x6d: {  	_ =	shalt  }
0x6e: {  	_ =	shalt  }
0x6f: {  	_ =	shalt  }
0x70: {  	_ =	shalt  }
0x71: {  	_ =	shalt  }
0x72: {  	_ =	shalt  }
0x73: {  	_ =	shalt  }
0x74: {  	_ =	shalt  }
0x75: {  	_ =	shalt  }
0x76: {  	_ =	shalt  }
0x77: {  	_ =	shalt  }
0x78: {  	_ =	shalt  }
0x79: {  	_ =	shalt  }
0x7a: {  	_ =	shalt  }
0x7b: {  	_ =	shalt  }
0x7c: {  	_ =	shalt  }
0x7d: {  	_ =	shalt  }
0x7e: {  	_ =	shalt  }
0x7f: {  	_ =	shalt  }
0x80: {  	_ =	shalt  }
0x81: {  	_ =	shalt  }
0x82: {  	_ =	shalt  }
0x83: {  	_ =	shalt  }
0x84: {  	_ =	shalt  }
0x85: {  	_ =	shalt  }
0x86: {  	_ =	shalt  }
0x87: {  	_ =	shalt  }
.Lfunc_end0:
.L_simem_size_0:
called_computation.2_lowered:
.L_overlay_start_0:
0x88: {  	s2 =	sld [smem:$0x3FD9]  }
0x89: {  	s3 =	sld [smem:$0x3FFE];
	_ =	sdelay $0x1  }
0x8a: {  	s1 =	srdreg.scid  }
0x8b: {  	s0 =	sand.u32 $0x1, s1  }
0x8c: {  	s16 =	sshll.u32 s0, $0xA;
	s2 =	sadd.s32 s3, s2  }
0x8d: {  	s2 =	sadd.s32 s2, s16  }
0x8e: {  	[smem:$0x3FBE] =	sst s2  }
0x8f: {  	_ = 	snop  }
0x90: {  	(tm) =	ssettm $0x1  }
0x91: {  	s17 =	sld [smem:$0x3FFB];
	_ =	sdelay $0x3  }
0x92: {  	_ =	strace s17  }
0x93: {  	s2 =	sld [smem:$0x3FFC];
	_ =	sdelay $0x3  }
0x94: {  	_ =	strace s2  }
0x95: {  	s2 =	sld [smem:$0x3FFD];
	_ =	sdelay $0x3  }
0x96: {  	_ =	strace s2  }
0x97: {  	_ =	strace $0x8FFFFFFF  }
0x98: {  	s18 =	sld [smem:$0x3FDB];
	_ =	sdelay $0x1  }
0x99: {  	s19 =	simm.s32 $_scs_section_size  }
0x9a: {  	s4 =	simm.s32 $_size__tile_overlayer_lowered;
	s5 =	simm.s32 $_tile_overlayer_lowered  }
0x9b: {  	s22 =	simm.s32 $0x1BFF;
	s21 =	sshll.u32 s5, $0x1;
	s2 =	sadd.s32 s19, s18  }
0x9c: {  	s6 =	simm.s32 $0x0;
	s20 =	sshll.u32 s4, $0x1;
	s4 =	sadd.s32 s21, s2  }
0x9d: {  	[timem:s6], [sflag:s22] =	dma.local [hbm:s4], s20  }
0x9e: {  	_ =	swait.ge [sflag:s22], s20  }
0x9f: {  	s3 =	ssub.s32 $0x0, s20;
	[sflag:s22] =	ssyncset.done $0x0  }
0xa0: {  	[sflag:s22] =	ssyncadd.s32 s3;
	_ =	sdelay $0x1  }
0xa1: {  	s23 =	simm.s32 $0x1B8B  }
0xa2: {  	_ =	swait.ge [sflag:s23], $0x1  }
0xa3: {  	[sflag:s23] =	ssyncset.done $0x0  }
0xa4: {  	s25 =	simm.s32 $0x1B8E;
	s24 =	sld [smem:$0x3FFE];
	[sflag:s23] =	ssyncadd.s32 $0xFFFFFFFF  }
0xa5: {  	s26 =	simm.s32 $execute0_lowered;
	[smem:$0x3FD2] =	sst s25  }
0xa6: {  	s4 =	sshll.u32 s26, $0x1;
	_ =	strace $0x8000004C;
	[dreg:$0x1] =	wrdreg $0xFFFFFFFF  }
0xa7: {  	s28 =	simm.s32 $_size_execute0_lowered;
	s2 =	sadd.s32 s2, s4;
	[dreg:$0x0] =	wrdreg $0x0  }
0xa8: {  	s4 =	sshll.u32 s28, $0x1;
	[dreg:$0x2] =	wrdreg s2  }
0xa9: {  	[dreg:$0x3] =	wrdreg s4  }
0xaa: {  	[dreg:$0x4] =	wrdreg $0xC0  }
0xab: {  	_ =	task [dreg:s6], $0x5FFFF  }
0xac: {  	[dreg:$0x1] =	wrdreg $0xFFFFFFFF  }
0xad: {  	[dreg:$0x0] =	wrdreg $0x60  }
0xae: {  	[dreg:$0x2] =	wrdreg s24  }
0xaf: {  	[dreg:$0x3] =	wrdreg $0xD0000  }
0xb0: {  	[dreg:$0x4] =	wrdreg $0x9  }
0xb1: {  	_ =	task.clear_ibuf [dreg:s6], $0x5FFFF;
	_ =	strace $0x9000004C  }
0xb2: {  	s29 =	simm.s32 $0x9;
	_ =	strace $0x8000004E  }
0xb3: {  	_ =	swait.ge [sflag:s29], $0x1  }
0xb4: {  	[sflag:s29] =	ssyncadd.s32 $0xFFFFFFFF  }
0xb5: {  	_ =	strace $0x9000004E  }
0xb6: {  	_ =	sfence  }
0xb7: {  	s30 =	sld [smem:$0x0];
	_ =	sdelay $0x2  }
0xb8: {  	s31 =	sshll.u32 s1, $0xD;
	s1 =	sshrl.u32 s1, $0x2  }
0xb9: {  	s3 =	sand.u32 $0x4000, s31;
	s1 =	sadd.s32 s1, s30  }
0xba: {  	s0 =	sor.u32 s3, s0;
	s1 =	sshll.u32 s1, $0x11  }
0xbb: {  	s0 =	sor.u32 s1, s0  }
0xbc: {  	s0 =	sadd.s32 $0x8F2B, s0  }
0xbd: {  	[sflag:s0] =	ssyncadd.remote.s32 $0x1  }
0xbe: {  	_ =	sfence.sel $0xFFFF  }
0xbf: {  	[dreg:$0x0] =	wrdreg $0xFFFFFFFF;
	(pc) =	sbr.abs _section_cstart, $3  }
0xc0: {  	[dreg:$0x1] =	wrdreg $0xFFFFFFFF  }
0xc1: {  	_ =	task.clear_ibuf [dreg:s6], $0x2FFFF;
	_ =	strace $0x9FFFFFFF  }
0xc2: {  	(tm) =	ssettm $0x7FFFFFFF  }
0xc3: {  	_ =	shalt  }
tec
execute0_lowered:
.L_overlay_start_1:
0x0: {  	(tag) =	ssettag $0x1  }
0x1: {  	s0 =	rddreg [dreg:$0x0]  }
0x2: {  	s2 =	rddreg [dreg:$0x1]  }
0x3: {  	s4 =	srdreg.scid;
	s1 =	stileid.u32;
	s3 =	simm.s32 $0x0  }
0x4: {  	s17 =	simm.s32 $0x9800;
	s19 =	simm.s32 $0xA000;
	s21 =	simm.s32 $0x9  }
0x5: {  	s22 =	simm.s32 $0x1;
	s23 =	simm.s32 $0x2;
	s24 =	simm.s32 $0x3  }
0x6: {  	s25 =	simm.s32 $0x4;
	s26 =	simm.s32 $0x5;
	s28 =	simm.s32 $0x6  }
0x7: {  	s29 =	simm.s32 $0x7;
	s30 =	simm.s32 $0x8;
	s10 =	smul.u32 $0x2800, s1  }
0x8: {  	s13 =	sand.u32 $0x1, s4;
	[smem:$0x7FF] =	sst s3;
	s7 =	smul.u32 $0x180, s1  }
0x9: {  	s4 =	sadd.s32 $0xD200, s0;
	s8 =	sadd.s32 $0x17200, s0;
	s12 =	smul.u32 $0x880, s1  }
0xa: {  	s9 =	sadd.s32 $0x3200, s0;
	s5 =	smul.u32 $0x28000, s13;
	s6 =	ssub.s32 $0x2, s13  }
0xb: {  	_ =	strace $0x8000004D;
	p0 =	seq.s32 s13, $0x0;
	s11 =	sshrl.u32 s6, $0x1  }
0xc: {  	s7 =	sadd.s32 $0x8800, s7;
	s5 =	sadd.s32 s10, s5;
	s14 =	ssub.s32 s6, s11  }
0xd: {  	s6 =	sadd.s32 s8, s7;
	s7 =	sadd.s32 s9, s7;
	s5 =	sshrl.u32 s5, $0x3  }
0xe: {  	s8 =	sadd.s32 s8, s12;
	s0 =	sadd.s32 s5, s0;
	s5 =	simm.s32 $0x88  }
0xf: {  	s9 =	sadd.s32 s9, s12;
	s10 =	sadd.s32 s10, s2;
	s5 =	simm.s32 @!p0 $0x18  }
0x10: {  	s12 =	smax.u32 s14, $0x1;
	s14 =	simm.s32 $0x8800;
	s31 =	sshll.u32 s5, $0x9  }
0x11: {  	s11 =	sadd.s32 $0x21200, s0;
	p0 =	sne.s32 s13, $0x0;
	s15 =	sadd.s32 $0xFFFFF800, s31  }
0x12: {  	v0 =	vimm.f32 $0.0e+00;
	s13 =	simm.s32 $0x80;
	[dreg:$0x3] =	wrdreg s15;
	s15 =	simm.s32 $0x9000  }
.LBB2_1:
0x13: {  	s0 =	simm.s32 $0x40;
	s31 =	simm.s32 $0x0  }
.LBB2_2:
0x14: {  	p1 =	sne.s32 s0, $0x9FC0;
	[tilespmem:s31+$0xA800] =	vst v0;
	s31 =	smov.u32 s0;
	s0 =	sadd.s32 $0x40, s0  }
.Ltmp0:
0x15: {  	(pc) =	sbr.rel @p1 .LBB2_2-.Ltmp0, $2  }
0x16: {  	_ =	sdelay $0x2  }
0x17: {  	s31 =	sshra.s32 s31, $0x2  }
0x18: {  	[tilespmem:s31+$0xA800] =	vst v0;
	s0 =	simm.s32 @p0 $0x0;
	s31 =	simm.s32 @p0 $0x9  }
0x19: {  	[tilespmem:s0], [sflag:$0x9] =	stream.linear.gather @p0 [hbm4b:s6+s0], $0xC00, $0x38;
	[tilespmem:$0xF800] =	vst v63  }
0x1a: {  	_ =	swait.ge @p0 [sflag:s31], $0xC00  }
0x1b: {  	[sflag:s31] =	ssyncset.done @p0 $0x0  }
0x1c: {  	s1 =	simm.s32 @p0 $0x4400;
	[sflag:s31] =	ssyncadd.s32 @p0 $0xFFFFF400  }
0x1d: {  	[tilespmem:s1], [sflag:$0x9] =	stream.linear.gather @p0 [hbm4b:s7+s0], $0xC00, $0x38;
	[tilespmem:$0xF800] =	vst v63  }
0x1e: {  	_ =	swait.ge @p0 [sflag:s31], $0xC00  }
0x1f: {  	[sflag:s31] =	ssyncset.done @p0 $0x0  }
0x20: {  	s0 =	simm.s32 @!p0 $0x0;
	s1 =	simm.s32 @!p0 $0x9;
	[sflag:s31] =	ssyncadd.s32 @p0 $0xFFFFF400  }
0x21: {  	[tilespmem:s0], [sflag:$0x9] =	stream.linear.gather @!p0 [hbm4b:s8+s0], $0x4400, $0x38;
	[tilespmem:$0xF800] =	vst v63  }
0x22: {  	_ =	swait.ge @!p0 [sflag:s1], $0x4400  }
0x23: {  	[sflag:s1] =	ssyncset.done @!p0 $0x0  }
0x24: {  	s31 =	simm.s32 @!p0 $0x4400;
	[sflag:s1] =	ssyncadd.s32 @!p0 $0xFFFFBC00  }
0x25: {  	[tilespmem:s31], [sflag:$0x9] =	stream.linear.gather @!p0 [hbm4b:s9+s0], $0x4400, $0x38;
	[tilespmem:$0xF800] =	vst v63  }
0x26: {  	_ =	swait.ge @!p0 [sflag:s1], $0x4400  }
0x27: {  	[sflag:s1] =	ssyncset.done @!p0 $0x0  }
0x28: {  	s31 =	simm.s32 $0x0;
	[sflag:s1] =	ssyncadd.s32 @!p0 $0xFFFFBC00  }
0x29: {  	[tilespmem:s14], [sflag:$0x1] =	stream.indirect.gather [hbm4b:s4+s13], $0x10, s31, s13, $0xb8;
	[tilespmem:$0xF800] =	vst v63  }
0x2a: {  	_ = 	snop  }
0x2b: {  	[tilespmem:s15], [sflag:$0x2] =	stream.indirect.gather [hbm4b:s4+s13], $0x10, s13, s13, $0xb8;
	[tilespmem:$0xF800] =	vst v63  }
0x2c: {  	s16 =	simm.s32 $0x100  }
0x2d: {  	[tilespmem:s17], [sflag:$0x3] =	stream.indirect.gather [hbm4b:s4+s13], $0x10, s16, s13, $0xb8;
	[tilespmem:$0xF800] =	vst v63  }
0x2e: {  	s18 =	simm.s32 $0x180  }
0x2f: {  	[tilespmem:s19], [sflag:$0x4] =	stream.indirect.gather [hbm4b:s4+s13], $0x10, s18, s13, $0xb8;
	[tilespmem:$0xF800] =	vst v63  }
0x30: {  	s20 =	simm.s32 $0xA800  }
0x31: {  	[spmem:s10] =	stream.linear.scatter [tilespmem:s20], [sflag:$0x9], $0x2800, $0x38;
	[tilespmem:$0xF800] =	vst v63  }
0x32: {  	_ =	swait.ge [sflag:s21], $0x2800  }
0x33: {  	[sflag:s21] =	ssyncset.done $0x0  }
0x34: {  	[sflag:s21] =	ssyncadd.s32 $0xFFFFD800  }
0x35: {  	s0 =	simm.s32 $0x7;
	[bflag:$0x0] =	sbarrier.arrive $0xFFFF  }
.LBB2_4:
0x36: {  	_ =	swait.ge [sflag:s22], $0x800  }
0x37: {  	s1 =	sshra.s32 s31, $0x2;
	[sflag:s22] =	ssyncset.done $0x0  }
0x38: {  	s16 =	sadd.s32 $0x4400, s1;
	[sflag:s22] =	ssyncadd.s32 $0xFFFFF800  }
0x39: {  	[spmem:s2] =	stream.indirect.scatter.add.f32 [tilespmem:s14], [sflag:$0x5], $0x10, s16, s13, $0xb8;
	[tilespmem:$0xF800] =	vst v63  }
0x3a: {  	_ =	swait.ge [sflag:s23], $0x800  }
0x3b: {  	[sflag:s23] =	ssyncset.done $0x0  }
0x3c: {  	s18 =	sadd.s32 $0x4480, s1;
	[sflag:s23] =	ssyncadd.s32 $0xFFFFF800  }
0x3d: {  	[spmem:s2] =	stream.indirect.scatter.add.f32 [tilespmem:s15], [sflag:$0x6], $0x10, s18, s13, $0xb8;
	[tilespmem:$0xF800] =	vst v63  }
0x3e: {  	_ =	swait.ge [sflag:s24], $0x800  }
0x3f: {  	[sflag:s24] =	ssyncset.done $0x0  }
0x40: {  	s20 =	sadd.s32 $0x4500, s1;
	[sflag:s24] =	ssyncadd.s32 $0xFFFFF800  }
0x41: {  	[spmem:s2] =	stream.indirect.scatter.add.f32 [tilespmem:s17], [sflag:$0x7], $0x10, s20, s13, $0xb8;
	[tilespmem:$0xF800] =	vst v63  }
0x42: {  	_ =	swait.ge [sflag:s25], $0x800  }
0x43: {  	s16 =	sadd.s32 $0xFFFFFFFD, s0;
	[sflag:s25] =	ssyncset.done $0x0  }
0x44: {  	s1 =	sadd.s32 $0x4580, s1;
	p1 =	sge.u32 s16, s5;
	[sflag:s25] =	ssyncadd.s32 $0xFFFFF800  }
0x45: {  	[spmem:s2] =	stream.indirect.scatter.add.f32 [tilespmem:s19], [sflag:$0x8], $0x10, s1, s13, $0xb8;
	[tilespmem:$0xF800] =	vst v63  }
0x46: {  	s1 =	simm.s32 @!p1 $0x5  }
0x47: {  	_ =	swait.ge @!p1 [sflag:s1], $0x800  }
0x48: {  	[sflag:s1] =	ssyncset.done @!p1 $0x0  }
0x49: {  	[sflag:s1] =	ssyncadd.s32 @!p1 $0xFFFFF800;
	s1 =	sshra.s32 @!p1 s31, $0x2  }
0x4a: {  	s16 =	simm.s32 @!p1 $0x80;
	s18 =	simm.s32 @!p1 $0x8800;
	s1 =	sadd.s32 @!p1 $0x200, s1  }
0x4b: {  	[tilespmem:s18], [sflag:$0x1] =	stream.indirect.gather @!p1 [hbm4b:s4+s16], $0x10, s1, s16, $0xb8;
	[tilespmem:$0xF800] =	vst v63  }
0x4c: {  	s18 =	sadd.s32 $0xFFFFFFFE, s0  }
0x4d: {  	p1 =	sge.u32 s18, s5  }
0x4e: {  	s1 =	simm.s32 @!p1 $0x6  }
0x4f: {  	_ =	swait.ge @!p1 [sflag:s1], $0x800  }
0x50: {  	[sflag:s1] =	ssyncset.done @!p1 $0x0  }
0x51: {  	s20 =	sadd.s32 $0xFFFFFFFF, s0;
	[sflag:s1] =	ssyncadd.s32 @!p1 $0xFFFFF800;
	s1 =	sshra.s32 @!p1 s31, $0x2  }
0x52: {  	s16 =	simm.s32 @!p1 $0x80;
	s18 =	simm.s32 @!p1 $0x9000;
	s1 =	sadd.s32 @!p1 $0x280, s1  }
0x53: {  	[tilespmem:s18], [sflag:$0x2] =	stream.indirect.gather @!p1 [hbm4b:s4+s16], $0x10, s1, s16, $0xb8;
	[tilespmem:$0xF800] =	vst v63  }
0x54: {  	p1 =	sge.u32 s20, s5  }
0x55: {  	s1 =	simm.s32 @!p1 $0x7  }
0x56: {  	_ =	swait.ge @!p1 [sflag:s1], $0x800  }
0x57: {  	[sflag:s1] =	ssyncset.done @!p1 $0x0  }
0x58: {  	[sflag:s1] =	ssyncadd.s32 @!p1 $0xFFFFF800;
	s1 =	sshra.s32 @!p1 s31, $0x2  }
0x59: {  	s16 =	simm.s32 @!p1 $0x80;
	s18 =	simm.s32 @!p1 $0x9800;
	s1 =	sadd.s32 @!p1 $0x300, s1  }
0x5a: {  	[tilespmem:s18], [sflag:$0x3] =	stream.indirect.gather @!p1 [hbm4b:s4+s16], $0x10, s1, s16, $0xb8;
	[tilespmem:$0xF800] =	vst v63  }
0x5b: {  	p1 =	sge.u32 s0, s5  }
0x5c: {  	s1 =	simm.s32 @!p1 $0x8  }
0x5d: {  	s16 =	sshra.s32 @!p1 s31, $0x2;
	s18 =	simm.s32 @!p1 $0xA000;
	_ =	swait.ge @!p1 [sflag:s1], $0x800  }
0x5e: {  	s31 =	sadd.s32 $0x800, s31;
	[sflag:s1] =	ssyncset.done @!p1 $0x0;
	s20 =	rddreg [dreg:$0x3]  }
0x5f: {  	[sflag:s1] =	ssyncadd.s32 @!p1 $0xFFFFF800;
	s1 =	sadd.s32 @!p1 $0x380, s16;
	s16 =	simm.s32 @!p1 $0x80  }
0x60: {  	[tilespmem:s18], [sflag:$0x4] =	stream.indirect.gather @!p1 [hbm4b:s4+s16], $0x10, s1, s16, $0xb8;
	[tilespmem:$0xF800] =	vst v63  }
0x61: {  	p1 =	sne.s32 s20, s31  }
.Ltmp1:
0x62: {  	_ = 	snop;
	(pc) =	sbr.rel @p1 .LBB2_4-.Ltmp1, $2  }
0x63: {  	_ =	sdelay $0x2  }
0x64: {  	s0 =	sadd.s32 $0x4, s0  }
0x65: {  	_ =	swait.ge [sflag:s22], $0x800  }
0x66: {  	s1 =	sshra.s32 s31, $0x2;
	[sflag:s22] =	ssyncset.done $0x0  }
0x67: {  	s16 =	sadd.s32 $0x4400, s1;
	[sflag:s22] =	ssyncadd.s32 $0xFFFFF800  }
0x68: {  	[spmem:s2] =	stream.indirect.scatter.add.f32 [tilespmem:s14], [sflag:$0x5], $0x10, s16, s13, $0xb8;
	[tilespmem:$0xF800] =	vst v63  }
0x69: {  	_ =	swait.ge [sflag:s23], $0x800  }
0x6a: {  	[sflag:s23] =	ssyncset.done $0x0  }
0x6b: {  	s20 =	sadd.s32 $0x4480, s1;
	[sflag:s23] =	ssyncadd.s32 $0xFFFFF800  }
0x6c: {  	[spmem:s2] =	stream.indirect.scatter.add.f32 [tilespmem:s15], [sflag:$0x6], $0x10, s20, s13, $0xb8;
	[tilespmem:$0xF800] =	vst v63  }
0x6d: {  	_ =	swait.ge [sflag:s24], $0x800  }
0x6e: {  	[sflag:s24] =	ssyncset.done $0x0  }
0x6f: {  	s18 =	sadd.s32 $0x4500, s1;
	[sflag:s24] =	ssyncadd.s32 $0xFFFFF800  }
0x70: {  	[spmem:s2] =	stream.indirect.scatter.add.f32 [tilespmem:s17], [sflag:$0x7], $0x10, s18, s13, $0xb8;
	[tilespmem:$0xF800] =	vst v63  }
0x71: {  	_ =	swait.ge [sflag:s25], $0x800  }
0x72: {  	s20 =	sadd.s32 $0xFFFFFFFD, s0;
	[sflag:s25] =	ssyncset.done $0x0  }
0x73: {  	s1 =	sadd.s32 $0x4580, s1;
	p1 =	sge.u32 s20, s5;
	[sflag:s25] =	ssyncadd.s32 $0xFFFFF800  }
0x74: {  	[spmem:s2] =	stream.indirect.scatter.add.f32 [tilespmem:s19], [sflag:$0x8], $0x10, s1, s13, $0xb8;
	[tilespmem:$0xF800] =	vst v63  }
0x75: {  	s1 =	simm.s32 @!p1 $0x5  }
0x76: {  	_ =	swait.ge @!p1 [sflag:s1], $0x800  }
0x77: {  	[sflag:s1] =	ssyncset.done @!p1 $0x0  }
0x78: {  	[sflag:s1] =	ssyncadd.s32 @!p1 $0xFFFFF800;
	s1 =	sshra.s32 @!p1 s31, $0x2  }
0x79: {  	s16 =	simm.s32 @!p1 $0x80;
	s18 =	simm.s32 @!p1 $0x8800;
	s1 =	sadd.s32 @!p1 $0x200, s1  }
0x7a: {  	[tilespmem:s18], [sflag:$0x1] =	stream.indirect.gather @!p1 [hbm4b:s4+s16], $0x10, s1, s16, $0xb8;
	[tilespmem:$0xF800] =	vst v63  }
0x7b: {  	s16 =	sadd.s32 $0xFFFFFFFE, s0  }
0x7c: {  	p1 =	sge.u32 s16, s5  }
0x7d: {  	s1 =	simm.s32 @!p1 $0x6  }
0x7e: {  	_ =	swait.ge @!p1 [sflag:s1], $0x800  }
0x7f: {  	[sflag:s1] =	ssyncset.done @!p1 $0x0  }
0x80: {  	[sflag:s1] =	ssyncadd.s32 @!p1 $0xFFFFF800;
	s1 =	sshra.s32 @!p1 s31, $0x2  }
0x81: {  	s16 =	simm.s32 @!p1 $0x80;
	s18 =	simm.s32 @!p1 $0x9000;
	s1 =	sadd.s32 @!p1 $0x280, s1  }
0x82: {  	[tilespmem:s18], [sflag:$0x2] =	stream.indirect.gather @!p1 [hbm4b:s4+s16], $0x10, s1, s16, $0xb8;
	[tilespmem:$0xF800] =	vst v63  }
0x83: {  	s18 =	sadd.s32 $0xFFFFFFFF, s0  }
0x84: {  	p1 =	sge.u32 s18, s5  }
0x85: {  	s1 =	simm.s32 @!p1 $0x7  }
0x86: {  	_ =	swait.ge @!p1 [sflag:s1], $0x800  }
0x87: {  	[sflag:s1] =	ssyncset.done @!p1 $0x0  }
0x88: {  	[sflag:s1] =	ssyncadd.s32 @!p1 $0xFFFFF800;
	s1 =	sshra.s32 @!p1 s31, $0x2  }
0x89: {  	s16 =	simm.s32 @!p1 $0x80;
	s18 =	simm.s32 @!p1 $0x9800;
	s1 =	sadd.s32 @!p1 $0x300, s1  }
0x8a: {  	[tilespmem:s18], [sflag:$0x3] =	stream.indirect.gather @!p1 [hbm4b:s4+s16], $0x10, s1, s16, $0xb8;
	[tilespmem:$0xF800] =	vst v63  }
0x8b: {  	p1 =	sge.u32 s0, s5  }
0x8c: {  	s0 =	simm.s32 @!p1 $0x8  }
0x8d: {  	_ =	swait.ge @!p1 [sflag:s0], $0x800  }
0x8e: {  	[sflag:s0] =	ssyncset.done @!p1 $0x0  }
0x8f: {  	[sflag:s0] =	ssyncadd.s32 @!p1 $0xFFFFF800;
	s0 =	sshra.s32 @!p1 s31, $0x2  }
0x90: {  	s1 =	simm.s32 @!p1 $0x80;
	s16 =	simm.s32 @!p1 $0xA000;
	s0 =	sadd.s32 @!p1 $0x380, s0  }
0x91: {  	[tilespmem:s16], [sflag:$0x4] =	stream.indirect.gather @!p1 [hbm4b:s4+s1], $0x10, s0, s1, $0xb8;
	[tilespmem:$0xF800] =	vst v63  }
0x92: {  	_ =	swait.ge [sflag:s26], $0x800  }
0x93: {  	[sflag:s26] =	ssyncset.done $0x0  }
0x94: {  	[sflag:s26] =	ssyncadd.s32 $0xFFFFF800  }
0x95: {  	_ =	swait.ge [sflag:s28], $0x800  }
0x96: {  	[sflag:s28] =	ssyncset.done $0x0  }
0x97: {  	[sflag:s28] =	ssyncadd.s32 $0xFFFFF800  }
0x98: {  	_ =	swait.ge [sflag:s29], $0x800  }
0x99: {  	[sflag:s29] =	ssyncset.done $0x0  }
0x9a: {  	[sflag:s29] =	ssyncadd.s32 $0xFFFFF800  }
0x9b: {  	s3 =	sadd.s32 $0x1, s3;
	_ =	swait.ge [sflag:s30], $0x800  }
0x9c: {  	s20 =	stileid.u32;
	s31 =	sshrl.u32 s10, $0x3;
	[sflag:s30] =	ssyncset.done $0x0  }
0x9d: {  	s0 =	sshll.u32 s20, $0x6;
	p1 =	sne.s32 s3, s12;
	[sflag:s30] =	ssyncadd.s32 $0xFFFFF800  }
.Ltmp2:
0x9e: {  	s0 =	sor.u32 $0x1C09, s0;
	[bflag:$0x0] =	sbarrier.arrive $0xFFFF;
	(pc) =	sbr.rel @p1 .LBB2_1-.Ltmp2, $4  }
0x9f: {  	[hbm:s11], [sflag:s0] =	dma.local [spmem:s31], $0x500  }
0xa0: {  	_ =	swait.ge [sflag:s21], $0x500  }
0xa1: {  	[sflag:s21] =	ssyncset.done $0x0  }
0xa2: {  	[sflag:s21] =	ssyncadd.s32 $0xFFFFFB00  }
0xa3: {  	_ =	sfence.sel $0x180000  }
0xa4: {  	[bflag:$0x0] =	sbarrier.arrive $0xFFFF  }
0xa5: {  	_ =	strace $0x9000004D  }
0xa6: {  	s0 =	stileid.u32;
	[bflag:$0x2] =	sbarrier.arrive $0xFFFF  }
0xa7: {  	p0 =	sne.s32 s0, $0x0;
	s0 =	rddreg [dreg:$0x2]  }
0xa8: {  	s0 =	sadd.s32 @!p0 $0x100000, s0  }
0xa9: {  	[sflag:s0] =	ssyncadd.tile.s32 @!p0 $0x1;
	_ =	shalt  }
.Lfunc_end2:
_tile_overlayer_lowered:
.L_overlay_start_2:
0xaa: {  	(tag) =	ssettag $0x2  }
0xab: {  	s0 =	rddreg [dreg:$0x0];
	s2 =	stileid.u32  }
0xac: {  	s1 =	rddreg [dreg:$0x1];
	p0 =	sne.s32 s2, $0x0  }
0xad: {  	s3 =	rddreg [dreg:$0x2];
	[bflag:$0x3] =	sbarrier.arrive $0xFFFF;
	s2 =	simm.s32 @!p0 $0x1C09  }
0xae: {  	[timem:s3], [sflag:s2] =	dma.local @!p0 [hbm:s0], s1  }
0xaf: {  	s0 =	simm.s32 @!p0 $0x9  }
0xb0: {  	_ =	swait.ge @!p0 [sflag:s0], s1  }
0xb1: {  	s1 =	ssub.s32 @!p0 $0x0, s1;
	[sflag:s0] =	ssyncset.done @!p0 $0x0  }
0xb2: {  	[sflag:s0] =	ssyncadd.s32 @!p0 s1  }
0xb3: {  	[bflag:$0x3] =	sbarrier.arrive $0xFFFF  }
0xb4: {  	_ =	shalt  }

// kernel: kernel.20.cloned.1.call-start
scs
__scs_entry_jumppad:
0x0: {  	(pc) =	sbr.rel $0x88, $3  }
0x1: {  	(tag) =	ssettag $0x0;
	lr =	simm.s32 $0x1  }
0x2: {  	[smem:$0x3F97] =	sst lr;
	_ =	strace $0xD0000000  }
0x3: {  	_ = 	snop  }
0x4: {  	_ = 	snop  }
0x5: {  	_ = 	snop  }
0x6: {  	_ = 	snop  }
0x7: {  	_ = 	snop  }
__scs_overlays_trampoline_lowered:
0x8: {  	[smem:$0x3FA6] =	sst s0  }
0x9: {  	[smem:$0x3FA7] =	sst s1  }
0xa: {  	[smem:$0x3FA8] =	sst s2  }
0xb: {  	[smem:$0x3FA9] =	sst s3  }
0xc: {  	[smem:$0x3FAA] =	sst s4  }
0xd: {  	[smem:$0x3FAB] =	sst s5  }
0xe: {  	[smem:$0x3FAC] =	sst s6  }
0xf: {  	[smem:$0x3FAD] =	sst s7  }
0x10: {  	[smem:$0x3FAE] =	sst s8  }
0x11: {  	[smem:$0x3FAF] =	sst s9;
	s0 =	simm.s32 @!p0 $0x0  }
0x12: {  	s1 =	sld [smem:$0x3F95];
	s0 =	simm.s32 @p0 $0x1  }
0x13: {  	[smem:$0x3FB0] =	sst s0;
	s0 =	simm.s32 @!p1 $0x0  }
0x14: {  	s2 =	sld [smem:$0x3F94];
	s0 =	simm.s32 @p1 $0x1  }
0x15: {  	[smem:$0x3FB1] =	sst s0;
	s0 =	simm.s32 @!p2 $0x0  }
0x16: {  	s3 =	sld [smem:$0x3FDB];
	s0 =	simm.s32 @p2 $0x1  }
0x17: {  	s4 =	simm.s32 $0x1BF5;
	[smem:$0x3FB3] =	sst s0  }
0x18: {  	s0 =	sld [smem:$0x3F96];
	_ =	swait.ge [sflag:s4], $0x0  }
0x19: {  	s7 =	sld [smem:$0x3F97]  }
0x1a: {  	s8 =	sadd.s32 $0xFFFFE003, lr  }
0x1b: {  	s9 =	sadd.s32 $0xFFFFFEF7, lr;
	s5 =	simm.s32 $0xFFFFFFFF;
	p2 =	slt.u32 s8, $0xFFFFF086  }
0x1c: {  	p1 =	slt.u32 s9, $0xF7A;
	s5 =	simm.s32 @!p2 $0x0  }
0x1d: {  	s5 =	simm.s32 @p1 $0x1;
	p0 =	seq.s32 s7, s2  }
0x1e: {  	s7 =	smul.u32 @!p0 $0xF7A, s2;
	p2 =	seq.s32 @!p0 s5, $0x0  }
0x1f: {  	s9 =	smul.u32 $0xF7A, s1;
	s8 =	simm.s32 @!p0 $0x1BF5;
	p2 =	por !p2, p0  }
0x20: {  	[sflag:s8] =	ssyncset.s32 @!p0 $0xFFFFF086;
	s6 =	sadd.s32 @!p0 s3, s7;
	s7 =	simm.s32 @!p0 $0x108  }
0x21: {  	s3 =	sadd.s32 s3, s9;
	s6 =	sadd.s32 @!p0 $0x88, s6;
	s7 =	simm.s32 @p2 $0x1082  }
0x22: {  	[simem:s7], [sflag:s8] =	dma.local @!p0 [hbm:s6], $0xF7A  }
0x23: {  	s9 =	sor.u32 $0xD0000000, s2;
	s6 =	simm.s32 $0x108;
	_ =	swait.ge @!p0 [sflag:s8], $0x0  }
0x24: {  	s3 =	sadd.s32 $0x88, s3;
	s6 =	simm.s32 @!p1 $0x1082;
	[sflag:s4] =	ssyncset.s32 $0xFFFFF086  }
0x25: {  	[simem:s6], [sflag:s4] =	dma.local [hbm:s3], $0xF7A  }
0x26: {  	[smem:$0x3F97] =	sst s1;
	(tag) =	ssettag s2;
	_ =	strace s9  }
0x27: {  	s1 =	sld [smem:$0x3FA7]  }
0x28: {  	s2 =	sld [smem:$0x3FA8]  }
0x29: {  	s4 =	sld [smem:$0x3FAA]  }
0x2a: {  	p0 =	seq.s32 s5, $0x0;
	s5 =	sld [smem:$0x3FAB]  }
0x2b: {  	s6 =	sld [smem:$0x3FAC]  }
0x2c: {  	s7 =	sld [smem:$0x3FAD]  }
0x2d: {  	s3 =	simm.s32 $0x108;
	s8 =	sld [smem:$0x3FAE]  }
0x2e: {  	s3 =	simm.s32 @!p0 $0x1082;
	s9 =	sld [smem:$0x3FAF]  }
0x2f: {  	lr =	sadd.s32 s0, s3;
	s0 =	sld [smem:$0x3FA6]  }
0x30: {  	s3 =	sld [smem:$0x3FA9]  }
0x31: {  	[smem:$0x3FB2] =	sst s10  }
0x32: {  	s10 =	sld [smem:$0x3FB0];
	_ =	sdelay $0x3  }
0x33: {  	p0 =	seq.s32 s10, $0x1;
	s10 =	sld [smem:$0x3FB2];
	_ =	sdelay $0x3  }
0x34: {  	[smem:$0x3FB2] =	sst s10  }
0x35: {  	s10 =	sld [smem:$0x3FB1];
	_ =	sdelay $0x3  }
0x36: {  	p1 =	seq.s32 s10, $0x1;
	s10 =	sld [smem:$0x3FB2];
	_ =	sdelay $0x3  }
0x37: {  	[smem:$0x3FB2] =	sst s10  }
0x38: {  	s10 =	sld [smem:$0x3FB3]  }
0x39: {  	_ = 	snop;
	(pc) =	sbr.ind lr, $3  }
0x3a: {  	_ = 	snop  }
0x3b: {  	_ = 	snop  }
0x3c: {  	p2 =	seq.s32 s10, $0x1;
	s10 =	sld [smem:$0x3FB2]  }
0x3d: {  	_ =	shalt  }
0x3e: {  	_ =	shalt  }
0x3f: {  	_ =	shalt  }
0x40: {  	_ =	shalt  }
0x41: {  	_ =	shalt  }
0x42: {  	_ =	shalt  }
0x43: {  	_ =	shalt  }
0x44: {  	_ =	shalt  }
0x45: {  	_ =	shalt  }
0x46: {  	_ =	shalt  }
0x47: {  	_ =	shalt  }
0x48: {  	_ =	shalt  }
0x49: {  	_ =	shalt  }
0x4a: {  	_ =	shalt  }
0x4b: {  	_ =	shalt  }
0x4c: {  	_ =	shalt  }
0x4d: {  	_ =	shalt  }
0x4e: {  	_ =	shalt  }
0x4f: {  	_ =	shalt  }
0x50: {  	_ =	shalt  }
0x51: {  	_ =	shalt  }
0x52: {  	_ =	shalt  }
0x53: {  	_ =	shalt  }
0x54: {  	_ =	shalt  }
0x55: {  	_ =	shalt  }
0x56: {  	_ =	shalt  }
0x57: {  	_ =	shalt  }
0x58: {  	_ =	shalt  }
0x59: {  	_ =	shalt  }
0x5a: {  	_ =	shalt  }
0x5b: {  	_ =	shalt  }
0x5c: {  	_ =	shalt  }
0x5d: {  	_ =	shalt  }
0x5e: {  	_ =	shalt  }
0x5f: {  	_ =	shalt  }
0x60: {  	_ =	shalt  }
0x61: {  	_ =	shalt  }
0x62: {  	_ =	shalt  }
0x63: {  	_ =	shalt  }
0x64: {  	_ =	shalt  }
0x65: {  	_ =	shalt  }
0x66: {  	_ =	shalt  }
0x67: {  	_ =	shalt  }
0x68: {  	_ =	shalt  }
0x69: {  	_ =	shalt  }
0x6a: {  	_ =	shalt  }
0x6b: {  	_ =	shalt  }
0x6c: {  	_ =	shalt  }
0x6d: {  	_ =	shalt  }
0x6e: {  	_ =	shalt  }
0x6f: {  	_ =	shalt  }
0x70: {  	_ =	shalt  }
0x71: {  	_ =	shalt  }
0x72: {  	_ =	shalt  }
0x73: {  	_ =	shalt  }
0x74: {  	_ =	shalt  }
0x75: {  	_ =	shalt  }
0x76: {  	_ =	shalt  }
0x77: {  	_ =	shalt  }
0x78: {  	_ =	shalt  }
0x79: {  	_ =	shalt  }
0x7a: {  	_ =	shalt  }
0x7b: {  	_ =	shalt  }
0x7c: {  	_ =	shalt  }
0x7d: {  	_ =	shalt  }
0x7e: {  	_ =	shalt  }
0x7f: {  	_ =	shalt  }
0x80: {  	_ =	shalt  }
0x81: {  	_ =	shalt  }
0x82: {  	_ =	shalt  }
0x83: {  	_ =	shalt  }
0x84: {  	_ =	shalt  }
0x85: {  	_ =	shalt  }
0x86: {  	_ =	shalt  }
0x87: {  	_ =	shalt  }
.Lfunc_end0:
.L_simem_size_0:
called_computation.3_lowered:
.L_overlay_start_0:
0x88: {  	s2 =	sld [smem:$0x3FD9]  }
0x89: {  	s3 =	sld [smem:$0x3FFE];
	_ =	sdelay $0x1  }
0x8a: {  	s1 =	srdreg.scid  }
0x8b: {  	s0 =	sand.u32 $0x1, s1  }
0x8c: {  	s16 =	sshll.u32 s0, $0xA;
	s2 =	sadd.s32 s3, s2  }
0x8d: {  	s2 =	sadd.s32 s2, s16  }
0x8e: {  	[smem:$0x3FBE] =	sst s2  }
0x8f: {  	_ = 	snop  }
0x90: {  	(tm) =	ssettm $0x1  }
0x91: {  	s17 =	sld [smem:$0x3FFB];
	_ =	sdelay $0x3  }
0x92: {  	_ =	strace s17  }
0x93: {  	s2 =	sld [smem:$0x3FFC];
	_ =	sdelay $0x3  }
0x94: {  	_ =	strace s2  }
0x95: {  	s2 =	sld [smem:$0x3FFD];
	_ =	sdelay $0x3  }
0x96: {  	_ =	strace s2  }
0x97: {  	_ =	strace $0x8FFFFFFF  }
0x98: {  	s18 =	sld [smem:$0x3FDB];
	_ =	sdelay $0x1  }
0x99: {  	s19 =	simm.s32 $_scs_section_size  }
0x9a: {  	s4 =	simm.s32 $_size__tile_overlayer_lowered;
	s5 =	simm.s32 $_tile_overlayer_lowered  }
0x9b: {  	s22 =	simm.s32 $0x1BFF;
	s21 =	sshll.u32 s5, $0x1;
	s2 =	sadd.s32 s19, s18  }
0x9c: {  	s6 =	simm.s32 $0x0;
	s20 =	sshll.u32 s4, $0x1;
	s4 =	sadd.s32 s21, s2  }
0x9d: {  	[timem:s6], [sflag:s22] =	dma.local [hbm:s4], s20  }
0x9e: {  	_ =	swait.ge [sflag:s22], s20  }
0x9f: {  	s3 =	ssub.s32 $0x0, s20;
	[sflag:s22] =	ssyncset.done $0x0  }
0xa0: {  	[sflag:s22] =	ssyncadd.s32 s3;
	_ =	sdelay $0x1  }
0xa1: {  	s23 =	simm.s32 $0x1B8B  }
0xa2: {  	_ =	swait.ge [sflag:s23], $0x1  }
0xa3: {  	[sflag:s23] =	ssyncset.done $0x0  }
0xa4: {  	s25 =	simm.s32 $0x1B8E;
	s24 =	sld [smem:$0x3FFE];
	[sflag:s23] =	ssyncadd.s32 $0xFFFFFFFF  }
0xa5: {  	s26 =	simm.s32 $execute0_lowered;
	[smem:$0x3FD2] =	sst s25  }
0xa6: {  	s4 =	sshll.u32 s26, $0x1;
	_ =	strace $0x8000004F;
	[dreg:$0x1] =	wrdreg $0xFFFFFFFF  }
0xa7: {  	s28 =	simm.s32 $_size_execute0_lowered;
	s2 =	sadd.s32 s2, s4;
	[dreg:$0x0] =	wrdreg $0x0  }
0xa8: {  	s4 =	sshll.u32 s28, $0x1;
	[dreg:$0x2] =	wrdreg s2  }
0xa9: {  	[dreg:$0x3] =	wrdreg s4  }
0xaa: {  	[dreg:$0x4] =	wrdreg $0xC0  }
0xab: {  	_ =	task [dreg:s6], $0x5FFFF  }
0xac: {  	[dreg:$0x1] =	wrdreg $0xFFFFFFFF  }
0xad: {  	[dreg:$0x0] =	wrdreg $0x60  }
0xae: {  	[dreg:$0x2] =	wrdreg s24  }
0xaf: {  	[dreg:$0x3] =	wrdreg $0xD0000  }
0xb0: {  	[dreg:$0x4] =	wrdreg $0x9  }
0xb1: {  	_ =	task.clear_ibuf [dreg:s6], $0x5FFFF;
	_ =	strace $0x9000004F  }
0xb2: {  	s29 =	simm.s32 $0x9;
	_ =	strace $0x80000051  }
0xb3: {  	_ =	swait.ge [sflag:s29], $0x1  }
0xb4: {  	[sflag:s29] =	ssyncadd.s32 $0xFFFFFFFF  }
0xb5: {  	_ =	strace $0x90000051  }
0xb6: {  	_ =	sfence  }
0xb7: {  	s30 =	sld [smem:$0x0];
	_ =	sdelay $0x2  }
0xb8: {  	s31 =	sshll.u32 s1, $0xD;
	s1 =	sshrl.u32 s1, $0x2  }
0xb9: {  	s3 =	sand.u32 $0x4000, s31;
	s1 =	sadd.s32 s1, s30  }
0xba: {  	s0 =	sor.u32 s3, s0;
	s1 =	sshll.u32 s1, $0x11  }
0xbb: {  	s0 =	sor.u32 s1, s0  }
0xbc: {  	s0 =	sadd.s32 $0x8F2B, s0  }
0xbd: {  	[sflag:s0] =	ssyncadd.remote.s32 $0x1  }
0xbe: {  	_ =	sfence.sel $0xFFFF  }
0xbf: {  	[dreg:$0x0] =	wrdreg $0xFFFFFFFF;
	(pc) =	sbr.abs _section_cstart, $3  }
0xc0: {  	[dreg:$0x1] =	wrdreg $0xFFFFFFFF  }
0xc1: {  	_ =	task.clear_ibuf [dreg:s6], $0x2FFFF;
	_ =	strace $0x9FFFFFFF  }
0xc2: {  	(tm) =	ssettm $0x7FFFFFFF  }
0xc3: {  	_ =	shalt  }
tec
execute0_lowered:
.L_overlay_start_1:
0x0: {  	(tag) =	ssettag $0x1  }
0x1: {  	s0 =	rddreg [dreg:$0x0]  }
0x2: {  	s2 =	rddreg [dreg:$0x1]  }
0x3: {  	s4 =	srdreg.scid;
	s1 =	stileid.u32;
	s3 =	simm.s32 $0x0  }
0x4: {  	s17 =	simm.s32 $0x9800;
	s19 =	simm.s32 $0xA000;
	s21 =	simm.s32 $0x9  }
0x5: {  	s22 =	simm.s32 $0x1;
	s23 =	simm.s32 $0x2;
	s24 =	simm.s32 $0x3  }
0x6: {  	s25 =	simm.s32 $0x4;
	s26 =	simm.s32 $0x5;
	s28 =	simm.s32 $0x6  }
0x7: {  	s29 =	simm.s32 $0x7;
	s30 =	simm.s32 $0x8;
	s10 =	smul.u32 $0x2800, s1  }
0x8: {  	s13 =	sand.u32 $0x1, s4;
	[smem:$0x7FF] =	sst s3;
	s7 =	smul.u32 $0x180, s1  }
0x9: {  	s4 =	sadd.s32 $0xD200, s0;
	s8 =	sadd.s32 $0x17200, s0;
	s12 =	smul.u32 $0x880, s1  }
0xa: {  	s9 =	sadd.s32 $0x3200, s0;
	s5 =	smul.u32 $0x28000, s13;
	s6 =	ssub.s32 $0x2, s13  }
0xb: {  	_ =	strace $0x80000050;
	p0 =	seq.s32 s13, $0x0;
	s11 =	sshrl.u32 s6, $0x1  }
0xc: {  	s7 =	sadd.s32 $0x8800, s7;
	s5 =	sadd.s32 s10, s5;
	s14 =	ssub.s32 s6, s11  }
0xd: {  	s6 =	sadd.s32 s8, s7;
	s7 =	sadd.s32 s9, s7;
	s5 =	sshrl.u32 s5, $0x3  }
0xe: {  	s8 =	sadd.s32 s8, s12;
	s0 =	sadd.s32 s5, s0;
	s5 =	simm.s32 $0x88  }
0xf: {  	s9 =	sadd.s32 s9, s12;
	s10 =	sadd.s32 s10, s2;
	s5 =	simm.s32 @!p0 $0x18  }
0x10: {  	s12 =	smax.u32 s14, $0x1;
	s14 =	simm.s32 $0x8800;
	s31 =	sshll.u32 s5, $0x9  }
0x11: {  	s11 =	sadd.s32 $0x21200, s0;
	p0 =	sne.s32 s13, $0x0;
	s15 =	sadd.s32 $0xFFFFF800, s31  }
0x12: {  	v0 =	vimm.f32 $0.0e+00;
	s13 =	simm.s32 $0x80;
	[dreg:$0x3] =	wrdreg s15;
	s15 =	simm.s32 $0x9000  }
.LBB2_1:
0x13: {  	s0 =	simm.s32 $0x40;
	s31 =	simm.s32 $0x0  }
.LBB2_2:
0x14: {  	p1 =	sne.s32 s0, $0x9FC0;
	[tilespmem:s31+$0xA800] =	vst v0;
	s31 =	smov.u32 s0;
	s0 =	sadd.s32 $0x40, s0  }
.Ltmp0:
0x15: {  	(pc) =	sbr.rel @p1 .LBB2_2-.Ltmp0, $2  }
0x16: {  	_ =	sdelay $0x2  }
0x17: {  	s31 =	sshra.s32 s31, $0x2  }
0x18: {  	[tilespmem:s31+$0xA800] =	vst v0;
	s0 =	simm.s32 @p0 $0x0;
	s31 =	simm.s32 @p0 $0x9  }
0x19: {  	[tilespmem:s0], [sflag:$0x9] =	stream.linear.gather @p0 [hbm4b:s6+s0], $0xC00, $0x38;
	[tilespmem:$0xF800] =	vst v63  }
0x1a: {  	_ =	swait.ge @p0 [sflag:s31], $0xC00  }
0x1b: {  	[sflag:s31] =	ssyncset.done @p0 $0x0  }
0x1c: {  	s1 =	simm.s32 @p0 $0x4400;
	[sflag:s31] =	ssyncadd.s32 @p0 $0xFFFFF400  }
0x1d: {  	[tilespmem:s1], [sflag:$0x9] =	stream.linear.gather @p0 [hbm4b:s7+s0], $0xC00, $0x38;
	[tilespmem:$0xF800] =	vst v63  }
0x1e: {  	_ =	swait.ge @p0 [sflag:s31], $0xC00  }
0x1f: {  	[sflag:s31] =	ssyncset.done @p0 $0x0  }
0x20: {  	s0 =	simm.s32 @!p0 $0x0;
	s1 =	simm.s32 @!p0 $0x9;
	[sflag:s31] =	ssyncadd.s32 @p0 $0xFFFFF400  }
0x21: {  	[tilespmem:s0], [sflag:$0x9] =	stream.linear.gather @!p0 [hbm4b:s8+s0], $0x4400, $0x38;
	[tilespmem:$0xF800] =	vst v63  }
0x22: {  	_ =	swait.ge @!p0 [sflag:s1], $0x4400  }
0x23: {  	[sflag:s1] =	ssyncset.done @!p0 $0x0  }
0x24: {  	s31 =	simm.s32 @!p0 $0x4400;
	[sflag:s1] =	ssyncadd.s32 @!p0 $0xFFFFBC00  }
0x25: {  	[tilespmem:s31], [sflag:$0x9] =	stream.linear.gather @!p0 [hbm4b:s9+s0], $0x4400, $0x38;
	[tilespmem:$0xF800] =	vst v63  }
0x26: {  	_ =	swait.ge @!p0 [sflag:s1], $0x4400  }
0x27: {  	[sflag:s1] =	ssyncset.done @!p0 $0x0  }
0x28: {  	s31 =	simm.s32 $0x0;
	[sflag:s1] =	ssyncadd.s32 @!p0 $0xFFFFBC00  }
0x29: {  	[tilespmem:s14], [sflag:$0x1] =	stream.indirect.gather [hbm4b:s4+s13], $0x10, s31, s13, $0xb8;
	[tilespmem:$0xF800] =	vst v63  }
0x2a: {  	_ = 	snop  }
0x2b: {  	[tilespmem:s15], [sflag:$0x2] =	stream.indirect.gather [hbm4b:s4+s13], $0x10, s13, s13, $0xb8;
	[tilespmem:$0xF800] =	vst v63  }
0x2c: {  	s16 =	simm.s32 $0x100  }
0x2d: {  	[tilespmem:s17], [sflag:$0x3] =	stream.indirect.gather [hbm4b:s4+s13], $0x10, s16, s13, $0xb8;
	[tilespmem:$0xF800] =	vst v63  }
0x2e: {  	s18 =	simm.s32 $0x180  }
0x2f: {  	[tilespmem:s19], [sflag:$0x4] =	stream.indirect.gather [hbm4b:s4+s13], $0x10, s18, s13, $0xb8;
	[tilespmem:$0xF800] =	vst v63  }
0x30: {  	s20 =	simm.s32 $0xA800  }
0x31: {  	[spmem:s10] =	stream.linear.scatter [tilespmem:s20], [sflag:$0x9], $0x2800, $0x38;
	[tilespmem:$0xF800] =	vst v63  }
0x32: {  	_ =	swait.ge [sflag:s21], $0x2800  }
0x33: {  	[sflag:s21] =	ssyncset.done $0x0  }
0x34: {  	[sflag:s21] =	ssyncadd.s32 $0xFFFFD800  }
0x35: {  	s0 =	simm.s32 $0x7;
	[bflag:$0x0] =	sbarrier.arrive $0xFFFF  }
.LBB2_4:
0x36: {  	_ =	swait.ge [sflag:s22], $0x800  }
0x37: {  	s1 =	sshra.s32 s31, $0x2;
	[sflag:s22] =	ssyncset.done $0x0  }
0x38: {  	s16 =	sadd.s32 $0x4400, s1;
	[sflag:s22] =	ssyncadd.s32 $0xFFFFF800  }
0x39: {  	[spmem:s2] =	stream.indirect.scatter.add.f32 [tilespmem:s14], [sflag:$0x5], $0x10, s16, s13, $0xb8;
	[tilespmem:$0xF800] =	vst v63  }
0x3a: {  	_ =	swait.ge [sflag:s23], $0x800  }
0x3b: {  	[sflag:s23] =	ssyncset.done $0x0  }
0x3c: {  	s18 =	sadd.s32 $0x4480, s1;
	[sflag:s23] =	ssyncadd.s32 $0xFFFFF800  }
0x3d: {  	[spmem:s2] =	stream.indirect.scatter.add.f32 [tilespmem:s15], [sflag:$0x6], $0x10, s18, s13, $0xb8;
	[tilespmem:$0xF800] =	vst v63  }
0x3e: {  	_ =	swait.ge [sflag:s24], $0x800  }
0x3f: {  	[sflag:s24] =	ssyncset.done $0x0  }
0x40: {  	s20 =	sadd.s32 $0x4500, s1;
	[sflag:s24] =	ssyncadd.s32 $0xFFFFF800  }
0x41: {  	[spmem:s2] =	stream.indirect.scatter.add.f32 [tilespmem:s17], [sflag:$0x7], $0x10, s20, s13, $0xb8;
	[tilespmem:$0xF800] =	vst v63  }
0x42: {  	_ =	swait.ge [sflag:s25], $0x800  }
0x43: {  	s16 =	sadd.s32 $0xFFFFFFFD, s0;
	[sflag:s25] =	ssyncset.done $0x0  }
0x44: {  	s1 =	sadd.s32 $0x4580, s1;
	p1 =	sge.u32 s16, s5;
	[sflag:s25] =	ssyncadd.s32 $0xFFFFF800  }
0x45: {  	[spmem:s2] =	stream.indirect.scatter.add.f32 [tilespmem:s19], [sflag:$0x8], $0x10, s1, s13, $0xb8;
	[tilespmem:$0xF800] =	vst v63  }
0x46: {  	s1 =	simm.s32 @!p1 $0x5  }
0x47: {  	_ =	swait.ge @!p1 [sflag:s1], $0x800  }
0x48: {  	[sflag:s1] =	ssyncset.done @!p1 $0x0  }
0x49: {  	[sflag:s1] =	ssyncadd.s32 @!p1 $0xFFFFF800;
	s1 =	sshra.s32 @!p1 s31, $0x2  }
0x4a: {  	s16 =	simm.s32 @!p1 $0x80;
	s18 =	simm.s32 @!p1 $0x8800;
	s1 =	sadd.s32 @!p1 $0x200, s1  }
0x4b: {  	[tilespmem:s18], [sflag:$0x1] =	stream.indirect.gather @!p1 [hbm4b:s4+s16], $0x10, s1, s16, $0xb8;
	[tilespmem:$0xF800] =	vst v63  }
0x4c: {  	s18 =	sadd.s32 $0xFFFFFFFE, s0  }
0x4d: {  	p1 =	sge.u32 s18, s5  }
0x4e: {  	s1 =	simm.s32 @!p1 $0x6  }
0x4f: {  	_ =	swait.ge @!p1 [sflag:s1], $0x800  }
0x50: {  	[sflag:s1] =	ssyncset.done @!p1 $0x0  }
0x51: {  	s20 =	sadd.s32 $0xFFFFFFFF, s0;
	[sflag:s1] =	ssyncadd.s32 @!p1 $0xFFFFF800;
	s1 =	sshra.s32 @!p1 s31, $0x2  }
0x52: {  	s16 =	simm.s32 @!p1 $0x80;
	s18 =	simm.s32 @!p1 $0x9000;
	s1 =	sadd.s32 @!p1 $0x280, s1  }
0x53: {  	[tilespmem:s18], [sflag:$0x2] =	stream.indirect.gather @!p1 [hbm4b:s4+s16], $0x10, s1, s16, $0xb8;
	[tilespmem:$0xF800] =	vst v63  }
0x54: {  	p1 =	sge.u32 s20, s5  }
0x55: {  	s1 =	simm.s32 @!p1 $0x7  }
0x56: {  	_ =	swait.ge @!p1 [sflag:s1], $0x800  }
0x57: {  	[sflag:s1] =	ssyncset.done @!p1 $0x0  }
0x58: {  	[sflag:s1] =	ssyncadd.s32 @!p1 $0xFFFFF800;
	s1 =	sshra.s32 @!p1 s31, $0x2  }
0x59: {  	s16 =	simm.s32 @!p1 $0x80;
	s18 =	simm.s32 @!p1 $0x9800;
	s1 =	sadd.s32 @!p1 $0x300, s1  }
0x5a: {  	[tilespmem:s18], [sflag:$0x3] =	stream.indirect.gather @!p1 [hbm4b:s4+s16], $0x10, s1, s16, $0xb8;
	[tilespmem:$0xF800] =	vst v63  }
0x5b: {  	p1 =	sge.u32 s0, s5  }
0x5c: {  	s1 =	simm.s32 @!p1 $0x8  }
0x5d: {  	s16 =	sshra.s32 @!p1 s31, $0x2;
	s18 =	simm.s32 @!p1 $0xA000;
	_ =	swait.ge @!p1 [sflag:s1], $0x800  }
0x5e: {  	s31 =	sadd.s32 $0x800, s31;
	[sflag:s1] =	ssyncset.done @!p1 $0x0;
	s20 =	rddreg [dreg:$0x3]  }
0x5f: {  	[sflag:s1] =	ssyncadd.s32 @!p1 $0xFFFFF800;
	s1 =	sadd.s32 @!p1 $0x380, s16;
	s16 =	simm.s32 @!p1 $0x80  }
0x60: {  	[tilespmem:s18], [sflag:$0x4] =	stream.indirect.gather @!p1 [hbm4b:s4+s16], $0x10, s1, s16, $0xb8;
	[tilespmem:$0xF800] =	vst v63  }
0x61: {  	p1 =	sne.s32 s20, s31  }
.Ltmp1:
0x62: {  	_ = 	snop;
	(pc) =	sbr.rel @p1 .LBB2_4-.Ltmp1, $2  }
0x63: {  	_ =	sdelay $0x2  }
0x64: {  	s0 =	sadd.s32 $0x4, s0  }
0x65: {  	_ =	swait.ge [sflag:s22], $0x800  }
0x66: {  	s1 =	sshra.s32 s31, $0x2;
	[sflag:s22] =	ssyncset.done $0x0  }
0x67: {  	s16 =	sadd.s32 $0x4400, s1;
	[sflag:s22] =	ssyncadd.s32 $0xFFFFF800  }
0x68: {  	[spmem:s2] =	stream.indirect.scatter.add.f32 [tilespmem:s14], [sflag:$0x5], $0x10, s16, s13, $0xb8;
	[tilespmem:$0xF800] =	vst v63  }
0x69: {  	_ =	swait.ge [sflag:s23], $0x800  }
0x6a: {  	[sflag:s23] =	ssyncset.done $0x0  }
0x6b: {  	s20 =	sadd.s32 $0x4480, s1;
	[sflag:s23] =	ssyncadd.s32 $0xFFFFF800  }
0x6c: {  	[spmem:s2] =	stream.indirect.scatter.add.f32 [tilespmem:s15], [sflag:$0x6], $0x10, s20, s13, $0xb8;
	[tilespmem:$0xF800] =	vst v63  }
0x6d: {  	_ =	swait.ge [sflag:s24], $0x800  }
0x6e: {  	[sflag:s24] =	ssyncset.done $0x0  }
0x6f: {  	s18 =	sadd.s32 $0x4500, s1;
	[sflag:s24] =	ssyncadd.s32 $0xFFFFF800  }
0x70: {  	[spmem:s2] =	stream.indirect.scatter.add.f32 [tilespmem:s17], [sflag:$0x7], $0x10, s18, s13, $0xb8;
	[tilespmem:$0xF800] =	vst v63  }
0x71: {  	_ =	swait.ge [sflag:s25], $0x800  }
0x72: {  	s20 =	sadd.s32 $0xFFFFFFFD, s0;
	[sflag:s25] =	ssyncset.done $0x0  }
0x73: {  	s1 =	sadd.s32 $0x4580, s1;
	p1 =	sge.u32 s20, s5;
	[sflag:s25] =	ssyncadd.s32 $0xFFFFF800  }
0x74: {  	[spmem:s2] =	stream.indirect.scatter.add.f32 [tilespmem:s19], [sflag:$0x8], $0x10, s1, s13, $0xb8;
	[tilespmem:$0xF800] =	vst v63  }
0x75: {  	s1 =	simm.s32 @!p1 $0x5  }
0x76: {  	_ =	swait.ge @!p1 [sflag:s1], $0x800  }
0x77: {  	[sflag:s1] =	ssyncset.done @!p1 $0x0  }
0x78: {  	[sflag:s1] =	ssyncadd.s32 @!p1 $0xFFFFF800;
	s1 =	sshra.s32 @!p1 s31, $0x2  }
0x79: {  	s16 =	simm.s32 @!p1 $0x80;
	s18 =	simm.s32 @!p1 $0x8800;
	s1 =	sadd.s32 @!p1 $0x200, s1  }
0x7a: {  	[tilespmem:s18], [sflag:$0x1] =	stream.indirect.gather @!p1 [hbm4b:s4+s16], $0x10, s1, s16, $0xb8;
	[tilespmem:$0xF800] =	vst v63  }
0x7b: {  	s16 =	sadd.s32 $0xFFFFFFFE, s0  }
0x7c: {  	p1 =	sge.u32 s16, s5  }
0x7d: {  	s1 =	simm.s32 @!p1 $0x6  }
0x7e: {  	_ =	swait.ge @!p1 [sflag:s1], $0x800  }
0x7f: {  	[sflag:s1] =	ssyncset.done @!p1 $0x0  }
0x80: {  	[sflag:s1] =	ssyncadd.s32 @!p1 $0xFFFFF800;
	s1 =	sshra.s32 @!p1 s31, $0x2  }
0x81: {  	s16 =	simm.s32 @!p1 $0x80;
	s18 =	simm.s32 @!p1 $0x9000;
	s1 =	sadd.s32 @!p1 $0x280, s1  }
0x82: {  	[tilespmem:s18], [sflag:$0x2] =	stream.indirect.gather @!p1 [hbm4b:s4+s16], $0x10, s1, s16, $0xb8;
	[tilespmem:$0xF800] =	vst v63  }
0x83: {  	s18 =	sadd.s32 $0xFFFFFFFF, s0  }
0x84: {  	p1 =	sge.u32 s18, s5  }
0x85: {  	s1 =	simm.s32 @!p1 $0x7  }
0x86: {  	_ =	swait.ge @!p1 [sflag:s1], $0x800  }
0x87: {  	[sflag:s1] =	ssyncset.done @!p1 $0x0  }
0x88: {  	[sflag:s1] =	ssyncadd.s32 @!p1 $0xFFFFF800;
	s1 =	sshra.s32 @!p1 s31, $0x2  }
0x89: {  	s16 =	simm.s32 @!p1 $0x80;
	s18 =	simm.s32 @!p1 $0x9800;
	s1 =	sadd.s32 @!p1 $0x300, s1  }
0x8a: {  	[tilespmem:s18], [sflag:$0x3] =	stream.indirect.gather @!p1 [hbm4b:s4+s16], $0x10, s1, s16, $0xb8;
	[tilespmem:$0xF800] =	vst v63  }
0x8b: {  	p1 =	sge.u32 s0, s5  }
0x8c: {  	s0 =	simm.s32 @!p1 $0x8  }
0x8d: {  	_ =	swait.ge @!p1 [sflag:s0], $0x800  }
0x8e: {  	[sflag:s0] =	ssyncset.done @!p1 $0x0  }
0x8f: {  	[sflag:s0] =	ssyncadd.s32 @!p1 $0xFFFFF800;
	s0 =	sshra.s32 @!p1 s31, $0x2  }
0x90: {  	s1 =	simm.s32 @!p1 $0x80;
	s16 =	simm.s32 @!p1 $0xA000;
	s0 =	sadd.s32 @!p1 $0x380, s0  }
0x91: {  	[tilespmem:s16], [sflag:$0x4] =	stream.indirect.gather @!p1 [hbm4b:s4+s1], $0x10, s0, s1, $0xb8;
	[tilespmem:$0xF800] =	vst v63  }
0x92: {  	_ =	swait.ge [sflag:s26], $0x800  }
0x93: {  	[sflag:s26] =	ssyncset.done $0x0  }
0x94: {  	[sflag:s26] =	ssyncadd.s32 $0xFFFFF800  }
0x95: {  	_ =	swait.ge [sflag:s28], $0x800  }
0x96: {  	[sflag:s28] =	ssyncset.done $0x0  }
0x97: {  	[sflag:s28] =	ssyncadd.s32 $0xFFFFF800  }
0x98: {  	_ =	swait.ge [sflag:s29], $0x800  }
0x99: {  	[sflag:s29] =	ssyncset.done $0x0  }
0x9a: {  	[sflag:s29] =	ssyncadd.s32 $0xFFFFF800  }
0x9b: {  	s3 =	sadd.s32 $0x1, s3;
	_ =	swait.ge [sflag:s30], $0x800  }
0x9c: {  	s20 =	stileid.u32;
	s31 =	sshrl.u32 s10, $0x3;
	[sflag:s30] =	ssyncset.done $0x0  }
0x9d: {  	s0 =	sshll.u32 s20, $0x6;
	p1 =	sne.s32 s3, s12;
	[sflag:s30] =	ssyncadd.s32 $0xFFFFF800  }
.Ltmp2:
0x9e: {  	s0 =	sor.u32 $0x1C09, s0;
	[bflag:$0x0] =	sbarrier.arrive $0xFFFF;
	(pc) =	sbr.rel @p1 .LBB2_1-.Ltmp2, $4  }
0x9f: {  	[hbm:s11], [sflag:s0] =	dma.local [spmem:s31], $0x500  }
0xa0: {  	_ =	swait.ge [sflag:s21], $0x500  }
0xa1: {  	[sflag:s21] =	ssyncset.done $0x0  }
0xa2: {  	[sflag:s21] =	ssyncadd.s32 $0xFFFFFB00  }
0xa3: {  	_ =	sfence.sel $0x180000  }
0xa4: {  	[bflag:$0x0] =	sbarrier.arrive $0xFFFF  }
0xa5: {  	_ =	strace $0x90000050  }
0xa6: {  	s0 =	stileid.u32;
	[bflag:$0x2] =	sbarrier.arrive $0xFFFF  }
0xa7: {  	p0 =	sne.s32 s0, $0x0;
	s0 =	rddreg [dreg:$0x2]  }
0xa8: {  	s0 =	sadd.s32 @!p0 $0x100000, s0  }
0xa9: {  	[sflag:s0] =	ssyncadd.tile.s32 @!p0 $0x1;
	_ =	shalt  }
.Lfunc_end2:
_tile_overlayer_lowered:
.L_overlay_start_2:
0xaa: {  	(tag) =	ssettag $0x2  }
0xab: {  	s0 =	rddreg [dreg:$0x0];
	s2 =	stileid.u32  }
0xac: {  	s1 =	rddreg [dreg:$0x1];
	p0 =	sne.s32 s2, $0x0  }
0xad: {  	s3 =	rddreg [dreg:$0x2];
	[bflag:$0x3] =	sbarrier.arrive $0xFFFF;
	s2 =	simm.s32 @!p0 $0x1C09  }
0xae: {  	[timem:s3], [sflag:s2] =	dma.local @!p0 [hbm:s0], s1  }
0xaf: {  	s0 =	simm.s32 @!p0 $0x9  }
0xb0: {  	_ =	swait.ge @!p0 [sflag:s0], s1  }
0xb1: {  	s1 =	ssub.s32 @!p0 $0x0, s1;
	[sflag:s0] =	ssyncset.done @!p0 $0x0  }
0xb2: {  	[sflag:s0] =	ssyncadd.s32 @!p0 s1  }
0xb3: {  	[bflag:$0x3] =	sbarrier.arrive $0xFFFF  }
0xb4: {  	_ =	shalt  }

</sc_bundles>
